<compile_context>
chip_gen: v7x
topology: tpu7x:2x2x1
jax: 0.10.2.dev20260603
libtpu: 0.0.44.dev20260713+nightly
codegen_flags: <defaults>
</compile_context>

<pallas_src>
import jax
import jax.numpy as jnp
from jax import lax
from jax.experimental import pallas as pl
from jax.experimental.pallas import tpu as pltpu
from jax.experimental.pallas import tpu_sc as plsc

_NC = 2
_NS = 16
_NW = _NC * _NS
_C = 512
_SC_ROUNDS = 42
_SC_COLS = _SC_ROUNDS * _NW * _C
_BLOCK_COLS = 16384


def _sc_body(i_hbm, oi_hbm, bufs, rsem, wsem):
    wid = lax.axis_index("s") * _NC + lax.axis_index("c")

    def col_off(t):
        return pl.multiple_of((t * _NW + wid) * _C, 128)

    reads, writes = [], []
    for t in range(_SC_ROUNDS):
        b = t % 2
        off = col_off(t)
        reads.append(pltpu.make_async_copy(
            i_hbm.at[:, pl.ds(off, _C)], bufs.at[b], rsem.at[b]))
        writes.append(pltpu.make_async_copy(
            bufs.at[b], oi_hbm.at[:, pl.ds(off, _C)], wsem.at[b]))
    n = _SC_ROUNDS
    reads[0].start()
    for k in range(n):
        reads[k].wait()
        if k + 1 < n:
            if k >= 1:
                writes[k - 1].wait()
            reads[k + 1].start()
        writes[k].start()
    writes[n - 1].wait()
    writes[n - 2].wait()


def _tc_body(u_ref, ou_ref):
    ou_ref[...] = u_ref[...]


def _fin_body(_, t_ref, o_ref):
    o_ref[...] = t_ref[...]


def kernel(user_emb, item_emb):
    n_u, d = user_emb.shape
    n_i, _ = item_emb.shape
    ut = user_emb.T
    it = item_emb.T

    mesh = plsc.VectorSubcoreMesh(core_axis_name="c", subcore_axis_name="s",
                                  num_cores=_NC, num_subcores=_NS)
    out_i_t = pl.kernel(
        _sc_body,
        out_type=jax.ShapeDtypeStruct((d, n_i), item_emb.dtype),
        mesh=mesh,
        scratch_types=[
            pltpu.VMEM((2, d, _C), jnp.float32),
            pltpu.SemaphoreType.DMA((2,)),
            pltpu.SemaphoreType.DMA((2,)),
        ],
    )(it)

    out_u_t = pl.pallas_call(
        _tc_body,
        grid=(pl.cdiv(n_u, _BLOCK_COLS),),
        in_specs=[pl.BlockSpec((d, _BLOCK_COLS), lambda c: (0, c))],
        out_specs=pl.BlockSpec((d, _BLOCK_COLS), lambda c: (0, c)),
        out_shape=jax.ShapeDtypeStruct((d, n_u), user_emb.dtype),
        compiler_params=pltpu.CompilerParams(
            dimension_semantics=("parallel",),
        ),
    )(ut)

    first = _SC_COLS // _BLOCK_COLS
    nblk = pl.cdiv(n_i - _SC_COLS, _BLOCK_COLS)
    out_i_t = pl.pallas_call(
        _fin_body,
        grid=(nblk,),
        in_specs=[
            pl.BlockSpec(memory_space=pl.ANY),
            pl.BlockSpec((d, _BLOCK_COLS), lambda c: (0, c + first)),
        ],
        out_specs=pl.BlockSpec((d, _BLOCK_COLS), lambda c: (0, c + first)),
        out_shape=jax.ShapeDtypeStruct((d, n_i), item_emb.dtype),
        input_output_aliases={0: 0},
        compiler_params=pltpu.CompilerParams(
            dimension_semantics=("parallel",),
        ),
    )(out_i_t, it)

    return (out_u_t.T, out_i_t.T)

# --- scband reference (transcript-rebuilt; emitter-appended) ---
"""Pipeline reference for scband-matrix-factorization-85624468013489 (READ-ONLY COPY).

The authoritative reference and input builder live on the scoring server;
editing this copy changes nothing except your own understanding.
"""

import jax, jax.numpy as jnp
import numpy as np

USER_NUM = 1000000
ITEM_NUM = 1000000
EMB_SIZE = 64

def _xavier_uniform(key, shape):
    fan_in, fan_out = shape[0], shape[1]
    limit = float(np.sqrt(6.0 / (fan_in + fan_out)))
    return jax.random.uniform(key, shape, dtype=jnp.float32, minval=-limit, maxval=limit)

def setup_inputs(seed: int = 0) -> dict:
    key = jax.random.key(seed)
    k1, k2 = jax.random.split(key)
    user_emb = _xavier_uniform(k1, (USER_NUM, EMB_SIZE))
    item_emb = _xavier_uniform(k2, (ITEM_NUM, EMB_SIZE))
    return {"user_emb": user_emb, "item_emb": item_emb}

def reference(user_emb, item_emb):
    # Matrix_Factorization.forward(): returns (user_emb, item_emb) unchanged.
    return (user_emb, item_emb)

if __name__ == "__main__":
    import jax
    _d = setup_inputs()
    print(jax.jit(kernel)(*tuple(_d.values())))

</pallas_src>

<mosaic_0001>
#map = affine_map<(d0, d1) -> (0, 0)>
module attributes {stable_mosaic.version = 14 : i64} {
  func.func @_sc_body(%arg0: i32, %arg1: i32, %arg2: memref<64x1000000xf32, #tpu.memory_space<hbm>>, %arg3: memref<64x1000000xf32, #tpu.memory_space<hbm>>, %arg4: memref<2x64x512xf32, #tpu.memory_space<vmem>>, %arg5: memref<2x!tpu.dma_semaphore, #tpu.memory_space<semaphore_mem>>, %arg6: memref<2x!tpu.dma_semaphore, #tpu.memory_space<semaphore_mem>>) attributes {dimension_semantics = [#tpu.dimension_semantics<core_parallel>, #tpu.dimension_semantics<subcore_parallel>], iteration_bounds = array<i64: 2, 16>, scalar_prefetch = 0 : i64, scratch_operands = 3 : i64, tpu.core_type = #tpu.core_type<sc_vector_subcore>, window_params = [{transform_indices = #map}, {transform_indices = #map}]} {
    %mul3A = arith.constant 2 : i32
    %mul3A_0 = arith.muli %arg1, %mul3A : i32
    %add3A = arith.addi %mul3A_0, %arg0 : i32
    %add3A_1 = arith.constant 0 : i32
    %add3A_2 = arith.addi %add3A_1, %add3A : i32
    %mul3A_3 = arith.constant 512 : i32
    %mul3A_4 = arith.muli %add3A_2, %mul3A_3 : i32
    %multiple_of3A = tpu.assume_multiple %mul3A_4, 128 : i32
    %add3A_5 = arith.constant 32 : i32
    %add3A_6 = arith.addi %add3A_5, %add3A : i32
    %mul3A_7 = arith.constant 512 : i32
    %mul3A_8 = arith.muli %add3A_6, %mul3A_7 : i32
    %multiple_of3A_9 = tpu.assume_multiple %mul3A_8, 128 : i32
    %add3A_10 = arith.constant 64 : i32
    %add3A_11 = arith.addi %add3A_10, %add3A : i32
    %mul3A_12 = arith.constant 512 : i32
    %mul3A_13 = arith.muli %add3A_11, %mul3A_12 : i32
    %multiple_of3A_14 = tpu.assume_multiple %mul3A_13, 128 : i32
    %add3A_15 = arith.constant 96 : i32
    %add3A_16 = arith.addi %add3A_15, %add3A : i32
    %mul3A_17 = arith.constant 512 : i32
    %mul3A_18 = arith.muli %add3A_16, %mul3A_17 : i32
    %multiple_of3A_19 = tpu.assume_multiple %mul3A_18, 128 : i32
    %add3A_20 = arith.constant 128 : i32
    %add3A_21 = arith.addi %add3A_20, %add3A : i32
    %mul3A_22 = arith.constant 512 : i32
    %mul3A_23 = arith.muli %add3A_21, %mul3A_22 : i32
    %multiple_of3A_24 = tpu.assume_multiple %mul3A_23, 128 : i32
    %add3A_25 = arith.constant 160 : i32
    %add3A_26 = arith.addi %add3A_25, %add3A : i32
    %mul3A_27 = arith.constant 512 : i32
    %mul3A_28 = arith.muli %add3A_26, %mul3A_27 : i32
    %multiple_of3A_29 = tpu.assume_multiple %mul3A_28, 128 : i32
    %add3A_30 = arith.constant 192 : i32
    %add3A_31 = arith.addi %add3A_30, %add3A : i32
    %mul3A_32 = arith.constant 512 : i32
    %mul3A_33 = arith.muli %add3A_31, %mul3A_32 : i32
    %multiple_of3A_34 = tpu.assume_multiple %mul3A_33, 128 : i32
    %add3A_35 = arith.constant 224 : i32
    %add3A_36 = arith.addi %add3A_35, %add3A : i32
    %mul3A_37 = arith.constant 512 : i32
    %mul3A_38 = arith.muli %add3A_36, %mul3A_37 : i32
    %multiple_of3A_39 = tpu.assume_multiple %mul3A_38, 128 : i32
    %add3A_40 = arith.constant 256 : i32
    %add3A_41 = arith.addi %add3A_40, %add3A : i32
    %mul3A_42 = arith.constant 512 : i32
    %mul3A_43 = arith.muli %add3A_41, %mul3A_42 : i32
    %multiple_of3A_44 = tpu.assume_multiple %mul3A_43, 128 : i32
    %add3A_45 = arith.constant 288 : i32
    %add3A_46 = arith.addi %add3A_45, %add3A : i32
    %mul3A_47 = arith.constant 512 : i32
    %mul3A_48 = arith.muli %add3A_46, %mul3A_47 : i32
    %multiple_of3A_49 = tpu.assume_multiple %mul3A_48, 128 : i32
    %add3A_50 = arith.constant 320 : i32
    %add3A_51 = arith.addi %add3A_50, %add3A : i32
    %mul3A_52 = arith.constant 512 : i32
    %mul3A_53 = arith.muli %add3A_51, %mul3A_52 : i32
    %multiple_of3A_54 = tpu.assume_multiple %mul3A_53, 128 : i32
    %add3A_55 = arith.constant 352 : i32
    %add3A_56 = arith.addi %add3A_55, %add3A : i32
    %mul3A_57 = arith.constant 512 : i32
    %mul3A_58 = arith.muli %add3A_56, %mul3A_57 : i32
    %multiple_of3A_59 = tpu.assume_multiple %mul3A_58, 128 : i32
    %add3A_60 = arith.constant 384 : i32
    %add3A_61 = arith.addi %add3A_60, %add3A : i32
    %mul3A_62 = arith.constant 512 : i32
    %mul3A_63 = arith.muli %add3A_61, %mul3A_62 : i32
    %multiple_of3A_64 = tpu.assume_multiple %mul3A_63, 128 : i32
    %add3A_65 = arith.constant 416 : i32
    %add3A_66 = arith.addi %add3A_65, %add3A : i32
    %mul3A_67 = arith.constant 512 : i32
    %mul3A_68 = arith.muli %add3A_66, %mul3A_67 : i32
    %multiple_of3A_69 = tpu.assume_multiple %mul3A_68, 128 : i32
    %add3A_70 = arith.constant 448 : i32
    %add3A_71 = arith.addi %add3A_70, %add3A : i32
    %mul3A_72 = arith.constant 512 : i32
    %mul3A_73 = arith.muli %add3A_71, %mul3A_72 : i32
    %multiple_of3A_74 = tpu.assume_multiple %mul3A_73, 128 : i32
    %add3A_75 = arith.constant 480 : i32
    %add3A_76 = arith.addi %add3A_75, %add3A : i32
    %mul3A_77 = arith.constant 512 : i32
    %mul3A_78 = arith.muli %add3A_76, %mul3A_77 : i32
    %multiple_of3A_79 = tpu.assume_multiple %mul3A_78, 128 : i32
    %add3A_80 = arith.constant 512 : i32
    %add3A_81 = arith.addi %add3A_80, %add3A : i32
    %mul3A_82 = arith.constant 512 : i32
    %mul3A_83 = arith.muli %add3A_81, %mul3A_82 : i32
    %multiple_of3A_84 = tpu.assume_multiple %mul3A_83, 128 : i32
    %add3A_85 = arith.constant 544 : i32
    %add3A_86 = arith.addi %add3A_85, %add3A : i32
    %mul3A_87 = arith.constant 512 : i32
    %mul3A_88 = arith.muli %add3A_86, %mul3A_87 : i32
    %multiple_of3A_89 = tpu.assume_multiple %mul3A_88, 128 : i32
    %add3A_90 = arith.constant 576 : i32
    %add3A_91 = arith.addi %add3A_90, %add3A : i32
    %mul3A_92 = arith.constant 512 : i32
    %mul3A_93 = arith.muli %add3A_91, %mul3A_92 : i32
    %multiple_of3A_94 = tpu.assume_multiple %mul3A_93, 128 : i32
    %add3A_95 = arith.constant 608 : i32
    %add3A_96 = arith.addi %add3A_95, %add3A : i32
    %mul3A_97 = arith.constant 512 : i32
    %mul3A_98 = arith.muli %add3A_96, %mul3A_97 : i32
    %multiple_of3A_99 = tpu.assume_multiple %mul3A_98, 128 : i32
    %add3A_100 = arith.constant 640 : i32
    %add3A_101 = arith.addi %add3A_100, %add3A : i32
    %mul3A_102 = arith.constant 512 : i32
    %mul3A_103 = arith.muli %add3A_101, %mul3A_102 : i32
    %multiple_of3A_104 = tpu.assume_multiple %mul3A_103, 128 : i32
    %add3A_105 = arith.constant 672 : i32
    %add3A_106 = arith.addi %add3A_105, %add3A : i32
    %mul3A_107 = arith.constant 512 : i32
    %mul3A_108 = arith.muli %add3A_106, %mul3A_107 : i32
    %multiple_of3A_109 = tpu.assume_multiple %mul3A_108, 128 : i32
    %add3A_110 = arith.constant 704 : i32
    %add3A_111 = arith.addi %add3A_110, %add3A : i32
    %mul3A_112 = arith.constant 512 : i32
    %mul3A_113 = arith.muli %add3A_111, %mul3A_112 : i32
    %multiple_of3A_114 = tpu.assume_multiple %mul3A_113, 128 : i32
    %add3A_115 = arith.constant 736 : i32
    %add3A_116 = arith.addi %add3A_115, %add3A : i32
    %mul3A_117 = arith.constant 512 : i32
    %mul3A_118 = arith.muli %add3A_116, %mul3A_117 : i32
    %multiple_of3A_119 = tpu.assume_multiple %mul3A_118, 128 : i32
    %add3A_120 = arith.constant 768 : i32
    %add3A_121 = arith.addi %add3A_120, %add3A : i32
    %mul3A_122 = arith.constant 512 : i32
    %mul3A_123 = arith.muli %add3A_121, %mul3A_122 : i32
    %multiple_of3A_124 = tpu.assume_multiple %mul3A_123, 128 : i32
    %add3A_125 = arith.constant 800 : i32
    %add3A_126 = arith.addi %add3A_125, %add3A : i32
    %mul3A_127 = arith.constant 512 : i32
    %mul3A_128 = arith.muli %add3A_126, %mul3A_127 : i32
    %multiple_of3A_129 = tpu.assume_multiple %mul3A_128, 128 : i32
    %add3A_130 = arith.constant 832 : i32
    %add3A_131 = arith.addi %add3A_130, %add3A : i32
    %mul3A_132 = arith.constant 512 : i32
    %mul3A_133 = arith.muli %add3A_131, %mul3A_132 : i32
    %multiple_of3A_134 = tpu.assume_multiple %mul3A_133, 128 : i32
    %add3A_135 = arith.constant 864 : i32
    %add3A_136 = arith.addi %add3A_135, %add3A : i32
    %mul3A_137 = arith.constant 512 : i32
    %mul3A_138 = arith.muli %add3A_136, %mul3A_137 : i32
    %multiple_of3A_139 = tpu.assume_multiple %mul3A_138, 128 : i32
    %add3A_140 = arith.constant 896 : i32
    %add3A_141 = arith.addi %add3A_140, %add3A : i32
    %mul3A_142 = arith.constant 512 : i32
    %mul3A_143 = arith.muli %add3A_141, %mul3A_142 : i32
    %multiple_of3A_144 = tpu.assume_multiple %mul3A_143, 128 : i32
    %add3A_145 = arith.constant 928 : i32
    %add3A_146 = arith.addi %add3A_145, %add3A : i32
    %mul3A_147 = arith.constant 512 : i32
    %mul3A_148 = arith.muli %add3A_146, %mul3A_147 : i32
    %multiple_of3A_149 = tpu.assume_multiple %mul3A_148, 128 : i32
    %add3A_150 = arith.constant 960 : i32
    %add3A_151 = arith.addi %add3A_150, %add3A : i32
    %mul3A_152 = arith.constant 512 : i32
    %mul3A_153 = arith.muli %add3A_151, %mul3A_152 : i32
    %multiple_of3A_154 = tpu.assume_multiple %mul3A_153, 128 : i32
    %add3A_155 = arith.constant 992 : i32
    %add3A_156 = arith.addi %add3A_155, %add3A : i32
    %mul3A_157 = arith.constant 512 : i32
    %mul3A_158 = arith.muli %add3A_156, %mul3A_157 : i32
    %multiple_of3A_159 = tpu.assume_multiple %mul3A_158, 128 : i32
    %add3A_160 = arith.constant 1024 : i32
    %add3A_161 = arith.addi %add3A_160, %add3A : i32
    %mul3A_162 = arith.constant 512 : i32
    %mul3A_163 = arith.muli %add3A_161, %mul3A_162 : i32
    %multiple_of3A_164 = tpu.assume_multiple %mul3A_163, 128 : i32
    %add3A_165 = arith.constant 1056 : i32
    %add3A_166 = arith.addi %add3A_165, %add3A : i32
    %mul3A_167 = arith.constant 512 : i32
    %mul3A_168 = arith.muli %add3A_166, %mul3A_167 : i32
    %multiple_of3A_169 = tpu.assume_multiple %mul3A_168, 128 : i32
    %add3A_170 = arith.constant 1088 : i32
    %add3A_171 = arith.addi %add3A_170, %add3A : i32
    %mul3A_172 = arith.constant 512 : i32
    %mul3A_173 = arith.muli %add3A_171, %mul3A_172 : i32
    %multiple_of3A_174 = tpu.assume_multiple %mul3A_173, 128 : i32
    %add3A_175 = arith.constant 1120 : i32
    %add3A_176 = arith.addi %add3A_175, %add3A : i32
    %mul3A_177 = arith.constant 512 : i32
    %mul3A_178 = arith.muli %add3A_176, %mul3A_177 : i32
    %multiple_of3A_179 = tpu.assume_multiple %mul3A_178, 128 : i32
    %add3A_180 = arith.constant 1152 : i32
    %add3A_181 = arith.addi %add3A_180, %add3A : i32
    %mul3A_182 = arith.constant 512 : i32
    %mul3A_183 = arith.muli %add3A_181, %mul3A_182 : i32
    %multiple_of3A_184 = tpu.assume_multiple %mul3A_183, 128 : i32
    %add3A_185 = arith.constant 1184 : i32
    %add3A_186 = arith.addi %add3A_185, %add3A : i32
    %mul3A_187 = arith.constant 512 : i32
    %mul3A_188 = arith.muli %add3A_186, %mul3A_187 : i32
    %multiple_of3A_189 = tpu.assume_multiple %mul3A_188, 128 : i32
    %add3A_190 = arith.constant 1216 : i32
    %add3A_191 = arith.addi %add3A_190, %add3A : i32
    %mul3A_192 = arith.constant 512 : i32
    %mul3A_193 = arith.muli %add3A_191, %mul3A_192 : i32
    %multiple_of3A_194 = tpu.assume_multiple %mul3A_193, 128 : i32
    %add3A_195 = arith.constant 1248 : i32
    %add3A_196 = arith.addi %add3A_195, %add3A : i32
    %mul3A_197 = arith.constant 512 : i32
    %mul3A_198 = arith.muli %add3A_196, %mul3A_197 : i32
    %multiple_of3A_199 = tpu.assume_multiple %mul3A_198, 128 : i32
    %add3A_200 = arith.constant 1280 : i32
    %add3A_201 = arith.addi %add3A_200, %add3A : i32
    %mul3A_202 = arith.constant 512 : i32
    %mul3A_203 = arith.muli %add3A_201, %mul3A_202 : i32
    %multiple_of3A_204 = tpu.assume_multiple %mul3A_203, 128 : i32
    %add3A_205 = arith.constant 1312 : i32
    %add3A_206 = arith.addi %add3A_205, %add3A : i32
    %mul3A_207 = arith.constant 512 : i32
    %mul3A_208 = arith.muli %add3A_206, %mul3A_207 : i32
    %multiple_of3A_209 = tpu.assume_multiple %mul3A_208, 128 : i32
    %dma_start3A = arith.constant 0 : i32
    %dma_start3A_210 = arith.constant 0 : i32
    %dma_start3A_211 = arith.constant 0 : i32
    %dma_start3A_212 = arith.constant 0 : i32
    %dma_start3A_213 = tpu.memref_slice %arg4[%dma_start3A, %dma_start3A_211, %dma_start3A_212] : memref<2x64x512xf32, #tpu.memory_space<vmem>> -> memref<1x64x512xf32, #tpu.memory_space<vmem>>
    %dma_start3A_214 = tpu.memref_squeeze %dma_start3A_213 : memref<1x64x512xf32, #tpu.memory_space<vmem>> -> memref<64x512xf32, #tpu.memory_space<vmem>>
    %dma_start3A_215 = arith.constant 0 : i32
    %dma_start3A_216 = tpu.memref_slice %arg2[%dma_start3A_215, %multiple_of3A] : memref<64x1000000xf32, #tpu.memory_space<hbm>> -> memref<64x512xf32, #tpu.memory_space<hbm>>
    %dma_start3A_217 = tpu.memref_slice %arg5[%dma_start3A_210] : memref<2x!tpu.dma_semaphore, #tpu.memory_space<semaphore_mem>> -> memref<1x!tpu.dma_semaphore, #tpu.memory_space<semaphore_mem>>
    %dma_start3A_218 = tpu.memref_squeeze %dma_start3A_217 : memref<1x!tpu.dma_semaphore, #tpu.memory_space<semaphore_mem>> -> memref<!tpu.dma_semaphore, #tpu.memory_space<semaphore_mem>>
    %dma_start3A_219 = arith.constant 0 : i32
    %dma_start3A_220 = arith.constant 0 : i32
    %dma_start3A_221 = tpu.memref_slice %arg4[%dma_start3A, %dma_start3A_219, %dma_start3A_220] : memref<2x64x512xf32, #tpu.memory_space<vmem>> -> memref<1x64x512xf32, #tpu.memory_space<vmem>>
    %dma_start3A_222 = tpu.memref_squeeze %dma_start3A_221 : memref<1x64x512xf32, #tpu.memory_space<vmem>> -> memref<64x512xf32, #tpu.memory_space<vmem>>
    %dma_start3A_223 = arith.constant 0 : i32
    %dma_start3A_224 = tpu.memref_slice %arg2[%dma_start3A_223, %multiple_of3A] : memref<64x1000000xf32, #tpu.memory_space<hbm>> -> memref<64x512xf32, #tpu.memory_space<hbm>>
    tpu.enqueue_dma source(%dma_start3A_224 : memref<64x512xf32, #tpu.memory_space<hbm>>) target(%dma_start3A_222 : memref<64x512xf32, #tpu.memory_space<vmem>>) target_semaphore(%dma_start3A_218 : memref<!tpu.dma_semaphore, #tpu.memory_space<semaphore_mem>>)
    %dma_wait3A = arith.constant 0 : i32
    %dma_wait3A_225 = arith.constant 0 : i32
    %dma_wait3A_226 = arith.constant 0 : i32
    %dma_wait3A_227 = arith.constant 0 : i32
    %dma_wait3A_228 = tpu.memref_slice %arg4[%dma_wait3A, %dma_wait3A_226, %dma_wait3A_227] : memref<2x64x512xf32, #tpu.memory_space<vmem>> -> memref<1x64x512xf32, #tpu.memory_space<vmem>>
    %dma_wait3A_229 = tpu.memref_squeeze %dma_wait3A_228 : memref<1x64x512xf32, #tpu.memory_space<vmem>> -> memref<64x512xf32, #tpu.memory_space<vmem>>
    %dma_wait3A_230 = arith.constant 0 : i32
    %dma_wait3A_231 = tpu.memref_slice %arg2[%dma_wait3A_230, %multiple_of3A] : memref<64x1000000xf32, #tpu.memory_space<hbm>> -> memref<64x512xf32, #tpu.memory_space<hbm>>
    %dma_wait3A_232 = tpu.memref_slice %arg5[%dma_wait3A_225] : memref<2x!tpu.dma_semaphore, #tpu.memory_space<semaphore_mem>> -> memref<1x!tpu.dma_semaphore, #tpu.memory_space<semaphore_mem>>
    %dma_wait3A_233 = tpu.memref_squeeze %dma_wait3A_232 : memref<1x!tpu.dma_semaphore, #tpu.memory_space<semaphore_mem>> -> memref<!tpu.dma_semaphore, #tpu.memory_space<semaphore_mem>>
    %dma_wait3A_234 = arith.constant 0 : i32
    %dma_wait3A_235 = arith.constant 0 : i32
    %dma_wait3A_236 = tpu.memref_slice %arg4[%dma_wait3A, %dma_wait3A_234, %dma_wait3A_235] : memref<2x64x512xf32, #tpu.memory_space<vmem>> -> memref<1x64x512xf32, #tpu.memory_space<vmem>>
    %dma_wait3A_237 = tpu.memref_squeeze %dma_wait3A_236 : memref<1x64x512xf32, #tpu.memory_space<vmem>> -> memref<64x512xf32, #tpu.memory_space<vmem>>
    %dma_wait3A_238 = arith.constant 0 : i32
    %dma_wait3A_239 = tpu.memref_slice %arg2[%dma_wait3A_238, %multiple_of3A] : memref<64x1000000xf32, #tpu.memory_space<hbm>> -> memref<64x512xf32, #tpu.memory_space<hbm>>
    tpu.wait_dma2 semaphore(%dma_wait3A_233 : memref<!tpu.dma_semaphore, #tpu.memory_space<semaphore_mem>>) src(%dma_wait3A_239 : memref<64x512xf32, #tpu.memory_space<hbm>>) dst(%dma_wait3A_237 : memref<64x512xf32, #tpu.memory_space<vmem>>)
    %dma_start3A_240 = arith.constant 1 : i32
    %dma_start3A_241 = arith.constant 1 : i32
    %dma_start3A_242 = arith.constant 0 : i32
    %dma_start3A_243 = arith.constant 0 : i32
    %dma_start3A_244 = tpu.memref_slice %arg4[%dma_start3A_240, %dma_start3A_242, %dma_start3A_243] : memref<2x64x512xf32, #tpu.memory_space<vmem>> -> memref<1x64x512xf32, #tpu.memory_space<vmem>>
    %dma_start3A_245 = tpu.memref_squeeze %dma_start3A_244 : memref<1x64x512xf32, #tpu.memory_space<vmem>> -> memref<64x512xf32, #tpu.memory_space<vmem>>
    %dma_start3A_246 = arith.constant 0 : i32
    %dma_start3A_247 = tpu.memref_slice %arg2[%dma_start3A_246, %multiple_of3A_9] : memref<64x1000000xf32, #tpu.memory_space<hbm>> -> memref<64x512xf32, #tpu.memory_space<hbm>>
    %dma_start3A_248 = tpu.memref_slice %arg5[%dma_start3A_241] : memref<2x!tpu.dma_semaphore, #tpu.memory_space<semaphore_mem>> -> memref<1x!tpu.dma_semaphore, #tpu.memory_space<semaphore_mem>>
    %dma_start3A_249 = tpu.memref_squeeze %dma_start3A_248 : memref<1x!tpu.dma_semaphore, #tpu.memory_space<semaphore_mem>> -> memref<!tpu.dma_semaphore, #tpu.memory_space<semaphore_mem>>
    %dma_start3A_250 = arith.constant 0 : i32
    %dma_start3A_251 = arith.constant 0 : i32
    %dma_start3A_252 = tpu.memref_slice %arg4[%dma_start3A_240, %dma_start3A_250, %dma_start3A_251] : memref<2x64x512xf32, #tpu.memory_space<vmem>> -> memref<1x64x512xf32, #tpu.memory_space<vmem>>
    %dma_start3A_253 = tpu.memref_squeeze %dma_start3A_252 : memref<1x64x512xf32, #tpu.memory_space<vmem>> -> memref<64x512xf32, #tpu.memory_space<vmem>>
    %dma_start3A_254 = arith.constant 0 : i32
    %dma_start3A_255 = tpu.memref_slice %arg2[%dma_start3A_254, %multiple_of3A_9] : memref<64x1000000xf32, #tpu.memory_space<hbm>> -> memref<64x512xf32, #tpu.memory_space<hbm>>
    tpu.enqueue_dma source(%dma_start3A_255 : memref<64x512xf32, #tpu.memory_space<hbm>>) target(%dma_start3A_253 : memref<64x512xf32, #tpu.memory_space<vmem>>) target_semaphore(%dma_start3A_249 : memref<!tpu.dma_semaphore, #tpu.memory_space<semaphore_mem>>)
    %dma_start3A_256 = arith.constant 0 : i32
    %dma_start3A_257 = arith.constant 0 : i32
    %dma_start3A_258 = arith.constant 0 : i32
    %dma_start3A_259 = arith.constant 0 : i32
    %dma_start3A_260 = tpu.memref_slice %arg4[%dma_start3A_256, %dma_start3A_258, %dma_start3A_259] : memref<2x64x512xf32, #tpu.memory_space<vmem>> -> memref<1x64x512xf32, #tpu.memory_space<vmem>>
    %dma_start3A_261 = tpu.memref_squeeze %dma_start3A_260 : memref<1x64x512xf32, #tpu.memory_space<vmem>> -> memref<64x512xf32, #tpu.memory_space<vmem>>
    %dma_start3A_262 = arith.constant 0 : i32
    %dma_start3A_263 = tpu.memref_slice %arg3[%dma_start3A_262, %multiple_of3A] : memref<64x1000000xf32, #tpu.memory_space<hbm>> -> memref<64x512xf32, #tpu.memory_space<hbm>>
    %dma_start3A_264 = tpu.memref_slice %arg6[%dma_start3A_257] : memref<2x!tpu.dma_semaphore, #tpu.memory_space<semaphore_mem>> -> memref<1x!tpu.dma_semaphore, #tpu.memory_space<semaphore_mem>>
    %dma_start3A_265 = tpu.memref_squeeze %dma_start3A_264 : memref<1x!tpu.dma_semaphore, #tpu.memory_space<semaphore_mem>> -> memref<!tpu.dma_semaphore, #tpu.memory_space<semaphore_mem>>
    %dma_start3A_266 = arith.constant 0 : i32
    %dma_start3A_267 = tpu.memref_slice %arg3[%dma_start3A_266, %multiple_of3A] : memref<64x1000000xf32, #tpu.memory_space<hbm>> -> memref<64x512xf32, #tpu.memory_space<hbm>>
    %dma_start3A_268 = arith.constant 0 : i32
    %dma_start3A_269 = arith.constant 0 : i32
    %dma_start3A_270 = tpu.memref_slice %arg4[%dma_start3A_256, %dma_start3A_268, %dma_start3A_269] : memref<2x64x512xf32, #tpu.memory_space<vmem>> -> memref<1x64x512xf32, #tpu.memory_space<vmem>>
    %dma_start3A_271 = tpu.memref_squeeze %dma_start3A_270 : memref<1x64x512xf32, #tpu.memory_space<vmem>> -> memref<64x512xf32, #tpu.memory_space<vmem>>
    tpu.enqueue_dma source(%dma_start3A_271 : memref<64x512xf32, #tpu.memory_space<vmem>>) target(%dma_start3A_267 : memref<64x512xf32, #tpu.memory_space<hbm>>) target_semaphore(%dma_start3A_265 : memref<!tpu.dma_semaphore, #tpu.memory_space<semaphore_mem>>)
    %dma_wait3A_272 = arith.constant 1 : i32
    %dma_wait3A_273 = arith.constant 1 : i32
    %dma_wait3A_274 = arith.constant 0 : i32
    %dma_wait3A_275 = arith.constant 0 : i32
    %dma_wait3A_276 = tpu.memref_slice %arg4[%dma_wait3A_272, %dma_wait3A_274, %dma_wait3A_275] : memref<2x64x512xf32, #tpu.memory_space<vmem>> -> memref<1x64x512xf32, #tpu.memory_space<vmem>>
    %dma_wait3A_277 = tpu.memref_squeeze %dma_wait3A_276 : memref<1x64x512xf32, #tpu.memory_space<vmem>> -> memref<64x512xf32, #tpu.memory_space<vmem>>
    %dma_wait3A_278 = arith.constant 0 : i32
    %dma_wait3A_279 = tpu.memref_slice %arg2[%dma_wait3A_278, %multiple_of3A_9] : memref<64x1000000xf32, #tpu.memory_space<hbm>> -> memref<64x512xf32, #tpu.memory_space<hbm>>
    %dma_wait3A_280 = tpu.memref_slice %arg5[%dma_wait3A_273] : memref<2x!tpu.dma_semaphore, #tpu.memory_space<semaphore_mem>> -> memref<1x!tpu.dma_semaphore, #tpu.memory_space<semaphore_mem>>
    %dma_wait3A_281 = tpu.memref_squeeze %dma_wait3A_280 : memref<1x!tpu.dma_semaphore, #tpu.memory_space<semaphore_mem>> -> memref<!tpu.dma_semaphore, #tpu.memory_space<semaphore_mem>>
    %dma_wait3A_282 = arith.constant 0 : i32
    %dma_wait3A_283 = arith.constant 0 : i32
    %dma_wait3A_284 = tpu.memref_slice %arg4[%dma_wait3A_272, %dma_wait3A_282, %dma_wait3A_283] : memref<2x64x512xf32, #tpu.memory_space<vmem>> -> memref<1x64x512xf32, #tpu.memory_space<vmem>>
    %dma_wait3A_285 = tpu.memref_squeeze %dma_wait3A_284 : memref<1x64x512xf32, #tpu.memory_space<vmem>> -> memref<64x512xf32, #tpu.memory_space<vmem>>
    %dma_wait3A_286 = arith.constant 0 : i32
    %dma_wait3A_287 = tpu.memref_slice %arg2[%dma_wait3A_286, %multiple_of3A_9] : memref<64x1000000xf32, #tpu.memory_space<hbm>> -> memref<64x512xf32, #tpu.memory_space<hbm>>
    tpu.wait_dma2 semaphore(%dma_wait3A_281 : memref<!tpu.dma_semaphore, #tpu.memory_space<semaphore_mem>>) src(%dma_wait3A_287 : memref<64x512xf32, #tpu.memory_space<hbm>>) dst(%dma_wait3A_285 : memref<64x512xf32, #tpu.memory_space<vmem>>)
    %dma_wait3A_288 = arith.constant 0 : i32
    %dma_wait3A_289 = arith.constant 0 : i32
    %dma_wait3A_290 = arith.constant 0 : i32
    %dma_wait3A_291 = arith.constant 0 : i32
    %dma_wait3A_292 = tpu.memref_slice %arg4[%dma_wait3A_288, %dma_wait3A_290, %dma_wait3A_291] : memref<2x64x512xf32, #tpu.memory_space<vmem>> -> memref<1x64x512xf32, #tpu.memory_space<vmem>>
    %dma_wait3A_293 = tpu.memref_squeeze %dma_wait3A_292 : memref<1x64x512xf32, #tpu.memory_space<vmem>> -> memref<64x512xf32, #tpu.memory_space<vmem>>
    %dma_wait3A_294 = arith.constant 0 : i32
    %dma_wait3A_295 = tpu.memref_slice %arg3[%dma_wait3A_294, %multiple_of3A] : memref<64x1000000xf32, #tpu.memory_space<hbm>> -> memref<64x512xf32, #tpu.memory_space<hbm>>
    %dma_wait3A_296 = tpu.memref_slice %arg6[%dma_wait3A_289] : memref<2x!tpu.dma_semaphore, #tpu.memory_space<semaphore_mem>> -> memref<1x!tpu.dma_semaphore, #tpu.memory_space<semaphore_mem>>
    %dma_wait3A_297 = tpu.memref_squeeze %dma_wait3A_296 : memref<1x!tpu.dma_semaphore, #tpu.memory_space<semaphore_mem>> -> memref<!tpu.dma_semaphore, #tpu.memory_space<semaphore_mem>>
    %dma_wait3A_298 = arith.constant 0 : i32
    %dma_wait3A_299 = tpu.memref_slice %arg3[%dma_wait3A_298, %multiple_of3A] : memref<64x1000000xf32, #tpu.memory_space<hbm>> -> memref<64x512xf32, #tpu.memory_space<hbm>>
    %dma_wait3A_300 = arith.constant 0 : i32
    %dma_wait3A_301 = arith.constant 0 : i32
    %dma_wait3A_302 = tpu.memref_slice %arg4[%dma_wait3A_288, %dma_wait3A_300, %dma_wait3A_301] : memref<2x64x512xf32, #tpu.memory_space<vmem>> -> memref<1x64x512xf32, #tpu.memory_space<vmem>>
    %dma_wait3A_303 = tpu.memref_squeeze %dma_wait3A_302 : memref<1x64x512xf32, #tpu.memory_space<vmem>> -> memref<64x512xf32, #tpu.memory_space<vmem>>
    tpu.wait_dma2 semaphore(%dma_wait3A_297 : memref<!tpu.dma_semaphore, #tpu.memory_space<semaphore_mem>>) src(%dma_wait3A_303 : memref<64x512xf32, #tpu.memory_space<vmem>>) dst(%dma_wait3A_299 : memref<64x512xf32, #tpu.memory_space<hbm>>)
    %dma_start3A_304 = arith.constant 0 : i32
    %dma_start3A_305 = arith.constant 0 : i32
    %dma_start3A_306 = arith.constant 0 : i32
    %dma_start3A_307 = arith.constant 0 : i32
    %dma_start3A_308 = tpu.memref_slice %arg4[%dma_start3A_304, %dma_start3A_306, %dma_start3A_307] : memref<2x64x512xf32, #tpu.memory_space<vmem>> -> memref<1x64x512xf32, #tpu.memory_space<vmem>>
    %dma_start3A_309 = tpu.memref_squeeze %dma_start3A_308 : memref<1x64x512xf32, #tpu.memory_space<vmem>> -> memref<64x512xf32, #tpu.memory_space<vmem>>
    %dma_start3A_310 = arith.constant 0 : i32
    %dma_start3A_311 = tpu.memref_slice %arg2[%dma_start3A_310, %multiple_of3A_14] : memref<64x1000000xf32, #tpu.memory_space<hbm>> -> memref<64x512xf32, #tpu.memory_space<hbm>>
    %dma_start3A_312 = tpu.memref_slice %arg5[%dma_start3A_305] : memref<2x!tpu.dma_semaphore, #tpu.memory_space<semaphore_mem>> -> memref<1x!tpu.dma_semaphore, #tpu.memory_space<semaphore_mem>>
    %dma_start3A_313 = tpu.memref_squeeze %dma_start3A_312 : memref<1x!tpu.dma_semaphore, #tpu.memory_space<semaphore_mem>> -> memref<!tpu.dma_semaphore, #tpu.memory_space<semaphore_mem>>
    %dma_start3A_314 = arith.constant 0 : i32
    %dma_start3A_315 = arith.constant 0 : i32
    %dma_start3A_316 = tpu.memref_slice %arg4[%dma_start3A_304, %dma_start3A_314, %dma_start3A_315] : memref<2x64x512xf32, #tpu.memory_space<vmem>> -> memref<1x64x512xf32, #tpu.memory_space<vmem>>
    %dma_start3A_317 = tpu.memref_squeeze %dma_start3A_316 : memref<1x64x512xf32, #tpu.memory_space<vmem>> -> memref<64x512xf32, #tpu.memory_space<vmem>>
    %dma_start3A_318 = arith.constant 0 : i32
    %dma_start3A_319 = tpu.memref_slice %arg2[%dma_start3A_318, %multiple_of3A_14] : memref<64x1000000xf32, #tpu.memory_space<hbm>> -> memref<64x512xf32, #tpu.memory_space<hbm>>
    tpu.enqueue_dma source(%dma_start3A_319 : memref<64x512xf32, #tpu.memory_space<hbm>>) target(%dma_start3A_317 : memref<64x512xf32, #tpu.memory_space<vmem>>) target_semaphore(%dma_start3A_313 : memref<!tpu.dma_semaphore, #tpu.memory_space<semaphore_mem>>)
    %dma_start3A_320 = arith.constant 1 : i32
    %dma_start3A_321 = arith.constant 1 : i32
    %dma_start3A_322 = arith.constant 0 : i32
    %dma_start3A_323 = arith.constant 0 : i32
    %dma_start3A_324 = tpu.memref_slice %arg4[%dma_start3A_320, %dma_start3A_322, %dma_start3A_323] : memref<2x64x512xf32, #tpu.memory_space<vmem>> -> memref<1x64x512xf32, #tpu.memory_space<vmem>>
    %dma_start3A_325 = tpu.memref_squeeze %dma_start3A_324 : memref<1x64x512xf32, #tpu.memory_space<vmem>> -> memref<64x512xf32, #tpu.memory_space<vmem>>
    %dma_start3A_326 = arith.constant 0 : i32
    %dma_start3A_327 = tpu.memref_slice %arg3[%dma_start3A_326, %multiple_of3A_9] : memref<64x1000000xf32, #tpu.memory_space<hbm>> -> memref<64x512xf32, #tpu.memory_space<hbm>>
    %dma_start3A_328 = tpu.memref_slice %arg6[%dma_start3A_321] : memref<2x!tpu.dma_semaphore, #tpu.memory_space<semaphore_mem>> -> memref<1x!tpu.dma_semaphore, #tpu.memory_space<semaphore_mem>>
    %dma_start3A_329 = tpu.memref_squeeze %dma_start3A_328 : memref<1x!tpu.dma_semaphore, #tpu.memory_space<semaphore_mem>> -> memref<!tpu.dma_semaphore, #tpu.memory_space<semaphore_mem>>
    %dma_start3A_330 = arith.constant 0 : i32
    %dma_start3A_331 = tpu.memref_slice %arg3[%dma_start3A_330, %multiple_of3A_9] : memref<64x1000000xf32, #tpu.memory_space<hbm>> -> memref<64x512xf32, #tpu.memory_space<hbm>>
    %dma_start3A_332 = arith.constant 0 : i32
    %dma_start3A_333 = arith.constant 0 : i32
    %dma_start3A_334 = tpu.memref_slice %arg4[%dma_start3A_320, %dma_start3A_332, %dma_start3A_333] : memref<2x64x512xf32, #tpu.memory_space<vmem>> -> memref<1x64x512xf32, #tpu.memory_space<vmem>>
    %dma_start3A_335 = tpu.memref_squeeze %dma_start3A_334 : memref<1x64x512xf32, #tpu.memory_space<vmem>> -> memref<64x512xf32, #tpu.memory_space<vmem>>
    tpu.enqueue_dma source(%dma_start3A_335 : memref<64x512xf32, #tpu.memory_space<vmem>>) target(%dma_start3A_331 : memref<64x512xf32, #tpu.memory_space<hbm>>) target_semaphore(%dma_start3A_329 : memref<!tpu.dma_semaphore, #tpu.memory_space<semaphore_mem>>)
    %dma_wait3A_336 = arith.constant 0 : i32
    %dma_wait3A_337 = arith.constant 0 : i32
    %dma_wait3A_338 = arith.constant 0 : i32
    %dma_wait3A_339 = arith.constant 0 : i32
    %dma_wait3A_340 = tpu.memref_slice %arg4[%dma_wait3A_336, %dma_wait3A_338, %dma_wait3A_339] : memref<2x64x512xf32, #tpu.memory_space<vmem>> -> memref<1x64x512xf32, #tpu.memory_space<vmem>>
    %dma_wait3A_341 = tpu.memref_squeeze %dma_wait3A_340 : memref<1x64x512xf32, #tpu.memory_space<vmem>> -> memref<64x512xf32, #tpu.memory_space<vmem>>
    %dma_wait3A_342 = arith.constant 0 : i32
    %dma_wait3A_343 = tpu.memref_slice %arg2[%dma_wait3A_342, %multiple_of3A_14] : memref<64x1000000xf32, #tpu.memory_space<hbm>> -> memref<64x512xf32, #tpu.memory_space<hbm>>
    %dma_wait3A_344 = tpu.memref_slice %arg5[%dma_wait3A_337] : memref<2x!tpu.dma_semaphore, #tpu.memory_space<semaphore_mem>> -> memref<1x!tpu.dma_semaphore, #tpu.memory_space<semaphore_mem>>
    %dma_wait3A_345 = tpu.memref_squeeze %dma_wait3A_344 : memref<1x!tpu.dma_semaphore, #tpu.memory_space<semaphore_mem>> -> memref<!tpu.dma_semaphore, #tpu.memory_space<semaphore_mem>>
    %dma_wait3A_346 = arith.constant 0 : i32
    %dma_wait3A_347 = arith.constant 0 : i32
    %dma_wait3A_348 = tpu.memref_slice %arg4[%dma_wait3A_336, %dma_wait3A_346, %dma_wait3A_347] : memref<2x64x512xf32, #tpu.memory_space<vmem>> -> memref<1x64x512xf32, #tpu.memory_space<vmem>>
    %dma_wait3A_349 = tpu.memref_squeeze %dma_wait3A_348 : memref<1x64x512xf32, #tpu.memory_space<vmem>> -> memref<64x512xf32, #tpu.memory_space<vmem>>
    %dma_wait3A_350 = arith.constant 0 : i32
    %dma_wait3A_351 = tpu.memref_slice %arg2[%dma_wait3A_350, %multiple_of3A_14] : memref<64x1000000xf32, #tpu.memory_space<hbm>> -> memref<64x512xf32, #tpu.memory_space<hbm>>
    tpu.wait_dma2 semaphore(%dma_wait3A_345 : memref<!tpu.dma_semaphore, #tpu.memory_space<semaphore_mem>>) src(%dma_wait3A_351 : memref<64x512xf32, #tpu.memory_space<hbm>>) dst(%dma_wait3A_349 : memref<64x512xf32, #tpu.memory_space<vmem>>)
    %dma_wait3A_352 = arith.constant 1 : i32
    %dma_wait3A_353 = arith.constant 1 : i32
    %dma_wait3A_354 = arith.constant 0 : i32
    %dma_wait3A_355 = arith.constant 0 : i32
    %dma_wait3A_356 = tpu.memref_slice %arg4[%dma_wait3A_352, %dma_wait3A_354, %dma_wait3A_355] : memref<2x64x512xf32, #tpu.memory_space<vmem>> -> memref<1x64x512xf32, #tpu.memory_space<vmem>>
    %dma_wait3A_357 = tpu.memref_squeeze %dma_wait3A_356 : memref<1x64x512xf32, #tpu.memory_space<vmem>> -> memref<64x512xf32, #tpu.memory_space<vmem>>
    %dma_wait3A_358 = arith.constant 0 : i32
    %dma_wait3A_359 = tpu.memref_slice %arg3[%dma_wait3A_358, %multiple_of3A_9] : memref<64x1000000xf32, #tpu.memory_space<hbm>> -> memref<64x512xf32, #tpu.memory_space<hbm>>
    %dma_wait3A_360 = tpu.memref_slice %arg6[%dma_wait3A_353] : memref<2x!tpu.dma_semaphore, #tpu.memory_space<semaphore_mem>> -> memref<1x!tpu.dma_semaphore, #tpu.memory_space<semaphore_mem>>
    %dma_wait3A_361 = tpu.memref_squeeze %dma_wait3A_360 : memref<1x!tpu.dma_semaphore, #tpu.memory_space<semaphore_mem>> -> memref<!tpu.dma_semaphore, #tpu.memory_space<semaphore_mem>>
    %dma_wait3A_362 = arith.constant 0 : i32
    %dma_wait3A_363 = tpu.memref_slice %arg3[%dma_wait3A_362, %multiple_of3A_9] : memref<64x1000000xf32, #tpu.memory_space<hbm>> -> memref<64x512xf32, #tpu.memory_space<hbm>>
    %dma_wait3A_364 = arith.constant 0 : i32
    %dma_wait3A_365 = arith.constant 0 : i32
    %dma_wait3A_366 = tpu.memref_slice %arg4[%dma_wait3A_352, %dma_wait3A_364, %dma_wait3A_365] : memref<2x64x512xf32, #tpu.memory_space<vmem>> -> memref<1x64x512xf32, #tpu.memory_space<vmem>>
    %dma_wait3A_367 = tpu.memref_squeeze %dma_wait3A_366 : memref<1x64x512xf32, #tpu.memory_space<vmem>> -> memref<64x512xf32, #tpu.memory_space<vmem>>
    tpu.wait_dma2 semaphore(%dma_wait3A_361 : memref<!tpu.dma_semaphore, #tpu.memory_space<semaphore_mem>>) src(%dma_wait3A_367 : memref<64x512xf32, #tpu.memory_space<vmem>>) dst(%dma_wait3A_363 : memref<64x512xf32, #tpu.memory_space<hbm>>)
    %dma_start3A_368 = arith.constant 1 : i32
    %dma_start3A_369 = arith.constant 1 : i32
    %dma_start3A_370 = arith.constant 0 : i32
    %dma_start3A_371 = arith.constant 0 : i32
    %dma_start3A_372 = tpu.memref_slice %arg4[%dma_start3A_368, %dma_start3A_370, %dma_start3A_371] : memref<2x64x512xf32, #tpu.memory_space<vmem>> -> memref<1x64x512xf32, #tpu.memory_space<vmem>>
    %dma_start3A_373 = tpu.memref_squeeze %dma_start3A_372 : memref<1x64x512xf32, #tpu.memory_space<vmem>> -> memref<64x512xf32, #tpu.memory_space<vmem>>
    %dma_start3A_374 = arith.constant 0 : i32
    %dma_start3A_375 = tpu.memref_slice %arg2[%dma_start3A_374, %multiple_of3A_19] : memref<64x1000000xf32, #tpu.memory_space<hbm>> -> memref<64x512xf32, #tpu.memory_space<hbm>>
    %dma_start3A_376 = tpu.memref_slice %arg5[%dma_start3A_369] : memref<2x!tpu.dma_semaphore, #tpu.memory_space<semaphore_mem>> -> memref<1x!tpu.dma_semaphore, #tpu.memory_space<semaphore_mem>>
    %dma_start3A_377 = tpu.memref_squeeze %dma_start3A_376 : memref<1x!tpu.dma_semaphore, #tpu.memory_space<semaphore_mem>> -> memref<!tpu.dma_semaphore, #tpu.memory_space<semaphore_mem>>
    %dma_start3A_378 = arith.constant 0 : i32
    %dma_start3A_379 = arith.constant 0 : i32
    %dma_start3A_380 = tpu.memref_slice %arg4[%dma_start3A_368, %dma_start3A_378, %dma_start3A_379] : memref<2x64x512xf32, #tpu.memory_space<vmem>> -> memref<1x64x512xf32, #tpu.memory_space<vmem>>
    %dma_start3A_381 = tpu.memref_squeeze %dma_start3A_380 : memref<1x64x512xf32, #tpu.memory_space<vmem>> -> memref<64x512xf32, #tpu.memory_space<vmem>>
    %dma_start3A_382 = arith.constant 0 : i32
    %dma_start3A_383 = tpu.memref_slice %arg2[%dma_start3A_382, %multiple_of3A_19] : memref<64x1000000xf32, #tpu.memory_space<hbm>> -> memref<64x512xf32, #tpu.memory_space<hbm>>
    tpu.enqueue_dma source(%dma_start3A_383 : memref<64x512xf32, #tpu.memory_space<hbm>>) target(%dma_start3A_381 : memref<64x512xf32, #tpu.memory_space<vmem>>) target_semaphore(%dma_start3A_377 : memref<!tpu.dma_semaphore, #tpu.memory_space<semaphore_mem>>)
    %dma_start3A_384 = arith.constant 0 : i32
    %dma_start3A_385 = arith.constant 0 : i32
    %dma_start3A_386 = arith.constant 0 : i32
    %dma_start3A_387 = arith.constant 0 : i32
    %dma_start3A_388 = tpu.memref_slice %arg4[%dma_start3A_384, %dma_start3A_386, %dma_start3A_387] : memref<2x64x512xf32, #tpu.memory_space<vmem>> -> memref<1x64x512xf32, #tpu.memory_space<vmem>>
    %dma_start3A_389 = tpu.memref_squeeze %dma_start3A_388 : memref<1x64x512xf32, #tpu.memory_space<vmem>> -> memref<64x512xf32, #tpu.memory_space<vmem>>
    %dma_start3A_390 = arith.constant 0 : i32
    %dma_start3A_391 = tpu.memref_slice %arg3[%dma_start3A_390, %multiple_of3A_14] : memref<64x1000000xf32, #tpu.memory_space<hbm>> -> memref<64x512xf32, #tpu.memory_space<hbm>>
    %dma_start3A_392 = tpu.memref_slice %arg6[%dma_start3A_385] : memref<2x!tpu.dma_semaphore, #tpu.memory_space<semaphore_mem>> -> memref<1x!tpu.dma_semaphore, #tpu.memory_space<semaphore_mem>>
    %dma_start3A_393 = tpu.memref_squeeze %dma_start3A_392 : memref<1x!tpu.dma_semaphore, #tpu.memory_space<semaphore_mem>> -> memref<!tpu.dma_semaphore, #tpu.memory_space<semaphore_mem>>
    %dma_start3A_394 = arith.constant 0 : i32
    %dma_start3A_395 = tpu.memref_slice %arg3[%dma_start3A_394, %multiple_of3A_14] : memref<64x1000000xf32, #tpu.memory_space<hbm>> -> memref<64x512xf32, #tpu.memory_space<hbm>>
    %dma_start3A_396 = arith.constant 0 : i32
    %dma_start3A_397 = arith.constant 0 : i32
    %dma_start3A_398 = tpu.memref_slice %arg4[%dma_start3A_384, %dma_start3A_396, %dma_start3A_397] : memref<2x64x512xf32, #tpu.memory_space<vmem>> -> memref<1x64x512xf32, #tpu.memory_space<vmem>>
    %dma_start3A_399 = tpu.memref_squeeze %dma_start3A_398 : memref<1x64x512xf32, #tpu.memory_space<vmem>> -> memref<64x512xf32, #tpu.memory_space<vmem>>
    tpu.enqueue_dma source(%dma_start3A_399 : memref<64x512xf32, #tpu.memory_space<vmem>>) target(%dma_start3A_395 : memref<64x512xf32, #tpu.memory_space<hbm>>) target_semaphore(%dma_start3A_393 : memref<!tpu.dma_semaphore, #tpu.memory_space<semaphore_mem>>)
    %dma_wait3A_400 = arith.constant 1 : i32
    %dma_wait3A_401 = arith.constant 1 : i32
    %dma_wait3A_402 = arith.constant 0 : i32
    %dma_wait3A_403 = arith.constant 0 : i32
    %dma_wait3A_404 = tpu.memref_slice %arg4[%dma_wait3A_400, %dma_wait3A_402, %dma_wait3A_403] : memref<2x64x512xf32, #tpu.memory_space<vmem>> -> memref<1x64x512xf32, #tpu.memory_space<vmem>>
    %dma_wait3A_405 = tpu.memref_squeeze %dma_wait3A_404 : memref<1x64x512xf32, #tpu.memory_space<vmem>> -> memref<64x512xf32, #tpu.memory_space<vmem>>
    %dma_wait3A_406 = arith.constant 0 : i32
    %dma_wait3A_407 = tpu.memref_slice %arg2[%dma_wait3A_406, %multiple_of3A_19] : memref<64x1000000xf32, #tpu.memory_space<hbm>> -> memref<64x512xf32, #tpu.memory_space<hbm>>
    %dma_wait3A_408 = tpu.memref_slice %arg5[%dma_wait3A_401] : memref<2x!tpu.dma_semaphore, #tpu.memory_space<semaphore_mem>> -> memref<1x!tpu.dma_semaphore, #tpu.memory_space<semaphore_mem>>
    %dma_wait3A_409 = tpu.memref_squeeze %dma_wait3A_408 : memref<1x!tpu.dma_semaphore, #tpu.memory_space<semaphore_mem>> -> memref<!tpu.dma_semaphore, #tpu.memory_space<semaphore_mem>>
    %dma_wait3A_410 = arith.constant 0 : i32
    %dma_wait3A_411 = arith.constant 0 : i32
    %dma_wait3A_412 = tpu.memref_slice %arg4[%dma_wait3A_400, %dma_wait3A_410, %dma_wait3A_411] : memref<2x64x512xf32, #tpu.memory_space<vmem>> -> memref<1x64x512xf32, #tpu.memory_space<vmem>>
    %dma_wait3A_413 = tpu.memref_squeeze %dma_wait3A_412 : memref<1x64x512xf32, #tpu.memory_space<vmem>> -> memref<64x512xf32, #tpu.memory_space<vmem>>
    %dma_wait3A_414 = arith.constant 0 : i32
    %dma_wait3A_415 = tpu.memref_slice %arg2[%dma_wait3A_414, %multiple_of3A_19] : memref<64x1000000xf32, #tpu.memory_space<hbm>> -> memref<64x512xf32, #tpu.memory_space<hbm>>
    tpu.wait_dma2 semaphore(%dma_wait3A_409 : memref<!tpu.dma_semaphore, #tpu.memory_space<semaphore_mem>>) src(%dma_wait3A_415 : memref<64x512xf32, #tpu.memory_space<hbm>>) dst(%dma_wait3A_413 : memref<64x512xf32, #tpu.memory_space<vmem>>)
    %dma_wait3A_416 = arith.constant 0 : i32
    %dma_wait3A_417 = arith.constant 0 : i32
    %dma_wait3A_418 = arith.constant 0 : i32
    %dma_wait3A_419 = arith.constant 0 : i32
    %dma_wait3A_420 = tpu.memref_slice %arg4[%dma_wait3A_416, %dma_wait3A_418, %dma_wait3A_419] : memref<2x64x512xf32, #tpu.memory_space<vmem>> -> memref<1x64x512xf32, #tpu.memory_space<vmem>>
    %dma_wait3A_421 = tpu.memref_squeeze %dma_wait3A_420 : memref<1x64x512xf32, #tpu.memory_space<vmem>> -> memref<64x512xf32, #tpu.memory_space<vmem>>
    %dma_wait3A_422 = arith.constant 0 : i32
    %dma_wait3A_423 = tpu.memref_slice %arg3[%dma_wait3A_422, %multiple_of3A_14] : memref<64x1000000xf32, #tpu.memory_space<hbm>> -> memref<64x512xf32, #tpu.memory_space<hbm>>
    %dma_wait3A_424 = tpu.memref_slice %arg6[%dma_wait3A_417] : memref<2x!tpu.dma_semaphore, #tpu.memory_space<semaphore_mem>> -> memref<1x!tpu.dma_semaphore, #tpu.memory_space<semaphore_mem>>
    %dma_wait3A_425 = tpu.memref_squeeze %dma_wait3A_424 : memref<1x!tpu.dma_semaphore, #tpu.memory_space<semaphore_mem>> -> memref<!tpu.dma_semaphore, #tpu.memory_space<semaphore_mem>>
    %dma_wait3A_426 = arith.constant 0 : i32
    %dma_wait3A_427 = tpu.memref_slice %arg3[%dma_wait3A_426, %multiple_of3A_14] : memref<64x1000000xf32, #tpu.memory_space<hbm>> -> memref<64x512xf32, #tpu.memory_space<hbm>>
    %dma_wait3A_428 = arith.constant 0 : i32
    %dma_wait3A_429 = arith.constant 0 : i32
    %dma_wait3A_430 = tpu.memref_slice %arg4[%dma_wait3A_416, %dma_wait3A_428, %dma_wait3A_429] : memref<2x64x512xf32, #tpu.memory_space<vmem>> -> memref<1x64x512xf32, #tpu.memory_space<vmem>>
    %dma_wait3A_431 = tpu.memref_squeeze %dma_wait3A_430 : memref<1x64x512xf32, #tpu.memory_space<vmem>> -> memref<64x512xf32, #tpu.memory_space<vmem>>
    tpu.wait_dma2 semaphore(%dma_wait3A_425 : memref<!tpu.dma_semaphore, #tpu.memory_space<semaphore_mem>>) src(%dma_wait3A_431 : memref<64x512xf32, #tpu.memory_space<vmem>>) dst(%dma_wait3A_427 : memref<64x512xf32, #tpu.memory_space<hbm>>)
    %dma_start3A_432 = arith.constant 0 : i32
    %dma_start3A_433 = arith.constant 0 : i32
    %dma_start3A_434 = arith.constant 0 : i32
    %dma_start3A_435 = arith.constant 0 : i32
    %dma_start3A_436 = tpu.memref_slice %arg4[%dma_start3A_432, %dma_start3A_434, %dma_start3A_435] : memref<2x64x512xf32, #tpu.memory_space<vmem>> -> memref<1x64x512xf32, #tpu.memory_space<vmem>>
    %dma_start3A_437 = tpu.memref_squeeze %dma_start3A_436 : memref<1x64x512xf32, #tpu.memory_space<vmem>> -> memref<64x512xf32, #tpu.memory_space<vmem>>
    %dma_start3A_438 = arith.constant 0 : i32
    %dma_start3A_439 = tpu.memref_slice %arg2[%dma_start3A_438, %multiple_of3A_24] : memref<64x1000000xf32, #tpu.memory_space<hbm>> -> memref<64x512xf32, #tpu.memory_space<hbm>>
    %dma_start3A_440 = tpu.memref_slice %arg5[%dma_start3A_433] : memref<2x!tpu.dma_semaphore, #tpu.memory_space<semaphore_mem>> -> memref<1x!tpu.dma_semaphore, #tpu.memory_space<semaphore_mem>>
    %dma_start3A_441 = tpu.memref_squeeze %dma_start3A_440 : memref<1x!tpu.dma_semaphore, #tpu.memory_space<semaphore_mem>> -> memref<!tpu.dma_semaphore, #tpu.memory_space<semaphore_mem>>
    %dma_start3A_442 = arith.constant 0 : i32
    %dma_start3A_443 = arith.constant 0 : i32
    %dma_start3A_444 = tpu.memref_slice %arg4[%dma_start3A_432, %dma_start3A_442, %dma_start3A_443] : memref<2x64x512xf32, #tpu.memory_space<vmem>> -> memref<1x64x512xf32, #tpu.memory_space<vmem>>
    %dma_start3A_445 = tpu.memref_squeeze %dma_start3A_444 : memref<1x64x512xf32, #tpu.memory_space<vmem>> -> memref<64x512xf32, #tpu.memory_space<vmem>>
    %dma_start3A_446 = arith.constant 0 : i32
    %dma_start3A_447 = tpu.memref_slice %arg2[%dma_start3A_446, %multiple_of3A_24] : memref<64x1000000xf32, #tpu.memory_space<hbm>> -> memref<64x512xf32, #tpu.memory_space<hbm>>
    tpu.enqueue_dma source(%dma_start3A_447 : memref<64x512xf32, #tpu.memory_space<hbm>>) target(%dma_start3A_445 : memref<64x512xf32, #tpu.memory_space<vmem>>) target_semaphore(%dma_start3A_441 : memref<!tpu.dma_semaphore, #tpu.memory_space<semaphore_mem>>)
    %dma_start3A_448 = arith.constant 1 : i32
    %dma_start3A_449 = arith.constant 1 : i32
    %dma_start3A_450 = arith.constant 0 : i32
    %dma_start3A_451 = arith.constant 0 : i32
    %dma_start3A_452 = tpu.memref_slice %arg4[%dma_start3A_448, %dma_start3A_450, %dma_start3A_451] : memref<2x64x512xf32, #tpu.memory_space<vmem>> -> memref<1x64x512xf32, #tpu.memory_space<vmem>>
    %dma_start3A_453 = tpu.memref_squeeze %dma_start3A_452 : memref<1x64x512xf32, #tpu.memory_space<vmem>> -> memref<64x512xf32, #tpu.memory_space<vmem>>
    %dma_start3A_454 = arith.constant 0 : i32
    %dma_start3A_455 = tpu.memref_slice %arg3[%dma_start3A_454, %multiple_of3A_19] : memref<64x1000000xf32, #tpu.memory_space<hbm>> -> memref<64x512xf32, #tpu.memory_space<hbm>>
    %dma_start3A_456 = tpu.memref_slice %arg6[%dma_start3A_449] : memref<2x!tpu.dma_semaphore, #tpu.memory_space<semaphore_mem>> -> memref<1x!tpu.dma_semaphore, #tpu.memory_space<semaphore_mem>>
    %dma_start3A_457 = tpu.memref_squeeze %dma_start3A_456 : memref<1x!tpu.dma_semaphore, #tpu.memory_space<semaphore_mem>> -> memref<!tpu.dma_semaphore, #tpu.memory_space<semaphore_mem>>
    %dma_start3A_458 = arith.constant 0 : i32
    %dma_start3A_459 = tpu.memref_slice %arg3[%dma_start3A_458, %multiple_of3A_19] : memref<64x1000000xf32, #tpu.memory_space<hbm>> -> memref<64x512xf32, #tpu.memory_space<hbm>>
    %dma_start3A_460 = arith.constant 0 : i32
    %dma_start3A_461 = arith.constant 0 : i32
    %dma_start3A_462 = tpu.memref_slice %arg4[%dma_start3A_448, %dma_start3A_460, %dma_start3A_461] : memref<2x64x512xf32, #tpu.memory_space<vmem>> -> memref<1x64x512xf32, #tpu.memory_space<vmem>>
    %dma_start3A_463 = tpu.memref_squeeze %dma_start3A_462 : memref<1x64x512xf32, #tpu.memory_space<vmem>> -> memref<64x512xf32, #tpu.memory_space<vmem>>
    tpu.enqueue_dma source(%dma_start3A_463 : memref<64x512xf32, #tpu.memory_space<vmem>>) target(%dma_start3A_459 : memref<64x512xf32, #tpu.memory_space<hbm>>) target_semaphore(%dma_start3A_457 : memref<!tpu.dma_semaphore, #tpu.memory_space<semaphore_mem>>)
    %dma_wait3A_464 = arith.constant 0 : i32
    %dma_wait3A_465 = arith.constant 0 : i32
    %dma_wait3A_466 = arith.constant 0 : i32
    %dma_wait3A_467 = arith.constant 0 : i32
    %dma_wait3A_468 = tpu.memref_slice %arg4[%dma_wait3A_464, %dma_wait3A_466, %dma_wait3A_467] : memref<2x64x512xf32, #tpu.memory_space<vmem>> -> memref<1x64x512xf32, #tpu.memory_space<vmem>>
    %dma_wait3A_469 = tpu.memref_squeeze %dma_wait3A_468 : memref<1x64x512xf32, #tpu.memory_space<vmem>> -> memref<64x512xf32, #tpu.memory_space<vmem>>
    %dma_wait3A_470 = arith.constant 0 : i32
    %dma_wait3A_471 = tpu.memref_slice %arg2[%dma_wait3A_470, %multiple_of3A_24] : memref<64x1000000xf32, #tpu.memory_space<hbm>> -> memref<64x512xf32, #tpu.memory_space<hbm>>
    %dma_wait3A_472 = tpu.memref_slice %arg5[%dma_wait3A_465] : memref<2x!tpu.dma_semaphore, #tpu.memory_space<semaphore_mem>> -> memref<1x!tpu.dma_semaphore, #tpu.memory_space<semaphore_mem>>
    %dma_wait3A_473 = tpu.memref_squeeze %dma_wait3A_472 : memref<1x!tpu.dma_semaphore, #tpu.memory_space<semaphore_mem>> -> memref<!tpu.dma_semaphore, #tpu.memory_space<semaphore_mem>>
    %dma_wait3A_474 = arith.constant 0 : i32
    %dma_wait3A_475 = arith.constant 0 : i32
    %dma_wait3A_476 = tpu.memref_slice %arg4[%dma_wait3A_464, %dma_wait3A_474, %dma_wait3A_475] : memref<2x64x512xf32, #tpu.memory_space<vmem>> -> memref<1x64x512xf32, #tpu.memory_space<vmem>>
    %dma_wait3A_477 = tpu.memref_squeeze %dma_wait3A_476 : memref<1x64x512xf32, #tpu.memory_space<vmem>> -> memref<64x512xf32, #tpu.memory_space<vmem>>
    %dma_wait3A_478 = arith.constant 0 : i32
    %dma_wait3A_479 = tpu.memref_slice %arg2[%dma_wait3A_478, %multiple_of3A_24] : memref<64x1000000xf32, #tpu.memory_space<hbm>> -> memref<64x512xf32, #tpu.memory_space<hbm>>
    tpu.wait_dma2 semaphore(%dma_wait3A_473 : memref<!tpu.dma_semaphore, #tpu.memory_space<semaphore_mem>>) src(%dma_wait3A_479 : memref<64x512xf32, #tpu.memory_space<hbm>>) dst(%dma_wait3A_477 : memref<64x512xf32, #tpu.memory_space<vmem>>)
    %dma_wait3A_480 = arith.constant 1 : i32
    %dma_wait3A_481 = arith.constant 1 : i32
    %dma_wait3A_482 = arith.constant 0 : i32
    %dma_wait3A_483 = arith.constant 0 : i32
    %dma_wait3A_484 = tpu.memref_slice %arg4[%dma_wait3A_480, %dma_wait3A_482, %dma_wait3A_483] : memref<2x64x512xf32, #tpu.memory_space<vmem>> -> memref<1x64x512xf32, #tpu.memory_space<vmem>>
    %dma_wait3A_485 = tpu.memref_squeeze %dma_wait3A_484 : memref<1x64x512xf32, #tpu.memory_space<vmem>> -> memref<64x512xf32, #tpu.memory_space<vmem>>
    %dma_wait3A_486 = arith.constant 0 : i32
    %dma_wait3A_487 = tpu.memref_slice %arg3[%dma_wait3A_486, %multiple_of3A_19] : memref<64x1000000xf32, #tpu.memory_space<hbm>> -> memref<64x512xf32, #tpu.memory_space<hbm>>
    %dma_wait3A_488 = tpu.memref_slice %arg6[%dma_wait3A_481] : memref<2x!tpu.dma_semaphore, #tpu.memory_space<semaphore_mem>> -> memref<1x!tpu.dma_semaphore, #tpu.memory_space<semaphore_mem>>
    %dma_wait3A_489 = tpu.memref_squeeze %dma_wait3A_488 : memref<1x!tpu.dma_semaphore, #tpu.memory_space<semaphore_mem>> -> memref<!tpu.dma_semaphore, #tpu.memory_space<semaphore_mem>>
    %dma_wait3A_490 = arith.constant 0 : i32
    %dma_wait3A_491 = tpu.memref_slice %arg3[%dma_wait3A_490, %multiple_of3A_19] : memref<64x1000000xf32, #tpu.memory_space<hbm>> -> memref<64x512xf32, #tpu.memory_space<hbm>>
    %dma_wait3A_492 = arith.constant 0 : i32
    %dma_wait3A_493 = arith.constant 0 : i32
    %dma_wait3A_494 = tpu.memref_slice %arg4[%dma_wait3A_480, %dma_wait3A_492, %dma_wait3A_493] : memref<2x64x512xf32, #tpu.memory_space<vmem>> -> memref<1x64x512xf32, #tpu.memory_space<vmem>>
    %dma_wait3A_495 = tpu.memref_squeeze %dma_wait3A_494 : memref<1x64x512xf32, #tpu.memory_space<vmem>> -> memref<64x512xf32, #tpu.memory_space<vmem>>
    tpu.wait_dma2 semaphore(%dma_wait3A_489 : memref<!tpu.dma_semaphore, #tpu.memory_space<semaphore_mem>>) src(%dma_wait3A_495 : memref<64x512xf32, #tpu.memory_space<vmem>>) dst(%dma_wait3A_491 : memref<64x512xf32, #tpu.memory_space<hbm>>)
    %dma_start3A_496 = arith.constant 1 : i32
    %dma_start3A_497 = arith.constant 1 : i32
    %dma_start3A_498 = arith.constant 0 : i32
    %dma_start3A_499 = arith.constant 0 : i32
    %dma_start3A_500 = tpu.memref_slice %arg4[%dma_start3A_496, %dma_start3A_498, %dma_start3A_499] : memref<2x64x512xf32, #tpu.memory_space<vmem>> -> memref<1x64x512xf32, #tpu.memory_space<vmem>>
    %dma_start3A_501 = tpu.memref_squeeze %dma_start3A_500 : memref<1x64x512xf32, #tpu.memory_space<vmem>> -> memref<64x512xf32, #tpu.memory_space<vmem>>
    %dma_start3A_502 = arith.constant 0 : i32
    %dma_start3A_503 = tpu.memref_slice %arg2[%dma_start3A_502, %multiple_of3A_29] : memref<64x1000000xf32, #tpu.memory_space<hbm>> -> memref<64x512xf32, #tpu.memory_space<hbm>>
    %dma_start3A_504 = tpu.memref_slice %arg5[%dma_start3A_497] : memref<2x!tpu.dma_semaphore, #tpu.memory_space<semaphore_mem>> -> memref<1x!tpu.dma_semaphore, #tpu.memory_space<semaphore_mem>>
    %dma_start3A_505 = tpu.memref_squeeze %dma_start3A_504 : memref<1x!tpu.dma_semaphore, #tpu.memory_space<semaphore_mem>> -> memref<!tpu.dma_semaphore, #tpu.memory_space<semaphore_mem>>
    %dma_start3A_506 = arith.constant 0 : i32
    %dma_start3A_507 = arith.constant 0 : i32
    %dma_start3A_508 = tpu.memref_slice %arg4[%dma_start3A_496, %dma_start3A_506, %dma_start3A_507] : memref<2x64x512xf32, #tpu.memory_space<vmem>> -> memref<1x64x512xf32, #tpu.memory_space<vmem>>
    %dma_start3A_509 = tpu.memref_squeeze %dma_start3A_508 : memref<1x64x512xf32, #tpu.memory_space<vmem>> -> memref<64x512xf32, #tpu.memory_space<vmem>>
    %dma_start3A_510 = arith.constant 0 : i32
    %dma_start3A_511 = tpu.memref_slice %arg2[%dma_start3A_510, %multiple_of3A_29] : memref<64x1000000xf32, #tpu.memory_space<hbm>> -> memref<64x512xf32, #tpu.memory_space<hbm>>
    tpu.enqueue_dma source(%dma_start3A_511 : memref<64x512xf32, #tpu.memory_space<hbm>>) target(%dma_start3A_509 : memref<64x512xf32, #tpu.memory_space<vmem>>) target_semaphore(%dma_start3A_505 : memref<!tpu.dma_semaphore, #tpu.memory_space<semaphore_mem>>)
    %dma_start3A_512 = arith.constant 0 : i32
    %dma_start3A_513 = arith.constant 0 : i32
    %dma_start3A_514 = arith.constant 0 : i32
    %dma_start3A_515 = arith.constant 0 : i32
    %dma_start3A_516 = tpu.memref_slice %arg4[%dma_start3A_512, %dma_start3A_514, %dma_start3A_515] : memref<2x64x512xf32, #tpu.memory_space<vmem>> -> memref<1x64x512xf32, #tpu.memory_space<vmem>>
    %dma_start3A_517 = tpu.memref_squeeze %dma_start3A_516 : memref<1x64x512xf32, #tpu.memory_space<vmem>> -> memref<64x512xf32, #tpu.memory_space<vmem>>
    %dma_start3A_518 = arith.constant 0 : i32
    %dma_start3A_519 = tpu.memref_slice %arg3[%dma_start3A_518, %multiple_of3A_24] : memref<64x1000000xf32, #tpu.memory_space<hbm>> -> memref<64x512xf32, #tpu.memory_space<hbm>>
    %dma_start3A_520 = tpu.memref_slice %arg6[%dma_start3A_513] : memref<2x!tpu.dma_semaphore, #tpu.memory_space<semaphore_mem>> -> memref<1x!tpu.dma_semaphore, #tpu.memory_space<semaphore_mem>>
    %dma_start3A_521 = tpu.memref_squeeze %dma_start3A_520 : memref<1x!tpu.dma_semaphore, #tpu.memory_space<semaphore_mem>> -> memref<!tpu.dma_semaphore, #tpu.memory_space<semaphore_mem>>
    %dma_start3A_522 = arith.constant 0 : i32
    %dma_start3A_523 = tpu.memref_slice %arg3[%dma_start3A_522, %multiple_of3A_24] : memref<64x1000000xf32, #tpu.memory_space<hbm>> -> memref<64x512xf32, #tpu.memory_space<hbm>>
    %dma_start3A_524 = arith.constant 0 : i32
    %dma_start3A_525 = arith.constant 0 : i32
    %dma_start3A_526 = tpu.memref_slice %arg4[%dma_start3A_512, %dma_start3A_524, %dma_start3A_525] : memref<2x64x512xf32, #tpu.memory_space<vmem>> -> memref<1x64x512xf32, #tpu.memory_space<vmem>>
    %dma_start3A_527 = tpu.memref_squeeze %dma_start3A_526 : memref<1x64x512xf32, #tpu.memory_space<vmem>> -> memref<64x512xf32, #tpu.memory_space<vmem>>
    tpu.enqueue_dma source(%dma_start3A_527 : memref<64x512xf32, #tpu.memory_space<vmem>>) target(%dma_start3A_523 : memref<64x512xf32, #tpu.memory_space<hbm>>) target_semaphore(%dma_start3A_521 : memref<!tpu.dma_semaphore, #tpu.memory_space<semaphore_mem>>)
    %dma_wait3A_528 = arith.constant 1 : i32
    %dma_wait3A_529 = arith.constant 1 : i32
    %dma_wait3A_530 = arith.constant 0 : i32
    %dma_wait3A_531 = arith.constant 0 : i32
    %dma_wait3A_532 = tpu.memref_slice %arg4[%dma_wait3A_528, %dma_wait3A_530, %dma_wait3A_531] : memref<2x64x512xf32, #tpu.memory_space<vmem>> -> memref<1x64x512xf32, #tpu.memory_space<vmem>>
    %dma_wait3A_533 = tpu.memref_squeeze %dma_wait3A_532 : memref<1x64x512xf32, #tpu.memory_space<vmem>> -> memref<64x512xf32, #tpu.memory_space<vmem>>
    %dma_wait3A_534 = arith.constant 0 : i32
    %dma_wait3A_535 = tpu.memref_slice %arg2[%dma_wait3A_534, %multiple_of3A_29] : memref<64x1000000xf32, #tpu.memory_space<hbm>> -> memref<64x512xf32, #tpu.memory_space<hbm>>
    %dma_wait3A_536 = tpu.memref_slice %arg5[%dma_wait3A_529] : memref<2x!tpu.dma_semaphore, #tpu.memory_space<semaphore_mem>> -> memref<1x!tpu.dma_semaphore, #tpu.memory_space<semaphore_mem>>
    %dma_wait3A_537 = tpu.memref_squeeze %dma_wait3A_536 : memref<1x!tpu.dma_semaphore, #tpu.memory_space<semaphore_mem>> -> memref<!tpu.dma_semaphore, #tpu.memory_space<semaphore_mem>>
    %dma_wait3A_538 = arith.constant 0 : i32
    %dma_wait3A_539 = arith.constant 0 : i32
    %dma_wait3A_540 = tpu.memref_slice %arg4[%dma_wait3A_528, %dma_wait3A_538, %dma_wait3A_539] : memref<2x64x512xf32, #tpu.memory_space<vmem>> -> memref<1x64x512xf32, #tpu.memory_space<vmem>>
    %dma_wait3A_541 = tpu.memref_squeeze %dma_wait3A_540 : memref<1x64x512xf32, #tpu.memory_space<vmem>> -> memref<64x512xf32, #tpu.memory_space<vmem>>
    %dma_wait3A_542 = arith.constant 0 : i32
    %dma_wait3A_543 = tpu.memref_slice %arg2[%dma_wait3A_542, %multiple_of3A_29] : memref<64x1000000xf32, #tpu.memory_space<hbm>> -> memref<64x512xf32, #tpu.memory_space<hbm>>
    tpu.wait_dma2 semaphore(%dma_wait3A_537 : memref<!tpu.dma_semaphore, #tpu.memory_space<semaphore_mem>>) src(%dma_wait3A_543 : memref<64x512xf32, #tpu.memory_space<hbm>>) dst(%dma_wait3A_541 : memref<64x512xf32, #tpu.memory_space<vmem>>)
    %dma_wait3A_544 = arith.constant 0 : i32
    %dma_wait3A_545 = arith.constant 0 : i32
    %dma_wait3A_546 = arith.constant 0 : i32
    %dma_wait3A_547 = arith.constant 0 : i32
    %dma_wait3A_548 = tpu.memref_slice %arg4[%dma_wait3A_544, %dma_wait3A_546, %dma_wait3A_547] : memref<2x64x512xf32, #tpu.memory_space<vmem>> -> memref<1x64x512xf32, #tpu.memory_space<vmem>>
    %dma_wait3A_549 = tpu.memref_squeeze %dma_wait3A_548 : memref<1x64x512xf32, #tpu.memory_space<vmem>> -> memref<64x512xf32, #tpu.memory_space<vmem>>
    %dma_wait3A_550 = arith.constant 0 : i32
    %dma_wait3A_551 = tpu.memref_slice %arg3[%dma_wait3A_550, %multiple_of3A_24] : memref<64x1000000xf32, #tpu.memory_space<hbm>> -> memref<64x512xf32, #tpu.memory_space<hbm>>
    %dma_wait3A_552 = tpu.memref_slice %arg6[%dma_wait3A_545] : memref<2x!tpu.dma_semaphore, #tpu.memory_space<semaphore_mem>> -> memref<1x!tpu.dma_semaphore, #tpu.memory_space<semaphore_mem>>
    %dma_wait3A_553 = tpu.memref_squeeze %dma_wait3A_552 : memref<1x!tpu.dma_semaphore, #tpu.memory_space<semaphore_mem>> -> memref<!tpu.dma_semaphore, #tpu.memory_space<semaphore_mem>>
    %dma_wait3A_554 = arith.constant 0 : i32
    %dma_wait3A_555 = tpu.memref_slice %arg3[%dma_wait3A_554, %multiple_of3A_24] : memref<64x1000000xf32, #tpu.memory_space<hbm>> -> memref<64x512xf32, #tpu.memory_space<hbm>>
    %dma_wait3A_556 = arith.constant 0 : i32
    %dma_wait3A_557 = arith.constant 0 : i32
    %dma_wait3A_558 = tpu.memref_slice %arg4[%dma_wait3A_544, %dma_wait3A_556, %dma_wait3A_557] : memref<2x64x512xf32, #tpu.memory_space<vmem>> -> memref<1x64x512xf32, #tpu.memory_space<vmem>>
    %dma_wait3A_559 = tpu.memref_squeeze %dma_wait3A_558 : memref<1x64x512xf32, #tpu.memory_space<vmem>> -> memref<64x512xf32, #tpu.memory_space<vmem>>
    tpu.wait_dma2 semaphore(%dma_wait3A_553 : memref<!tpu.dma_semaphore, #tpu.memory_space<semaphore_mem>>) src(%dma_wait3A_559 : memref<64x512xf32, #tpu.memory_space<vmem>>) dst(%dma_wait3A_555 : memref<64x512xf32, #tpu.memory_space<hbm>>)
    %dma_start3A_560 = arith.constant 0 : i32
    %dma_start3A_561 = arith.constant 0 : i32
    %dma_start3A_562 = arith.constant 0 : i32
    %dma_start3A_563 = arith.constant 0 : i32
    %dma_start3A_564 = tpu.memref_slice %arg4[%dma_start3A_560, %dma_start3A_562, %dma_start3A_563] : memref<2x64x512xf32, #tpu.memory_space<vmem>> -> memref<1x64x512xf32, #tpu.memory_space<vmem>>
    %dma_start3A_565 = tpu.memref_squeeze %dma_start3A_564 : memref<1x64x512xf32, #tpu.memory_space<vmem>> -> memref<64x512xf32, #tpu.memory_space<vmem>>
    %dma_start3A_566 = arith.constant 0 : i32
    %dma_start3A_567 = tpu.memref_slice %arg2[%dma_start3A_566, %multiple_of3A_34] : memref<64x1000000xf32, #tpu.memory_space<hbm>> -> memref<64x512xf32, #tpu.memory_space<hbm>>
    %dma_start3A_568 = tpu.memref_slice %arg5[%dma_start3A_561] : memref<2x!tpu.dma_semaphore, #tpu.memory_space<semaphore_mem>> -> memref<1x!tpu.dma_semaphore, #tpu.memory_space<semaphore_mem>>
    %dma_start3A_569 = tpu.memref_squeeze %dma_start3A_568 : memref<1x!tpu.dma_semaphore, #tpu.memory_space<semaphore_mem>> -> memref<!tpu.dma_semaphore, #tpu.memory_space<semaphore_mem>>
    %dma_start3A_570 = arith.constant 0 : i32
    %dma_start3A_571 = arith.constant 0 : i32
    %dma_start3A_572 = tpu.memref_slice %arg4[%dma_start3A_560, %dma_start3A_570, %dma_start3A_571] : memref<2x64x512xf32, #tpu.memory_space<vmem>> -> memref<1x64x512xf32, #tpu.memory_space<vmem>>
    %dma_start3A_573 = tpu.memref_squeeze %dma_start3A_572 : memref<1x64x512xf32, #tpu.memory_space<vmem>> -> memref<64x512xf32, #tpu.memory_space<vmem>>
    %dma_start3A_574 = arith.constant 0 : i32
    %dma_start3A_575 = tpu.memref_slice %arg2[%dma_start3A_574, %multiple_of3A_34] : memref<64x1000000xf32, #tpu.memory_space<hbm>> -> memref<64x512xf32, #tpu.memory_space<hbm>>
    tpu.enqueue_dma source(%dma_start3A_575 : memref<64x512xf32, #tpu.memory_space<hbm>>) target(%dma_start3A_573 : memref<64x512xf32, #tpu.memory_space<vmem>>) target_semaphore(%dma_start3A_569 : memref<!tpu.dma_semaphore, #tpu.memory_space<semaphore_mem>>)
    %dma_start3A_576 = arith.constant 1 : i32
    %dma_start3A_577 = arith.constant 1 : i32
    %dma_start3A_578 = arith.constant 0 : i32
    %dma_start3A_579 = arith.constant 0 : i32
    %dma_start3A_580 = tpu.memref_slice %arg4[%dma_start3A_576, %dma_start3A_578, %dma_start3A_579] : memref<2x64x512xf32, #tpu.memory_space<vmem>> -> memref<1x64x512xf32, #tpu.memory_space<vmem>>
    %dma_start3A_581 = tpu.memref_squeeze %dma_start3A_580 : memref<1x64x512xf32, #tpu.memory_space<vmem>> -> memref<64x512xf32, #tpu.memory_space<vmem>>
    %dma_start3A_582 = arith.constant 0 : i32
    %dma_start3A_583 = tpu.memref_slice %arg3[%dma_start3A_582, %multiple_of3A_29] : memref<64x1000000xf32, #tpu.memory_space<hbm>> -> memref<64x512xf32, #tpu.memory_space<hbm>>
    %dma_start3A_584 = tpu.memref_slice %arg6[%dma_start3A_577] : memref<2x!tpu.dma_semaphore, #tpu.memory_space<semaphore_mem>> -> memref<1x!tpu.dma_semaphore, #tpu.memory_space<semaphore_mem>>
    %dma_start3A_585 = tpu.memref_squeeze %dma_start3A_584 : memref<1x!tpu.dma_semaphore, #tpu.memory_space<semaphore_mem>> -> memref<!tpu.dma_semaphore, #tpu.memory_space<semaphore_mem>>
    %dma_start3A_586 = arith.constant 0 : i32
    %dma_start3A_587 = tpu.memref_slice %arg3[%dma_start3A_586, %multiple_of3A_29] : memref<64x1000000xf32, #tpu.memory_space<hbm>> -> memref<64x512xf32, #tpu.memory_space<hbm>>
    %dma_start3A_588 = arith.constant 0 : i32
    %dma_start3A_589 = arith.constant 0 : i32
    %dma_start3A_590 = tpu.memref_slice %arg4[%dma_start3A_576, %dma_start3A_588, %dma_start3A_589] : memref<2x64x512xf32, #tpu.memory_space<vmem>> -> memref<1x64x512xf32, #tpu.memory_space<vmem>>
    %dma_start3A_591 = tpu.memref_squeeze %dma_start3A_590 : memref<1x64x512xf32, #tpu.memory_space<vmem>> -> memref<64x512xf32, #tpu.memory_space<vmem>>
    tpu.enqueue_dma source(%dma_start3A_591 : memref<64x512xf32, #tpu.memory_space<vmem>>) target(%dma_start3A_587 : memref<64x512xf32, #tpu.memory_space<hbm>>) target_semaphore(%dma_start3A_585 : memref<!tpu.dma_semaphore, #tpu.memory_space<semaphore_mem>>)
    %dma_wait3A_592 = arith.constant 0 : i32
    %dma_wait3A_593 = arith.constant 0 : i32
    %dma_wait3A_594 = arith.constant 0 : i32
    %dma_wait3A_595 = arith.constant 0 : i32
    %dma_wait3A_596 = tpu.memref_slice %arg4[%dma_wait3A_592, %dma_wait3A_594, %dma_wait3A_595] : memref<2x64x512xf32, #tpu.memory_space<vmem>> -> memref<1x64x512xf32, #tpu.memory_space<vmem>>
    %dma_wait3A_597 = tpu.memref_squeeze %dma_wait3A_596 : memref<1x64x512xf32, #tpu.memory_space<vmem>> -> memref<64x512xf32, #tpu.memory_space<vmem>>
    %dma_wait3A_598 = arith.constant 0 : i32
    %dma_wait3A_599 = tpu.memref_slice %arg2[%dma_wait3A_598, %multiple_of3A_34] : memref<64x1000000xf32, #tpu.memory_space<hbm>> -> memref<64x512xf32, #tpu.memory_space<hbm>>
    %dma_wait3A_600 = tpu.memref_slice %arg5[%dma_wait3A_593] : memref<2x!tpu.dma_semaphore, #tpu.memory_space<semaphore_mem>> -> memref<1x!tpu.dma_semaphore, #tpu.memory_space<semaphore_mem>>
    %dma_wait3A_601 = tpu.memref_squeeze %dma_wait3A_600 : memref<1x!tpu.dma_semaphore, #tpu.memory_space<semaphore_mem>> -> memref<!tpu.dma_semaphore, #tpu.memory_space<semaphore_mem>>
    %dma_wait3A_602 = arith.constant 0 : i32
    %dma_wait3A_603 = arith.constant 0 : i32
    %dma_wait3A_604 = tpu.memref_slice %arg4[%dma_wait3A_592, %dma_wait3A_602, %dma_wait3A_603] : memref<2x64x512xf32, #tpu.memory_space<vmem>> -> memref<1x64x512xf32, #tpu.memory_space<vmem>>
    %dma_wait3A_605 = tpu.memref_squeeze %dma_wait3A_604 : memref<1x64x512xf32, #tpu.memory_space<vmem>> -> memref<64x512xf32, #tpu.memory_space<vmem>>
    %dma_wait3A_606 = arith.constant 0 : i32
    %dma_wait3A_607 = tpu.memref_slice %arg2[%dma_wait3A_606, %multiple_of3A_34] : memref<64x1000000xf32, #tpu.memory_space<hbm>> -> memref<64x512xf32, #tpu.memory_space<hbm>>
    tpu.wait_dma2 semaphore(%dma_wait3A_601 : memref<!tpu.dma_semaphore, #tpu.memory_space<semaphore_mem>>) src(%dma_wait3A_607 : memref<64x512xf32, #tpu.memory_space<hbm>>) dst(%dma_wait3A_605 : memref<64x512xf32, #tpu.memory_space<vmem>>)
    %dma_wait3A_608 = arith.constant 1 : i32
    %dma_wait3A_609 = arith.constant 1 : i32
    %dma_wait3A_610 = arith.constant 0 : i32
    %dma_wait3A_611 = arith.constant 0 : i32
    %dma_wait3A_612 = tpu.memref_slice %arg4[%dma_wait3A_608, %dma_wait3A_610, %dma_wait3A_611] : memref<2x64x512xf32, #tpu.memory_space<vmem>> -> memref<1x64x512xf32, #tpu.memory_space<vmem>>
    %dma_wait3A_613 = tpu.memref_squeeze %dma_wait3A_612 : memref<1x64x512xf32, #tpu.memory_space<vmem>> -> memref<64x512xf32, #tpu.memory_space<vmem>>
    %dma_wait3A_614 = arith.constant 0 : i32
    %dma_wait3A_615 = tpu.memref_slice %arg3[%dma_wait3A_614, %multiple_of3A_29] : memref<64x1000000xf32, #tpu.memory_space<hbm>> -> memref<64x512xf32, #tpu.memory_space<hbm>>
    %dma_wait3A_616 = tpu.memref_slice %arg6[%dma_wait3A_609] : memref<2x!tpu.dma_semaphore, #tpu.memory_space<semaphore_mem>> -> memref<1x!tpu.dma_semaphore, #tpu.memory_space<semaphore_mem>>
    %dma_wait3A_617 = tpu.memref_squeeze %dma_wait3A_616 : memref<1x!tpu.dma_semaphore, #tpu.memory_space<semaphore_mem>> -> memref<!tpu.dma_semaphore, #tpu.memory_space<semaphore_mem>>
    %dma_wait3A_618 = arith.constant 0 : i32
    %dma_wait3A_619 = tpu.memref_slice %arg3[%dma_wait3A_618, %multiple_of3A_29] : memref<64x1000000xf32, #tpu.memory_space<hbm>> -> memref<64x512xf32, #tpu.memory_space<hbm>>
    %dma_wait3A_620 = arith.constant 0 : i32
    %dma_wait3A_621 = arith.constant 0 : i32
    %dma_wait3A_622 = tpu.memref_slice %arg4[%dma_wait3A_608, %dma_wait3A_620, %dma_wait3A_621] : memref<2x64x512xf32, #tpu.memory_space<vmem>> -> memref<1x64x512xf32, #tpu.memory_space<vmem>>
    %dma_wait3A_623 = tpu.memref_squeeze %dma_wait3A_622 : memref<1x64x512xf32, #tpu.memory_space<vmem>> -> memref<64x512xf32, #tpu.memory_space<vmem>>
    tpu.wait_dma2 semaphore(%dma_wait3A_617 : memref<!tpu.dma_semaphore, #tpu.memory_space<semaphore_mem>>) src(%dma_wait3A_623 : memref<64x512xf32, #tpu.memory_space<vmem>>) dst(%dma_wait3A_619 : memref<64x512xf32, #tpu.memory_space<hbm>>)
    %dma_start3A_624 = arith.constant 1 : i32
    %dma_start3A_625 = arith.constant 1 : i32
    %dma_start3A_626 = arith.constant 0 : i32
    %dma_start3A_627 = arith.constant 0 : i32
    %dma_start3A_628 = tpu.memref_slice %arg4[%dma_start3A_624, %dma_start3A_626, %dma_start3A_627] : memref<2x64x512xf32, #tpu.memory_space<vmem>> -> memref<1x64x512xf32, #tpu.memory_space<vmem>>
    %dma_start3A_629 = tpu.memref_squeeze %dma_start3A_628 : memref<1x64x512xf32, #tpu.memory_space<vmem>> -> memref<64x512xf32, #tpu.memory_space<vmem>>
    %dma_start3A_630 = arith.constant 0 : i32
    %dma_start3A_631 = tpu.memref_slice %arg2[%dma_start3A_630, %multiple_of3A_39] : memref<64x1000000xf32, #tpu.memory_space<hbm>> -> memref<64x512xf32, #tpu.memory_space<hbm>>
    %dma_start3A_632 = tpu.memref_slice %arg5[%dma_start3A_625] : memref<2x!tpu.dma_semaphore, #tpu.memory_space<semaphore_mem>> -> memref<1x!tpu.dma_semaphore, #tpu.memory_space<semaphore_mem>>
    %dma_start3A_633 = tpu.memref_squeeze %dma_start3A_632 : memref<1x!tpu.dma_semaphore, #tpu.memory_space<semaphore_mem>> -> memref<!tpu.dma_semaphore, #tpu.memory_space<semaphore_mem>>
    %dma_start3A_634 = arith.constant 0 : i32
    %dma_start3A_635 = arith.constant 0 : i32
    %dma_start3A_636 = tpu.memref_slice %arg4[%dma_start3A_624, %dma_start3A_634, %dma_start3A_635] : memref<2x64x512xf32, #tpu.memory_space<vmem>> -> memref<1x64x512xf32, #tpu.memory_space<vmem>>
    %dma_start3A_637 = tpu.memref_squeeze %dma_start3A_636 : memref<1x64x512xf32, #tpu.memory_space<vmem>> -> memref<64x512xf32, #tpu.memory_space<vmem>>
    %dma_start3A_638 = arith.constant 0 : i32
    %dma_start3A_639 = tpu.memref_slice %arg2[%dma_start3A_638, %multiple_of3A_39] : memref<64x1000000xf32, #tpu.memory_space<hbm>> -> memref<64x512xf32, #tpu.memory_space<hbm>>
    tpu.enqueue_dma source(%dma_start3A_639 : memref<64x512xf32, #tpu.memory_space<hbm>>) target(%dma_start3A_637 : memref<64x512xf32, #tpu.memory_space<vmem>>) target_semaphore(%dma_start3A_633 : memref<!tpu.dma_semaphore, #tpu.memory_space<semaphore_mem>>)
    %dma_start3A_640 = arith.constant 0 : i32
    %dma_start3A_641 = arith.constant 0 : i32
    %dma_start3A_642 = arith.constant 0 : i32
    %dma_start3A_643 = arith.constant 0 : i32
    %dma_start3A_644 = tpu.memref_slice %arg4[%dma_start3A_640, %dma_start3A_642, %dma_start3A_643] : memref<2x64x512xf32, #tpu.memory_space<vmem>> -> memref<1x64x512xf32, #tpu.memory_space<vmem>>
    %dma_start3A_645 = tpu.memref_squeeze %dma_start3A_644 : memref<1x64x512xf32, #tpu.memory_space<vmem>> -> memref<64x512xf32, #tpu.memory_space<vmem>>
    %dma_start3A_646 = arith.constant 0 : i32
    %dma_start3A_647 = tpu.memref_slice %arg3[%dma_start3A_646, %multiple_of3A_34] : memref<64x1000000xf32, #tpu.memory_space<hbm>> -> memref<64x512xf32, #tpu.memory_space<hbm>>
    %dma_start3A_648 = tpu.memref_slice %arg6[%dma_start3A_641] : memref<2x!tpu.dma_semaphore, #tpu.memory_space<semaphore_mem>> -> memref<1x!tpu.dma_semaphore, #tpu.memory_space<semaphore_mem>>
    %dma_start3A_649 = tpu.memref_squeeze %dma_start3A_648 : memref<1x!tpu.dma_semaphore, #tpu.memory_space<semaphore_mem>> -> memref<!tpu.dma_semaphore, #tpu.memory_space<semaphore_mem>>
    %dma_start3A_650 = arith.constant 0 : i32
    %dma_start3A_651 = tpu.memref_slice %arg3[%dma_start3A_650, %multiple_of3A_34] : memref<64x1000000xf32, #tpu.memory_space<hbm>> -> memref<64x512xf32, #tpu.memory_space<hbm>>
    %dma_start3A_652 = arith.constant 0 : i32
    %dma_start3A_653 = arith.constant 0 : i32
    %dma_start3A_654 = tpu.memref_slice %arg4[%dma_start3A_640, %dma_start3A_652, %dma_start3A_653] : memref<2x64x512xf32, #tpu.memory_space<vmem>> -> memref<1x64x512xf32, #tpu.memory_space<vmem>>
    %dma_start3A_655 = tpu.memref_squeeze %dma_start3A_654 : memref<1x64x512xf32, #tpu.memory_space<vmem>> -> memref<64x512xf32, #tpu.memory_space<vmem>>
    tpu.enqueue_dma source(%dma_start3A_655 : memref<64x512xf32, #tpu.memory_space<vmem>>) target(%dma_start3A_651 : memref<64x512xf32, #tpu.memory_space<hbm>>) target_semaphore(%dma_start3A_649 : memref<!tpu.dma_semaphore, #tpu.memory_space<semaphore_mem>>)
    %dma_wait3A_656 = arith.constant 1 : i32
    %dma_wait3A_657 = arith.constant 1 : i32
    %dma_wait3A_658 = arith.constant 0 : i32
    %dma_wait3A_659 = arith.constant 0 : i32
    %dma_wait3A_660 = tpu.memref_slice %arg4[%dma_wait3A_656, %dma_wait3A_658, %dma_wait3A_659] : memref<2x64x512xf32, #tpu.memory_space<vmem>> -> memref<1x64x512xf32, #tpu.memory_space<vmem>>
    %dma_wait3A_661 = tpu.memref_squeeze %dma_wait3A_660 : memref<1x64x512xf32, #tpu.memory_space<vmem>> -> memref<64x512xf32, #tpu.memory_space<vmem>>
    %dma_wait3A_662 = arith.constant 0 : i32
    %dma_wait3A_663 = tpu.memref_slice %arg2[%dma_wait3A_662, %multiple_of3A_39] : memref<64x1000000xf32, #tpu.memory_space<hbm>> -> memref<64x512xf32, #tpu.memory_space<hbm>>
    %dma_wait3A_664 = tpu.memref_slice %arg5[%dma_wait3A_657] : memref<2x!tpu.dma_semaphore, #tpu.memory_space<semaphore_mem>> -> memref<1x!tpu.dma_semaphore, #tpu.memory_space<semaphore_mem>>
    %dma_wait3A_665 = tpu.memref_squeeze %dma_wait3A_664 : memref<1x!tpu.dma_semaphore, #tpu.memory_space<semaphore_mem>> -> memref<!tpu.dma_semaphore, #tpu.memory_space<semaphore_mem>>
    %dma_wait3A_666 = arith.constant 0 : i32
    %dma_wait3A_667 = arith.constant 0 : i32
    %dma_wait3A_668 = tpu.memref_slice %arg4[%dma_wait3A_656, %dma_wait3A_666, %dma_wait3A_667] : memref<2x64x512xf32, #tpu.memory_space<vmem>> -> memref<1x64x512xf32, #tpu.memory_space<vmem>>
    %dma_wait3A_669 = tpu.memref_squeeze %dma_wait3A_668 : memref<1x64x512xf32, #tpu.memory_space<vmem>> -> memref<64x512xf32, #tpu.memory_space<vmem>>
    %dma_wait3A_670 = arith.constant 0 : i32
    %dma_wait3A_671 = tpu.memref_slice %arg2[%dma_wait3A_670, %multiple_of3A_39] : memref<64x1000000xf32, #tpu.memory_space<hbm>> -> memref<64x512xf32, #tpu.memory_space<hbm>>
    tpu.wait_dma2 semaphore(%dma_wait3A_665 : memref<!tpu.dma_semaphore, #tpu.memory_space<semaphore_mem>>) src(%dma_wait3A_671 : memref<64x512xf32, #tpu.memory_space<hbm>>) dst(%dma_wait3A_669 : memref<64x512xf32, #tpu.memory_space<vmem>>)
    %dma_wait3A_672 = arith.constant 0 : i32
    %dma_wait3A_673 = arith.constant 0 : i32
    %dma_wait3A_674 = arith.constant 0 : i32
    %dma_wait3A_675 = arith.constant 0 : i32
    %dma_wait3A_676 = tpu.memref_slice %arg4[%dma_wait3A_672, %dma_wait3A_674, %dma_wait3A_675] : memref<2x64x512xf32, #tpu.memory_space<vmem>> -> memref<1x64x512xf32, #tpu.memory_space<vmem>>
    %dma_wait3A_677 = tpu.memref_squeeze %dma_wait3A_676 : memref<1x64x512xf32, #tpu.memory_space<vmem>> -> memref<64x512xf32, #tpu.memory_space<vmem>>
    %dma_wait3A_678 = arith.constant 0 : i32
    %dma_wait3A_679 = tpu.memref_slice %arg3[%dma_wait3A_678, %multiple_of3A_34] : memref<64x1000000xf32, #tpu.memory_space<hbm>> -> memref<64x512xf32, #tpu.memory_space<hbm>>
    %dma_wait3A_680 = tpu.memref_slice %arg6[%dma_wait3A_673] : memref<2x!tpu.dma_semaphore, #tpu.memory_space<semaphore_mem>> -> memref<1x!tpu.dma_semaphore, #tpu.memory_space<semaphore_mem>>
    %dma_wait3A_681 = tpu.memref_squeeze %dma_wait3A_680 : memref<1x!tpu.dma_semaphore, #tpu.memory_space<semaphore_mem>> -> memref<!tpu.dma_semaphore, #tpu.memory_space<semaphore_mem>>
    %dma_wait3A_682 = arith.constant 0 : i32
    %dma_wait3A_683 = tpu.memref_slice %arg3[%dma_wait3A_682, %multiple_of3A_34] : memref<64x1000000xf32, #tpu.memory_space<hbm>> -> memref<64x512xf32, #tpu.memory_space<hbm>>
    %dma_wait3A_684 = arith.constant 0 : i32
    %dma_wait3A_685 = arith.constant 0 : i32
    %dma_wait3A_686 = tpu.memref_slice %arg4[%dma_wait3A_672, %dma_wait3A_684, %dma_wait3A_685] : memref<2x64x512xf32, #tpu.memory_space<vmem>> -> memref<1x64x512xf32, #tpu.memory_space<vmem>>
    %dma_wait3A_687 = tpu.memref_squeeze %dma_wait3A_686 : memref<1x64x512xf32, #tpu.memory_space<vmem>> -> memref<64x512xf32, #tpu.memory_space<vmem>>
    tpu.wait_dma2 semaphore(%dma_wait3A_681 : memref<!tpu.dma_semaphore, #tpu.memory_space<semaphore_mem>>) src(%dma_wait3A_687 : memref<64x512xf32, #tpu.memory_space<vmem>>) dst(%dma_wait3A_683 : memref<64x512xf32, #tpu.memory_space<hbm>>)
    %dma_start3A_688 = arith.constant 0 : i32
    %dma_start3A_689 = arith.constant 0 : i32
    %dma_start3A_690 = arith.constant 0 : i32
    %dma_start3A_691 = arith.constant 0 : i32
    %dma_start3A_692 = tpu.memref_slice %arg4[%dma_start3A_688, %dma_start3A_690, %dma_start3A_691] : memref<2x64x512xf32, #tpu.memory_space<vmem>> -> memref<1x64x512xf32, #tpu.memory_space<vmem>>
    %dma_start3A_693 = tpu.memref_squeeze %dma_start3A_692 : memref<1x64x512xf32, #tpu.memory_space<vmem>> -> memref<64x512xf32, #tpu.memory_space<vmem>>
    %dma_start3A_694 = arith.constant 0 : i32
    %dma_start3A_695 = tpu.memref_slice %arg2[%dma_start3A_694, %multiple_of3A_44] : memref<64x1000000xf32, #tpu.memory_space<hbm>> -> memref<64x512xf32, #tpu.memory_space<hbm>>
    %dma_start3A_696 = tpu.memref_slice %arg5[%dma_start3A_689] : memref<2x!tpu.dma_semaphore, #tpu.memory_space<semaphore_mem>> -> memref<1x!tpu.dma_semaphore, #tpu.memory_space<semaphore_mem>>
    %dma_start3A_697 = tpu.memref_squeeze %dma_start3A_696 : memref<1x!tpu.dma_semaphore, #tpu.memory_space<semaphore_mem>> -> memref<!tpu.dma_semaphore, #tpu.memory_space<semaphore_mem>>
    %dma_start3A_698 = arith.constant 0 : i32
    %dma_start3A_699 = arith.constant 0 : i32
    %dma_start3A_700 = tpu.memref_slice %arg4[%dma_start3A_688, %dma_start3A_698, %dma_start3A_699] : memref<2x64x512xf32, #tpu.memory_space<vmem>> -> memref<1x64x512xf32, #tpu.memory_space<vmem>>
    %dma_start3A_701 = tpu.memref_squeeze %dma_start3A_700 : memref<1x64x512xf32, #tpu.memory_space<vmem>> -> memref<64x512xf32, #tpu.memory_space<vmem>>
    %dma_start3A_702 = arith.constant 0 : i32
    %dma_start3A_703 = tpu.memref_slice %arg2[%dma_start3A_702, %multiple_of3A_44] : memref<64x1000000xf32, #tpu.memory_space<hbm>> -> memref<64x512xf32, #tpu.memory_space<hbm>>
    tpu.enqueue_dma source(%dma_start3A_703 : memref<64x512xf32, #tpu.memory_space<hbm>>) target(%dma_start3A_701 : memref<64x512xf32, #tpu.memory_space<vmem>>) target_semaphore(%dma_start3A_697 : memref<!tpu.dma_semaphore, #tpu.memory_space<semaphore_mem>>)
    %dma_start3A_704 = arith.constant 1 : i32
    %dma_start3A_705 = arith.constant 1 : i32
    %dma_start3A_706 = arith.constant 0 : i32
    %dma_start3A_707 = arith.constant 0 : i32
    %dma_start3A_708 = tpu.memref_slice %arg4[%dma_start3A_704, %dma_start3A_706, %dma_start3A_707] : memref<2x64x512xf32, #tpu.memory_space<vmem>> -> memref<1x64x512xf32, #tpu.memory_space<vmem>>
    %dma_start3A_709 = tpu.memref_squeeze %dma_start3A_708 : memref<1x64x512xf32, #tpu.memory_space<vmem>> -> memref<64x512xf32, #tpu.memory_space<vmem>>
    %dma_start3A_710 = arith.constant 0 : i32
    %dma_start3A_711 = tpu.memref_slice %arg3[%dma_start3A_710, %multiple_of3A_39] : memref<64x1000000xf32, #tpu.memory_space<hbm>> -> memref<64x512xf32, #tpu.memory_space<hbm>>
    %dma_start3A_712 = tpu.memref_slice %arg6[%dma_start3A_705] : memref<2x!tpu.dma_semaphore, #tpu.memory_space<semaphore_mem>> -> memref<1x!tpu.dma_semaphore, #tpu.memory_space<semaphore_mem>>
    %dma_start3A_713 = tpu.memref_squeeze %dma_start3A_712 : memref<1x!tpu.dma_semaphore, #tpu.memory_space<semaphore_mem>> -> memref<!tpu.dma_semaphore, #tpu.memory_space<semaphore_mem>>
    %dma_start3A_714 = arith.constant 0 : i32
    %dma_start3A_715 = tpu.memref_slice %arg3[%dma_start3A_714, %multiple_of3A_39] : memref<64x1000000xf32, #tpu.memory_space<hbm>> -> memref<64x512xf32, #tpu.memory_space<hbm>>
    %dma_start3A_716 = arith.constant 0 : i32
    %dma_start3A_717 = arith.constant 0 : i32
    %dma_start3A_718 = tpu.memref_slice %arg4[%dma_start3A_704, %dma_start3A_716, %dma_start3A_717] : memref<2x64x512xf32, #tpu.memory_space<vmem>> -> memref<1x64x512xf32, #tpu.memory_space<vmem>>
    %dma_start3A_719 = tpu.memref_squeeze %dma_start3A_718 : memref<1x64x512xf32, #tpu.memory_space<vmem>> -> memref<64x512xf32, #tpu.memory_space<vmem>>
    tpu.enqueue_dma source(%dma_start3A_719 : memref<64x512xf32, #tpu.memory_space<vmem>>) target(%dma_start3A_715 : memref<64x512xf32, #tpu.memory_space<hbm>>) target_semaphore(%dma_start3A_713 : memref<!tpu.dma_semaphore, #tpu.memory_space<semaphore_mem>>)
    %dma_wait3A_720 = arith.constant 0 : i32
    %dma_wait3A_721 = arith.constant 0 : i32
    %dma_wait3A_722 = arith.constant 0 : i32
    %dma_wait3A_723 = arith.constant 0 : i32
    %dma_wait3A_724 = tpu.memref_slice %arg4[%dma_wait3A_720, %dma_wait3A_722, %dma_wait3A_723] : memref<2x64x512xf32, #tpu.memory_space<vmem>> -> memref<1x64x512xf32, #tpu.memory_space<vmem>>
    %dma_wait3A_725 = tpu.memref_squeeze %dma_wait3A_724 : memref<1x64x512xf32, #tpu.memory_space<vmem>> -> memref<64x512xf32, #tpu.memory_space<vmem>>
    %dma_wait3A_726 = arith.constant 0 : i32
    %dma_wait3A_727 = tpu.memref_slice %arg2[%dma_wait3A_726, %multiple_of3A_44] : memref<64x1000000xf32, #tpu.memory_space<hbm>> -> memref<64x512xf32, #tpu.memory_space<hbm>>
    %dma_wait3A_728 = tpu.memref_slice %arg5[%dma_wait3A_721] : memref<2x!tpu.dma_semaphore, #tpu.memory_space<semaphore_mem>> -> memref<1x!tpu.dma_semaphore, #tpu.memory_space<semaphore_mem>>
    %dma_wait3A_729 = tpu.memref_squeeze %dma_wait3A_728 : memref<1x!tpu.dma_semaphore, #tpu.memory_space<semaphore_mem>> -> memref<!tpu.dma_semaphore, #tpu.memory_space<semaphore_mem>>
    %dma_wait3A_730 = arith.constant 0 : i32
    %dma_wait3A_731 = arith.constant 0 : i32
    %dma_wait3A_732 = tpu.memref_slice %arg4[%dma_wait3A_720, %dma_wait3A_730, %dma_wait3A_731] : memref<2x64x512xf32, #tpu.memory_space<vmem>> -> memref<1x64x512xf32, #tpu.memory_space<vmem>>
    %dma_wait3A_733 = tpu.memref_squeeze %dma_wait3A_732 : memref<1x64x512xf32, #tpu.memory_space<vmem>> -> memref<64x512xf32, #tpu.memory_space<vmem>>
    %dma_wait3A_734 = arith.constant 0 : i32
    %dma_wait3A_735 = tpu.memref_slice %arg2[%dma_wait3A_734, %multiple_of3A_44] : memref<64x1000000xf32, #tpu.memory_space<hbm>> -> memref<64x512xf32, #tpu.memory_space<hbm>>
    tpu.wait_dma2 semaphore(%dma_wait3A_729 : memref<!tpu.dma_semaphore, #tpu.memory_space<semaphore_mem>>) src(%dma_wait3A_735 : memref<64x512xf32, #tpu.memory_space<hbm>>) dst(%dma_wait3A_733 : memref<64x512xf32, #tpu.memory_space<vmem>>)
    %dma_wait3A_736 = arith.constant 1 : i32
    %dma_wait3A_737 = arith.constant 1 : i32
    %dma_wait3A_738 = arith.constant 0 : i32
    %dma_wait3A_739 = arith.constant 0 : i32
    %dma_wait3A_740 = tpu.memref_slice %arg4[%dma_wait3A_736, %dma_wait3A_738, %dma_wait3A_739] : memref<2x64x512xf32, #tpu.memory_space<vmem>> -> memref<1x64x512xf32, #tpu.memory_space<vmem>>
    %dma_wait3A_741 = tpu.memref_squeeze %dma_wait3A_740 : memref<1x64x512xf32, #tpu.memory_space<vmem>> -> memref<64x512xf32, #tpu.memory_space<vmem>>
    %dma_wait3A_742 = arith.constant 0 : i32
    %dma_wait3A_743 = tpu.memref_slice %arg3[%dma_wait3A_742, %multiple_of3A_39] : memref<64x1000000xf32, #tpu.memory_space<hbm>> -> memref<64x512xf32, #tpu.memory_space<hbm>>
    %dma_wait3A_744 = tpu.memref_slice %arg6[%dma_wait3A_737] : memref<2x!tpu.dma_semaphore, #tpu.memory_space<semaphore_mem>> -> memref<1x!tpu.dma_semaphore, #tpu.memory_space<semaphore_mem>>
    %dma_wait3A_745 = tpu.memref_squeeze %dma_wait3A_744 : memref<1x!tpu.dma_semaphore, #tpu.memory_space<semaphore_mem>> -> memref<!tpu.dma_semaphore, #tpu.memory_space<semaphore_mem>>
    %dma_wait3A_746 = arith.constant 0 : i32
    %dma_wait3A_747 = tpu.memref_slice %arg3[%dma_wait3A_746, %multiple_of3A_39] : memref<64x1000000xf32, #tpu.memory_space<hbm>> -> memref<64x512xf32, #tpu.memory_space<hbm>>
    %dma_wait3A_748 = arith.constant 0 : i32
    %dma_wait3A_749 = arith.constant 0 : i32
    %dma_wait3A_750 = tpu.memref_slice %arg4[%dma_wait3A_736, %dma_wait3A_748, %dma_wait3A_749] : memref<2x64x512xf32, #tpu.memory_space<vmem>> -> memref<1x64x512xf32, #tpu.memory_space<vmem>>
    %dma_wait3A_751 = tpu.memref_squeeze %dma_wait3A_750 : memref<1x64x512xf32, #tpu.memory_space<vmem>> -> memref<64x512xf32, #tpu.memory_space<vmem>>
    tpu.wait_dma2 semaphore(%dma_wait3A_745 : memref<!tpu.dma_semaphore, #tpu.memory_space<semaphore_mem>>) src(%dma_wait3A_751 : memref<64x512xf32, #tpu.memory_space<vmem>>) dst(%dma_wait3A_747 : memref<64x512xf32, #tpu.memory_space<hbm>>)
    %dma_start3A_752 = arith.constant 1 : i32
    %dma_start3A_753 = arith.constant 1 : i32
    %dma_start3A_754 = arith.constant 0 : i32
    %dma_start3A_755 = arith.constant 0 : i32
    %dma_start3A_756 = tpu.memref_slice %arg4[%dma_start3A_752, %dma_start3A_754, %dma_start3A_755] : memref<2x64x512xf32, #tpu.memory_space<vmem>> -> memref<1x64x512xf32, #tpu.memory_space<vmem>>
    %dma_start3A_757 = tpu.memref_squeeze %dma_start3A_756 : memref<1x64x512xf32, #tpu.memory_space<vmem>> -> memref<64x512xf32, #tpu.memory_space<vmem>>
    %dma_start3A_758 = arith.constant 0 : i32
    %dma_start3A_759 = tpu.memref_slice %arg2[%dma_start3A_758, %multiple_of3A_49] : memref<64x1000000xf32, #tpu.memory_space<hbm>> -> memref<64x512xf32, #tpu.memory_space<hbm>>
    %dma_start3A_760 = tpu.memref_slice %arg5[%dma_start3A_753] : memref<2x!tpu.dma_semaphore, #tpu.memory_space<semaphore_mem>> -> memref<1x!tpu.dma_semaphore, #tpu.memory_space<semaphore_mem>>
    %dma_start3A_761 = tpu.memref_squeeze %dma_start3A_760 : memref<1x!tpu.dma_semaphore, #tpu.memory_space<semaphore_mem>> -> memref<!tpu.dma_semaphore, #tpu.memory_space<semaphore_mem>>
    %dma_start3A_762 = arith.constant 0 : i32
    %dma_start3A_763 = arith.constant 0 : i32
    %dma_start3A_764 = tpu.memref_slice %arg4[%dma_start3A_752, %dma_start3A_762, %dma_start3A_763] : memref<2x64x512xf32, #tpu.memory_space<vmem>> -> memref<1x64x512xf32, #tpu.memory_space<vmem>>
    %dma_start3A_765 = tpu.memref_squeeze %dma_start3A_764 : memref<1x64x512xf32, #tpu.memory_space<vmem>> -> memref<64x512xf32, #tpu.memory_space<vmem>>
    %dma_start3A_766 = arith.constant 0 : i32
    %dma_start3A_767 = tpu.memref_slice %arg2[%dma_start3A_766, %multiple_of3A_49] : memref<64x1000000xf32, #tpu.memory_space<hbm>> -> memref<64x512xf32, #tpu.memory_space<hbm>>
    tpu.enqueue_dma source(%dma_start3A_767 : memref<64x512xf32, #tpu.memory_space<hbm>>) target(%dma_start3A_765 : memref<64x512xf32, #tpu.memory_space<vmem>>) target_semaphore(%dma_start3A_761 : memref<!tpu.dma_semaphore, #tpu.memory_space<semaphore_mem>>)
    %dma_start3A_768 = arith.constant 0 : i32
    %dma_start3A_769 = arith.constant 0 : i32
    %dma_start3A_770 = arith.constant 0 : i32
    %dma_start3A_771 = arith.constant 0 : i32
    %dma_start3A_772 = tpu.memref_slice %arg4[%dma_start3A_768, %dma_start3A_770, %dma_start3A_771] : memref<2x64x512xf32, #tpu.memory_space<vmem>> -> memref<1x64x512xf32, #tpu.memory_space<vmem>>
    %dma_start3A_773 = tpu.memref_squeeze %dma_start3A_772 : memref<1x64x512xf32, #tpu.memory_space<vmem>> -> memref<64x512xf32, #tpu.memory_space<vmem>>
    %dma_start3A_774 = arith.constant 0 : i32
    %dma_start3A_775 = tpu.memref_slice %arg3[%dma_start3A_774, %multiple_of3A_44] : memref<64x1000000xf32, #tpu.memory_space<hbm>> -> memref<64x512xf32, #tpu.memory_space<hbm>>
    %dma_start3A_776 = tpu.memref_slice %arg6[%dma_start3A_769] : memref<2x!tpu.dma_semaphore, #tpu.memory_space<semaphore_mem>> -> memref<1x!tpu.dma_semaphore, #tpu.memory_space<semaphore_mem>>
    %dma_start3A_777 = tpu.memref_squeeze %dma_start3A_776 : memref<1x!tpu.dma_semaphore, #tpu.memory_space<semaphore_mem>> -> memref<!tpu.dma_semaphore, #tpu.memory_space<semaphore_mem>>
    %dma_start3A_778 = arith.constant 0 : i32
    %dma_start3A_779 = tpu.memref_slice %arg3[%dma_start3A_778, %multiple_of3A_44] : memref<64x1000000xf32, #tpu.memory_space<hbm>> -> memref<64x512xf32, #tpu.memory_space<hbm>>
    %dma_start3A_780 = arith.constant 0 : i32
    %dma_start3A_781 = arith.constant 0 : i32
    %dma_start3A_782 = tpu.memref_slice %arg4[%dma_start3A_768, %dma_start3A_780, %dma_start3A_781] : memref<2x64x512xf32, #tpu.memory_space<vmem>> -> memref<1x64x512xf32, #tpu.memory_space<vmem>>
    %dma_start3A_783 = tpu.memref_squeeze %dma_start3A_782 : memref<1x64x512xf32, #tpu.memory_space<vmem>> -> memref<64x512xf32, #tpu.memory_space<vmem>>
    tpu.enqueue_dma source(%dma_start3A_783 : memref<64x512xf32, #tpu.memory_space<vmem>>) target(%dma_start3A_779 : memref<64x512xf32, #tpu.memory_space<hbm>>) target_semaphore(%dma_start3A_777 : memref<!tpu.dma_semaphore, #tpu.memory_space<semaphore_mem>>)
    %dma_wait3A_784 = arith.constant 1 : i32
    %dma_wait3A_785 = arith.constant 1 : i32
    %dma_wait3A_786 = arith.constant 0 : i32
    %dma_wait3A_787 = arith.constant 0 : i32
    %dma_wait3A_788 = tpu.memref_slice %arg4[%dma_wait3A_784, %dma_wait3A_786, %dma_wait3A_787] : memref<2x64x512xf32, #tpu.memory_space<vmem>> -> memref<1x64x512xf32, #tpu.memory_space<vmem>>
    %dma_wait3A_789 = tpu.memref_squeeze %dma_wait3A_788 : memref<1x64x512xf32, #tpu.memory_space<vmem>> -> memref<64x512xf32, #tpu.memory_space<vmem>>
    %dma_wait3A_790 = arith.constant 0 : i32
    %dma_wait3A_791 = tpu.memref_slice %arg2[%dma_wait3A_790, %multiple_of3A_49] : memref<64x1000000xf32, #tpu.memory_space<hbm>> -> memref<64x512xf32, #tpu.memory_space<hbm>>
    %dma_wait3A_792 = tpu.memref_slice %arg5[%dma_wait3A_785] : memref<2x!tpu.dma_semaphore, #tpu.memory_space<semaphore_mem>> -> memref<1x!tpu.dma_semaphore, #tpu.memory_space<semaphore_mem>>
    %dma_wait3A_793 = tpu.memref_squeeze %dma_wait3A_792 : memref<1x!tpu.dma_semaphore, #tpu.memory_space<semaphore_mem>> -> memref<!tpu.dma_semaphore, #tpu.memory_space<semaphore_mem>>
    %dma_wait3A_794 = arith.constant 0 : i32
    %dma_wait3A_795 = arith.constant 0 : i32
    %dma_wait3A_796 = tpu.memref_slice %arg4[%dma_wait3A_784, %dma_wait3A_794, %dma_wait3A_795] : memref<2x64x512xf32, #tpu.memory_space<vmem>> -> memref<1x64x512xf32, #tpu.memory_space<vmem>>
    %dma_wait3A_797 = tpu.memref_squeeze %dma_wait3A_796 : memref<1x64x512xf32, #tpu.memory_space<vmem>> -> memref<64x512xf32, #tpu.memory_space<vmem>>
    %dma_wait3A_798 = arith.constant 0 : i32
    %dma_wait3A_799 = tpu.memref_slice %arg2[%dma_wait3A_798, %multiple_of3A_49] : memref<64x1000000xf32, #tpu.memory_space<hbm>> -> memref<64x512xf32, #tpu.memory_space<hbm>>
    tpu.wait_dma2 semaphore(%dma_wait3A_793 : memref<!tpu.dma_semaphore, #tpu.memory_space<semaphore_mem>>) src(%dma_wait3A_799 : memref<64x512xf32, #tpu.memory_space<hbm>>) dst(%dma_wait3A_797 : memref<64x512xf32, #tpu.memory_space<vmem>>)
    %dma_wait3A_800 = arith.constant 0 : i32
    %dma_wait3A_801 = arith.constant 0 : i32
    %dma_wait3A_802 = arith.constant 0 : i32
    %dma_wait3A_803 = arith.constant 0 : i32
    %dma_wait3A_804 = tpu.memref_slice %arg4[%dma_wait3A_800, %dma_wait3A_802, %dma_wait3A_803] : memref<2x64x512xf32, #tpu.memory_space<vmem>> -> memref<1x64x512xf32, #tpu.memory_space<vmem>>
    %dma_wait3A_805 = tpu.memref_squeeze %dma_wait3A_804 : memref<1x64x512xf32, #tpu.memory_space<vmem>> -> memref<64x512xf32, #tpu.memory_space<vmem>>
    %dma_wait3A_806 = arith.constant 0 : i32
    %dma_wait3A_807 = tpu.memref_slice %arg3[%dma_wait3A_806, %multiple_of3A_44] : memref<64x1000000xf32, #tpu.memory_space<hbm>> -> memref<64x512xf32, #tpu.memory_space<hbm>>
    %dma_wait3A_808 = tpu.memref_slice %arg6[%dma_wait3A_801] : memref<2x!tpu.dma_semaphore, #tpu.memory_space<semaphore_mem>> -> memref<1x!tpu.dma_semaphore, #tpu.memory_space<semaphore_mem>>
    %dma_wait3A_809 = tpu.memref_squeeze %dma_wait3A_808 : memref<1x!tpu.dma_semaphore, #tpu.memory_space<semaphore_mem>> -> memref<!tpu.dma_semaphore, #tpu.memory_space<semaphore_mem>>
    %dma_wait3A_810 = arith.constant 0 : i32
    %dma_wait3A_811 = tpu.memref_slice %arg3[%dma_wait3A_810, %multiple_of3A_44] : memref<64x1000000xf32, #tpu.memory_space<hbm>> -> memref<64x512xf32, #tpu.memory_space<hbm>>
    %dma_wait3A_812 = arith.constant 0 : i32
    %dma_wait3A_813 = arith.constant 0 : i32
    %dma_wait3A_814 = tpu.memref_slice %arg4[%dma_wait3A_800, %dma_wait3A_812, %dma_wait3A_813] : memref<2x64x512xf32, #tpu.memory_space<vmem>> -> memref<1x64x512xf32, #tpu.memory_space<vmem>>
    %dma_wait3A_815 = tpu.memref_squeeze %dma_wait3A_814 : memref<1x64x512xf32, #tpu.memory_space<vmem>> -> memref<64x512xf32, #tpu.memory_space<vmem>>
    tpu.wait_dma2 semaphore(%dma_wait3A_809 : memref<!tpu.dma_semaphore, #tpu.memory_space<semaphore_mem>>) src(%dma_wait3A_815 : memref<64x512xf32, #tpu.memory_space<vmem>>) dst(%dma_wait3A_811 : memref<64x512xf32, #tpu.memory_space<hbm>>)
    %dma_start3A_816 = arith.constant 0 : i32
    %dma_start3A_817 = arith.constant 0 : i32
    %dma_start3A_818 = arith.constant 0 : i32
    %dma_start3A_819 = arith.constant 0 : i32
    %dma_start3A_820 = tpu.memref_slice %arg4[%dma_start3A_816, %dma_start3A_818, %dma_start3A_819] : memref<2x64x512xf32, #tpu.memory_space<vmem>> -> memref<1x64x512xf32, #tpu.memory_space<vmem>>
    %dma_start3A_821 = tpu.memref_squeeze %dma_start3A_820 : memref<1x64x512xf32, #tpu.memory_space<vmem>> -> memref<64x512xf32, #tpu.memory_space<vmem>>
    %dma_start3A_822 = arith.constant 0 : i32
    %dma_start3A_823 = tpu.memref_slice %arg2[%dma_start3A_822, %multiple_of3A_54] : memref<64x1000000xf32, #tpu.memory_space<hbm>> -> memref<64x512xf32, #tpu.memory_space<hbm>>
    %dma_start3A_824 = tpu.memref_slice %arg5[%dma_start3A_817] : memref<2x!tpu.dma_semaphore, #tpu.memory_space<semaphore_mem>> -> memref<1x!tpu.dma_semaphore, #tpu.memory_space<semaphore_mem>>
    %dma_start3A_825 = tpu.memref_squeeze %dma_start3A_824 : memref<1x!tpu.dma_semaphore, #tpu.memory_space<semaphore_mem>> -> memref<!tpu.dma_semaphore, #tpu.memory_space<semaphore_mem>>
    %dma_start3A_826 = arith.constant 0 : i32
    %dma_start3A_827 = arith.constant 0 : i32
    %dma_start3A_828 = tpu.memref_slice %arg4[%dma_start3A_816, %dma_start3A_826, %dma_start3A_827] : memref<2x64x512xf32, #tpu.memory_space<vmem>> -> memref<1x64x512xf32, #tpu.memory_space<vmem>>
    %dma_start3A_829 = tpu.memref_squeeze %dma_start3A_828 : memref<1x64x512xf32, #tpu.memory_space<vmem>> -> memref<64x512xf32, #tpu.memory_space<vmem>>
    %dma_start3A_830 = arith.constant 0 : i32
    %dma_start3A_831 = tpu.memref_slice %arg2[%dma_start3A_830, %multiple_of3A_54] : memref<64x1000000xf32, #tpu.memory_space<hbm>> -> memref<64x512xf32, #tpu.memory_space<hbm>>
    tpu.enqueue_dma source(%dma_start3A_831 : memref<64x512xf32, #tpu.memory_space<hbm>>) target(%dma_start3A_829 : memref<64x512xf32, #tpu.memory_space<vmem>>) target_semaphore(%dma_start3A_825 : memref<!tpu.dma_semaphore, #tpu.memory_space<semaphore_mem>>)
    %dma_start3A_832 = arith.constant 1 : i32
    %dma_start3A_833 = arith.constant 1 : i32
    %dma_start3A_834 = arith.constant 0 : i32
    %dma_start3A_835 = arith.constant 0 : i32
    %dma_start3A_836 = tpu.memref_slice %arg4[%dma_start3A_832, %dma_start3A_834, %dma_start3A_835] : memref<2x64x512xf32, #tpu.memory_space<vmem>> -> memref<1x64x512xf32, #tpu.memory_space<vmem>>
    %dma_start3A_837 = tpu.memref_squeeze %dma_start3A_836 : memref<1x64x512xf32, #tpu.memory_space<vmem>> -> memref<64x512xf32, #tpu.memory_space<vmem>>
    %dma_start3A_838 = arith.constant 0 : i32
    %dma_start3A_839 = tpu.memref_slice %arg3[%dma_start3A_838, %multiple_of3A_49] : memref<64x1000000xf32, #tpu.memory_space<hbm>> -> memref<64x512xf32, #tpu.memory_space<hbm>>
    %dma_start3A_840 = tpu.memref_slice %arg6[%dma_start3A_833] : memref<2x!tpu.dma_semaphore, #tpu.memory_space<semaphore_mem>> -> memref<1x!tpu.dma_semaphore, #tpu.memory_space<semaphore_mem>>
    %dma_start3A_841 = tpu.memref_squeeze %dma_start3A_840 : memref<1x!tpu.dma_semaphore, #tpu.memory_space<semaphore_mem>> -> memref<!tpu.dma_semaphore, #tpu.memory_space<semaphore_mem>>
    %dma_start3A_842 = arith.constant 0 : i32
    %dma_start3A_843 = tpu.memref_slice %arg3[%dma_start3A_842, %multiple_of3A_49] : memref<64x1000000xf32, #tpu.memory_space<hbm>> -> memref<64x512xf32, #tpu.memory_space<hbm>>
    %dma_start3A_844 = arith.constant 0 : i32
    %dma_start3A_845 = arith.constant 0 : i32
    %dma_start3A_846 = tpu.memref_slice %arg4[%dma_start3A_832, %dma_start3A_844, %dma_start3A_845] : memref<2x64x512xf32, #tpu.memory_space<vmem>> -> memref<1x64x512xf32, #tpu.memory_space<vmem>>
    %dma_start3A_847 = tpu.memref_squeeze %dma_start3A_846 : memref<1x64x512xf32, #tpu.memory_space<vmem>> -> memref<64x512xf32, #tpu.memory_space<vmem>>
    tpu.enqueue_dma source(%dma_start3A_847 : memref<64x512xf32, #tpu.memory_space<vmem>>) target(%dma_start3A_843 : memref<64x512xf32, #tpu.memory_space<hbm>>) target_semaphore(%dma_start3A_841 : memref<!tpu.dma_semaphore, #tpu.memory_space<semaphore_mem>>)
    %dma_wait3A_848 = arith.constant 0 : i32
    %dma_wait3A_849 = arith.constant 0 : i32
    %dma_wait3A_850 = arith.constant 0 : i32
    %dma_wait3A_851 = arith.constant 0 : i32
    %dma_wait3A_852 = tpu.memref_slice %arg4[%dma_wait3A_848, %dma_wait3A_850, %dma_wait3A_851] : memref<2x64x512xf32, #tpu.memory_space<vmem>> -> memref<1x64x512xf32, #tpu.memory_space<vmem>>
    %dma_wait3A_853 = tpu.memref_squeeze %dma_wait3A_852 : memref<1x64x512xf32, #tpu.memory_space<vmem>> -> memref<64x512xf32, #tpu.memory_space<vmem>>
    %dma_wait3A_854 = arith.constant 0 : i32
    %dma_wait3A_855 = tpu.memref_slice %arg2[%dma_wait3A_854, %multiple_of3A_54] : memref<64x1000000xf32, #tpu.memory_space<hbm>> -> memref<64x512xf32, #tpu.memory_space<hbm>>
    %dma_wait3A_856 = tpu.memref_slice %arg5[%dma_wait3A_849] : memref<2x!tpu.dma_semaphore, #tpu.memory_space<semaphore_mem>> -> memref<1x!tpu.dma_semaphore, #tpu.memory_space<semaphore_mem>>
    %dma_wait3A_857 = tpu.memref_squeeze %dma_wait3A_856 : memref<1x!tpu.dma_semaphore, #tpu.memory_space<semaphore_mem>> -> memref<!tpu.dma_semaphore, #tpu.memory_space<semaphore_mem>>
    %dma_wait3A_858 = arith.constant 0 : i32
    %dma_wait3A_859 = arith.constant 0 : i32
    %dma_wait3A_860 = tpu.memref_slice %arg4[%dma_wait3A_848, %dma_wait3A_858, %dma_wait3A_859] : memref<2x64x512xf32, #tpu.memory_space<vmem>> -> memref<1x64x512xf32, #tpu.memory_space<vmem>>
    %dma_wait3A_861 = tpu.memref_squeeze %dma_wait3A_860 : memref<1x64x512xf32, #tpu.memory_space<vmem>> -> memref<64x512xf32, #tpu.memory_space<vmem>>
    %dma_wait3A_862 = arith.constant 0 : i32
    %dma_wait3A_863 = tpu.memref_slice %arg2[%dma_wait3A_862, %multiple_of3A_54] : memref<64x1000000xf32, #tpu.memory_space<hbm>> -> memref<64x512xf32, #tpu.memory_space<hbm>>
    tpu.wait_dma2 semaphore(%dma_wait3A_857 : memref<!tpu.dma_semaphore, #tpu.memory_space<semaphore_mem>>) src(%dma_wait3A_863 : memref<64x512xf32, #tpu.memory_space<hbm>>) dst(%dma_wait3A_861 : memref<64x512xf32, #tpu.memory_space<vmem>>)
    %dma_wait3A_864 = arith.constant 1 : i32
    %dma_wait3A_865 = arith.constant 1 : i32
    %dma_wait3A_866 = arith.constant 0 : i32
    %dma_wait3A_867 = arith.constant 0 : i32
    %dma_wait3A_868 = tpu.memref_slice %arg4[%dma_wait3A_864, %dma_wait3A_866, %dma_wait3A_867] : memref<2x64x512xf32, #tpu.memory_space<vmem>> -> memref<1x64x512xf32, #tpu.memory_space<vmem>>
    %dma_wait3A_869 = tpu.memref_squeeze %dma_wait3A_868 : memref<1x64x512xf32, #tpu.memory_space<vmem>> -> memref<64x512xf32, #tpu.memory_space<vmem>>
    %dma_wait3A_870 = arith.constant 0 : i32
    %dma_wait3A_871 = tpu.memref_slice %arg3[%dma_wait3A_870, %multiple_of3A_49] : memref<64x1000000xf32, #tpu.memory_space<hbm>> -> memref<64x512xf32, #tpu.memory_space<hbm>>
    %dma_wait3A_872 = tpu.memref_slice %arg6[%dma_wait3A_865] : memref<2x!tpu.dma_semaphore, #tpu.memory_space<semaphore_mem>> -> memref<1x!tpu.dma_semaphore, #tpu.memory_space<semaphore_mem>>
    %dma_wait3A_873 = tpu.memref_squeeze %dma_wait3A_872 : memref<1x!tpu.dma_semaphore, #tpu.memory_space<semaphore_mem>> -> memref<!tpu.dma_semaphore, #tpu.memory_space<semaphore_mem>>
    %dma_wait3A_874 = arith.constant 0 : i32
    %dma_wait3A_875 = tpu.memref_slice %arg3[%dma_wait3A_874, %multiple_of3A_49] : memref<64x1000000xf32, #tpu.memory_space<hbm>> -> memref<64x512xf32, #tpu.memory_space<hbm>>
    %dma_wait3A_876 = arith.constant 0 : i32
    %dma_wait3A_877 = arith.constant 0 : i32
    %dma_wait3A_878 = tpu.memref_slice %arg4[%dma_wait3A_864, %dma_wait3A_876, %dma_wait3A_877] : memref<2x64x512xf32, #tpu.memory_space<vmem>> -> memref<1x64x512xf32, #tpu.memory_space<vmem>>
    %dma_wait3A_879 = tpu.memref_squeeze %dma_wait3A_878 : memref<1x64x512xf32, #tpu.memory_space<vmem>> -> memref<64x512xf32, #tpu.memory_space<vmem>>
    tpu.wait_dma2 semaphore(%dma_wait3A_873 : memref<!tpu.dma_semaphore, #tpu.memory_space<semaphore_mem>>) src(%dma_wait3A_879 : memref<64x512xf32, #tpu.memory_space<vmem>>) dst(%dma_wait3A_875 : memref<64x512xf32, #tpu.memory_space<hbm>>)
    %dma_start3A_880 = arith.constant 1 : i32
    %dma_start3A_881 = arith.constant 1 : i32
    %dma_start3A_882 = arith.constant 0 : i32
    %dma_start3A_883 = arith.constant 0 : i32
    %dma_start3A_884 = tpu.memref_slice %arg4[%dma_start3A_880, %dma_start3A_882, %dma_start3A_883] : memref<2x64x512xf32, #tpu.memory_space<vmem>> -> memref<1x64x512xf32, #tpu.memory_space<vmem>>
    %dma_start3A_885 = tpu.memref_squeeze %dma_start3A_884 : memref<1x64x512xf32, #tpu.memory_space<vmem>> -> memref<64x512xf32, #tpu.memory_space<vmem>>
    %dma_start3A_886 = arith.constant 0 : i32
    %dma_start3A_887 = tpu.memref_slice %arg2[%dma_start3A_886, %multiple_of3A_59] : memref<64x1000000xf32, #tpu.memory_space<hbm>> -> memref<64x512xf32, #tpu.memory_space<hbm>>
    %dma_start3A_888 = tpu.memref_slice %arg5[%dma_start3A_881] : memref<2x!tpu.dma_semaphore, #tpu.memory_space<semaphore_mem>> -> memref<1x!tpu.dma_semaphore, #tpu.memory_space<semaphore_mem>>
    %dma_start3A_889 = tpu.memref_squeeze %dma_start3A_888 : memref<1x!tpu.dma_semaphore, #tpu.memory_space<semaphore_mem>> -> memref<!tpu.dma_semaphore, #tpu.memory_space<semaphore_mem>>
    %dma_start3A_890 = arith.constant 0 : i32
    %dma_start3A_891 = arith.constant 0 : i32
    %dma_start3A_892 = tpu.memref_slice %arg4[%dma_start3A_880, %dma_start3A_890, %dma_start3A_891] : memref<2x64x512xf32, #tpu.memory_space<vmem>> -> memref<1x64x512xf32, #tpu.memory_space<vmem>>
    %dma_start3A_893 = tpu.memref_squeeze %dma_start3A_892 : memref<1x64x512xf32, #tpu.memory_space<vmem>> -> memref<64x512xf32, #tpu.memory_space<vmem>>
    %dma_start3A_894 = arith.constant 0 : i32
    %dma_start3A_895 = tpu.memref_slice %arg2[%dma_start3A_894, %multiple_of3A_59] : memref<64x1000000xf32, #tpu.memory_space<hbm>> -> memref<64x512xf32, #tpu.memory_space<hbm>>
    tpu.enqueue_dma source(%dma_start3A_895 : memref<64x512xf32, #tpu.memory_space<hbm>>) target(%dma_start3A_893 : memref<64x512xf32, #tpu.memory_space<vmem>>) target_semaphore(%dma_start3A_889 : memref<!tpu.dma_semaphore, #tpu.memory_space<semaphore_mem>>)
    %dma_start3A_896 = arith.constant 0 : i32
    %dma_start3A_897 = arith.constant 0 : i32
    %dma_start3A_898 = arith.constant 0 : i32
    %dma_start3A_899 = arith.constant 0 : i32
    %dma_start3A_900 = tpu.memref_slice %arg4[%dma_start3A_896, %dma_start3A_898, %dma_start3A_899] : memref<2x64x512xf32, #tpu.memory_space<vmem>> -> memref<1x64x512xf32, #tpu.memory_space<vmem>>
    %dma_start3A_901 = tpu.memref_squeeze %dma_start3A_900 : memref<1x64x512xf32, #tpu.memory_space<vmem>> -> memref<64x512xf32, #tpu.memory_space<vmem>>
    %dma_start3A_902 = arith.constant 0 : i32
    %dma_start3A_903 = tpu.memref_slice %arg3[%dma_start3A_902, %multiple_of3A_54] : memref<64x1000000xf32, #tpu.memory_space<hbm>> -> memref<64x512xf32, #tpu.memory_space<hbm>>
    %dma_start3A_904 = tpu.memref_slice %arg6[%dma_start3A_897] : memref<2x!tpu.dma_semaphore, #tpu.memory_space<semaphore_mem>> -> memref<1x!tpu.dma_semaphore, #tpu.memory_space<semaphore_mem>>
    %dma_start3A_905 = tpu.memref_squeeze %dma_start3A_904 : memref<1x!tpu.dma_semaphore, #tpu.memory_space<semaphore_mem>> -> memref<!tpu.dma_semaphore, #tpu.memory_space<semaphore_mem>>
    %dma_start3A_906 = arith.constant 0 : i32
    %dma_start3A_907 = tpu.memref_slice %arg3[%dma_start3A_906, %multiple_of3A_54] : memref<64x1000000xf32, #tpu.memory_space<hbm>> -> memref<64x512xf32, #tpu.memory_space<hbm>>
    %dma_start3A_908 = arith.constant 0 : i32
    %dma_start3A_909 = arith.constant 0 : i32
    %dma_start3A_910 = tpu.memref_slice %arg4[%dma_start3A_896, %dma_start3A_908, %dma_start3A_909] : memref<2x64x512xf32, #tpu.memory_space<vmem>> -> memref<1x64x512xf32, #tpu.memory_space<vmem>>
    %dma_start3A_911 = tpu.memref_squeeze %dma_start3A_910 : memref<1x64x512xf32, #tpu.memory_space<vmem>> -> memref<64x512xf32, #tpu.memory_space<vmem>>
    tpu.enqueue_dma source(%dma_start3A_911 : memref<64x512xf32, #tpu.memory_space<vmem>>) target(%dma_start3A_907 : memref<64x512xf32, #tpu.memory_space<hbm>>) target_semaphore(%dma_start3A_905 : memref<!tpu.dma_semaphore, #tpu.memory_space<semaphore_mem>>)
    %dma_wait3A_912 = arith.constant 1 : i32
    %dma_wait3A_913 = arith.constant 1 : i32
    %dma_wait3A_914 = arith.constant 0 : i32
    %dma_wait3A_915 = arith.constant 0 : i32
    %dma_wait3A_916 = tpu.memref_slice %arg4[%dma_wait3A_912, %dma_wait3A_914, %dma_wait3A_915] : memref<2x64x512xf32, #tpu.memory_space<vmem>> -> memref<1x64x512xf32, #tpu.memory_space<vmem>>
    %dma_wait3A_917 = tpu.memref_squeeze %dma_wait3A_916 : memref<1x64x512xf32, #tpu.memory_space<vmem>> -> memref<64x512xf32, #tpu.memory_space<vmem>>
    %dma_wait3A_918 = arith.constant 0 : i32
    %dma_wait3A_919 = tpu.memref_slice %arg2[%dma_wait3A_918, %multiple_of3A_59] : memref<64x1000000xf32, #tpu.memory_space<hbm>> -> memref<64x512xf32, #tpu.memory_space<hbm>>
    %dma_wait3A_920 = tpu.memref_slice %arg5[%dma_wait3A_913] : memref<2x!tpu.dma_semaphore, #tpu.memory_space<semaphore_mem>> -> memref<1x!tpu.dma_semaphore, #tpu.memory_space<semaphore_mem>>
    %dma_wait3A_921 = tpu.memref_squeeze %dma_wait3A_920 : memref<1x!tpu.dma_semaphore, #tpu.memory_space<semaphore_mem>> -> memref<!tpu.dma_semaphore, #tpu.memory_space<semaphore_mem>>
    %dma_wait3A_922 = arith.constant 0 : i32
    %dma_wait3A_923 = arith.constant 0 : i32
    %dma_wait3A_924 = tpu.memref_slice %arg4[%dma_wait3A_912, %dma_wait3A_922, %dma_wait3A_923] : memref<2x64x512xf32, #tpu.memory_space<vmem>> -> memref<1x64x512xf32, #tpu.memory_space<vmem>>
    %dma_wait3A_925 = tpu.memref_squeeze %dma_wait3A_924 : memref<1x64x512xf32, #tpu.memory_space<vmem>> -> memref<64x512xf32, #tpu.memory_space<vmem>>
    %dma_wait3A_926 = arith.constant 0 : i32
    %dma_wait3A_927 = tpu.memref_slice %arg2[%dma_wait3A_926, %multiple_of3A_59] : memref<64x1000000xf32, #tpu.memory_space<hbm>> -> memref<64x512xf32, #tpu.memory_space<hbm>>
    tpu.wait_dma2 semaphore(%dma_wait3A_921 : memref<!tpu.dma_semaphore, #tpu.memory_space<semaphore_mem>>) src(%dma_wait3A_927 : memref<64x512xf32, #tpu.memory_space<hbm>>) dst(%dma_wait3A_925 : memref<64x512xf32, #tpu.memory_space<vmem>>)
    %dma_wait3A_928 = arith.constant 0 : i32
    %dma_wait3A_929 = arith.constant 0 : i32
    %dma_wait3A_930 = arith.constant 0 : i32
    %dma_wait3A_931 = arith.constant 0 : i32
    %dma_wait3A_932 = tpu.memref_slice %arg4[%dma_wait3A_928, %dma_wait3A_930, %dma_wait3A_931] : memref<2x64x512xf32, #tpu.memory_space<vmem>> -> memref<1x64x512xf32, #tpu.memory_space<vmem>>
    %dma_wait3A_933 = tpu.memref_squeeze %dma_wait3A_932 : memref<1x64x512xf32, #tpu.memory_space<vmem>> -> memref<64x512xf32, #tpu.memory_space<vmem>>
    %dma_wait3A_934 = arith.constant 0 : i32
    %dma_wait3A_935 = tpu.memref_slice %arg3[%dma_wait3A_934, %multiple_of3A_54] : memref<64x1000000xf32, #tpu.memory_space<hbm>> -> memref<64x512xf32, #tpu.memory_space<hbm>>
    %dma_wait3A_936 = tpu.memref_slice %arg6[%dma_wait3A_929] : memref<2x!tpu.dma_semaphore, #tpu.memory_space<semaphore_mem>> -> memref<1x!tpu.dma_semaphore, #tpu.memory_space<semaphore_mem>>
    %dma_wait3A_937 = tpu.memref_squeeze %dma_wait3A_936 : memref<1x!tpu.dma_semaphore, #tpu.memory_space<semaphore_mem>> -> memref<!tpu.dma_semaphore, #tpu.memory_space<semaphore_mem>>
    %dma_wait3A_938 = arith.constant 0 : i32
    %dma_wait3A_939 = tpu.memref_slice %arg3[%dma_wait3A_938, %multiple_of3A_54] : memref<64x1000000xf32, #tpu.memory_space<hbm>> -> memref<64x512xf32, #tpu.memory_space<hbm>>
    %dma_wait3A_940 = arith.constant 0 : i32
    %dma_wait3A_941 = arith.constant 0 : i32
    %dma_wait3A_942 = tpu.memref_slice %arg4[%dma_wait3A_928, %dma_wait3A_940, %dma_wait3A_941] : memref<2x64x512xf32, #tpu.memory_space<vmem>> -> memref<1x64x512xf32, #tpu.memory_space<vmem>>
    %dma_wait3A_943 = tpu.memref_squeeze %dma_wait3A_942 : memref<1x64x512xf32, #tpu.memory_space<vmem>> -> memref<64x512xf32, #tpu.memory_space<vmem>>
    tpu.wait_dma2 semaphore(%dma_wait3A_937 : memref<!tpu.dma_semaphore, #tpu.memory_space<semaphore_mem>>) src(%dma_wait3A_943 : memref<64x512xf32, #tpu.memory_space<vmem>>) dst(%dma_wait3A_939 : memref<64x512xf32, #tpu.memory_space<hbm>>)
    %dma_start3A_944 = arith.constant 0 : i32
    %dma_start3A_945 = arith.constant 0 : i32
    %dma_start3A_946 = arith.constant 0 : i32
    %dma_start3A_947 = arith.constant 0 : i32
    %dma_start3A_948 = tpu.memref_slice %arg4[%dma_start3A_944, %dma_start3A_946, %dma_start3A_947] : memref<2x64x512xf32, #tpu.memory_space<vmem>> -> memref<1x64x512xf32, #tpu.memory_space<vmem>>
    %dma_start3A_949 = tpu.memref_squeeze %dma_start3A_948 : memref<1x64x512xf32, #tpu.memory_space<vmem>> -> memref<64x512xf32, #tpu.memory_space<vmem>>
    %dma_start3A_950 = arith.constant 0 : i32
    %dma_start3A_951 = tpu.memref_slice %arg2[%dma_start3A_950, %multiple_of3A_64] : memref<64x1000000xf32, #tpu.memory_space<hbm>> -> memref<64x512xf32, #tpu.memory_space<hbm>>
    %dma_start3A_952 = tpu.memref_slice %arg5[%dma_start3A_945] : memref<2x!tpu.dma_semaphore, #tpu.memory_space<semaphore_mem>> -> memref<1x!tpu.dma_semaphore, #tpu.memory_space<semaphore_mem>>
    %dma_start3A_953 = tpu.memref_squeeze %dma_start3A_952 : memref<1x!tpu.dma_semaphore, #tpu.memory_space<semaphore_mem>> -> memref<!tpu.dma_semaphore, #tpu.memory_space<semaphore_mem>>
    %dma_start3A_954 = arith.constant 0 : i32
    %dma_start3A_955 = arith.constant 0 : i32
    %dma_start3A_956 = tpu.memref_slice %arg4[%dma_start3A_944, %dma_start3A_954, %dma_start3A_955] : memref<2x64x512xf32, #tpu.memory_space<vmem>> -> memref<1x64x512xf32, #tpu.memory_space<vmem>>
    %dma_start3A_957 = tpu.memref_squeeze %dma_start3A_956 : memref<1x64x512xf32, #tpu.memory_space<vmem>> -> memref<64x512xf32, #tpu.memory_space<vmem>>
    %dma_start3A_958 = arith.constant 0 : i32
    %dma_start3A_959 = tpu.memref_slice %arg2[%dma_start3A_958, %multiple_of3A_64] : memref<64x1000000xf32, #tpu.memory_space<hbm>> -> memref<64x512xf32, #tpu.memory_space<hbm>>
    tpu.enqueue_dma source(%dma_start3A_959 : memref<64x512xf32, #tpu.memory_space<hbm>>) target(%dma_start3A_957 : memref<64x512xf32, #tpu.memory_space<vmem>>) target_semaphore(%dma_start3A_953 : memref<!tpu.dma_semaphore, #tpu.memory_space<semaphore_mem>>)
    %dma_start3A_960 = arith.constant 1 : i32
    %dma_start3A_961 = arith.constant 1 : i32
    %dma_start3A_962 = arith.constant 0 : i32
    %dma_start3A_963 = arith.constant 0 : i32
    %dma_start3A_964 = tpu.memref_slice %arg4[%dma_start3A_960, %dma_start3A_962, %dma_start3A_963] : memref<2x64x512xf32, #tpu.memory_space<vmem>> -> memref<1x64x512xf32, #tpu.memory_space<vmem>>
    %dma_start3A_965 = tpu.memref_squeeze %dma_start3A_964 : memref<1x64x512xf32, #tpu.memory_space<vmem>> -> memref<64x512xf32, #tpu.memory_space<vmem>>
    %dma_start3A_966 = arith.constant 0 : i32
    %dma_start3A_967 = tpu.memref_slice %arg3[%dma_start3A_966, %multiple_of3A_59] : memref<64x1000000xf32, #tpu.memory_space<hbm>> -> memref<64x512xf32, #tpu.memory_space<hbm>>
    %dma_start3A_968 = tpu.memref_slice %arg6[%dma_start3A_961] : memref<2x!tpu.dma_semaphore, #tpu.memory_space<semaphore_mem>> -> memref<1x!tpu.dma_semaphore, #tpu.memory_space<semaphore_mem>>
    %dma_start3A_969 = tpu.memref_squeeze %dma_start3A_968 : memref<1x!tpu.dma_semaphore, #tpu.memory_space<semaphore_mem>> -> memref<!tpu.dma_semaphore, #tpu.memory_space<semaphore_mem>>
    %dma_start3A_970 = arith.constant 0 : i32
    %dma_start3A_971 = tpu.memref_slice %arg3[%dma_start3A_970, %multiple_of3A_59] : memref<64x1000000xf32, #tpu.memory_space<hbm>> -> memref<64x512xf32, #tpu.memory_space<hbm>>
    %dma_start3A_972 = arith.constant 0 : i32
    %dma_start3A_973 = arith.constant 0 : i32
    %dma_start3A_974 = tpu.memref_slice %arg4[%dma_start3A_960, %dma_start3A_972, %dma_start3A_973] : memref<2x64x512xf32, #tpu.memory_space<vmem>> -> memref<1x64x512xf32, #tpu.memory_space<vmem>>
    %dma_start3A_975 = tpu.memref_squeeze %dma_start3A_974 : memref<1x64x512xf32, #tpu.memory_space<vmem>> -> memref<64x512xf32, #tpu.memory_space<vmem>>
    tpu.enqueue_dma source(%dma_start3A_975 : memref<64x512xf32, #tpu.memory_space<vmem>>) target(%dma_start3A_971 : memref<64x512xf32, #tpu.memory_space<hbm>>) target_semaphore(%dma_start3A_969 : memref<!tpu.dma_semaphore, #tpu.memory_space<semaphore_mem>>)
    %dma_wait3A_976 = arith.constant 0 : i32
    %dma_wait3A_977 = arith.constant 0 : i32
    %dma_wait3A_978 = arith.constant 0 : i32
    %dma_wait3A_979 = arith.constant 0 : i32
    %dma_wait3A_980 = tpu.memref_slice %arg4[%dma_wait3A_976, %dma_wait3A_978, %dma_wait3A_979] : memref<2x64x512xf32, #tpu.memory_space<vmem>> -> memref<1x64x512xf32, #tpu.memory_space<vmem>>
    %dma_wait3A_981 = tpu.memref_squeeze %dma_wait3A_980 : memref<1x64x512xf32, #tpu.memory_space<vmem>> -> memref<64x512xf32, #tpu.memory_space<vmem>>
    %dma_wait3A_982 = arith.constant 0 : i32
    %dma_wait3A_983 = tpu.memref_slice %arg2[%dma_wait3A_982, %multiple_of3A_64] : memref<64x1000000xf32, #tpu.memory_space<hbm>> -> memref<64x512xf32, #tpu.memory_space<hbm>>
    %dma_wait3A_984 = tpu.memref_slice %arg5[%dma_wait3A_977] : memref<2x!tpu.dma_semaphore, #tpu.memory_space<semaphore_mem>> -> memref<1x!tpu.dma_semaphore, #tpu.memory_space<semaphore_mem>>
    %dma_wait3A_985 = tpu.memref_squeeze %dma_wait3A_984 : memref<1x!tpu.dma_semaphore, #tpu.memory_space<semaphore_mem>> -> memref<!tpu.dma_semaphore, #tpu.memory_space<semaphore_mem>>
    %dma_wait3A_986 = arith.constant 0 : i32
    %dma_wait3A_987 = arith.constant 0 : i32
    %dma_wait3A_988 = tpu.memref_slice %arg4[%dma_wait3A_976, %dma_wait3A_986, %dma_wait3A_987] : memref<2x64x512xf32, #tpu.memory_space<vmem>> -> memref<1x64x512xf32, #tpu.memory_space<vmem>>
    %dma_wait3A_989 = tpu.memref_squeeze %dma_wait3A_988 : memref<1x64x512xf32, #tpu.memory_space<vmem>> -> memref<64x512xf32, #tpu.memory_space<vmem>>
    %dma_wait3A_990 = arith.constant 0 : i32
    %dma_wait3A_991 = tpu.memref_slice %arg2[%dma_wait3A_990, %multiple_of3A_64] : memref<64x1000000xf32, #tpu.memory_space<hbm>> -> memref<64x512xf32, #tpu.memory_space<hbm>>
    tpu.wait_dma2 semaphore(%dma_wait3A_985 : memref<!tpu.dma_semaphore, #tpu.memory_space<semaphore_mem>>) src(%dma_wait3A_991 : memref<64x512xf32, #tpu.memory_space<hbm>>) dst(%dma_wait3A_989 : memref<64x512xf32, #tpu.memory_space<vmem>>)
    %dma_wait3A_992 = arith.constant 1 : i32
    %dma_wait3A_993 = arith.constant 1 : i32
    %dma_wait3A_994 = arith.constant 0 : i32
    %dma_wait3A_995 = arith.constant 0 : i32
    %dma_wait3A_996 = tpu.memref_slice %arg4[%dma_wait3A_992, %dma_wait3A_994, %dma_wait3A_995] : memref<2x64x512xf32, #tpu.memory_space<vmem>> -> memref<1x64x512xf32, #tpu.memory_space<vmem>>
    %dma_wait3A_997 = tpu.memref_squeeze %dma_wait3A_996 : memref<1x64x512xf32, #tpu.memory_space<vmem>> -> memref<64x512xf32, #tpu.memory_space<vmem>>
    %dma_wait3A_998 = arith.constant 0 : i32
    %dma_wait3A_999 = tpu.memref_slice %arg3[%dma_wait3A_998, %multiple_of3A_59] : memref<64x1000000xf32, #tpu.memory_space<hbm>> -> memref<64x512xf32, #tpu.memory_space<hbm>>
    %dma_wait3A_1000 = tpu.memref_slice %arg6[%dma_wait3A_993] : memref<2x!tpu.dma_semaphore, #tpu.memory_space<semaphore_mem>> -> memref<1x!tpu.dma_semaphore, #tpu.memory_space<semaphore_mem>>
    %dma_wait3A_1001 = tpu.memref_squeeze %dma_wait3A_1000 : memref<1x!tpu.dma_semaphore, #tpu.memory_space<semaphore_mem>> -> memref<!tpu.dma_semaphore, #tpu.memory_space<semaphore_mem>>
    %dma_wait3A_1002 = arith.constant 0 : i32
    %dma_wait3A_1003 = tpu.memref_slice %arg3[%dma_wait3A_1002, %multiple_of3A_59] : memref<64x1000000xf32, #tpu.memory_space<hbm>> -> memref<64x512xf32, #tpu.memory_space<hbm>>
    %dma_wait3A_1004 = arith.constant 0 : i32
    %dma_wait3A_1005 = arith.constant 0 : i32
    %dma_wait3A_1006 = tpu.memref_slice %arg4[%dma_wait3A_992, %dma_wait3A_1004, %dma_wait3A_1005] : memref<2x64x512xf32, #tpu.memory_space<vmem>> -> memref<1x64x512xf32, #tpu.memory_space<vmem>>
    %dma_wait3A_1007 = tpu.memref_squeeze %dma_wait3A_1006 : memref<1x64x512xf32, #tpu.memory_space<vmem>> -> memref<64x512xf32, #tpu.memory_space<vmem>>
    tpu.wait_dma2 semaphore(%dma_wait3A_1001 : memref<!tpu.dma_semaphore, #tpu.memory_space<semaphore_mem>>) src(%dma_wait3A_1007 : memref<64x512xf32, #tpu.memory_space<vmem>>) dst(%dma_wait3A_1003 : memref<64x512xf32, #tpu.memory_space<hbm>>)
    %dma_start3A_1008 = arith.constant 1 : i32
    %dma_start3A_1009 = arith.constant 1 : i32
    %dma_start3A_1010 = arith.constant 0 : i32
    %dma_start3A_1011 = arith.constant 0 : i32
    %dma_start3A_1012 = tpu.memref_slice %arg4[%dma_start3A_1008, %dma_start3A_1010, %dma_start3A_1011] : memref<2x64x512xf32, #tpu.memory_space<vmem>> -> memref<1x64x512xf32, #tpu.memory_space<vmem>>
    %dma_start3A_1013 = tpu.memref_squeeze %dma_start3A_1012 : memref<1x64x512xf32, #tpu.memory_space<vmem>> -> memref<64x512xf32, #tpu.memory_space<vmem>>
    %dma_start3A_1014 = arith.constant 0 : i32
    %dma_start3A_1015 = tpu.memref_slice %arg2[%dma_start3A_1014, %multiple_of3A_69] : memref<64x1000000xf32, #tpu.memory_space<hbm>> -> memref<64x512xf32, #tpu.memory_space<hbm>>
    %dma_start3A_1016 = tpu.memref_slice %arg5[%dma_start3A_1009] : memref<2x!tpu.dma_semaphore, #tpu.memory_space<semaphore_mem>> -> memref<1x!tpu.dma_semaphore, #tpu.memory_space<semaphore_mem>>
    %dma_start3A_1017 = tpu.memref_squeeze %dma_start3A_1016 : memref<1x!tpu.dma_semaphore, #tpu.memory_space<semaphore_mem>> -> memref<!tpu.dma_semaphore, #tpu.memory_space<semaphore_mem>>
    %dma_start3A_1018 = arith.constant 0 : i32
    %dma_start3A_1019 = arith.constant 0 : i32
    %dma_start3A_1020 = tpu.memref_slice %arg4[%dma_start3A_1008, %dma_start3A_1018, %dma_start3A_1019] : memref<2x64x512xf32, #tpu.memory_space<vmem>> -> memref<1x64x512xf32, #tpu.memory_space<vmem>>
    %dma_start3A_1021 = tpu.memref_squeeze %dma_start3A_1020 : memref<1x64x512xf32, #tpu.memory_space<vmem>> -> memref<64x512xf32, #tpu.memory_space<vmem>>
    %dma_start3A_1022 = arith.constant 0 : i32
    %dma_start3A_1023 = tpu.memref_slice %arg2[%dma_start3A_1022, %multiple_of3A_69] : memref<64x1000000xf32, #tpu.memory_space<hbm>> -> memref<64x512xf32, #tpu.memory_space<hbm>>
    tpu.enqueue_dma source(%dma_start3A_1023 : memref<64x512xf32, #tpu.memory_space<hbm>>) target(%dma_start3A_1021 : memref<64x512xf32, #tpu.memory_space<vmem>>) target_semaphore(%dma_start3A_1017 : memref<!tpu.dma_semaphore, #tpu.memory_space<semaphore_mem>>)
    %dma_start3A_1024 = arith.constant 0 : i32
    %dma_start3A_1025 = arith.constant 0 : i32
    %dma_start3A_1026 = arith.constant 0 : i32
    %dma_start3A_1027 = arith.constant 0 : i32
    %dma_start3A_1028 = tpu.memref_slice %arg4[%dma_start3A_1024, %dma_start3A_1026, %dma_start3A_1027] : memref<2x64x512xf32, #tpu.memory_space<vmem>> -> memref<1x64x512xf32, #tpu.memory_space<vmem>>
    %dma_start3A_1029 = tpu.memref_squeeze %dma_start3A_1028 : memref<1x64x512xf32, #tpu.memory_space<vmem>> -> memref<64x512xf32, #tpu.memory_space<vmem>>
    %dma_start3A_1030 = arith.constant 0 : i32
    %dma_start3A_1031 = tpu.memref_slice %arg3[%dma_start3A_1030, %multiple_of3A_64] : memref<64x1000000xf32, #tpu.memory_space<hbm>> -> memref<64x512xf32, #tpu.memory_space<hbm>>
    %dma_start3A_1032 = tpu.memref_slice %arg6[%dma_start3A_1025] : memref<2x!tpu.dma_semaphore, #tpu.memory_space<semaphore_mem>> -> memref<1x!tpu.dma_semaphore, #tpu.memory_space<semaphore_mem>>
    %dma_start3A_1033 = tpu.memref_squeeze %dma_start3A_1032 : memref<1x!tpu.dma_semaphore, #tpu.memory_space<semaphore_mem>> -> memref<!tpu.dma_semaphore, #tpu.memory_space<semaphore_mem>>
    %dma_start3A_1034 = arith.constant 0 : i32
    %dma_start3A_1035 = tpu.memref_slice %arg3[%dma_start3A_1034, %multiple_of3A_64] : memref<64x1000000xf32, #tpu.memory_space<hbm>> -> memref<64x512xf32, #tpu.memory_space<hbm>>
    %dma_start3A_1036 = arith.constant 0 : i32
    %dma_start3A_1037 = arith.constant 0 : i32
    %dma_start3A_1038 = tpu.memref_slice %arg4[%dma_start3A_1024, %dma_start3A_1036, %dma_start3A_1037] : memref<2x64x512xf32, #tpu.memory_space<vmem>> -> memref<1x64x512xf32, #tpu.memory_space<vmem>>
    %dma_start3A_1039 = tpu.memref_squeeze %dma_start3A_1038 : memref<1x64x512xf32, #tpu.memory_space<vmem>> -> memref<64x512xf32, #tpu.memory_space<vmem>>
    tpu.enqueue_dma source(%dma_start3A_1039 : memref<64x512xf32, #tpu.memory_space<vmem>>) target(%dma_start3A_1035 : memref<64x512xf32, #tpu.memory_space<hbm>>) target_semaphore(%dma_start3A_1033 : memref<!tpu.dma_semaphore, #tpu.memory_space<semaphore_mem>>)
    %dma_wait3A_1040 = arith.constant 1 : i32
    %dma_wait3A_1041 = arith.constant 1 : i32
    %dma_wait3A_1042 = arith.constant 0 : i32
    %dma_wait3A_1043 = arith.constant 0 : i32
    %dma_wait3A_1044 = tpu.memref_slice %arg4[%dma_wait3A_1040, %dma_wait3A_1042, %dma_wait3A_1043] : memref<2x64x512xf32, #tpu.memory_space<vmem>> -> memref<1x64x512xf32, #tpu.memory_space<vmem>>
    %dma_wait3A_1045 = tpu.memref_squeeze %dma_wait3A_1044 : memref<1x64x512xf32, #tpu.memory_space<vmem>> -> memref<64x512xf32, #tpu.memory_space<vmem>>
    %dma_wait3A_1046 = arith.constant 0 : i32
    %dma_wait3A_1047 = tpu.memref_slice %arg2[%dma_wait3A_1046, %multiple_of3A_69] : memref<64x1000000xf32, #tpu.memory_space<hbm>> -> memref<64x512xf32, #tpu.memory_space<hbm>>
    %dma_wait3A_1048 = tpu.memref_slice %arg5[%dma_wait3A_1041] : memref<2x!tpu.dma_semaphore, #tpu.memory_space<semaphore_mem>> -> memref<1x!tpu.dma_semaphore, #tpu.memory_space<semaphore_mem>>
    %dma_wait3A_1049 = tpu.memref_squeeze %dma_wait3A_1048 : memref<1x!tpu.dma_semaphore, #tpu.memory_space<semaphore_mem>> -> memref<!tpu.dma_semaphore, #tpu.memory_space<semaphore_mem>>
    %dma_wait3A_1050 = arith.constant 0 : i32
    %dma_wait3A_1051 = arith.constant 0 : i32
    %dma_wait3A_1052 = tpu.memref_slice %arg4[%dma_wait3A_1040, %dma_wait3A_1050, %dma_wait3A_1051] : memref<2x64x512xf32, #tpu.memory_space<vmem>> -> memref<1x64x512xf32, #tpu.memory_space<vmem>>
    %dma_wait3A_1053 = tpu.memref_squeeze %dma_wait3A_1052 : memref<1x64x512xf32, #tpu.memory_space<vmem>> -> memref<64x512xf32, #tpu.memory_space<vmem>>
    %dma_wait3A_1054 = arith.constant 0 : i32
    %dma_wait3A_1055 = tpu.memref_slice %arg2[%dma_wait3A_1054, %multiple_of3A_69] : memref<64x1000000xf32, #tpu.memory_space<hbm>> -> memref<64x512xf32, #tpu.memory_space<hbm>>
    tpu.wait_dma2 semaphore(%dma_wait3A_1049 : memref<!tpu.dma_semaphore, #tpu.memory_space<semaphore_mem>>) src(%dma_wait3A_1055 : memref<64x512xf32, #tpu.memory_space<hbm>>) dst(%dma_wait3A_1053 : memref<64x512xf32, #tpu.memory_space<vmem>>)
    %dma_wait3A_1056 = arith.constant 0 : i32
    %dma_wait3A_1057 = arith.constant 0 : i32
    %dma_wait3A_1058 = arith.constant 0 : i32
    %dma_wait3A_1059 = arith.constant 0 : i32
    %dma_wait3A_1060 = tpu.memref_slice %arg4[%dma_wait3A_1056, %dma_wait3A_1058, %dma_wait3A_1059] : memref<2x64x512xf32, #tpu.memory_space<vmem>> -> memref<1x64x512xf32, #tpu.memory_space<vmem>>
    %dma_wait3A_1061 = tpu.memref_squeeze %dma_wait3A_1060 : memref<1x64x512xf32, #tpu.memory_space<vmem>> -> memref<64x512xf32, #tpu.memory_space<vmem>>
    %dma_wait3A_1062 = arith.constant 0 : i32
    %dma_wait3A_1063 = tpu.memref_slice %arg3[%dma_wait3A_1062, %multiple_of3A_64] : memref<64x1000000xf32, #tpu.memory_space<hbm>> -> memref<64x512xf32, #tpu.memory_space<hbm>>
    %dma_wait3A_1064 = tpu.memref_slice %arg6[%dma_wait3A_1057] : memref<2x!tpu.dma_semaphore, #tpu.memory_space<semaphore_mem>> -> memref<1x!tpu.dma_semaphore, #tpu.memory_space<semaphore_mem>>
    %dma_wait3A_1065 = tpu.memref_squeeze %dma_wait3A_1064 : memref<1x!tpu.dma_semaphore, #tpu.memory_space<semaphore_mem>> -> memref<!tpu.dma_semaphore, #tpu.memory_space<semaphore_mem>>
    %dma_wait3A_1066 = arith.constant 0 : i32
    %dma_wait3A_1067 = tpu.memref_slice %arg3[%dma_wait3A_1066, %multiple_of3A_64] : memref<64x1000000xf32, #tpu.memory_space<hbm>> -> memref<64x512xf32, #tpu.memory_space<hbm>>
    %dma_wait3A_1068 = arith.constant 0 : i32
    %dma_wait3A_1069 = arith.constant 0 : i32
    %dma_wait3A_1070 = tpu.memref_slice %arg4[%dma_wait3A_1056, %dma_wait3A_1068, %dma_wait3A_1069] : memref<2x64x512xf32, #tpu.memory_space<vmem>> -> memref<1x64x512xf32, #tpu.memory_space<vmem>>
    %dma_wait3A_1071 = tpu.memref_squeeze %dma_wait3A_1070 : memref<1x64x512xf32, #tpu.memory_space<vmem>> -> memref<64x512xf32, #tpu.memory_space<vmem>>
    tpu.wait_dma2 semaphore(%dma_wait3A_1065 : memref<!tpu.dma_semaphore, #tpu.memory_space<semaphore_mem>>) src(%dma_wait3A_1071 : memref<64x512xf32, #tpu.memory_space<vmem>>) dst(%dma_wait3A_1067 : memref<64x512xf32, #tpu.memory_space<hbm>>)
    %dma_start3A_1072 = arith.constant 0 : i32
    %dma_start3A_1073 = arith.constant 0 : i32
    %dma_start3A_1074 = arith.constant 0 : i32
    %dma_start3A_1075 = arith.constant 0 : i32
    %dma_start3A_1076 = tpu.memref_slice %arg4[%dma_start3A_1072, %dma_start3A_1074, %dma_start3A_1075] : memref<2x64x512xf32, #tpu.memory_space<vmem>> -> memref<1x64x512xf32, #tpu.memory_space<vmem>>
    %dma_start3A_1077 = tpu.memref_squeeze %dma_start3A_1076 : memref<1x64x512xf32, #tpu.memory_space<vmem>> -> memref<64x512xf32, #tpu.memory_space<vmem>>
    %dma_start3A_1078 = arith.constant 0 : i32
    %dma_start3A_1079 = tpu.memref_slice %arg2[%dma_start3A_1078, %multiple_of3A_74] : memref<64x1000000xf32, #tpu.memory_space<hbm>> -> memref<64x512xf32, #tpu.memory_space<hbm>>
    %dma_start3A_1080 = tpu.memref_slice %arg5[%dma_start3A_1073] : memref<2x!tpu.dma_semaphore, #tpu.memory_space<semaphore_mem>> -> memref<1x!tpu.dma_semaphore, #tpu.memory_space<semaphore_mem>>
    %dma_start3A_1081 = tpu.memref_squeeze %dma_start3A_1080 : memref<1x!tpu.dma_semaphore, #tpu.memory_space<semaphore_mem>> -> memref<!tpu.dma_semaphore, #tpu.memory_space<semaphore_mem>>
    %dma_start3A_1082 = arith.constant 0 : i32
    %dma_start3A_1083 = arith.constant 0 : i32
    %dma_start3A_1084 = tpu.memref_slice %arg4[%dma_start3A_1072, %dma_start3A_1082, %dma_start3A_1083] : memref<2x64x512xf32, #tpu.memory_space<vmem>> -> memref<1x64x512xf32, #tpu.memory_space<vmem>>
    %dma_start3A_1085 = tpu.memref_squeeze %dma_start3A_1084 : memref<1x64x512xf32, #tpu.memory_space<vmem>> -> memref<64x512xf32, #tpu.memory_space<vmem>>
    %dma_start3A_1086 = arith.constant 0 : i32
    %dma_start3A_1087 = tpu.memref_slice %arg2[%dma_start3A_1086, %multiple_of3A_74] : memref<64x1000000xf32, #tpu.memory_space<hbm>> -> memref<64x512xf32, #tpu.memory_space<hbm>>
    tpu.enqueue_dma source(%dma_start3A_1087 : memref<64x512xf32, #tpu.memory_space<hbm>>) target(%dma_start3A_1085 : memref<64x512xf32, #tpu.memory_space<vmem>>) target_semaphore(%dma_start3A_1081 : memref<!tpu.dma_semaphore, #tpu.memory_space<semaphore_mem>>)
    %dma_start3A_1088 = arith.constant 1 : i32
    %dma_start3A_1089 = arith.constant 1 : i32
    %dma_start3A_1090 = arith.constant 0 : i32
    %dma_start3A_1091 = arith.constant 0 : i32
    %dma_start3A_1092 = tpu.memref_slice %arg4[%dma_start3A_1088, %dma_start3A_1090, %dma_start3A_1091] : memref<2x64x512xf32, #tpu.memory_space<vmem>> -> memref<1x64x512xf32, #tpu.memory_space<vmem>>
    %dma_start3A_1093 = tpu.memref_squeeze %dma_start3A_1092 : memref<1x64x512xf32, #tpu.memory_space<vmem>> -> memref<64x512xf32, #tpu.memory_space<vmem>>
    %dma_start3A_1094 = arith.constant 0 : i32
    %dma_start3A_1095 = tpu.memref_slice %arg3[%dma_start3A_1094, %multiple_of3A_69] : memref<64x1000000xf32, #tpu.memory_space<hbm>> -> memref<64x512xf32, #tpu.memory_space<hbm>>
    %dma_start3A_1096 = tpu.memref_slice %arg6[%dma_start3A_1089] : memref<2x!tpu.dma_semaphore, #tpu.memory_space<semaphore_mem>> -> memref<1x!tpu.dma_semaphore, #tpu.memory_space<semaphore_mem>>
    %dma_start3A_1097 = tpu.memref_squeeze %dma_start3A_1096 : memref<1x!tpu.dma_semaphore, #tpu.memory_space<semaphore_mem>> -> memref<!tpu.dma_semaphore, #tpu.memory_space<semaphore_mem>>
    %dma_start3A_1098 = arith.constant 0 : i32
    %dma_start3A_1099 = tpu.memref_slice %arg3[%dma_start3A_1098, %multiple_of3A_69] : memref<64x1000000xf32, #tpu.memory_space<hbm>> -> memref<64x512xf32, #tpu.memory_space<hbm>>
    %dma_start3A_1100 = arith.constant 0 : i32
    %dma_start3A_1101 = arith.constant 0 : i32
    %dma_start3A_1102 = tpu.memref_slice %arg4[%dma_start3A_1088, %dma_start3A_1100, %dma_start3A_1101] : memref<2x64x512xf32, #tpu.memory_space<vmem>> -> memref<1x64x512xf32, #tpu.memory_space<vmem>>
    %dma_start3A_1103 = tpu.memref_squeeze %dma_start3A_1102 : memref<1x64x512xf32, #tpu.memory_space<vmem>> -> memref<64x512xf32, #tpu.memory_space<vmem>>
    tpu.enqueue_dma source(%dma_start3A_1103 : memref<64x512xf32, #tpu.memory_space<vmem>>) target(%dma_start3A_1099 : memref<64x512xf32, #tpu.memory_space<hbm>>) target_semaphore(%dma_start3A_1097 : memref<!tpu.dma_semaphore, #tpu.memory_space<semaphore_mem>>)
    %dma_wait3A_1104 = arith.constant 0 : i32
    %dma_wait3A_1105 = arith.constant 0 : i32
    %dma_wait3A_1106 = arith.constant 0 : i32
    %dma_wait3A_1107 = arith.constant 0 : i32
    %dma_wait3A_1108 = tpu.memref_slice %arg4[%dma_wait3A_1104, %dma_wait3A_1106, %dma_wait3A_1107] : memref<2x64x512xf32, #tpu.memory_space<vmem>> -> memref<1x64x512xf32, #tpu.memory_space<vmem>>
    %dma_wait3A_1109 = tpu.memref_squeeze %dma_wait3A_1108 : memref<1x64x512xf32, #tpu.memory_space<vmem>> -> memref<64x512xf32, #tpu.memory_space<vmem>>
    %dma_wait3A_1110 = arith.constant 0 : i32
    %dma_wait3A_1111 = tpu.memref_slice %arg2[%dma_wait3A_1110, %multiple_of3A_74] : memref<64x1000000xf32, #tpu.memory_space<hbm>> -> memref<64x512xf32, #tpu.memory_space<hbm>>
    %dma_wait3A_1112 = tpu.memref_slice %arg5[%dma_wait3A_1105] : memref<2x!tpu.dma_semaphore, #tpu.memory_space<semaphore_mem>> -> memref<1x!tpu.dma_semaphore, #tpu.memory_space<semaphore_mem>>
    %dma_wait3A_1113 = tpu.memref_squeeze %dma_wait3A_1112 : memref<1x!tpu.dma_semaphore, #tpu.memory_space<semaphore_mem>> -> memref<!tpu.dma_semaphore, #tpu.memory_space<semaphore_mem>>
    %dma_wait3A_1114 = arith.constant 0 : i32
    %dma_wait3A_1115 = arith.constant 0 : i32
    %dma_wait3A_1116 = tpu.memref_slice %arg4[%dma_wait3A_1104, %dma_wait3A_1114, %dma_wait3A_1115] : memref<2x64x512xf32, #tpu.memory_space<vmem>> -> memref<1x64x512xf32, #tpu.memory_space<vmem>>
    %dma_wait3A_1117 = tpu.memref_squeeze %dma_wait3A_1116 : memref<1x64x512xf32, #tpu.memory_space<vmem>> -> memref<64x512xf32, #tpu.memory_space<vmem>>
    %dma_wait3A_1118 = arith.constant 0 : i32
    %dma_wait3A_1119 = tpu.memref_slice %arg2[%dma_wait3A_1118, %multiple_of3A_74] : memref<64x1000000xf32, #tpu.memory_space<hbm>> -> memref<64x512xf32, #tpu.memory_space<hbm>>
    tpu.wait_dma2 semaphore(%dma_wait3A_1113 : memref<!tpu.dma_semaphore, #tpu.memory_space<semaphore_mem>>) src(%dma_wait3A_1119 : memref<64x512xf32, #tpu.memory_space<hbm>>) dst(%dma_wait3A_1117 : memref<64x512xf32, #tpu.memory_space<vmem>>)
    %dma_wait3A_1120 = arith.constant 1 : i32
    %dma_wait3A_1121 = arith.constant 1 : i32
    %dma_wait3A_1122 = arith.constant 0 : i32
    %dma_wait3A_1123 = arith.constant 0 : i32
    %dma_wait3A_1124 = tpu.memref_slice %arg4[%dma_wait3A_1120, %dma_wait3A_1122, %dma_wait3A_1123] : memref<2x64x512xf32, #tpu.memory_space<vmem>> -> memref<1x64x512xf32, #tpu.memory_space<vmem>>
    %dma_wait3A_1125 = tpu.memref_squeeze %dma_wait3A_1124 : memref<1x64x512xf32, #tpu.memory_space<vmem>> -> memref<64x512xf32, #tpu.memory_space<vmem>>
    %dma_wait3A_1126 = arith.constant 0 : i32
    %dma_wait3A_1127 = tpu.memref_slice %arg3[%dma_wait3A_1126, %multiple_of3A_69] : memref<64x1000000xf32, #tpu.memory_space<hbm>> -> memref<64x512xf32, #tpu.memory_space<hbm>>
    %dma_wait3A_1128 = tpu.memref_slice %arg6[%dma_wait3A_1121] : memref<2x!tpu.dma_semaphore, #tpu.memory_space<semaphore_mem>> -> memref<1x!tpu.dma_semaphore, #tpu.memory_space<semaphore_mem>>
    %dma_wait3A_1129 = tpu.memref_squeeze %dma_wait3A_1128 : memref<1x!tpu.dma_semaphore, #tpu.memory_space<semaphore_mem>> -> memref<!tpu.dma_semaphore, #tpu.memory_space<semaphore_mem>>
    %dma_wait3A_1130 = arith.constant 0 : i32
    %dma_wait3A_1131 = tpu.memref_slice %arg3[%dma_wait3A_1130, %multiple_of3A_69] : memref<64x1000000xf32, #tpu.memory_space<hbm>> -> memref<64x512xf32, #tpu.memory_space<hbm>>
    %dma_wait3A_1132 = arith.constant 0 : i32
    %dma_wait3A_1133 = arith.constant 0 : i32
    %dma_wait3A_1134 = tpu.memref_slice %arg4[%dma_wait3A_1120, %dma_wait3A_1132, %dma_wait3A_1133] : memref<2x64x512xf32, #tpu.memory_space<vmem>> -> memref<1x64x512xf32, #tpu.memory_space<vmem>>
    %dma_wait3A_1135 = tpu.memref_squeeze %dma_wait3A_1134 : memref<1x64x512xf32, #tpu.memory_space<vmem>> -> memref<64x512xf32, #tpu.memory_space<vmem>>
    tpu.wait_dma2 semaphore(%dma_wait3A_1129 : memref<!tpu.dma_semaphore, #tpu.memory_space<semaphore_mem>>) src(%dma_wait3A_1135 : memref<64x512xf32, #tpu.memory_space<vmem>>) dst(%dma_wait3A_1131 : memref<64x512xf32, #tpu.memory_space<hbm>>)
    %dma_start3A_1136 = arith.constant 1 : i32
    %dma_start3A_1137 = arith.constant 1 : i32
    %dma_start3A_1138 = arith.constant 0 : i32
    %dma_start3A_1139 = arith.constant 0 : i32
    %dma_start3A_1140 = tpu.memref_slice %arg4[%dma_start3A_1136, %dma_start3A_1138, %dma_start3A_1139] : memref<2x64x512xf32, #tpu.memory_space<vmem>> -> memref<1x64x512xf32, #tpu.memory_space<vmem>>
    %dma_start3A_1141 = tpu.memref_squeeze %dma_start3A_1140 : memref<1x64x512xf32, #tpu.memory_space<vmem>> -> memref<64x512xf32, #tpu.memory_space<vmem>>
    %dma_start3A_1142 = arith.constant 0 : i32
    %dma_start3A_1143 = tpu.memref_slice %arg2[%dma_start3A_1142, %multiple_of3A_79] : memref<64x1000000xf32, #tpu.memory_space<hbm>> -> memref<64x512xf32, #tpu.memory_space<hbm>>
    %dma_start3A_1144 = tpu.memref_slice %arg5[%dma_start3A_1137] : memref<2x!tpu.dma_semaphore, #tpu.memory_space<semaphore_mem>> -> memref<1x!tpu.dma_semaphore, #tpu.memory_space<semaphore_mem>>
    %dma_start3A_1145 = tpu.memref_squeeze %dma_start3A_1144 : memref<1x!tpu.dma_semaphore, #tpu.memory_space<semaphore_mem>> -> memref<!tpu.dma_semaphore, #tpu.memory_space<semaphore_mem>>
    %dma_start3A_1146 = arith.constant 0 : i32
    %dma_start3A_1147 = arith.constant 0 : i32
    %dma_start3A_1148 = tpu.memref_slice %arg4[%dma_start3A_1136, %dma_start3A_1146, %dma_start3A_1147] : memref<2x64x512xf32, #tpu.memory_space<vmem>> -> memref<1x64x512xf32, #tpu.memory_space<vmem>>
    %dma_start3A_1149 = tpu.memref_squeeze %dma_start3A_1148 : memref<1x64x512xf32, #tpu.memory_space<vmem>> -> memref<64x512xf32, #tpu.memory_space<vmem>>
    %dma_start3A_1150 = arith.constant 0 : i32
    %dma_start3A_1151 = tpu.memref_slice %arg2[%dma_start3A_1150, %multiple_of3A_79] : memref<64x1000000xf32, #tpu.memory_space<hbm>> -> memref<64x512xf32, #tpu.memory_space<hbm>>
    tpu.enqueue_dma source(%dma_start3A_1151 : memref<64x512xf32, #tpu.memory_space<hbm>>) target(%dma_start3A_1149 : memref<64x512xf32, #tpu.memory_space<vmem>>) target_semaphore(%dma_start3A_1145 : memref<!tpu.dma_semaphore, #tpu.memory_space<semaphore_mem>>)
    %dma_start3A_1152 = arith.constant 0 : i32
    %dma_start3A_1153 = arith.constant 0 : i32
    %dma_start3A_1154 = arith.constant 0 : i32
    %dma_start3A_1155 = arith.constant 0 : i32
    %dma_start3A_1156 = tpu.memref_slice %arg4[%dma_start3A_1152, %dma_start3A_1154, %dma_start3A_1155] : memref<2x64x512xf32, #tpu.memory_space<vmem>> -> memref<1x64x512xf32, #tpu.memory_space<vmem>>
    %dma_start3A_1157 = tpu.memref_squeeze %dma_start3A_1156 : memref<1x64x512xf32, #tpu.memory_space<vmem>> -> memref<64x512xf32, #tpu.memory_space<vmem>>
    %dma_start3A_1158 = arith.constant 0 : i32
    %dma_start3A_1159 = tpu.memref_slice %arg3[%dma_start3A_1158, %multiple_of3A_74] : memref<64x1000000xf32, #tpu.memory_space<hbm>> -> memref<64x512xf32, #tpu.memory_space<hbm>>
    %dma_start3A_1160 = tpu.memref_slice %arg6[%dma_start3A_1153] : memref<2x!tpu.dma_semaphore, #tpu.memory_space<semaphore_mem>> -> memref<1x!tpu.dma_semaphore, #tpu.memory_space<semaphore_mem>>
    %dma_start3A_1161 = tpu.memref_squeeze %dma_start3A_1160 : memref<1x!tpu.dma_semaphore, #tpu.memory_space<semaphore_mem>> -> memref<!tpu.dma_semaphore, #tpu.memory_space<semaphore_mem>>
    %dma_start3A_1162 = arith.constant 0 : i32
    %dma_start3A_1163 = tpu.memref_slice %arg3[%dma_start3A_1162, %multiple_of3A_74] : memref<64x1000000xf32, #tpu.memory_space<hbm>> -> memref<64x512xf32, #tpu.memory_space<hbm>>
    %dma_start3A_1164 = arith.constant 0 : i32
    %dma_start3A_1165 = arith.constant 0 : i32
    %dma_start3A_1166 = tpu.memref_slice %arg4[%dma_start3A_1152, %dma_start3A_1164, %dma_start3A_1165] : memref<2x64x512xf32, #tpu.memory_space<vmem>> -> memref<1x64x512xf32, #tpu.memory_space<vmem>>
    %dma_start3A_1167 = tpu.memref_squeeze %dma_start3A_1166 : memref<1x64x512xf32, #tpu.memory_space<vmem>> -> memref<64x512xf32, #tpu.memory_space<vmem>>
    tpu.enqueue_dma source(%dma_start3A_1167 : memref<64x512xf32, #tpu.memory_space<vmem>>) target(%dma_start3A_1163 : memref<64x512xf32, #tpu.memory_space<hbm>>) target_semaphore(%dma_start3A_1161 : memref<!tpu.dma_semaphore, #tpu.memory_space<semaphore_mem>>)
    %dma_wait3A_1168 = arith.constant 1 : i32
    %dma_wait3A_1169 = arith.constant 1 : i32
    %dma_wait3A_1170 = arith.constant 0 : i32
    %dma_wait3A_1171 = arith.constant 0 : i32
    %dma_wait3A_1172 = tpu.memref_slice %arg4[%dma_wait3A_1168, %dma_wait3A_1170, %dma_wait3A_1171] : memref<2x64x512xf32, #tpu.memory_space<vmem>> -> memref<1x64x512xf32, #tpu.memory_space<vmem>>
    %dma_wait3A_1173 = tpu.memref_squeeze %dma_wait3A_1172 : memref<1x64x512xf32, #tpu.memory_space<vmem>> -> memref<64x512xf32, #tpu.memory_space<vmem>>
    %dma_wait3A_1174 = arith.constant 0 : i32
    %dma_wait3A_1175 = tpu.memref_slice %arg2[%dma_wait3A_1174, %multiple_of3A_79] : memref<64x1000000xf32, #tpu.memory_space<hbm>> -> memref<64x512xf32, #tpu.memory_space<hbm>>
    %dma_wait3A_1176 = tpu.memref_slice %arg5[%dma_wait3A_1169] : memref<2x!tpu.dma_semaphore, #tpu.memory_space<semaphore_mem>> -> memref<1x!tpu.dma_semaphore, #tpu.memory_space<semaphore_mem>>
    %dma_wait3A_1177 = tpu.memref_squeeze %dma_wait3A_1176 : memref<1x!tpu.dma_semaphore, #tpu.memory_space<semaphore_mem>> -> memref<!tpu.dma_semaphore, #tpu.memory_space<semaphore_mem>>
    %dma_wait3A_1178 = arith.constant 0 : i32
    %dma_wait3A_1179 = arith.constant 0 : i32
    %dma_wait3A_1180 = tpu.memref_slice %arg4[%dma_wait3A_1168, %dma_wait3A_1178, %dma_wait3A_1179] : memref<2x64x512xf32, #tpu.memory_space<vmem>> -> memref<1x64x512xf32, #tpu.memory_space<vmem>>
    %dma_wait3A_1181 = tpu.memref_squeeze %dma_wait3A_1180 : memref<1x64x512xf32, #tpu.memory_space<vmem>> -> memref<64x512xf32, #tpu.memory_space<vmem>>
    %dma_wait3A_1182 = arith.constant 0 : i32
    %dma_wait3A_1183 = tpu.memref_slice %arg2[%dma_wait3A_1182, %multiple_of3A_79] : memref<64x1000000xf32, #tpu.memory_space<hbm>> -> memref<64x512xf32, #tpu.memory_space<hbm>>
    tpu.wait_dma2 semaphore(%dma_wait3A_1177 : memref<!tpu.dma_semaphore, #tpu.memory_space<semaphore_mem>>) src(%dma_wait3A_1183 : memref<64x512xf32, #tpu.memory_space<hbm>>) dst(%dma_wait3A_1181 : memref<64x512xf32, #tpu.memory_space<vmem>>)
    %dma_wait3A_1184 = arith.constant 0 : i32
    %dma_wait3A_1185 = arith.constant 0 : i32
    %dma_wait3A_1186 = arith.constant 0 : i32
    %dma_wait3A_1187 = arith.constant 0 : i32
    %dma_wait3A_1188 = tpu.memref_slice %arg4[%dma_wait3A_1184, %dma_wait3A_1186, %dma_wait3A_1187] : memref<2x64x512xf32, #tpu.memory_space<vmem>> -> memref<1x64x512xf32, #tpu.memory_space<vmem>>
    %dma_wait3A_1189 = tpu.memref_squeeze %dma_wait3A_1188 : memref<1x64x512xf32, #tpu.memory_space<vmem>> -> memref<64x512xf32, #tpu.memory_space<vmem>>
    %dma_wait3A_1190 = arith.constant 0 : i32
    %dma_wait3A_1191 = tpu.memref_slice %arg3[%dma_wait3A_1190, %multiple_of3A_74] : memref<64x1000000xf32, #tpu.memory_space<hbm>> -> memref<64x512xf32, #tpu.memory_space<hbm>>
    %dma_wait3A_1192 = tpu.memref_slice %arg6[%dma_wait3A_1185] : memref<2x!tpu.dma_semaphore, #tpu.memory_space<semaphore_mem>> -> memref<1x!tpu.dma_semaphore, #tpu.memory_space<semaphore_mem>>
    %dma_wait3A_1193 = tpu.memref_squeeze %dma_wait3A_1192 : memref<1x!tpu.dma_semaphore, #tpu.memory_space<semaphore_mem>> -> memref<!tpu.dma_semaphore, #tpu.memory_space<semaphore_mem>>
    %dma_wait3A_1194 = arith.constant 0 : i32
    %dma_wait3A_1195 = tpu.memref_slice %arg3[%dma_wait3A_1194, %multiple_of3A_74] : memref<64x1000000xf32, #tpu.memory_space<hbm>> -> memref<64x512xf32, #tpu.memory_space<hbm>>
    %dma_wait3A_1196 = arith.constant 0 : i32
    %dma_wait3A_1197 = arith.constant 0 : i32
    %dma_wait3A_1198 = tpu.memref_slice %arg4[%dma_wait3A_1184, %dma_wait3A_1196, %dma_wait3A_1197] : memref<2x64x512xf32, #tpu.memory_space<vmem>> -> memref<1x64x512xf32, #tpu.memory_space<vmem>>
    %dma_wait3A_1199 = tpu.memref_squeeze %dma_wait3A_1198 : memref<1x64x512xf32, #tpu.memory_space<vmem>> -> memref<64x512xf32, #tpu.memory_space<vmem>>
    tpu.wait_dma2 semaphore(%dma_wait3A_1193 : memref<!tpu.dma_semaphore, #tpu.memory_space<semaphore_mem>>) src(%dma_wait3A_1199 : memref<64x512xf32, #tpu.memory_space<vmem>>) dst(%dma_wait3A_1195 : memref<64x512xf32, #tpu.memory_space<hbm>>)
    %dma_start3A_1200 = arith.constant 0 : i32
    %dma_start3A_1201 = arith.constant 0 : i32
    %dma_start3A_1202 = arith.constant 0 : i32
    %dma_start3A_1203 = arith.constant 0 : i32
    %dma_start3A_1204 = tpu.memref_slice %arg4[%dma_start3A_1200, %dma_start3A_1202, %dma_start3A_1203] : memref<2x64x512xf32, #tpu.memory_space<vmem>> -> memref<1x64x512xf32, #tpu.memory_space<vmem>>
    %dma_start3A_1205 = tpu.memref_squeeze %dma_start3A_1204 : memref<1x64x512xf32, #tpu.memory_space<vmem>> -> memref<64x512xf32, #tpu.memory_space<vmem>>
    %dma_start3A_1206 = arith.constant 0 : i32
    %dma_start3A_1207 = tpu.memref_slice %arg2[%dma_start3A_1206, %multiple_of3A_84] : memref<64x1000000xf32, #tpu.memory_space<hbm>> -> memref<64x512xf32, #tpu.memory_space<hbm>>
    %dma_start3A_1208 = tpu.memref_slice %arg5[%dma_start3A_1201] : memref<2x!tpu.dma_semaphore, #tpu.memory_space<semaphore_mem>> -> memref<1x!tpu.dma_semaphore, #tpu.memory_space<semaphore_mem>>
    %dma_start3A_1209 = tpu.memref_squeeze %dma_start3A_1208 : memref<1x!tpu.dma_semaphore, #tpu.memory_space<semaphore_mem>> -> memref<!tpu.dma_semaphore, #tpu.memory_space<semaphore_mem>>
    %dma_start3A_1210 = arith.constant 0 : i32
    %dma_start3A_1211 = arith.constant 0 : i32
    %dma_start3A_1212 = tpu.memref_slice %arg4[%dma_start3A_1200, %dma_start3A_1210, %dma_start3A_1211] : memref<2x64x512xf32, #tpu.memory_space<vmem>> -> memref<1x64x512xf32, #tpu.memory_space<vmem>>
    %dma_start3A_1213 = tpu.memref_squeeze %dma_start3A_1212 : memref<1x64x512xf32, #tpu.memory_space<vmem>> -> memref<64x512xf32, #tpu.memory_space<vmem>>
    %dma_start3A_1214 = arith.constant 0 : i32
    %dma_start3A_1215 = tpu.memref_slice %arg2[%dma_start3A_1214, %multiple_of3A_84] : memref<64x1000000xf32, #tpu.memory_space<hbm>> -> memref<64x512xf32, #tpu.memory_space<hbm>>
    tpu.enqueue_dma source(%dma_start3A_1215 : memref<64x512xf32, #tpu.memory_space<hbm>>) target(%dma_start3A_1213 : memref<64x512xf32, #tpu.memory_space<vmem>>) target_semaphore(%dma_start3A_1209 : memref<!tpu.dma_semaphore, #tpu.memory_space<semaphore_mem>>)
    %dma_start3A_1216 = arith.constant 1 : i32
    %dma_start3A_1217 = arith.constant 1 : i32
    %dma_start3A_1218 = arith.constant 0 : i32
    %dma_start3A_1219 = arith.constant 0 : i32
    %dma_start3A_1220 = tpu.memref_slice %arg4[%dma_start3A_1216, %dma_start3A_1218, %dma_start3A_1219] : memref<2x64x512xf32, #tpu.memory_space<vmem>> -> memref<1x64x512xf32, #tpu.memory_space<vmem>>
    %dma_start3A_1221 = tpu.memref_squeeze %dma_start3A_1220 : memref<1x64x512xf32, #tpu.memory_space<vmem>> -> memref<64x512xf32, #tpu.memory_space<vmem>>
    %dma_start3A_1222 = arith.constant 0 : i32
    %dma_start3A_1223 = tpu.memref_slice %arg3[%dma_start3A_1222, %multiple_of3A_79] : memref<64x1000000xf32, #tpu.memory_space<hbm>> -> memref<64x512xf32, #tpu.memory_space<hbm>>
    %dma_start3A_1224 = tpu.memref_slice %arg6[%dma_start3A_1217] : memref<2x!tpu.dma_semaphore, #tpu.memory_space<semaphore_mem>> -> memref<1x!tpu.dma_semaphore, #tpu.memory_space<semaphore_mem>>
    %dma_start3A_1225 = tpu.memref_squeeze %dma_start3A_1224 : memref<1x!tpu.dma_semaphore, #tpu.memory_space<semaphore_mem>> -> memref<!tpu.dma_semaphore, #tpu.memory_space<semaphore_mem>>
    %dma_start3A_1226 = arith.constant 0 : i32
    %dma_start3A_1227 = tpu.memref_slice %arg3[%dma_start3A_1226, %multiple_of3A_79] : memref<64x1000000xf32, #tpu.memory_space<hbm>> -> memref<64x512xf32, #tpu.memory_space<hbm>>
    %dma_start3A_1228 = arith.constant 0 : i32
    %dma_start3A_1229 = arith.constant 0 : i32
    %dma_start3A_1230 = tpu.memref_slice %arg4[%dma_start3A_1216, %dma_start3A_1228, %dma_start3A_1229] : memref<2x64x512xf32, #tpu.memory_space<vmem>> -> memref<1x64x512xf32, #tpu.memory_space<vmem>>
    %dma_start3A_1231 = tpu.memref_squeeze %dma_start3A_1230 : memref<1x64x512xf32, #tpu.memory_space<vmem>> -> memref<64x512xf32, #tpu.memory_space<vmem>>
    tpu.enqueue_dma source(%dma_start3A_1231 : memref<64x512xf32, #tpu.memory_space<vmem>>) target(%dma_start3A_1227 : memref<64x512xf32, #tpu.memory_space<hbm>>) target_semaphore(%dma_start3A_1225 : memref<!tpu.dma_semaphore, #tpu.memory_space<semaphore_mem>>)
    %dma_wait3A_1232 = arith.constant 0 : i32
    %dma_wait3A_1233 = arith.constant 0 : i32
    %dma_wait3A_1234 = arith.constant 0 : i32
    %dma_wait3A_1235 = arith.constant 0 : i32
    %dma_wait3A_1236 = tpu.memref_slice %arg4[%dma_wait3A_1232, %dma_wait3A_1234, %dma_wait3A_1235] : memref<2x64x512xf32, #tpu.memory_space<vmem>> -> memref<1x64x512xf32, #tpu.memory_space<vmem>>
    %dma_wait3A_1237 = tpu.memref_squeeze %dma_wait3A_1236 : memref<1x64x512xf32, #tpu.memory_space<vmem>> -> memref<64x512xf32, #tpu.memory_space<vmem>>
    %dma_wait3A_1238 = arith.constant 0 : i32
    %dma_wait3A_1239 = tpu.memref_slice %arg2[%dma_wait3A_1238, %multiple_of3A_84] : memref<64x1000000xf32, #tpu.memory_space<hbm>> -> memref<64x512xf32, #tpu.memory_space<hbm>>
    %dma_wait3A_1240 = tpu.memref_slice %arg5[%dma_wait3A_1233] : memref<2x!tpu.dma_semaphore, #tpu.memory_space<semaphore_mem>> -> memref<1x!tpu.dma_semaphore, #tpu.memory_space<semaphore_mem>>
    %dma_wait3A_1241 = tpu.memref_squeeze %dma_wait3A_1240 : memref<1x!tpu.dma_semaphore, #tpu.memory_space<semaphore_mem>> -> memref<!tpu.dma_semaphore, #tpu.memory_space<semaphore_mem>>
    %dma_wait3A_1242 = arith.constant 0 : i32
    %dma_wait3A_1243 = arith.constant 0 : i32
    %dma_wait3A_1244 = tpu.memref_slice %arg4[%dma_wait3A_1232, %dma_wait3A_1242, %dma_wait3A_1243] : memref<2x64x512xf32, #tpu.memory_space<vmem>> -> memref<1x64x512xf32, #tpu.memory_space<vmem>>
    %dma_wait3A_1245 = tpu.memref_squeeze %dma_wait3A_1244 : memref<1x64x512xf32, #tpu.memory_space<vmem>> -> memref<64x512xf32, #tpu.memory_space<vmem>>
    %dma_wait3A_1246 = arith.constant 0 : i32
    %dma_wait3A_1247 = tpu.memref_slice %arg2[%dma_wait3A_1246, %multiple_of3A_84] : memref<64x1000000xf32, #tpu.memory_space<hbm>> -> memref<64x512xf32, #tpu.memory_space<hbm>>
    tpu.wait_dma2 semaphore(%dma_wait3A_1241 : memref<!tpu.dma_semaphore, #tpu.memory_space<semaphore_mem>>) src(%dma_wait3A_1247 : memref<64x512xf32, #tpu.memory_space<hbm>>) dst(%dma_wait3A_1245 : memref<64x512xf32, #tpu.memory_space<vmem>>)
    %dma_wait3A_1248 = arith.constant 1 : i32
    %dma_wait3A_1249 = arith.constant 1 : i32
    %dma_wait3A_1250 = arith.constant 0 : i32
    %dma_wait3A_1251 = arith.constant 0 : i32
    %dma_wait3A_1252 = tpu.memref_slice %arg4[%dma_wait3A_1248, %dma_wait3A_1250, %dma_wait3A_1251] : memref<2x64x512xf32, #tpu.memory_space<vmem>> -> memref<1x64x512xf32, #tpu.memory_space<vmem>>
    %dma_wait3A_1253 = tpu.memref_squeeze %dma_wait3A_1252 : memref<1x64x512xf32, #tpu.memory_space<vmem>> -> memref<64x512xf32, #tpu.memory_space<vmem>>
    %dma_wait3A_1254 = arith.constant 0 : i32
    %dma_wait3A_1255 = tpu.memref_slice %arg3[%dma_wait3A_1254, %multiple_of3A_79] : memref<64x1000000xf32, #tpu.memory_space<hbm>> -> memref<64x512xf32, #tpu.memory_space<hbm>>
    %dma_wait3A_1256 = tpu.memref_slice %arg6[%dma_wait3A_1249] : memref<2x!tpu.dma_semaphore, #tpu.memory_space<semaphore_mem>> -> memref<1x!tpu.dma_semaphore, #tpu.memory_space<semaphore_mem>>
    %dma_wait3A_1257 = tpu.memref_squeeze %dma_wait3A_1256 : memref<1x!tpu.dma_semaphore, #tpu.memory_space<semaphore_mem>> -> memref<!tpu.dma_semaphore, #tpu.memory_space<semaphore_mem>>
    %dma_wait3A_1258 = arith.constant 0 : i32
    %dma_wait3A_1259 = tpu.memref_slice %arg3[%dma_wait3A_1258, %multiple_of3A_79] : memref<64x1000000xf32, #tpu.memory_space<hbm>> -> memref<64x512xf32, #tpu.memory_space<hbm>>
    %dma_wait3A_1260 = arith.constant 0 : i32
    %dma_wait3A_1261 = arith.constant 0 : i32
    %dma_wait3A_1262 = tpu.memref_slice %arg4[%dma_wait3A_1248, %dma_wait3A_1260, %dma_wait3A_1261] : memref<2x64x512xf32, #tpu.memory_space<vmem>> -> memref<1x64x512xf32, #tpu.memory_space<vmem>>
    %dma_wait3A_1263 = tpu.memref_squeeze %dma_wait3A_1262 : memref<1x64x512xf32, #tpu.memory_space<vmem>> -> memref<64x512xf32, #tpu.memory_space<vmem>>
    tpu.wait_dma2 semaphore(%dma_wait3A_1257 : memref<!tpu.dma_semaphore, #tpu.memory_space<semaphore_mem>>) src(%dma_wait3A_1263 : memref<64x512xf32, #tpu.memory_space<vmem>>) dst(%dma_wait3A_1259 : memref<64x512xf32, #tpu.memory_space<hbm>>)
    %dma_start3A_1264 = arith.constant 1 : i32
    %dma_start3A_1265 = arith.constant 1 : i32
    %dma_start3A_1266 = arith.constant 0 : i32
    %dma_start3A_1267 = arith.constant 0 : i32
    %dma_start3A_1268 = tpu.memref_slice %arg4[%dma_start3A_1264, %dma_start3A_1266, %dma_start3A_1267] : memref<2x64x512xf32, #tpu.memory_space<vmem>> -> memref<1x64x512xf32, #tpu.memory_space<vmem>>
    %dma_start3A_1269 = tpu.memref_squeeze %dma_start3A_1268 : memref<1x64x512xf32, #tpu.memory_space<vmem>> -> memref<64x512xf32, #tpu.memory_space<vmem>>
    %dma_start3A_1270 = arith.constant 0 : i32
    %dma_start3A_1271 = tpu.memref_slice %arg2[%dma_start3A_1270, %multiple_of3A_89] : memref<64x1000000xf32, #tpu.memory_space<hbm>> -> memref<64x512xf32, #tpu.memory_space<hbm>>
    %dma_start3A_1272 = tpu.memref_slice %arg5[%dma_start3A_1265] : memref<2x!tpu.dma_semaphore, #tpu.memory_space<semaphore_mem>> -> memref<1x!tpu.dma_semaphore, #tpu.memory_space<semaphore_mem>>
    %dma_start3A_1273 = tpu.memref_squeeze %dma_start3A_1272 : memref<1x!tpu.dma_semaphore, #tpu.memory_space<semaphore_mem>> -> memref<!tpu.dma_semaphore, #tpu.memory_space<semaphore_mem>>
    %dma_start3A_1274 = arith.constant 0 : i32
    %dma_start3A_1275 = arith.constant 0 : i32
    %dma_start3A_1276 = tpu.memref_slice %arg4[%dma_start3A_1264, %dma_start3A_1274, %dma_start3A_1275] : memref<2x64x512xf32, #tpu.memory_space<vmem>> -> memref<1x64x512xf32, #tpu.memory_space<vmem>>
    %dma_start3A_1277 = tpu.memref_squeeze %dma_start3A_1276 : memref<1x64x512xf32, #tpu.memory_space<vmem>> -> memref<64x512xf32, #tpu.memory_space<vmem>>
    %dma_start3A_1278 = arith.constant 0 : i32
    %dma_start3A_1279 = tpu.memref_slice %arg2[%dma_start3A_1278, %multiple_of3A_89] : memref<64x1000000xf32, #tpu.memory_space<hbm>> -> memref<64x512xf32, #tpu.memory_space<hbm>>
    tpu.enqueue_dma source(%dma_start3A_1279 : memref<64x512xf32, #tpu.memory_space<hbm>>) target(%dma_start3A_1277 : memref<64x512xf32, #tpu.memory_space<vmem>>) target_semaphore(%dma_start3A_1273 : memref<!tpu.dma_semaphore, #tpu.memory_space<semaphore_mem>>)
    %dma_start3A_1280 = arith.constant 0 : i32
    %dma_start3A_1281 = arith.constant 0 : i32
    %dma_start3A_1282 = arith.constant 0 : i32
    %dma_start3A_1283 = arith.constant 0 : i32
    %dma_start3A_1284 = tpu.memref_slice %arg4[%dma_start3A_1280, %dma_start3A_1282, %dma_start3A_1283] : memref<2x64x512xf32, #tpu.memory_space<vmem>> -> memref<1x64x512xf32, #tpu.memory_space<vmem>>
    %dma_start3A_1285 = tpu.memref_squeeze %dma_start3A_1284 : memref<1x64x512xf32, #tpu.memory_space<vmem>> -> memref<64x512xf32, #tpu.memory_space<vmem>>
    %dma_start3A_1286 = arith.constant 0 : i32
    %dma_start3A_1287 = tpu.memref_slice %arg3[%dma_start3A_1286, %multiple_of3A_84] : memref<64x1000000xf32, #tpu.memory_space<hbm>> -> memref<64x512xf32, #tpu.memory_space<hbm>>
    %dma_start3A_1288 = tpu.memref_slice %arg6[%dma_start3A_1281] : memref<2x!tpu.dma_semaphore, #tpu.memory_space<semaphore_mem>> -> memref<1x!tpu.dma_semaphore, #tpu.memory_space<semaphore_mem>>
    %dma_start3A_1289 = tpu.memref_squeeze %dma_start3A_1288 : memref<1x!tpu.dma_semaphore, #tpu.memory_space<semaphore_mem>> -> memref<!tpu.dma_semaphore, #tpu.memory_space<semaphore_mem>>
    %dma_start3A_1290 = arith.constant 0 : i32
    %dma_start3A_1291 = tpu.memref_slice %arg3[%dma_start3A_1290, %multiple_of3A_84] : memref<64x1000000xf32, #tpu.memory_space<hbm>> -> memref<64x512xf32, #tpu.memory_space<hbm>>
    %dma_start3A_1292 = arith.constant 0 : i32
    %dma_start3A_1293 = arith.constant 0 : i32
    %dma_start3A_1294 = tpu.memref_slice %arg4[%dma_start3A_1280, %dma_start3A_1292, %dma_start3A_1293] : memref<2x64x512xf32, #tpu.memory_space<vmem>> -> memref<1x64x512xf32, #tpu.memory_space<vmem>>
    %dma_start3A_1295 = tpu.memref_squeeze %dma_start3A_1294 : memref<1x64x512xf32, #tpu.memory_space<vmem>> -> memref<64x512xf32, #tpu.memory_space<vmem>>
    tpu.enqueue_dma source(%dma_start3A_1295 : memref<64x512xf32, #tpu.memory_space<vmem>>) target(%dma_start3A_1291 : memref<64x512xf32, #tpu.memory_space<hbm>>) target_semaphore(%dma_start3A_1289 : memref<!tpu.dma_semaphore, #tpu.memory_space<semaphore_mem>>)
    %dma_wait3A_1296 = arith.constant 1 : i32
    %dma_wait3A_1297 = arith.constant 1 : i32
    %dma_wait3A_1298 = arith.constant 0 : i32
    %dma_wait3A_1299 = arith.constant 0 : i32
    %dma_wait3A_1300 = tpu.memref_slice %arg4[%dma_wait3A_1296, %dma_wait3A_1298, %dma_wait3A_1299] : memref<2x64x512xf32, #tpu.memory_space<vmem>> -> memref<1x64x512xf32, #tpu.memory_space<vmem>>
    %dma_wait3A_1301 = tpu.memref_squeeze %dma_wait3A_1300 : memref<1x64x512xf32, #tpu.memory_space<vmem>> -> memref<64x512xf32, #tpu.memory_space<vmem>>
    %dma_wait3A_1302 = arith.constant 0 : i32
    %dma_wait3A_1303 = tpu.memref_slice %arg2[%dma_wait3A_1302, %multiple_of3A_89] : memref<64x1000000xf32, #tpu.memory_space<hbm>> -> memref<64x512xf32, #tpu.memory_space<hbm>>
    %dma_wait3A_1304 = tpu.memref_slice %arg5[%dma_wait3A_1297] : memref<2x!tpu.dma_semaphore, #tpu.memory_space<semaphore_mem>> -> memref<1x!tpu.dma_semaphore, #tpu.memory_space<semaphore_mem>>
    %dma_wait3A_1305 = tpu.memref_squeeze %dma_wait3A_1304 : memref<1x!tpu.dma_semaphore, #tpu.memory_space<semaphore_mem>> -> memref<!tpu.dma_semaphore, #tpu.memory_space<semaphore_mem>>
    %dma_wait3A_1306 = arith.constant 0 : i32
    %dma_wait3A_1307 = arith.constant 0 : i32
    %dma_wait3A_1308 = tpu.memref_slice %arg4[%dma_wait3A_1296, %dma_wait3A_1306, %dma_wait3A_1307] : memref<2x64x512xf32, #tpu.memory_space<vmem>> -> memref<1x64x512xf32, #tpu.memory_space<vmem>>
    %dma_wait3A_1309 = tpu.memref_squeeze %dma_wait3A_1308 : memref<1x64x512xf32, #tpu.memory_space<vmem>> -> memref<64x512xf32, #tpu.memory_space<vmem>>
    %dma_wait3A_1310 = arith.constant 0 : i32
    %dma_wait3A_1311 = tpu.memref_slice %arg2[%dma_wait3A_1310, %multiple_of3A_89] : memref<64x1000000xf32, #tpu.memory_space<hbm>> -> memref<64x512xf32, #tpu.memory_space<hbm>>
    tpu.wait_dma2 semaphore(%dma_wait3A_1305 : memref<!tpu.dma_semaphore, #tpu.memory_space<semaphore_mem>>) src(%dma_wait3A_1311 : memref<64x512xf32, #tpu.memory_space<hbm>>) dst(%dma_wait3A_1309 : memref<64x512xf32, #tpu.memory_space<vmem>>)
    %dma_wait3A_1312 = arith.constant 0 : i32
    %dma_wait3A_1313 = arith.constant 0 : i32
    %dma_wait3A_1314 = arith.constant 0 : i32
    %dma_wait3A_1315 = arith.constant 0 : i32
    %dma_wait3A_1316 = tpu.memref_slice %arg4[%dma_wait3A_1312, %dma_wait3A_1314, %dma_wait3A_1315] : memref<2x64x512xf32, #tpu.memory_space<vmem>> -> memref<1x64x512xf32, #tpu.memory_space<vmem>>
    %dma_wait3A_1317 = tpu.memref_squeeze %dma_wait3A_1316 : memref<1x64x512xf32, #tpu.memory_space<vmem>> -> memref<64x512xf32, #tpu.memory_space<vmem>>
    %dma_wait3A_1318 = arith.constant 0 : i32
    %dma_wait3A_1319 = tpu.memref_slice %arg3[%dma_wait3A_1318, %multiple_of3A_84] : memref<64x1000000xf32, #tpu.memory_space<hbm>> -> memref<64x512xf32, #tpu.memory_space<hbm>>
    %dma_wait3A_1320 = tpu.memref_slice %arg6[%dma_wait3A_1313] : memref<2x!tpu.dma_semaphore, #tpu.memory_space<semaphore_mem>> -> memref<1x!tpu.dma_semaphore, #tpu.memory_space<semaphore_mem>>
    %dma_wait3A_1321 = tpu.memref_squeeze %dma_wait3A_1320 : memref<1x!tpu.dma_semaphore, #tpu.memory_space<semaphore_mem>> -> memref<!tpu.dma_semaphore, #tpu.memory_space<semaphore_mem>>
    %dma_wait3A_1322 = arith.constant 0 : i32
    %dma_wait3A_1323 = tpu.memref_slice %arg3[%dma_wait3A_1322, %multiple_of3A_84] : memref<64x1000000xf32, #tpu.memory_space<hbm>> -> memref<64x512xf32, #tpu.memory_space<hbm>>
    %dma_wait3A_1324 = arith.constant 0 : i32
    %dma_wait3A_1325 = arith.constant 0 : i32
    %dma_wait3A_1326 = tpu.memref_slice %arg4[%dma_wait3A_1312, %dma_wait3A_1324, %dma_wait3A_1325] : memref<2x64x512xf32, #tpu.memory_space<vmem>> -> memref<1x64x512xf32, #tpu.memory_space<vmem>>
    %dma_wait3A_1327 = tpu.memref_squeeze %dma_wait3A_1326 : memref<1x64x512xf32, #tpu.memory_space<vmem>> -> memref<64x512xf32, #tpu.memory_space<vmem>>
    tpu.wait_dma2 semaphore(%dma_wait3A_1321 : memref<!tpu.dma_semaphore, #tpu.memory_space<semaphore_mem>>) src(%dma_wait3A_1327 : memref<64x512xf32, #tpu.memory_space<vmem>>) dst(%dma_wait3A_1323 : memref<64x512xf32, #tpu.memory_space<hbm>>)
    %dma_start3A_1328 = arith.constant 0 : i32
    %dma_start3A_1329 = arith.constant 0 : i32
    %dma_start3A_1330 = arith.constant 0 : i32
    %dma_start3A_1331 = arith.constant 0 : i32
    %dma_start3A_1332 = tpu.memref_slice %arg4[%dma_start3A_1328, %dma_start3A_1330, %dma_start3A_1331] : memref<2x64x512xf32, #tpu.memory_space<vmem>> -> memref<1x64x512xf32, #tpu.memory_space<vmem>>
    %dma_start3A_1333 = tpu.memref_squeeze %dma_start3A_1332 : memref<1x64x512xf32, #tpu.memory_space<vmem>> -> memref<64x512xf32, #tpu.memory_space<vmem>>
    %dma_start3A_1334 = arith.constant 0 : i32
    %dma_start3A_1335 = tpu.memref_slice %arg2[%dma_start3A_1334, %multiple_of3A_94] : memref<64x1000000xf32, #tpu.memory_space<hbm>> -> memref<64x512xf32, #tpu.memory_space<hbm>>
    %dma_start3A_1336 = tpu.memref_slice %arg5[%dma_start3A_1329] : memref<2x!tpu.dma_semaphore, #tpu.memory_space<semaphore_mem>> -> memref<1x!tpu.dma_semaphore, #tpu.memory_space<semaphore_mem>>
    %dma_start3A_1337 = tpu.memref_squeeze %dma_start3A_1336 : memref<1x!tpu.dma_semaphore, #tpu.memory_space<semaphore_mem>> -> memref<!tpu.dma_semaphore, #tpu.memory_space<semaphore_mem>>
    %dma_start3A_1338 = arith.constant 0 : i32
    %dma_start3A_1339 = arith.constant 0 : i32
    %dma_start3A_1340 = tpu.memref_slice %arg4[%dma_start3A_1328, %dma_start3A_1338, %dma_start3A_1339] : memref<2x64x512xf32, #tpu.memory_space<vmem>> -> memref<1x64x512xf32, #tpu.memory_space<vmem>>
    %dma_start3A_1341 = tpu.memref_squeeze %dma_start3A_1340 : memref<1x64x512xf32, #tpu.memory_space<vmem>> -> memref<64x512xf32, #tpu.memory_space<vmem>>
    %dma_start3A_1342 = arith.constant 0 : i32
    %dma_start3A_1343 = tpu.memref_slice %arg2[%dma_start3A_1342, %multiple_of3A_94] : memref<64x1000000xf32, #tpu.memory_space<hbm>> -> memref<64x512xf32, #tpu.memory_space<hbm>>
    tpu.enqueue_dma source(%dma_start3A_1343 : memref<64x512xf32, #tpu.memory_space<hbm>>) target(%dma_start3A_1341 : memref<64x512xf32, #tpu.memory_space<vmem>>) target_semaphore(%dma_start3A_1337 : memref<!tpu.dma_semaphore, #tpu.memory_space<semaphore_mem>>)
    %dma_start3A_1344 = arith.constant 1 : i32
    %dma_start3A_1345 = arith.constant 1 : i32
    %dma_start3A_1346 = arith.constant 0 : i32
    %dma_start3A_1347 = arith.constant 0 : i32
    %dma_start3A_1348 = tpu.memref_slice %arg4[%dma_start3A_1344, %dma_start3A_1346, %dma_start3A_1347] : memref<2x64x512xf32, #tpu.memory_space<vmem>> -> memref<1x64x512xf32, #tpu.memory_space<vmem>>
    %dma_start3A_1349 = tpu.memref_squeeze %dma_start3A_1348 : memref<1x64x512xf32, #tpu.memory_space<vmem>> -> memref<64x512xf32, #tpu.memory_space<vmem>>
    %dma_start3A_1350 = arith.constant 0 : i32
    %dma_start3A_1351 = tpu.memref_slice %arg3[%dma_start3A_1350, %multiple_of3A_89] : memref<64x1000000xf32, #tpu.memory_space<hbm>> -> memref<64x512xf32, #tpu.memory_space<hbm>>
    %dma_start3A_1352 = tpu.memref_slice %arg6[%dma_start3A_1345] : memref<2x!tpu.dma_semaphore, #tpu.memory_space<semaphore_mem>> -> memref<1x!tpu.dma_semaphore, #tpu.memory_space<semaphore_mem>>
    %dma_start3A_1353 = tpu.memref_squeeze %dma_start3A_1352 : memref<1x!tpu.dma_semaphore, #tpu.memory_space<semaphore_mem>> -> memref<!tpu.dma_semaphore, #tpu.memory_space<semaphore_mem>>
    %dma_start3A_1354 = arith.constant 0 : i32
    %dma_start3A_1355 = tpu.memref_slice %arg3[%dma_start3A_1354, %multiple_of3A_89] : memref<64x1000000xf32, #tpu.memory_space<hbm>> -> memref<64x512xf32, #tpu.memory_space<hbm>>
    %dma_start3A_1356 = arith.constant 0 : i32
    %dma_start3A_1357 = arith.constant 0 : i32
    %dma_start3A_1358 = tpu.memref_slice %arg4[%dma_start3A_1344, %dma_start3A_1356, %dma_start3A_1357] : memref<2x64x512xf32, #tpu.memory_space<vmem>> -> memref<1x64x512xf32, #tpu.memory_space<vmem>>
    %dma_start3A_1359 = tpu.memref_squeeze %dma_start3A_1358 : memref<1x64x512xf32, #tpu.memory_space<vmem>> -> memref<64x512xf32, #tpu.memory_space<vmem>>
    tpu.enqueue_dma source(%dma_start3A_1359 : memref<64x512xf32, #tpu.memory_space<vmem>>) target(%dma_start3A_1355 : memref<64x512xf32, #tpu.memory_space<hbm>>) target_semaphore(%dma_start3A_1353 : memref<!tpu.dma_semaphore, #tpu.memory_space<semaphore_mem>>)
    %dma_wait3A_1360 = arith.constant 0 : i32
    %dma_wait3A_1361 = arith.constant 0 : i32
    %dma_wait3A_1362 = arith.constant 0 : i32
    %dma_wait3A_1363 = arith.constant 0 : i32
    %dma_wait3A_1364 = tpu.memref_slice %arg4[%dma_wait3A_1360, %dma_wait3A_1362, %dma_wait3A_1363] : memref<2x64x512xf32, #tpu.memory_space<vmem>> -> memref<1x64x512xf32, #tpu.memory_space<vmem>>
    %dma_wait3A_1365 = tpu.memref_squeeze %dma_wait3A_1364 : memref<1x64x512xf32, #tpu.memory_space<vmem>> -> memref<64x512xf32, #tpu.memory_space<vmem>>
    %dma_wait3A_1366 = arith.constant 0 : i32
    %dma_wait3A_1367 = tpu.memref_slice %arg2[%dma_wait3A_1366, %multiple_of3A_94] : memref<64x1000000xf32, #tpu.memory_space<hbm>> -> memref<64x512xf32, #tpu.memory_space<hbm>>
    %dma_wait3A_1368 = tpu.memref_slice %arg5[%dma_wait3A_1361] : memref<2x!tpu.dma_semaphore, #tpu.memory_space<semaphore_mem>> -> memref<1x!tpu.dma_semaphore, #tpu.memory_space<semaphore_mem>>
    %dma_wait3A_1369 = tpu.memref_squeeze %dma_wait3A_1368 : memref<1x!tpu.dma_semaphore, #tpu.memory_space<semaphore_mem>> -> memref<!tpu.dma_semaphore, #tpu.memory_space<semaphore_mem>>
    %dma_wait3A_1370 = arith.constant 0 : i32
    %dma_wait3A_1371 = arith.constant 0 : i32
    %dma_wait3A_1372 = tpu.memref_slice %arg4[%dma_wait3A_1360, %dma_wait3A_1370, %dma_wait3A_1371] : memref<2x64x512xf32, #tpu.memory_space<vmem>> -> memref<1x64x512xf32, #tpu.memory_space<vmem>>
    %dma_wait3A_1373 = tpu.memref_squeeze %dma_wait3A_1372 : memref<1x64x512xf32, #tpu.memory_space<vmem>> -> memref<64x512xf32, #tpu.memory_space<vmem>>
    %dma_wait3A_1374 = arith.constant 0 : i32
    %dma_wait3A_1375 = tpu.memref_slice %arg2[%dma_wait3A_1374, %multiple_of3A_94] : memref<64x1000000xf32, #tpu.memory_space<hbm>> -> memref<64x512xf32, #tpu.memory_space<hbm>>
    tpu.wait_dma2 semaphore(%dma_wait3A_1369 : memref<!tpu.dma_semaphore, #tpu.memory_space<semaphore_mem>>) src(%dma_wait3A_1375 : memref<64x512xf32, #tpu.memory_space<hbm>>) dst(%dma_wait3A_1373 : memref<64x512xf32, #tpu.memory_space<vmem>>)
    %dma_wait3A_1376 = arith.constant 1 : i32
    %dma_wait3A_1377 = arith.constant 1 : i32
    %dma_wait3A_1378 = arith.constant 0 : i32
    %dma_wait3A_1379 = arith.constant 0 : i32
    %dma_wait3A_1380 = tpu.memref_slice %arg4[%dma_wait3A_1376, %dma_wait3A_1378, %dma_wait3A_1379] : memref<2x64x512xf32, #tpu.memory_space<vmem>> -> memref<1x64x512xf32, #tpu.memory_space<vmem>>
    %dma_wait3A_1381 = tpu.memref_squeeze %dma_wait3A_1380 : memref<1x64x512xf32, #tpu.memory_space<vmem>> -> memref<64x512xf32, #tpu.memory_space<vmem>>
    %dma_wait3A_1382 = arith.constant 0 : i32
    %dma_wait3A_1383 = tpu.memref_slice %arg3[%dma_wait3A_1382, %multiple_of3A_89] : memref<64x1000000xf32, #tpu.memory_space<hbm>> -> memref<64x512xf32, #tpu.memory_space<hbm>>
    %dma_wait3A_1384 = tpu.memref_slice %arg6[%dma_wait3A_1377] : memref<2x!tpu.dma_semaphore, #tpu.memory_space<semaphore_mem>> -> memref<1x!tpu.dma_semaphore, #tpu.memory_space<semaphore_mem>>
    %dma_wait3A_1385 = tpu.memref_squeeze %dma_wait3A_1384 : memref<1x!tpu.dma_semaphore, #tpu.memory_space<semaphore_mem>> -> memref<!tpu.dma_semaphore, #tpu.memory_space<semaphore_mem>>
    %dma_wait3A_1386 = arith.constant 0 : i32
    %dma_wait3A_1387 = tpu.memref_slice %arg3[%dma_wait3A_1386, %multiple_of3A_89] : memref<64x1000000xf32, #tpu.memory_space<hbm>> -> memref<64x512xf32, #tpu.memory_space<hbm>>
    %dma_wait3A_1388 = arith.constant 0 : i32
    %dma_wait3A_1389 = arith.constant 0 : i32
    %dma_wait3A_1390 = tpu.memref_slice %arg4[%dma_wait3A_1376, %dma_wait3A_1388, %dma_wait3A_1389] : memref<2x64x512xf32, #tpu.memory_space<vmem>> -> memref<1x64x512xf32, #tpu.memory_space<vmem>>
    %dma_wait3A_1391 = tpu.memref_squeeze %dma_wait3A_1390 : memref<1x64x512xf32, #tpu.memory_space<vmem>> -> memref<64x512xf32, #tpu.memory_space<vmem>>
    tpu.wait_dma2 semaphore(%dma_wait3A_1385 : memref<!tpu.dma_semaphore, #tpu.memory_space<semaphore_mem>>) src(%dma_wait3A_1391 : memref<64x512xf32, #tpu.memory_space<vmem>>) dst(%dma_wait3A_1387 : memref<64x512xf32, #tpu.memory_space<hbm>>)
    %dma_start3A_1392 = arith.constant 1 : i32
    %dma_start3A_1393 = arith.constant 1 : i32
    %dma_start3A_1394 = arith.constant 0 : i32
    %dma_start3A_1395 = arith.constant 0 : i32
    %dma_start3A_1396 = tpu.memref_slice %arg4[%dma_start3A_1392, %dma_start3A_1394, %dma_start3A_1395] : memref<2x64x512xf32, #tpu.memory_space<vmem>> -> memref<1x64x512xf32, #tpu.memory_space<vmem>>
    %dma_start3A_1397 = tpu.memref_squeeze %dma_start3A_1396 : memref<1x64x512xf32, #tpu.memory_space<vmem>> -> memref<64x512xf32, #tpu.memory_space<vmem>>
    %dma_start3A_1398 = arith.constant 0 : i32
    %dma_start3A_1399 = tpu.memref_slice %arg2[%dma_start3A_1398, %multiple_of3A_99] : memref<64x1000000xf32, #tpu.memory_space<hbm>> -> memref<64x512xf32, #tpu.memory_space<hbm>>
    %dma_start3A_1400 = tpu.memref_slice %arg5[%dma_start3A_1393] : memref<2x!tpu.dma_semaphore, #tpu.memory_space<semaphore_mem>> -> memref<1x!tpu.dma_semaphore, #tpu.memory_space<semaphore_mem>>
    %dma_start3A_1401 = tpu.memref_squeeze %dma_start3A_1400 : memref<1x!tpu.dma_semaphore, #tpu.memory_space<semaphore_mem>> -> memref<!tpu.dma_semaphore, #tpu.memory_space<semaphore_mem>>
    %dma_start3A_1402 = arith.constant 0 : i32
    %dma_start3A_1403 = arith.constant 0 : i32
    %dma_start3A_1404 = tpu.memref_slice %arg4[%dma_start3A_1392, %dma_start3A_1402, %dma_start3A_1403] : memref<2x64x512xf32, #tpu.memory_space<vmem>> -> memref<1x64x512xf32, #tpu.memory_space<vmem>>
    %dma_start3A_1405 = tpu.memref_squeeze %dma_start3A_1404 : memref<1x64x512xf32, #tpu.memory_space<vmem>> -> memref<64x512xf32, #tpu.memory_space<vmem>>
    %dma_start3A_1406 = arith.constant 0 : i32
    %dma_start3A_1407 = tpu.memref_slice %arg2[%dma_start3A_1406, %multiple_of3A_99] : memref<64x1000000xf32, #tpu.memory_space<hbm>> -> memref<64x512xf32, #tpu.memory_space<hbm>>
    tpu.enqueue_dma source(%dma_start3A_1407 : memref<64x512xf32, #tpu.memory_space<hbm>>) target(%dma_start3A_1405 : memref<64x512xf32, #tpu.memory_space<vmem>>) target_semaphore(%dma_start3A_1401 : memref<!tpu.dma_semaphore, #tpu.memory_space<semaphore_mem>>)
    %dma_start3A_1408 = arith.constant 0 : i32
    %dma_start3A_1409 = arith.constant 0 : i32
    %dma_start3A_1410 = arith.constant 0 : i32
    %dma_start3A_1411 = arith.constant 0 : i32
    %dma_start3A_1412 = tpu.memref_slice %arg4[%dma_start3A_1408, %dma_start3A_1410, %dma_start3A_1411] : memref<2x64x512xf32, #tpu.memory_space<vmem>> -> memref<1x64x512xf32, #tpu.memory_space<vmem>>
    %dma_start3A_1413 = tpu.memref_squeeze %dma_start3A_1412 : memref<1x64x512xf32, #tpu.memory_space<vmem>> -> memref<64x512xf32, #tpu.memory_space<vmem>>
    %dma_start3A_1414 = arith.constant 0 : i32
    %dma_start3A_1415 = tpu.memref_slice %arg3[%dma_start3A_1414, %multiple_of3A_94] : memref<64x1000000xf32, #tpu.memory_space<hbm>> -> memref<64x512xf32, #tpu.memory_space<hbm>>
    %dma_start3A_1416 = tpu.memref_slice %arg6[%dma_start3A_1409] : memref<2x!tpu.dma_semaphore, #tpu.memory_space<semaphore_mem>> -> memref<1x!tpu.dma_semaphore, #tpu.memory_space<semaphore_mem>>
    %dma_start3A_1417 = tpu.memref_squeeze %dma_start3A_1416 : memref<1x!tpu.dma_semaphore, #tpu.memory_space<semaphore_mem>> -> memref<!tpu.dma_semaphore, #tpu.memory_space<semaphore_mem>>
    %dma_start3A_1418 = arith.constant 0 : i32
    %dma_start3A_1419 = tpu.memref_slice %arg3[%dma_start3A_1418, %multiple_of3A_94] : memref<64x1000000xf32, #tpu.memory_space<hbm>> -> memref<64x512xf32, #tpu.memory_space<hbm>>
    %dma_start3A_1420 = arith.constant 0 : i32
    %dma_start3A_1421 = arith.constant 0 : i32
    %dma_start3A_1422 = tpu.memref_slice %arg4[%dma_start3A_1408, %dma_start3A_1420, %dma_start3A_1421] : memref<2x64x512xf32, #tpu.memory_space<vmem>> -> memref<1x64x512xf32, #tpu.memory_space<vmem>>
    %dma_start3A_1423 = tpu.memref_squeeze %dma_start3A_1422 : memref<1x64x512xf32, #tpu.memory_space<vmem>> -> memref<64x512xf32, #tpu.memory_space<vmem>>
    tpu.enqueue_dma source(%dma_start3A_1423 : memref<64x512xf32, #tpu.memory_space<vmem>>) target(%dma_start3A_1419 : memref<64x512xf32, #tpu.memory_space<hbm>>) target_semaphore(%dma_start3A_1417 : memref<!tpu.dma_semaphore, #tpu.memory_space<semaphore_mem>>)
    %dma_wait3A_1424 = arith.constant 1 : i32
    %dma_wait3A_1425 = arith.constant 1 : i32
    %dma_wait3A_1426 = arith.constant 0 : i32
    %dma_wait3A_1427 = arith.constant 0 : i32
    %dma_wait3A_1428 = tpu.memref_slice %arg4[%dma_wait3A_1424, %dma_wait3A_1426, %dma_wait3A_1427] : memref<2x64x512xf32, #tpu.memory_space<vmem>> -> memref<1x64x512xf32, #tpu.memory_space<vmem>>
    %dma_wait3A_1429 = tpu.memref_squeeze %dma_wait3A_1428 : memref<1x64x512xf32, #tpu.memory_space<vmem>> -> memref<64x512xf32, #tpu.memory_space<vmem>>
    %dma_wait3A_1430 = arith.constant 0 : i32
    %dma_wait3A_1431 = tpu.memref_slice %arg2[%dma_wait3A_1430, %multiple_of3A_99] : memref<64x1000000xf32, #tpu.memory_space<hbm>> -> memref<64x512xf32, #tpu.memory_space<hbm>>
    %dma_wait3A_1432 = tpu.memref_slice %arg5[%dma_wait3A_1425] : memref<2x!tpu.dma_semaphore, #tpu.memory_space<semaphore_mem>> -> memref<1x!tpu.dma_semaphore, #tpu.memory_space<semaphore_mem>>
    %dma_wait3A_1433 = tpu.memref_squeeze %dma_wait3A_1432 : memref<1x!tpu.dma_semaphore, #tpu.memory_space<semaphore_mem>> -> memref<!tpu.dma_semaphore, #tpu.memory_space<semaphore_mem>>
    %dma_wait3A_1434 = arith.constant 0 : i32
    %dma_wait3A_1435 = arith.constant 0 : i32
    %dma_wait3A_1436 = tpu.memref_slice %arg4[%dma_wait3A_1424, %dma_wait3A_1434, %dma_wait3A_1435] : memref<2x64x512xf32, #tpu.memory_space<vmem>> -> memref<1x64x512xf32, #tpu.memory_space<vmem>>
    %dma_wait3A_1437 = tpu.memref_squeeze %dma_wait3A_1436 : memref<1x64x512xf32, #tpu.memory_space<vmem>> -> memref<64x512xf32, #tpu.memory_space<vmem>>
    %dma_wait3A_1438 = arith.constant 0 : i32
    %dma_wait3A_1439 = tpu.memref_slice %arg2[%dma_wait3A_1438, %multiple_of3A_99] : memref<64x1000000xf32, #tpu.memory_space<hbm>> -> memref<64x512xf32, #tpu.memory_space<hbm>>
    tpu.wait_dma2 semaphore(%dma_wait3A_1433 : memref<!tpu.dma_semaphore, #tpu.memory_space<semaphore_mem>>) src(%dma_wait3A_1439 : memref<64x512xf32, #tpu.memory_space<hbm>>) dst(%dma_wait3A_1437 : memref<64x512xf32, #tpu.memory_space<vmem>>)
    %dma_wait3A_1440 = arith.constant 0 : i32
    %dma_wait3A_1441 = arith.constant 0 : i32
    %dma_wait3A_1442 = arith.constant 0 : i32
    %dma_wait3A_1443 = arith.constant 0 : i32
    %dma_wait3A_1444 = tpu.memref_slice %arg4[%dma_wait3A_1440, %dma_wait3A_1442, %dma_wait3A_1443] : memref<2x64x512xf32, #tpu.memory_space<vmem>> -> memref<1x64x512xf32, #tpu.memory_space<vmem>>
    %dma_wait3A_1445 = tpu.memref_squeeze %dma_wait3A_1444 : memref<1x64x512xf32, #tpu.memory_space<vmem>> -> memref<64x512xf32, #tpu.memory_space<vmem>>
    %dma_wait3A_1446 = arith.constant 0 : i32
    %dma_wait3A_1447 = tpu.memref_slice %arg3[%dma_wait3A_1446, %multiple_of3A_94] : memref<64x1000000xf32, #tpu.memory_space<hbm>> -> memref<64x512xf32, #tpu.memory_space<hbm>>
    %dma_wait3A_1448 = tpu.memref_slice %arg6[%dma_wait3A_1441] : memref<2x!tpu.dma_semaphore, #tpu.memory_space<semaphore_mem>> -> memref<1x!tpu.dma_semaphore, #tpu.memory_space<semaphore_mem>>
    %dma_wait3A_1449 = tpu.memref_squeeze %dma_wait3A_1448 : memref<1x!tpu.dma_semaphore, #tpu.memory_space<semaphore_mem>> -> memref<!tpu.dma_semaphore, #tpu.memory_space<semaphore_mem>>
    %dma_wait3A_1450 = arith.constant 0 : i32
    %dma_wait3A_1451 = tpu.memref_slice %arg3[%dma_wait3A_1450, %multiple_of3A_94] : memref<64x1000000xf32, #tpu.memory_space<hbm>> -> memref<64x512xf32, #tpu.memory_space<hbm>>
    %dma_wait3A_1452 = arith.constant 0 : i32
    %dma_wait3A_1453 = arith.constant 0 : i32
    %dma_wait3A_1454 = tpu.memref_slice %arg4[%dma_wait3A_1440, %dma_wait3A_1452, %dma_wait3A_1453] : memref<2x64x512xf32, #tpu.memory_space<vmem>> -> memref<1x64x512xf32, #tpu.memory_space<vmem>>
    %dma_wait3A_1455 = tpu.memref_squeeze %dma_wait3A_1454 : memref<1x64x512xf32, #tpu.memory_space<vmem>> -> memref<64x512xf32, #tpu.memory_space<vmem>>
    tpu.wait_dma2 semaphore(%dma_wait3A_1449 : memref<!tpu.dma_semaphore, #tpu.memory_space<semaphore_mem>>) src(%dma_wait3A_1455 : memref<64x512xf32, #tpu.memory_space<vmem>>) dst(%dma_wait3A_1451 : memref<64x512xf32, #tpu.memory_space<hbm>>)
    %dma_start3A_1456 = arith.constant 0 : i32
    %dma_start3A_1457 = arith.constant 0 : i32
    %dma_start3A_1458 = arith.constant 0 : i32
    %dma_start3A_1459 = arith.constant 0 : i32
    %dma_start3A_1460 = tpu.memref_slice %arg4[%dma_start3A_1456, %dma_start3A_1458, %dma_start3A_1459] : memref<2x64x512xf32, #tpu.memory_space<vmem>> -> memref<1x64x512xf32, #tpu.memory_space<vmem>>
    %dma_start3A_1461 = tpu.memref_squeeze %dma_start3A_1460 : memref<1x64x512xf32, #tpu.memory_space<vmem>> -> memref<64x512xf32, #tpu.memory_space<vmem>>
    %dma_start3A_1462 = arith.constant 0 : i32
    %dma_start3A_1463 = tpu.memref_slice %arg2[%dma_start3A_1462, %multiple_of3A_104] : memref<64x1000000xf32, #tpu.memory_space<hbm>> -> memref<64x512xf32, #tpu.memory_space<hbm>>
    %dma_start3A_1464 = tpu.memref_slice %arg5[%dma_start3A_1457] : memref<2x!tpu.dma_semaphore, #tpu.memory_space<semaphore_mem>> -> memref<1x!tpu.dma_semaphore, #tpu.memory_space<semaphore_mem>>
    %dma_start3A_1465 = tpu.memref_squeeze %dma_start3A_1464 : memref<1x!tpu.dma_semaphore, #tpu.memory_space<semaphore_mem>> -> memref<!tpu.dma_semaphore, #tpu.memory_space<semaphore_mem>>
    %dma_start3A_1466 = arith.constant 0 : i32
    %dma_start3A_1467 = arith.constant 0 : i32
    %dma_start3A_1468 = tpu.memref_slice %arg4[%dma_start3A_1456, %dma_start3A_1466, %dma_start3A_1467] : memref<2x64x512xf32, #tpu.memory_space<vmem>> -> memref<1x64x512xf32, #tpu.memory_space<vmem>>
    %dma_start3A_1469 = tpu.memref_squeeze %dma_start3A_1468 : memref<1x64x512xf32, #tpu.memory_space<vmem>> -> memref<64x512xf32, #tpu.memory_space<vmem>>
    %dma_start3A_1470 = arith.constant 0 : i32
    %dma_start3A_1471 = tpu.memref_slice %arg2[%dma_start3A_1470, %multiple_of3A_104] : memref<64x1000000xf32, #tpu.memory_space<hbm>> -> memref<64x512xf32, #tpu.memory_space<hbm>>
    tpu.enqueue_dma source(%dma_start3A_1471 : memref<64x512xf32, #tpu.memory_space<hbm>>) target(%dma_start3A_1469 : memref<64x512xf32, #tpu.memory_space<vmem>>) target_semaphore(%dma_start3A_1465 : memref<!tpu.dma_semaphore, #tpu.memory_space<semaphore_mem>>)
    %dma_start3A_1472 = arith.constant 1 : i32
    %dma_start3A_1473 = arith.constant 1 : i32
    %dma_start3A_1474 = arith.constant 0 : i32
    %dma_start3A_1475 = arith.constant 0 : i32
    %dma_start3A_1476 = tpu.memref_slice %arg4[%dma_start3A_1472, %dma_start3A_1474, %dma_start3A_1475] : memref<2x64x512xf32, #tpu.memory_space<vmem>> -> memref<1x64x512xf32, #tpu.memory_space<vmem>>
    %dma_start3A_1477 = tpu.memref_squeeze %dma_start3A_1476 : memref<1x64x512xf32, #tpu.memory_space<vmem>> -> memref<64x512xf32, #tpu.memory_space<vmem>>
    %dma_start3A_1478 = arith.constant 0 : i32
    %dma_start3A_1479 = tpu.memref_slice %arg3[%dma_start3A_1478, %multiple_of3A_99] : memref<64x1000000xf32, #tpu.memory_space<hbm>> -> memref<64x512xf32, #tpu.memory_space<hbm>>
    %dma_start3A_1480 = tpu.memref_slice %arg6[%dma_start3A_1473] : memref<2x!tpu.dma_semaphore, #tpu.memory_space<semaphore_mem>> -> memref<1x!tpu.dma_semaphore, #tpu.memory_space<semaphore_mem>>
    %dma_start3A_1481 = tpu.memref_squeeze %dma_start3A_1480 : memref<1x!tpu.dma_semaphore, #tpu.memory_space<semaphore_mem>> -> memref<!tpu.dma_semaphore, #tpu.memory_space<semaphore_mem>>
    %dma_start3A_1482 = arith.constant 0 : i32
    %dma_start3A_1483 = tpu.memref_slice %arg3[%dma_start3A_1482, %multiple_of3A_99] : memref<64x1000000xf32, #tpu.memory_space<hbm>> -> memref<64x512xf32, #tpu.memory_space<hbm>>
    %dma_start3A_1484 = arith.constant 0 : i32
    %dma_start3A_1485 = arith.constant 0 : i32
    %dma_start3A_1486 = tpu.memref_slice %arg4[%dma_start3A_1472, %dma_start3A_1484, %dma_start3A_1485] : memref<2x64x512xf32, #tpu.memory_space<vmem>> -> memref<1x64x512xf32, #tpu.memory_space<vmem>>
    %dma_start3A_1487 = tpu.memref_squeeze %dma_start3A_1486 : memref<1x64x512xf32, #tpu.memory_space<vmem>> -> memref<64x512xf32, #tpu.memory_space<vmem>>
    tpu.enqueue_dma source(%dma_start3A_1487 : memref<64x512xf32, #tpu.memory_space<vmem>>) target(%dma_start3A_1483 : memref<64x512xf32, #tpu.memory_space<hbm>>) target_semaphore(%dma_start3A_1481 : memref<!tpu.dma_semaphore, #tpu.memory_space<semaphore_mem>>)
    %dma_wait3A_1488 = arith.constant 0 : i32
    %dma_wait3A_1489 = arith.constant 0 : i32
    %dma_wait3A_1490 = arith.constant 0 : i32
    %dma_wait3A_1491 = arith.constant 0 : i32
    %dma_wait3A_1492 = tpu.memref_slice %arg4[%dma_wait3A_1488, %dma_wait3A_1490, %dma_wait3A_1491] : memref<2x64x512xf32, #tpu.memory_space<vmem>> -> memref<1x64x512xf32, #tpu.memory_space<vmem>>
    %dma_wait3A_1493 = tpu.memref_squeeze %dma_wait3A_1492 : memref<1x64x512xf32, #tpu.memory_space<vmem>> -> memref<64x512xf32, #tpu.memory_space<vmem>>
    %dma_wait3A_1494 = arith.constant 0 : i32
    %dma_wait3A_1495 = tpu.memref_slice %arg2[%dma_wait3A_1494, %multiple_of3A_104] : memref<64x1000000xf32, #tpu.memory_space<hbm>> -> memref<64x512xf32, #tpu.memory_space<hbm>>
    %dma_wait3A_1496 = tpu.memref_slice %arg5[%dma_wait3A_1489] : memref<2x!tpu.dma_semaphore, #tpu.memory_space<semaphore_mem>> -> memref<1x!tpu.dma_semaphore, #tpu.memory_space<semaphore_mem>>
    %dma_wait3A_1497 = tpu.memref_squeeze %dma_wait3A_1496 : memref<1x!tpu.dma_semaphore, #tpu.memory_space<semaphore_mem>> -> memref<!tpu.dma_semaphore, #tpu.memory_space<semaphore_mem>>
    %dma_wait3A_1498 = arith.constant 0 : i32
    %dma_wait3A_1499 = arith.constant 0 : i32
    %dma_wait3A_1500 = tpu.memref_slice %arg4[%dma_wait3A_1488, %dma_wait3A_1498, %dma_wait3A_1499] : memref<2x64x512xf32, #tpu.memory_space<vmem>> -> memref<1x64x512xf32, #tpu.memory_space<vmem>>
    %dma_wait3A_1501 = tpu.memref_squeeze %dma_wait3A_1500 : memref<1x64x512xf32, #tpu.memory_space<vmem>> -> memref<64x512xf32, #tpu.memory_space<vmem>>
    %dma_wait3A_1502 = arith.constant 0 : i32
    %dma_wait3A_1503 = tpu.memref_slice %arg2[%dma_wait3A_1502, %multiple_of3A_104] : memref<64x1000000xf32, #tpu.memory_space<hbm>> -> memref<64x512xf32, #tpu.memory_space<hbm>>
    tpu.wait_dma2 semaphore(%dma_wait3A_1497 : memref<!tpu.dma_semaphore, #tpu.memory_space<semaphore_mem>>) src(%dma_wait3A_1503 : memref<64x512xf32, #tpu.memory_space<hbm>>) dst(%dma_wait3A_1501 : memref<64x512xf32, #tpu.memory_space<vmem>>)
    %dma_wait3A_1504 = arith.constant 1 : i32
    %dma_wait3A_1505 = arith.constant 1 : i32
    %dma_wait3A_1506 = arith.constant 0 : i32
    %dma_wait3A_1507 = arith.constant 0 : i32
    %dma_wait3A_1508 = tpu.memref_slice %arg4[%dma_wait3A_1504, %dma_wait3A_1506, %dma_wait3A_1507] : memref<2x64x512xf32, #tpu.memory_space<vmem>> -> memref<1x64x512xf32, #tpu.memory_space<vmem>>
    %dma_wait3A_1509 = tpu.memref_squeeze %dma_wait3A_1508 : memref<1x64x512xf32, #tpu.memory_space<vmem>> -> memref<64x512xf32, #tpu.memory_space<vmem>>
    %dma_wait3A_1510 = arith.constant 0 : i32
    %dma_wait3A_1511 = tpu.memref_slice %arg3[%dma_wait3A_1510, %multiple_of3A_99] : memref<64x1000000xf32, #tpu.memory_space<hbm>> -> memref<64x512xf32, #tpu.memory_space<hbm>>
    %dma_wait3A_1512 = tpu.memref_slice %arg6[%dma_wait3A_1505] : memref<2x!tpu.dma_semaphore, #tpu.memory_space<semaphore_mem>> -> memref<1x!tpu.dma_semaphore, #tpu.memory_space<semaphore_mem>>
    %dma_wait3A_1513 = tpu.memref_squeeze %dma_wait3A_1512 : memref<1x!tpu.dma_semaphore, #tpu.memory_space<semaphore_mem>> -> memref<!tpu.dma_semaphore, #tpu.memory_space<semaphore_mem>>
    %dma_wait3A_1514 = arith.constant 0 : i32
    %dma_wait3A_1515 = tpu.memref_slice %arg3[%dma_wait3A_1514, %multiple_of3A_99] : memref<64x1000000xf32, #tpu.memory_space<hbm>> -> memref<64x512xf32, #tpu.memory_space<hbm>>
    %dma_wait3A_1516 = arith.constant 0 : i32
    %dma_wait3A_1517 = arith.constant 0 : i32
    %dma_wait3A_1518 = tpu.memref_slice %arg4[%dma_wait3A_1504, %dma_wait3A_1516, %dma_wait3A_1517] : memref<2x64x512xf32, #tpu.memory_space<vmem>> -> memref<1x64x512xf32, #tpu.memory_space<vmem>>
    %dma_wait3A_1519 = tpu.memref_squeeze %dma_wait3A_1518 : memref<1x64x512xf32, #tpu.memory_space<vmem>> -> memref<64x512xf32, #tpu.memory_space<vmem>>
    tpu.wait_dma2 semaphore(%dma_wait3A_1513 : memref<!tpu.dma_semaphore, #tpu.memory_space<semaphore_mem>>) src(%dma_wait3A_1519 : memref<64x512xf32, #tpu.memory_space<vmem>>) dst(%dma_wait3A_1515 : memref<64x512xf32, #tpu.memory_space<hbm>>)
    %dma_start3A_1520 = arith.constant 1 : i32
    %dma_start3A_1521 = arith.constant 1 : i32
    %dma_start3A_1522 = arith.constant 0 : i32
    %dma_start3A_1523 = arith.constant 0 : i32
    %dma_start3A_1524 = tpu.memref_slice %arg4[%dma_start3A_1520, %dma_start3A_1522, %dma_start3A_1523] : memref<2x64x512xf32, #tpu.memory_space<vmem>> -> memref<1x64x512xf32, #tpu.memory_space<vmem>>
    %dma_start3A_1525 = tpu.memref_squeeze %dma_start3A_1524 : memref<1x64x512xf32, #tpu.memory_space<vmem>> -> memref<64x512xf32, #tpu.memory_space<vmem>>
    %dma_start3A_1526 = arith.constant 0 : i32
    %dma_start3A_1527 = tpu.memref_slice %arg2[%dma_start3A_1526, %multiple_of3A_109] : memref<64x1000000xf32, #tpu.memory_space<hbm>> -> memref<64x512xf32, #tpu.memory_space<hbm>>
    %dma_start3A_1528 = tpu.memref_slice %arg5[%dma_start3A_1521] : memref<2x!tpu.dma_semaphore, #tpu.memory_space<semaphore_mem>> -> memref<1x!tpu.dma_semaphore, #tpu.memory_space<semaphore_mem>>
    %dma_start3A_1529 = tpu.memref_squeeze %dma_start3A_1528 : memref<1x!tpu.dma_semaphore, #tpu.memory_space<semaphore_mem>> -> memref<!tpu.dma_semaphore, #tpu.memory_space<semaphore_mem>>
    %dma_start3A_1530 = arith.constant 0 : i32
    %dma_start3A_1531 = arith.constant 0 : i32
    %dma_start3A_1532 = tpu.memref_slice %arg4[%dma_start3A_1520, %dma_start3A_1530, %dma_start3A_1531] : memref<2x64x512xf32, #tpu.memory_space<vmem>> -> memref<1x64x512xf32, #tpu.memory_space<vmem>>
    %dma_start3A_1533 = tpu.memref_squeeze %dma_start3A_1532 : memref<1x64x512xf32, #tpu.memory_space<vmem>> -> memref<64x512xf32, #tpu.memory_space<vmem>>
    %dma_start3A_1534 = arith.constant 0 : i32
    %dma_start3A_1535 = tpu.memref_slice %arg2[%dma_start3A_1534, %multiple_of3A_109] : memref<64x1000000xf32, #tpu.memory_space<hbm>> -> memref<64x512xf32, #tpu.memory_space<hbm>>
    tpu.enqueue_dma source(%dma_start3A_1535 : memref<64x512xf32, #tpu.memory_space<hbm>>) target(%dma_start3A_1533 : memref<64x512xf32, #tpu.memory_space<vmem>>) target_semaphore(%dma_start3A_1529 : memref<!tpu.dma_semaphore, #tpu.memory_space<semaphore_mem>>)
    %dma_start3A_1536 = arith.constant 0 : i32
    %dma_start3A_1537 = arith.constant 0 : i32
    %dma_start3A_1538 = arith.constant 0 : i32
    %dma_start3A_1539 = arith.constant 0 : i32
    %dma_start3A_1540 = tpu.memref_slice %arg4[%dma_start3A_1536, %dma_start3A_1538, %dma_start3A_1539] : memref<2x64x512xf32, #tpu.memory_space<vmem>> -> memref<1x64x512xf32, #tpu.memory_space<vmem>>
    %dma_start3A_1541 = tpu.memref_squeeze %dma_start3A_1540 : memref<1x64x512xf32, #tpu.memory_space<vmem>> -> memref<64x512xf32, #tpu.memory_space<vmem>>
    %dma_start3A_1542 = arith.constant 0 : i32
    %dma_start3A_1543 = tpu.memref_slice %arg3[%dma_start3A_1542, %multiple_of3A_104] : memref<64x1000000xf32, #tpu.memory_space<hbm>> -> memref<64x512xf32, #tpu.memory_space<hbm>>
    %dma_start3A_1544 = tpu.memref_slice %arg6[%dma_start3A_1537] : memref<2x!tpu.dma_semaphore, #tpu.memory_space<semaphore_mem>> -> memref<1x!tpu.dma_semaphore, #tpu.memory_space<semaphore_mem>>
    %dma_start3A_1545 = tpu.memref_squeeze %dma_start3A_1544 : memref<1x!tpu.dma_semaphore, #tpu.memory_space<semaphore_mem>> -> memref<!tpu.dma_semaphore, #tpu.memory_space<semaphore_mem>>
    %dma_start3A_1546 = arith.constant 0 : i32
    %dma_start3A_1547 = tpu.memref_slice %arg3[%dma_start3A_1546, %multiple_of3A_104] : memref<64x1000000xf32, #tpu.memory_space<hbm>> -> memref<64x512xf32, #tpu.memory_space<hbm>>
    %dma_start3A_1548 = arith.constant 0 : i32
    %dma_start3A_1549 = arith.constant 0 : i32
    %dma_start3A_1550 = tpu.memref_slice %arg4[%dma_start3A_1536, %dma_start3A_1548, %dma_start3A_1549] : memref<2x64x512xf32, #tpu.memory_space<vmem>> -> memref<1x64x512xf32, #tpu.memory_space<vmem>>
    %dma_start3A_1551 = tpu.memref_squeeze %dma_start3A_1550 : memref<1x64x512xf32, #tpu.memory_space<vmem>> -> memref<64x512xf32, #tpu.memory_space<vmem>>
    tpu.enqueue_dma source(%dma_start3A_1551 : memref<64x512xf32, #tpu.memory_space<vmem>>) target(%dma_start3A_1547 : memref<64x512xf32, #tpu.memory_space<hbm>>) target_semaphore(%dma_start3A_1545 : memref<!tpu.dma_semaphore, #tpu.memory_space<semaphore_mem>>)
    %dma_wait3A_1552 = arith.constant 1 : i32
    %dma_wait3A_1553 = arith.constant 1 : i32
    %dma_wait3A_1554 = arith.constant 0 : i32
    %dma_wait3A_1555 = arith.constant 0 : i32
    %dma_wait3A_1556 = tpu.memref_slice %arg4[%dma_wait3A_1552, %dma_wait3A_1554, %dma_wait3A_1555] : memref<2x64x512xf32, #tpu.memory_space<vmem>> -> memref<1x64x512xf32, #tpu.memory_space<vmem>>
    %dma_wait3A_1557 = tpu.memref_squeeze %dma_wait3A_1556 : memref<1x64x512xf32, #tpu.memory_space<vmem>> -> memref<64x512xf32, #tpu.memory_space<vmem>>
    %dma_wait3A_1558 = arith.constant 0 : i32
    %dma_wait3A_1559 = tpu.memref_slice %arg2[%dma_wait3A_1558, %multiple_of3A_109] : memref<64x1000000xf32, #tpu.memory_space<hbm>> -> memref<64x512xf32, #tpu.memory_space<hbm>>
    %dma_wait3A_1560 = tpu.memref_slice %arg5[%dma_wait3A_1553] : memref<2x!tpu.dma_semaphore, #tpu.memory_space<semaphore_mem>> -> memref<1x!tpu.dma_semaphore, #tpu.memory_space<semaphore_mem>>
    %dma_wait3A_1561 = tpu.memref_squeeze %dma_wait3A_1560 : memref<1x!tpu.dma_semaphore, #tpu.memory_space<semaphore_mem>> -> memref<!tpu.dma_semaphore, #tpu.memory_space<semaphore_mem>>
    %dma_wait3A_1562 = arith.constant 0 : i32
    %dma_wait3A_1563 = arith.constant 0 : i32
    %dma_wait3A_1564 = tpu.memref_slice %arg4[%dma_wait3A_1552, %dma_wait3A_1562, %dma_wait3A_1563] : memref<2x64x512xf32, #tpu.memory_space<vmem>> -> memref<1x64x512xf32, #tpu.memory_space<vmem>>
    %dma_wait3A_1565 = tpu.memref_squeeze %dma_wait3A_1564 : memref<1x64x512xf32, #tpu.memory_space<vmem>> -> memref<64x512xf32, #tpu.memory_space<vmem>>
    %dma_wait3A_1566 = arith.constant 0 : i32
    %dma_wait3A_1567 = tpu.memref_slice %arg2[%dma_wait3A_1566, %multiple_of3A_109] : memref<64x1000000xf32, #tpu.memory_space<hbm>> -> memref<64x512xf32, #tpu.memory_space<hbm>>
    tpu.wait_dma2 semaphore(%dma_wait3A_1561 : memref<!tpu.dma_semaphore, #tpu.memory_space<semaphore_mem>>) src(%dma_wait3A_1567 : memref<64x512xf32, #tpu.memory_space<hbm>>) dst(%dma_wait3A_1565 : memref<64x512xf32, #tpu.memory_space<vmem>>)
    %dma_wait3A_1568 = arith.constant 0 : i32
    %dma_wait3A_1569 = arith.constant 0 : i32
    %dma_wait3A_1570 = arith.constant 0 : i32
    %dma_wait3A_1571 = arith.constant 0 : i32
    %dma_wait3A_1572 = tpu.memref_slice %arg4[%dma_wait3A_1568, %dma_wait3A_1570, %dma_wait3A_1571] : memref<2x64x512xf32, #tpu.memory_space<vmem>> -> memref<1x64x512xf32, #tpu.memory_space<vmem>>
    %dma_wait3A_1573 = tpu.memref_squeeze %dma_wait3A_1572 : memref<1x64x512xf32, #tpu.memory_space<vmem>> -> memref<64x512xf32, #tpu.memory_space<vmem>>
    %dma_wait3A_1574 = arith.constant 0 : i32
    %dma_wait3A_1575 = tpu.memref_slice %arg3[%dma_wait3A_1574, %multiple_of3A_104] : memref<64x1000000xf32, #tpu.memory_space<hbm>> -> memref<64x512xf32, #tpu.memory_space<hbm>>
    %dma_wait3A_1576 = tpu.memref_slice %arg6[%dma_wait3A_1569] : memref<2x!tpu.dma_semaphore, #tpu.memory_space<semaphore_mem>> -> memref<1x!tpu.dma_semaphore, #tpu.memory_space<semaphore_mem>>
    %dma_wait3A_1577 = tpu.memref_squeeze %dma_wait3A_1576 : memref<1x!tpu.dma_semaphore, #tpu.memory_space<semaphore_mem>> -> memref<!tpu.dma_semaphore, #tpu.memory_space<semaphore_mem>>
    %dma_wait3A_1578 = arith.constant 0 : i32
    %dma_wait3A_1579 = tpu.memref_slice %arg3[%dma_wait3A_1578, %multiple_of3A_104] : memref<64x1000000xf32, #tpu.memory_space<hbm>> -> memref<64x512xf32, #tpu.memory_space<hbm>>
    %dma_wait3A_1580 = arith.constant 0 : i32
    %dma_wait3A_1581 = arith.constant 0 : i32
    %dma_wait3A_1582 = tpu.memref_slice %arg4[%dma_wait3A_1568, %dma_wait3A_1580, %dma_wait3A_1581] : memref<2x64x512xf32, #tpu.memory_space<vmem>> -> memref<1x64x512xf32, #tpu.memory_space<vmem>>
    %dma_wait3A_1583 = tpu.memref_squeeze %dma_wait3A_1582 : memref<1x64x512xf32, #tpu.memory_space<vmem>> -> memref<64x512xf32, #tpu.memory_space<vmem>>
    tpu.wait_dma2 semaphore(%dma_wait3A_1577 : memref<!tpu.dma_semaphore, #tpu.memory_space<semaphore_mem>>) src(%dma_wait3A_1583 : memref<64x512xf32, #tpu.memory_space<vmem>>) dst(%dma_wait3A_1579 : memref<64x512xf32, #tpu.memory_space<hbm>>)
    %dma_start3A_1584 = arith.constant 0 : i32
    %dma_start3A_1585 = arith.constant 0 : i32
    %dma_start3A_1586 = arith.constant 0 : i32
    %dma_start3A_1587 = arith.constant 0 : i32
    %dma_start3A_1588 = tpu.memref_slice %arg4[%dma_start3A_1584, %dma_start3A_1586, %dma_start3A_1587] : memref<2x64x512xf32, #tpu.memory_space<vmem>> -> memref<1x64x512xf32, #tpu.memory_space<vmem>>
    %dma_start3A_1589 = tpu.memref_squeeze %dma_start3A_1588 : memref<1x64x512xf32, #tpu.memory_space<vmem>> -> memref<64x512xf32, #tpu.memory_space<vmem>>
    %dma_start3A_1590 = arith.constant 0 : i32
    %dma_start3A_1591 = tpu.memref_slice %arg2[%dma_start3A_1590, %multiple_of3A_114] : memref<64x1000000xf32, #tpu.memory_space<hbm>> -> memref<64x512xf32, #tpu.memory_space<hbm>>
    %dma_start3A_1592 = tpu.memref_slice %arg5[%dma_start3A_1585] : memref<2x!tpu.dma_semaphore, #tpu.memory_space<semaphore_mem>> -> memref<1x!tpu.dma_semaphore, #tpu.memory_space<semaphore_mem>>
    %dma_start3A_1593 = tpu.memref_squeeze %dma_start3A_1592 : memref<1x!tpu.dma_semaphore, #tpu.memory_space<semaphore_mem>> -> memref<!tpu.dma_semaphore, #tpu.memory_space<semaphore_mem>>
    %dma_start3A_1594 = arith.constant 0 : i32
    %dma_start3A_1595 = arith.constant 0 : i32
    %dma_start3A_1596 = tpu.memref_slice %arg4[%dma_start3A_1584, %dma_start3A_1594, %dma_start3A_1595] : memref<2x64x512xf32, #tpu.memory_space<vmem>> -> memref<1x64x512xf32, #tpu.memory_space<vmem>>
    %dma_start3A_1597 = tpu.memref_squeeze %dma_start3A_1596 : memref<1x64x512xf32, #tpu.memory_space<vmem>> -> memref<64x512xf32, #tpu.memory_space<vmem>>
    %dma_start3A_1598 = arith.constant 0 : i32
    %dma_start3A_1599 = tpu.memref_slice %arg2[%dma_start3A_1598, %multiple_of3A_114] : memref<64x1000000xf32, #tpu.memory_space<hbm>> -> memref<64x512xf32, #tpu.memory_space<hbm>>
    tpu.enqueue_dma source(%dma_start3A_1599 : memref<64x512xf32, #tpu.memory_space<hbm>>) target(%dma_start3A_1597 : memref<64x512xf32, #tpu.memory_space<vmem>>) target_semaphore(%dma_start3A_1593 : memref<!tpu.dma_semaphore, #tpu.memory_space<semaphore_mem>>)
    %dma_start3A_1600 = arith.constant 1 : i32
    %dma_start3A_1601 = arith.constant 1 : i32
    %dma_start3A_1602 = arith.constant 0 : i32
    %dma_start3A_1603 = arith.constant 0 : i32
    %dma_start3A_1604 = tpu.memref_slice %arg4[%dma_start3A_1600, %dma_start3A_1602, %dma_start3A_1603] : memref<2x64x512xf32, #tpu.memory_space<vmem>> -> memref<1x64x512xf32, #tpu.memory_space<vmem>>
    %dma_start3A_1605 = tpu.memref_squeeze %dma_start3A_1604 : memref<1x64x512xf32, #tpu.memory_space<vmem>> -> memref<64x512xf32, #tpu.memory_space<vmem>>
    %dma_start3A_1606 = arith.constant 0 : i32
    %dma_start3A_1607 = tpu.memref_slice %arg3[%dma_start3A_1606, %multiple_of3A_109] : memref<64x1000000xf32, #tpu.memory_space<hbm>> -> memref<64x512xf32, #tpu.memory_space<hbm>>
    %dma_start3A_1608 = tpu.memref_slice %arg6[%dma_start3A_1601] : memref<2x!tpu.dma_semaphore, #tpu.memory_space<semaphore_mem>> -> memref<1x!tpu.dma_semaphore, #tpu.memory_space<semaphore_mem>>
    %dma_start3A_1609 = tpu.memref_squeeze %dma_start3A_1608 : memref<1x!tpu.dma_semaphore, #tpu.memory_space<semaphore_mem>> -> memref<!tpu.dma_semaphore, #tpu.memory_space<semaphore_mem>>
    %dma_start3A_1610 = arith.constant 0 : i32
    %dma_start3A_1611 = tpu.memref_slice %arg3[%dma_start3A_1610, %multiple_of3A_109] : memref<64x1000000xf32, #tpu.memory_space<hbm>> -> memref<64x512xf32, #tpu.memory_space<hbm>>
    %dma_start3A_1612 = arith.constant 0 : i32
    %dma_start3A_1613 = arith.constant 0 : i32
    %dma_start3A_1614 = tpu.memref_slice %arg4[%dma_start3A_1600, %dma_start3A_1612, %dma_start3A_1613] : memref<2x64x512xf32, #tpu.memory_space<vmem>> -> memref<1x64x512xf32, #tpu.memory_space<vmem>>
    %dma_start3A_1615 = tpu.memref_squeeze %dma_start3A_1614 : memref<1x64x512xf32, #tpu.memory_space<vmem>> -> memref<64x512xf32, #tpu.memory_space<vmem>>
    tpu.enqueue_dma source(%dma_start3A_1615 : memref<64x512xf32, #tpu.memory_space<vmem>>) target(%dma_start3A_1611 : memref<64x512xf32, #tpu.memory_space<hbm>>) target_semaphore(%dma_start3A_1609 : memref<!tpu.dma_semaphore, #tpu.memory_space<semaphore_mem>>)
    %dma_wait3A_1616 = arith.constant 0 : i32
    %dma_wait3A_1617 = arith.constant 0 : i32
    %dma_wait3A_1618 = arith.constant 0 : i32
    %dma_wait3A_1619 = arith.constant 0 : i32
    %dma_wait3A_1620 = tpu.memref_slice %arg4[%dma_wait3A_1616, %dma_wait3A_1618, %dma_wait3A_1619] : memref<2x64x512xf32, #tpu.memory_space<vmem>> -> memref<1x64x512xf32, #tpu.memory_space<vmem>>
    %dma_wait3A_1621 = tpu.memref_squeeze %dma_wait3A_1620 : memref<1x64x512xf32, #tpu.memory_space<vmem>> -> memref<64x512xf32, #tpu.memory_space<vmem>>
    %dma_wait3A_1622 = arith.constant 0 : i32
    %dma_wait3A_1623 = tpu.memref_slice %arg2[%dma_wait3A_1622, %multiple_of3A_114] : memref<64x1000000xf32, #tpu.memory_space<hbm>> -> memref<64x512xf32, #tpu.memory_space<hbm>>
    %dma_wait3A_1624 = tpu.memref_slice %arg5[%dma_wait3A_1617] : memref<2x!tpu.dma_semaphore, #tpu.memory_space<semaphore_mem>> -> memref<1x!tpu.dma_semaphore, #tpu.memory_space<semaphore_mem>>
    %dma_wait3A_1625 = tpu.memref_squeeze %dma_wait3A_1624 : memref<1x!tpu.dma_semaphore, #tpu.memory_space<semaphore_mem>> -> memref<!tpu.dma_semaphore, #tpu.memory_space<semaphore_mem>>
    %dma_wait3A_1626 = arith.constant 0 : i32
    %dma_wait3A_1627 = arith.constant 0 : i32
    %dma_wait3A_1628 = tpu.memref_slice %arg4[%dma_wait3A_1616, %dma_wait3A_1626, %dma_wait3A_1627] : memref<2x64x512xf32, #tpu.memory_space<vmem>> -> memref<1x64x512xf32, #tpu.memory_space<vmem>>
    %dma_wait3A_1629 = tpu.memref_squeeze %dma_wait3A_1628 : memref<1x64x512xf32, #tpu.memory_space<vmem>> -> memref<64x512xf32, #tpu.memory_space<vmem>>
    %dma_wait3A_1630 = arith.constant 0 : i32
    %dma_wait3A_1631 = tpu.memref_slice %arg2[%dma_wait3A_1630, %multiple_of3A_114] : memref<64x1000000xf32, #tpu.memory_space<hbm>> -> memref<64x512xf32, #tpu.memory_space<hbm>>
    tpu.wait_dma2 semaphore(%dma_wait3A_1625 : memref<!tpu.dma_semaphore, #tpu.memory_space<semaphore_mem>>) src(%dma_wait3A_1631 : memref<64x512xf32, #tpu.memory_space<hbm>>) dst(%dma_wait3A_1629 : memref<64x512xf32, #tpu.memory_space<vmem>>)
    %dma_wait3A_1632 = arith.constant 1 : i32
    %dma_wait3A_1633 = arith.constant 1 : i32
    %dma_wait3A_1634 = arith.constant 0 : i32
    %dma_wait3A_1635 = arith.constant 0 : i32
    %dma_wait3A_1636 = tpu.memref_slice %arg4[%dma_wait3A_1632, %dma_wait3A_1634, %dma_wait3A_1635] : memref<2x64x512xf32, #tpu.memory_space<vmem>> -> memref<1x64x512xf32, #tpu.memory_space<vmem>>
    %dma_wait3A_1637 = tpu.memref_squeeze %dma_wait3A_1636 : memref<1x64x512xf32, #tpu.memory_space<vmem>> -> memref<64x512xf32, #tpu.memory_space<vmem>>
    %dma_wait3A_1638 = arith.constant 0 : i32
    %dma_wait3A_1639 = tpu.memref_slice %arg3[%dma_wait3A_1638, %multiple_of3A_109] : memref<64x1000000xf32, #tpu.memory_space<hbm>> -> memref<64x512xf32, #tpu.memory_space<hbm>>
    %dma_wait3A_1640 = tpu.memref_slice %arg6[%dma_wait3A_1633] : memref<2x!tpu.dma_semaphore, #tpu.memory_space<semaphore_mem>> -> memref<1x!tpu.dma_semaphore, #tpu.memory_space<semaphore_mem>>
    %dma_wait3A_1641 = tpu.memref_squeeze %dma_wait3A_1640 : memref<1x!tpu.dma_semaphore, #tpu.memory_space<semaphore_mem>> -> memref<!tpu.dma_semaphore, #tpu.memory_space<semaphore_mem>>
    %dma_wait3A_1642 = arith.constant 0 : i32
    %dma_wait3A_1643 = tpu.memref_slice %arg3[%dma_wait3A_1642, %multiple_of3A_109] : memref<64x1000000xf32, #tpu.memory_space<hbm>> -> memref<64x512xf32, #tpu.memory_space<hbm>>
    %dma_wait3A_1644 = arith.constant 0 : i32
    %dma_wait3A_1645 = arith.constant 0 : i32
    %dma_wait3A_1646 = tpu.memref_slice %arg4[%dma_wait3A_1632, %dma_wait3A_1644, %dma_wait3A_1645] : memref<2x64x512xf32, #tpu.memory_space<vmem>> -> memref<1x64x512xf32, #tpu.memory_space<vmem>>
    %dma_wait3A_1647 = tpu.memref_squeeze %dma_wait3A_1646 : memref<1x64x512xf32, #tpu.memory_space<vmem>> -> memref<64x512xf32, #tpu.memory_space<vmem>>
    tpu.wait_dma2 semaphore(%dma_wait3A_1641 : memref<!tpu.dma_semaphore, #tpu.memory_space<semaphore_mem>>) src(%dma_wait3A_1647 : memref<64x512xf32, #tpu.memory_space<vmem>>) dst(%dma_wait3A_1643 : memref<64x512xf32, #tpu.memory_space<hbm>>)
    %dma_start3A_1648 = arith.constant 1 : i32
    %dma_start3A_1649 = arith.constant 1 : i32
    %dma_start3A_1650 = arith.constant 0 : i32
    %dma_start3A_1651 = arith.constant 0 : i32
    %dma_start3A_1652 = tpu.memref_slice %arg4[%dma_start3A_1648, %dma_start3A_1650, %dma_start3A_1651] : memref<2x64x512xf32, #tpu.memory_space<vmem>> -> memref<1x64x512xf32, #tpu.memory_space<vmem>>
    %dma_start3A_1653 = tpu.memref_squeeze %dma_start3A_1652 : memref<1x64x512xf32, #tpu.memory_space<vmem>> -> memref<64x512xf32, #tpu.memory_space<vmem>>
    %dma_start3A_1654 = arith.constant 0 : i32
    %dma_start3A_1655 = tpu.memref_slice %arg2[%dma_start3A_1654, %multiple_of3A_119] : memref<64x1000000xf32, #tpu.memory_space<hbm>> -> memref<64x512xf32, #tpu.memory_space<hbm>>
    %dma_start3A_1656 = tpu.memref_slice %arg5[%dma_start3A_1649] : memref<2x!tpu.dma_semaphore, #tpu.memory_space<semaphore_mem>> -> memref<1x!tpu.dma_semaphore, #tpu.memory_space<semaphore_mem>>
    %dma_start3A_1657 = tpu.memref_squeeze %dma_start3A_1656 : memref<1x!tpu.dma_semaphore, #tpu.memory_space<semaphore_mem>> -> memref<!tpu.dma_semaphore, #tpu.memory_space<semaphore_mem>>
    %dma_start3A_1658 = arith.constant 0 : i32
    %dma_start3A_1659 = arith.constant 0 : i32
    %dma_start3A_1660 = tpu.memref_slice %arg4[%dma_start3A_1648, %dma_start3A_1658, %dma_start3A_1659] : memref<2x64x512xf32, #tpu.memory_space<vmem>> -> memref<1x64x512xf32, #tpu.memory_space<vmem>>
    %dma_start3A_1661 = tpu.memref_squeeze %dma_start3A_1660 : memref<1x64x512xf32, #tpu.memory_space<vmem>> -> memref<64x512xf32, #tpu.memory_space<vmem>>
    %dma_start3A_1662 = arith.constant 0 : i32
    %dma_start3A_1663 = tpu.memref_slice %arg2[%dma_start3A_1662, %multiple_of3A_119] : memref<64x1000000xf32, #tpu.memory_space<hbm>> -> memref<64x512xf32, #tpu.memory_space<hbm>>
    tpu.enqueue_dma source(%dma_start3A_1663 : memref<64x512xf32, #tpu.memory_space<hbm>>) target(%dma_start3A_1661 : memref<64x512xf32, #tpu.memory_space<vmem>>) target_semaphore(%dma_start3A_1657 : memref<!tpu.dma_semaphore, #tpu.memory_space<semaphore_mem>>)
    %dma_start3A_1664 = arith.constant 0 : i32
    %dma_start3A_1665 = arith.constant 0 : i32
    %dma_start3A_1666 = arith.constant 0 : i32
    %dma_start3A_1667 = arith.constant 0 : i32
    %dma_start3A_1668 = tpu.memref_slice %arg4[%dma_start3A_1664, %dma_start3A_1666, %dma_start3A_1667] : memref<2x64x512xf32, #tpu.memory_space<vmem>> -> memref<1x64x512xf32, #tpu.memory_space<vmem>>
    %dma_start3A_1669 = tpu.memref_squeeze %dma_start3A_1668 : memref<1x64x512xf32, #tpu.memory_space<vmem>> -> memref<64x512xf32, #tpu.memory_space<vmem>>
    %dma_start3A_1670 = arith.constant 0 : i32
    %dma_start3A_1671 = tpu.memref_slice %arg3[%dma_start3A_1670, %multiple_of3A_114] : memref<64x1000000xf32, #tpu.memory_space<hbm>> -> memref<64x512xf32, #tpu.memory_space<hbm>>
    %dma_start3A_1672 = tpu.memref_slice %arg6[%dma_start3A_1665] : memref<2x!tpu.dma_semaphore, #tpu.memory_space<semaphore_mem>> -> memref<1x!tpu.dma_semaphore, #tpu.memory_space<semaphore_mem>>
    %dma_start3A_1673 = tpu.memref_squeeze %dma_start3A_1672 : memref<1x!tpu.dma_semaphore, #tpu.memory_space<semaphore_mem>> -> memref<!tpu.dma_semaphore, #tpu.memory_space<semaphore_mem>>
    %dma_start3A_1674 = arith.constant 0 : i32
    %dma_start3A_1675 = tpu.memref_slice %arg3[%dma_start3A_1674, %multiple_of3A_114] : memref<64x1000000xf32, #tpu.memory_space<hbm>> -> memref<64x512xf32, #tpu.memory_space<hbm>>
    %dma_start3A_1676 = arith.constant 0 : i32
    %dma_start3A_1677 = arith.constant 0 : i32
    %dma_start3A_1678 = tpu.memref_slice %arg4[%dma_start3A_1664, %dma_start3A_1676, %dma_start3A_1677] : memref<2x64x512xf32, #tpu.memory_space<vmem>> -> memref<1x64x512xf32, #tpu.memory_space<vmem>>
    %dma_start3A_1679 = tpu.memref_squeeze %dma_start3A_1678 : memref<1x64x512xf32, #tpu.memory_space<vmem>> -> memref<64x512xf32, #tpu.memory_space<vmem>>
    tpu.enqueue_dma source(%dma_start3A_1679 : memref<64x512xf32, #tpu.memory_space<vmem>>) target(%dma_start3A_1675 : memref<64x512xf32, #tpu.memory_space<hbm>>) target_semaphore(%dma_start3A_1673 : memref<!tpu.dma_semaphore, #tpu.memory_space<semaphore_mem>>)
    %dma_wait3A_1680 = arith.constant 1 : i32
    %dma_wait3A_1681 = arith.constant 1 : i32
    %dma_wait3A_1682 = arith.constant 0 : i32
    %dma_wait3A_1683 = arith.constant 0 : i32
    %dma_wait3A_1684 = tpu.memref_slice %arg4[%dma_wait3A_1680, %dma_wait3A_1682, %dma_wait3A_1683] : memref<2x64x512xf32, #tpu.memory_space<vmem>> -> memref<1x64x512xf32, #tpu.memory_space<vmem>>
    %dma_wait3A_1685 = tpu.memref_squeeze %dma_wait3A_1684 : memref<1x64x512xf32, #tpu.memory_space<vmem>> -> memref<64x512xf32, #tpu.memory_space<vmem>>
    %dma_wait3A_1686 = arith.constant 0 : i32
    %dma_wait3A_1687 = tpu.memref_slice %arg2[%dma_wait3A_1686, %multiple_of3A_119] : memref<64x1000000xf32, #tpu.memory_space<hbm>> -> memref<64x512xf32, #tpu.memory_space<hbm>>
    %dma_wait3A_1688 = tpu.memref_slice %arg5[%dma_wait3A_1681] : memref<2x!tpu.dma_semaphore, #tpu.memory_space<semaphore_mem>> -> memref<1x!tpu.dma_semaphore, #tpu.memory_space<semaphore_mem>>
    %dma_wait3A_1689 = tpu.memref_squeeze %dma_wait3A_1688 : memref<1x!tpu.dma_semaphore, #tpu.memory_space<semaphore_mem>> -> memref<!tpu.dma_semaphore, #tpu.memory_space<semaphore_mem>>
    %dma_wait3A_1690 = arith.constant 0 : i32
    %dma_wait3A_1691 = arith.constant 0 : i32
    %dma_wait3A_1692 = tpu.memref_slice %arg4[%dma_wait3A_1680, %dma_wait3A_1690, %dma_wait3A_1691] : memref<2x64x512xf32, #tpu.memory_space<vmem>> -> memref<1x64x512xf32, #tpu.memory_space<vmem>>
    %dma_wait3A_1693 = tpu.memref_squeeze %dma_wait3A_1692 : memref<1x64x512xf32, #tpu.memory_space<vmem>> -> memref<64x512xf32, #tpu.memory_space<vmem>>
    %dma_wait3A_1694 = arith.constant 0 : i32
    %dma_wait3A_1695 = tpu.memref_slice %arg2[%dma_wait3A_1694, %multiple_of3A_119] : memref<64x1000000xf32, #tpu.memory_space<hbm>> -> memref<64x512xf32, #tpu.memory_space<hbm>>
    tpu.wait_dma2 semaphore(%dma_wait3A_1689 : memref<!tpu.dma_semaphore, #tpu.memory_space<semaphore_mem>>) src(%dma_wait3A_1695 : memref<64x512xf32, #tpu.memory_space<hbm>>) dst(%dma_wait3A_1693 : memref<64x512xf32, #tpu.memory_space<vmem>>)
    %dma_wait3A_1696 = arith.constant 0 : i32
    %dma_wait3A_1697 = arith.constant 0 : i32
    %dma_wait3A_1698 = arith.constant 0 : i32
    %dma_wait3A_1699 = arith.constant 0 : i32
    %dma_wait3A_1700 = tpu.memref_slice %arg4[%dma_wait3A_1696, %dma_wait3A_1698, %dma_wait3A_1699] : memref<2x64x512xf32, #tpu.memory_space<vmem>> -> memref<1x64x512xf32, #tpu.memory_space<vmem>>
    %dma_wait3A_1701 = tpu.memref_squeeze %dma_wait3A_1700 : memref<1x64x512xf32, #tpu.memory_space<vmem>> -> memref<64x512xf32, #tpu.memory_space<vmem>>
    %dma_wait3A_1702 = arith.constant 0 : i32
    %dma_wait3A_1703 = tpu.memref_slice %arg3[%dma_wait3A_1702, %multiple_of3A_114] : memref<64x1000000xf32, #tpu.memory_space<hbm>> -> memref<64x512xf32, #tpu.memory_space<hbm>>
    %dma_wait3A_1704 = tpu.memref_slice %arg6[%dma_wait3A_1697] : memref<2x!tpu.dma_semaphore, #tpu.memory_space<semaphore_mem>> -> memref<1x!tpu.dma_semaphore, #tpu.memory_space<semaphore_mem>>
    %dma_wait3A_1705 = tpu.memref_squeeze %dma_wait3A_1704 : memref<1x!tpu.dma_semaphore, #tpu.memory_space<semaphore_mem>> -> memref<!tpu.dma_semaphore, #tpu.memory_space<semaphore_mem>>
    %dma_wait3A_1706 = arith.constant 0 : i32
    %dma_wait3A_1707 = tpu.memref_slice %arg3[%dma_wait3A_1706, %multiple_of3A_114] : memref<64x1000000xf32, #tpu.memory_space<hbm>> -> memref<64x512xf32, #tpu.memory_space<hbm>>
    %dma_wait3A_1708 = arith.constant 0 : i32
    %dma_wait3A_1709 = arith.constant 0 : i32
    %dma_wait3A_1710 = tpu.memref_slice %arg4[%dma_wait3A_1696, %dma_wait3A_1708, %dma_wait3A_1709] : memref<2x64x512xf32, #tpu.memory_space<vmem>> -> memref<1x64x512xf32, #tpu.memory_space<vmem>>
    %dma_wait3A_1711 = tpu.memref_squeeze %dma_wait3A_1710 : memref<1x64x512xf32, #tpu.memory_space<vmem>> -> memref<64x512xf32, #tpu.memory_space<vmem>>
    tpu.wait_dma2 semaphore(%dma_wait3A_1705 : memref<!tpu.dma_semaphore, #tpu.memory_space<semaphore_mem>>) src(%dma_wait3A_1711 : memref<64x512xf32, #tpu.memory_space<vmem>>) dst(%dma_wait3A_1707 : memref<64x512xf32, #tpu.memory_space<hbm>>)
    %dma_start3A_1712 = arith.constant 0 : i32
    %dma_start3A_1713 = arith.constant 0 : i32
    %dma_start3A_1714 = arith.constant 0 : i32
    %dma_start3A_1715 = arith.constant 0 : i32
    %dma_start3A_1716 = tpu.memref_slice %arg4[%dma_start3A_1712, %dma_start3A_1714, %dma_start3A_1715] : memref<2x64x512xf32, #tpu.memory_space<vmem>> -> memref<1x64x512xf32, #tpu.memory_space<vmem>>
    %dma_start3A_1717 = tpu.memref_squeeze %dma_start3A_1716 : memref<1x64x512xf32, #tpu.memory_space<vmem>> -> memref<64x512xf32, #tpu.memory_space<vmem>>
    %dma_start3A_1718 = arith.constant 0 : i32
    %dma_start3A_1719 = tpu.memref_slice %arg2[%dma_start3A_1718, %multiple_of3A_124] : memref<64x1000000xf32, #tpu.memory_space<hbm>> -> memref<64x512xf32, #tpu.memory_space<hbm>>
    %dma_start3A_1720 = tpu.memref_slice %arg5[%dma_start3A_1713] : memref<2x!tpu.dma_semaphore, #tpu.memory_space<semaphore_mem>> -> memref<1x!tpu.dma_semaphore, #tpu.memory_space<semaphore_mem>>
    %dma_start3A_1721 = tpu.memref_squeeze %dma_start3A_1720 : memref<1x!tpu.dma_semaphore, #tpu.memory_space<semaphore_mem>> -> memref<!tpu.dma_semaphore, #tpu.memory_space<semaphore_mem>>
    %dma_start3A_1722 = arith.constant 0 : i32
    %dma_start3A_1723 = arith.constant 0 : i32
    %dma_start3A_1724 = tpu.memref_slice %arg4[%dma_start3A_1712, %dma_start3A_1722, %dma_start3A_1723] : memref<2x64x512xf32, #tpu.memory_space<vmem>> -> memref<1x64x512xf32, #tpu.memory_space<vmem>>
    %dma_start3A_1725 = tpu.memref_squeeze %dma_start3A_1724 : memref<1x64x512xf32, #tpu.memory_space<vmem>> -> memref<64x512xf32, #tpu.memory_space<vmem>>
    %dma_start3A_1726 = arith.constant 0 : i32
    %dma_start3A_1727 = tpu.memref_slice %arg2[%dma_start3A_1726, %multiple_of3A_124] : memref<64x1000000xf32, #tpu.memory_space<hbm>> -> memref<64x512xf32, #tpu.memory_space<hbm>>
    tpu.enqueue_dma source(%dma_start3A_1727 : memref<64x512xf32, #tpu.memory_space<hbm>>) target(%dma_start3A_1725 : memref<64x512xf32, #tpu.memory_space<vmem>>) target_semaphore(%dma_start3A_1721 : memref<!tpu.dma_semaphore, #tpu.memory_space<semaphore_mem>>)
    %dma_start3A_1728 = arith.constant 1 : i32
    %dma_start3A_1729 = arith.constant 1 : i32
    %dma_start3A_1730 = arith.constant 0 : i32
    %dma_start3A_1731 = arith.constant 0 : i32
    %dma_start3A_1732 = tpu.memref_slice %arg4[%dma_start3A_1728, %dma_start3A_1730, %dma_start3A_1731] : memref<2x64x512xf32, #tpu.memory_space<vmem>> -> memref<1x64x512xf32, #tpu.memory_space<vmem>>
    %dma_start3A_1733 = tpu.memref_squeeze %dma_start3A_1732 : memref<1x64x512xf32, #tpu.memory_space<vmem>> -> memref<64x512xf32, #tpu.memory_space<vmem>>
    %dma_start3A_1734 = arith.constant 0 : i32
    %dma_start3A_1735 = tpu.memref_slice %arg3[%dma_start3A_1734, %multiple_of3A_119] : memref<64x1000000xf32, #tpu.memory_space<hbm>> -> memref<64x512xf32, #tpu.memory_space<hbm>>
    %dma_start3A_1736 = tpu.memref_slice %arg6[%dma_start3A_1729] : memref<2x!tpu.dma_semaphore, #tpu.memory_space<semaphore_mem>> -> memref<1x!tpu.dma_semaphore, #tpu.memory_space<semaphore_mem>>
    %dma_start3A_1737 = tpu.memref_squeeze %dma_start3A_1736 : memref<1x!tpu.dma_semaphore, #tpu.memory_space<semaphore_mem>> -> memref<!tpu.dma_semaphore, #tpu.memory_space<semaphore_mem>>
    %dma_start3A_1738 = arith.constant 0 : i32
    %dma_start3A_1739 = tpu.memref_slice %arg3[%dma_start3A_1738, %multiple_of3A_119] : memref<64x1000000xf32, #tpu.memory_space<hbm>> -> memref<64x512xf32, #tpu.memory_space<hbm>>
    %dma_start3A_1740 = arith.constant 0 : i32
    %dma_start3A_1741 = arith.constant 0 : i32
    %dma_start3A_1742 = tpu.memref_slice %arg4[%dma_start3A_1728, %dma_start3A_1740, %dma_start3A_1741] : memref<2x64x512xf32, #tpu.memory_space<vmem>> -> memref<1x64x512xf32, #tpu.memory_space<vmem>>
    %dma_start3A_1743 = tpu.memref_squeeze %dma_start3A_1742 : memref<1x64x512xf32, #tpu.memory_space<vmem>> -> memref<64x512xf32, #tpu.memory_space<vmem>>
    tpu.enqueue_dma source(%dma_start3A_1743 : memref<64x512xf32, #tpu.memory_space<vmem>>) target(%dma_start3A_1739 : memref<64x512xf32, #tpu.memory_space<hbm>>) target_semaphore(%dma_start3A_1737 : memref<!tpu.dma_semaphore, #tpu.memory_space<semaphore_mem>>)
    %dma_wait3A_1744 = arith.constant 0 : i32
    %dma_wait3A_1745 = arith.constant 0 : i32
    %dma_wait3A_1746 = arith.constant 0 : i32
    %dma_wait3A_1747 = arith.constant 0 : i32
    %dma_wait3A_1748 = tpu.memref_slice %arg4[%dma_wait3A_1744, %dma_wait3A_1746, %dma_wait3A_1747] : memref<2x64x512xf32, #tpu.memory_space<vmem>> -> memref<1x64x512xf32, #tpu.memory_space<vmem>>
    %dma_wait3A_1749 = tpu.memref_squeeze %dma_wait3A_1748 : memref<1x64x512xf32, #tpu.memory_space<vmem>> -> memref<64x512xf32, #tpu.memory_space<vmem>>
    %dma_wait3A_1750 = arith.constant 0 : i32
    %dma_wait3A_1751 = tpu.memref_slice %arg2[%dma_wait3A_1750, %multiple_of3A_124] : memref<64x1000000xf32, #tpu.memory_space<hbm>> -> memref<64x512xf32, #tpu.memory_space<hbm>>
    %dma_wait3A_1752 = tpu.memref_slice %arg5[%dma_wait3A_1745] : memref<2x!tpu.dma_semaphore, #tpu.memory_space<semaphore_mem>> -> memref<1x!tpu.dma_semaphore, #tpu.memory_space<semaphore_mem>>
    %dma_wait3A_1753 = tpu.memref_squeeze %dma_wait3A_1752 : memref<1x!tpu.dma_semaphore, #tpu.memory_space<semaphore_mem>> -> memref<!tpu.dma_semaphore, #tpu.memory_space<semaphore_mem>>
    %dma_wait3A_1754 = arith.constant 0 : i32
    %dma_wait3A_1755 = arith.constant 0 : i32
    %dma_wait3A_1756 = tpu.memref_slice %arg4[%dma_wait3A_1744, %dma_wait3A_1754, %dma_wait3A_1755] : memref<2x64x512xf32, #tpu.memory_space<vmem>> -> memref<1x64x512xf32, #tpu.memory_space<vmem>>
    %dma_wait3A_1757 = tpu.memref_squeeze %dma_wait3A_1756 : memref<1x64x512xf32, #tpu.memory_space<vmem>> -> memref<64x512xf32, #tpu.memory_space<vmem>>
    %dma_wait3A_1758 = arith.constant 0 : i32
    %dma_wait3A_1759 = tpu.memref_slice %arg2[%dma_wait3A_1758, %multiple_of3A_124] : memref<64x1000000xf32, #tpu.memory_space<hbm>> -> memref<64x512xf32, #tpu.memory_space<hbm>>
    tpu.wait_dma2 semaphore(%dma_wait3A_1753 : memref<!tpu.dma_semaphore, #tpu.memory_space<semaphore_mem>>) src(%dma_wait3A_1759 : memref<64x512xf32, #tpu.memory_space<hbm>>) dst(%dma_wait3A_1757 : memref<64x512xf32, #tpu.memory_space<vmem>>)
    %dma_wait3A_1760 = arith.constant 1 : i32
    %dma_wait3A_1761 = arith.constant 1 : i32
    %dma_wait3A_1762 = arith.constant 0 : i32
    %dma_wait3A_1763 = arith.constant 0 : i32
    %dma_wait3A_1764 = tpu.memref_slice %arg4[%dma_wait3A_1760, %dma_wait3A_1762, %dma_wait3A_1763] : memref<2x64x512xf32, #tpu.memory_space<vmem>> -> memref<1x64x512xf32, #tpu.memory_space<vmem>>
    %dma_wait3A_1765 = tpu.memref_squeeze %dma_wait3A_1764 : memref<1x64x512xf32, #tpu.memory_space<vmem>> -> memref<64x512xf32, #tpu.memory_space<vmem>>
    %dma_wait3A_1766 = arith.constant 0 : i32
    %dma_wait3A_1767 = tpu.memref_slice %arg3[%dma_wait3A_1766, %multiple_of3A_119] : memref<64x1000000xf32, #tpu.memory_space<hbm>> -> memref<64x512xf32, #tpu.memory_space<hbm>>
    %dma_wait3A_1768 = tpu.memref_slice %arg6[%dma_wait3A_1761] : memref<2x!tpu.dma_semaphore, #tpu.memory_space<semaphore_mem>> -> memref<1x!tpu.dma_semaphore, #tpu.memory_space<semaphore_mem>>
    %dma_wait3A_1769 = tpu.memref_squeeze %dma_wait3A_1768 : memref<1x!tpu.dma_semaphore, #tpu.memory_space<semaphore_mem>> -> memref<!tpu.dma_semaphore, #tpu.memory_space<semaphore_mem>>
    %dma_wait3A_1770 = arith.constant 0 : i32
    %dma_wait3A_1771 = tpu.memref_slice %arg3[%dma_wait3A_1770, %multiple_of3A_119] : memref<64x1000000xf32, #tpu.memory_space<hbm>> -> memref<64x512xf32, #tpu.memory_space<hbm>>
    %dma_wait3A_1772 = arith.constant 0 : i32
    %dma_wait3A_1773 = arith.constant 0 : i32
    %dma_wait3A_1774 = tpu.memref_slice %arg4[%dma_wait3A_1760, %dma_wait3A_1772, %dma_wait3A_1773] : memref<2x64x512xf32, #tpu.memory_space<vmem>> -> memref<1x64x512xf32, #tpu.memory_space<vmem>>
    %dma_wait3A_1775 = tpu.memref_squeeze %dma_wait3A_1774 : memref<1x64x512xf32, #tpu.memory_space<vmem>> -> memref<64x512xf32, #tpu.memory_space<vmem>>
    tpu.wait_dma2 semaphore(%dma_wait3A_1769 : memref<!tpu.dma_semaphore, #tpu.memory_space<semaphore_mem>>) src(%dma_wait3A_1775 : memref<64x512xf32, #tpu.memory_space<vmem>>) dst(%dma_wait3A_1771 : memref<64x512xf32, #tpu.memory_space<hbm>>)
    %dma_start3A_1776 = arith.constant 1 : i32
    %dma_start3A_1777 = arith.constant 1 : i32
    %dma_start3A_1778 = arith.constant 0 : i32
    %dma_start3A_1779 = arith.constant 0 : i32
    %dma_start3A_1780 = tpu.memref_slice %arg4[%dma_start3A_1776, %dma_start3A_1778, %dma_start3A_1779] : memref<2x64x512xf32, #tpu.memory_space<vmem>> -> memref<1x64x512xf32, #tpu.memory_space<vmem>>
    %dma_start3A_1781 = tpu.memref_squeeze %dma_start3A_1780 : memref<1x64x512xf32, #tpu.memory_space<vmem>> -> memref<64x512xf32, #tpu.memory_space<vmem>>
    %dma_start3A_1782 = arith.constant 0 : i32
    %dma_start3A_1783 = tpu.memref_slice %arg2[%dma_start3A_1782, %multiple_of3A_129] : memref<64x1000000xf32, #tpu.memory_space<hbm>> -> memref<64x512xf32, #tpu.memory_space<hbm>>
    %dma_start3A_1784 = tpu.memref_slice %arg5[%dma_start3A_1777] : memref<2x!tpu.dma_semaphore, #tpu.memory_space<semaphore_mem>> -> memref<1x!tpu.dma_semaphore, #tpu.memory_space<semaphore_mem>>
    %dma_start3A_1785 = tpu.memref_squeeze %dma_start3A_1784 : memref<1x!tpu.dma_semaphore, #tpu.memory_space<semaphore_mem>> -> memref<!tpu.dma_semaphore, #tpu.memory_space<semaphore_mem>>
    %dma_start3A_1786 = arith.constant 0 : i32
    %dma_start3A_1787 = arith.constant 0 : i32
    %dma_start3A_1788 = tpu.memref_slice %arg4[%dma_start3A_1776, %dma_start3A_1786, %dma_start3A_1787] : memref<2x64x512xf32, #tpu.memory_space<vmem>> -> memref<1x64x512xf32, #tpu.memory_space<vmem>>
    %dma_start3A_1789 = tpu.memref_squeeze %dma_start3A_1788 : memref<1x64x512xf32, #tpu.memory_space<vmem>> -> memref<64x512xf32, #tpu.memory_space<vmem>>
    %dma_start3A_1790 = arith.constant 0 : i32
    %dma_start3A_1791 = tpu.memref_slice %arg2[%dma_start3A_1790, %multiple_of3A_129] : memref<64x1000000xf32, #tpu.memory_space<hbm>> -> memref<64x512xf32, #tpu.memory_space<hbm>>
    tpu.enqueue_dma source(%dma_start3A_1791 : memref<64x512xf32, #tpu.memory_space<hbm>>) target(%dma_start3A_1789 : memref<64x512xf32, #tpu.memory_space<vmem>>) target_semaphore(%dma_start3A_1785 : memref<!tpu.dma_semaphore, #tpu.memory_space<semaphore_mem>>)
    %dma_start3A_1792 = arith.constant 0 : i32
    %dma_start3A_1793 = arith.constant 0 : i32
    %dma_start3A_1794 = arith.constant 0 : i32
    %dma_start3A_1795 = arith.constant 0 : i32
    %dma_start3A_1796 = tpu.memref_slice %arg4[%dma_start3A_1792, %dma_start3A_1794, %dma_start3A_1795] : memref<2x64x512xf32, #tpu.memory_space<vmem>> -> memref<1x64x512xf32, #tpu.memory_space<vmem>>
    %dma_start3A_1797 = tpu.memref_squeeze %dma_start3A_1796 : memref<1x64x512xf32, #tpu.memory_space<vmem>> -> memref<64x512xf32, #tpu.memory_space<vmem>>
    %dma_start3A_1798 = arith.constant 0 : i32
    %dma_start3A_1799 = tpu.memref_slice %arg3[%dma_start3A_1798, %multiple_of3A_124] : memref<64x1000000xf32, #tpu.memory_space<hbm>> -> memref<64x512xf32, #tpu.memory_space<hbm>>
    %dma_start3A_1800 = tpu.memref_slice %arg6[%dma_start3A_1793] : memref<2x!tpu.dma_semaphore, #tpu.memory_space<semaphore_mem>> -> memref<1x!tpu.dma_semaphore, #tpu.memory_space<semaphore_mem>>
    %dma_start3A_1801 = tpu.memref_squeeze %dma_start3A_1800 : memref<1x!tpu.dma_semaphore, #tpu.memory_space<semaphore_mem>> -> memref<!tpu.dma_semaphore, #tpu.memory_space<semaphore_mem>>
    %dma_start3A_1802 = arith.constant 0 : i32
    %dma_start3A_1803 = tpu.memref_slice %arg3[%dma_start3A_1802, %multiple_of3A_124] : memref<64x1000000xf32, #tpu.memory_space<hbm>> -> memref<64x512xf32, #tpu.memory_space<hbm>>
    %dma_start3A_1804 = arith.constant 0 : i32
    %dma_start3A_1805 = arith.constant 0 : i32
    %dma_start3A_1806 = tpu.memref_slice %arg4[%dma_start3A_1792, %dma_start3A_1804, %dma_start3A_1805] : memref<2x64x512xf32, #tpu.memory_space<vmem>> -> memref<1x64x512xf32, #tpu.memory_space<vmem>>
    %dma_start3A_1807 = tpu.memref_squeeze %dma_start3A_1806 : memref<1x64x512xf32, #tpu.memory_space<vmem>> -> memref<64x512xf32, #tpu.memory_space<vmem>>
    tpu.enqueue_dma source(%dma_start3A_1807 : memref<64x512xf32, #tpu.memory_space<vmem>>) target(%dma_start3A_1803 : memref<64x512xf32, #tpu.memory_space<hbm>>) target_semaphore(%dma_start3A_1801 : memref<!tpu.dma_semaphore, #tpu.memory_space<semaphore_mem>>)
    %dma_wait3A_1808 = arith.constant 1 : i32
    %dma_wait3A_1809 = arith.constant 1 : i32
    %dma_wait3A_1810 = arith.constant 0 : i32
    %dma_wait3A_1811 = arith.constant 0 : i32
    %dma_wait3A_1812 = tpu.memref_slice %arg4[%dma_wait3A_1808, %dma_wait3A_1810, %dma_wait3A_1811] : memref<2x64x512xf32, #tpu.memory_space<vmem>> -> memref<1x64x512xf32, #tpu.memory_space<vmem>>
    %dma_wait3A_1813 = tpu.memref_squeeze %dma_wait3A_1812 : memref<1x64x512xf32, #tpu.memory_space<vmem>> -> memref<64x512xf32, #tpu.memory_space<vmem>>
    %dma_wait3A_1814 = arith.constant 0 : i32
    %dma_wait3A_1815 = tpu.memref_slice %arg2[%dma_wait3A_1814, %multiple_of3A_129] : memref<64x1000000xf32, #tpu.memory_space<hbm>> -> memref<64x512xf32, #tpu.memory_space<hbm>>
    %dma_wait3A_1816 = tpu.memref_slice %arg5[%dma_wait3A_1809] : memref<2x!tpu.dma_semaphore, #tpu.memory_space<semaphore_mem>> -> memref<1x!tpu.dma_semaphore, #tpu.memory_space<semaphore_mem>>
    %dma_wait3A_1817 = tpu.memref_squeeze %dma_wait3A_1816 : memref<1x!tpu.dma_semaphore, #tpu.memory_space<semaphore_mem>> -> memref<!tpu.dma_semaphore, #tpu.memory_space<semaphore_mem>>
    %dma_wait3A_1818 = arith.constant 0 : i32
    %dma_wait3A_1819 = arith.constant 0 : i32
    %dma_wait3A_1820 = tpu.memref_slice %arg4[%dma_wait3A_1808, %dma_wait3A_1818, %dma_wait3A_1819] : memref<2x64x512xf32, #tpu.memory_space<vmem>> -> memref<1x64x512xf32, #tpu.memory_space<vmem>>
    %dma_wait3A_1821 = tpu.memref_squeeze %dma_wait3A_1820 : memref<1x64x512xf32, #tpu.memory_space<vmem>> -> memref<64x512xf32, #tpu.memory_space<vmem>>
    %dma_wait3A_1822 = arith.constant 0 : i32
    %dma_wait3A_1823 = tpu.memref_slice %arg2[%dma_wait3A_1822, %multiple_of3A_129] : memref<64x1000000xf32, #tpu.memory_space<hbm>> -> memref<64x512xf32, #tpu.memory_space<hbm>>
    tpu.wait_dma2 semaphore(%dma_wait3A_1817 : memref<!tpu.dma_semaphore, #tpu.memory_space<semaphore_mem>>) src(%dma_wait3A_1823 : memref<64x512xf32, #tpu.memory_space<hbm>>) dst(%dma_wait3A_1821 : memref<64x512xf32, #tpu.memory_space<vmem>>)
    %dma_wait3A_1824 = arith.constant 0 : i32
    %dma_wait3A_1825 = arith.constant 0 : i32
    %dma_wait3A_1826 = arith.constant 0 : i32
    %dma_wait3A_1827 = arith.constant 0 : i32
    %dma_wait3A_1828 = tpu.memref_slice %arg4[%dma_wait3A_1824, %dma_wait3A_1826, %dma_wait3A_1827] : memref<2x64x512xf32, #tpu.memory_space<vmem>> -> memref<1x64x512xf32, #tpu.memory_space<vmem>>
    %dma_wait3A_1829 = tpu.memref_squeeze %dma_wait3A_1828 : memref<1x64x512xf32, #tpu.memory_space<vmem>> -> memref<64x512xf32, #tpu.memory_space<vmem>>
    %dma_wait3A_1830 = arith.constant 0 : i32
    %dma_wait3A_1831 = tpu.memref_slice %arg3[%dma_wait3A_1830, %multiple_of3A_124] : memref<64x1000000xf32, #tpu.memory_space<hbm>> -> memref<64x512xf32, #tpu.memory_space<hbm>>
    %dma_wait3A_1832 = tpu.memref_slice %arg6[%dma_wait3A_1825] : memref<2x!tpu.dma_semaphore, #tpu.memory_space<semaphore_mem>> -> memref<1x!tpu.dma_semaphore, #tpu.memory_space<semaphore_mem>>
    %dma_wait3A_1833 = tpu.memref_squeeze %dma_wait3A_1832 : memref<1x!tpu.dma_semaphore, #tpu.memory_space<semaphore_mem>> -> memref<!tpu.dma_semaphore, #tpu.memory_space<semaphore_mem>>
    %dma_wait3A_1834 = arith.constant 0 : i32
    %dma_wait3A_1835 = tpu.memref_slice %arg3[%dma_wait3A_1834, %multiple_of3A_124] : memref<64x1000000xf32, #tpu.memory_space<hbm>> -> memref<64x512xf32, #tpu.memory_space<hbm>>
    %dma_wait3A_1836 = arith.constant 0 : i32
    %dma_wait3A_1837 = arith.constant 0 : i32
    %dma_wait3A_1838 = tpu.memref_slice %arg4[%dma_wait3A_1824, %dma_wait3A_1836, %dma_wait3A_1837] : memref<2x64x512xf32, #tpu.memory_space<vmem>> -> memref<1x64x512xf32, #tpu.memory_space<vmem>>
    %dma_wait3A_1839 = tpu.memref_squeeze %dma_wait3A_1838 : memref<1x64x512xf32, #tpu.memory_space<vmem>> -> memref<64x512xf32, #tpu.memory_space<vmem>>
    tpu.wait_dma2 semaphore(%dma_wait3A_1833 : memref<!tpu.dma_semaphore, #tpu.memory_space<semaphore_mem>>) src(%dma_wait3A_1839 : memref<64x512xf32, #tpu.memory_space<vmem>>) dst(%dma_wait3A_1835 : memref<64x512xf32, #tpu.memory_space<hbm>>)
    %dma_start3A_1840 = arith.constant 0 : i32
    %dma_start3A_1841 = arith.constant 0 : i32
    %dma_start3A_1842 = arith.constant 0 : i32
    %dma_start3A_1843 = arith.constant 0 : i32
    %dma_start3A_1844 = tpu.memref_slice %arg4[%dma_start3A_1840, %dma_start3A_1842, %dma_start3A_1843] : memref<2x64x512xf32, #tpu.memory_space<vmem>> -> memref<1x64x512xf32, #tpu.memory_space<vmem>>
    %dma_start3A_1845 = tpu.memref_squeeze %dma_start3A_1844 : memref<1x64x512xf32, #tpu.memory_space<vmem>> -> memref<64x512xf32, #tpu.memory_space<vmem>>
    %dma_start3A_1846 = arith.constant 0 : i32
    %dma_start3A_1847 = tpu.memref_slice %arg2[%dma_start3A_1846, %multiple_of3A_134] : memref<64x1000000xf32, #tpu.memory_space<hbm>> -> memref<64x512xf32, #tpu.memory_space<hbm>>
    %dma_start3A_1848 = tpu.memref_slice %arg5[%dma_start3A_1841] : memref<2x!tpu.dma_semaphore, #tpu.memory_space<semaphore_mem>> -> memref<1x!tpu.dma_semaphore, #tpu.memory_space<semaphore_mem>>
    %dma_start3A_1849 = tpu.memref_squeeze %dma_start3A_1848 : memref<1x!tpu.dma_semaphore, #tpu.memory_space<semaphore_mem>> -> memref<!tpu.dma_semaphore, #tpu.memory_space<semaphore_mem>>
    %dma_start3A_1850 = arith.constant 0 : i32
    %dma_start3A_1851 = arith.constant 0 : i32
    %dma_start3A_1852 = tpu.memref_slice %arg4[%dma_start3A_1840, %dma_start3A_1850, %dma_start3A_1851] : memref<2x64x512xf32, #tpu.memory_space<vmem>> -> memref<1x64x512xf32, #tpu.memory_space<vmem>>
    %dma_start3A_1853 = tpu.memref_squeeze %dma_start3A_1852 : memref<1x64x512xf32, #tpu.memory_space<vmem>> -> memref<64x512xf32, #tpu.memory_space<vmem>>
    %dma_start3A_1854 = arith.constant 0 : i32
    %dma_start3A_1855 = tpu.memref_slice %arg2[%dma_start3A_1854, %multiple_of3A_134] : memref<64x1000000xf32, #tpu.memory_space<hbm>> -> memref<64x512xf32, #tpu.memory_space<hbm>>
    tpu.enqueue_dma source(%dma_start3A_1855 : memref<64x512xf32, #tpu.memory_space<hbm>>) target(%dma_start3A_1853 : memref<64x512xf32, #tpu.memory_space<vmem>>) target_semaphore(%dma_start3A_1849 : memref<!tpu.dma_semaphore, #tpu.memory_space<semaphore_mem>>)
    %dma_start3A_1856 = arith.constant 1 : i32
    %dma_start3A_1857 = arith.constant 1 : i32
    %dma_start3A_1858 = arith.constant 0 : i32
    %dma_start3A_1859 = arith.constant 0 : i32
    %dma_start3A_1860 = tpu.memref_slice %arg4[%dma_start3A_1856, %dma_start3A_1858, %dma_start3A_1859] : memref<2x64x512xf32, #tpu.memory_space<vmem>> -> memref<1x64x512xf32, #tpu.memory_space<vmem>>
    %dma_start3A_1861 = tpu.memref_squeeze %dma_start3A_1860 : memref<1x64x512xf32, #tpu.memory_space<vmem>> -> memref<64x512xf32, #tpu.memory_space<vmem>>
    %dma_start3A_1862 = arith.constant 0 : i32
    %dma_start3A_1863 = tpu.memref_slice %arg3[%dma_start3A_1862, %multiple_of3A_129] : memref<64x1000000xf32, #tpu.memory_space<hbm>> -> memref<64x512xf32, #tpu.memory_space<hbm>>
    %dma_start3A_1864 = tpu.memref_slice %arg6[%dma_start3A_1857] : memref<2x!tpu.dma_semaphore, #tpu.memory_space<semaphore_mem>> -> memref<1x!tpu.dma_semaphore, #tpu.memory_space<semaphore_mem>>
    %dma_start3A_1865 = tpu.memref_squeeze %dma_start3A_1864 : memref<1x!tpu.dma_semaphore, #tpu.memory_space<semaphore_mem>> -> memref<!tpu.dma_semaphore, #tpu.memory_space<semaphore_mem>>
    %dma_start3A_1866 = arith.constant 0 : i32
    %dma_start3A_1867 = tpu.memref_slice %arg3[%dma_start3A_1866, %multiple_of3A_129] : memref<64x1000000xf32, #tpu.memory_space<hbm>> -> memref<64x512xf32, #tpu.memory_space<hbm>>
    %dma_start3A_1868 = arith.constant 0 : i32
    %dma_start3A_1869 = arith.constant 0 : i32
    %dma_start3A_1870 = tpu.memref_slice %arg4[%dma_start3A_1856, %dma_start3A_1868, %dma_start3A_1869] : memref<2x64x512xf32, #tpu.memory_space<vmem>> -> memref<1x64x512xf32, #tpu.memory_space<vmem>>
    %dma_start3A_1871 = tpu.memref_squeeze %dma_start3A_1870 : memref<1x64x512xf32, #tpu.memory_space<vmem>> -> memref<64x512xf32, #tpu.memory_space<vmem>>
    tpu.enqueue_dma source(%dma_start3A_1871 : memref<64x512xf32, #tpu.memory_space<vmem>>) target(%dma_start3A_1867 : memref<64x512xf32, #tpu.memory_space<hbm>>) target_semaphore(%dma_start3A_1865 : memref<!tpu.dma_semaphore, #tpu.memory_space<semaphore_mem>>)
    %dma_wait3A_1872 = arith.constant 0 : i32
    %dma_wait3A_1873 = arith.constant 0 : i32
    %dma_wait3A_1874 = arith.constant 0 : i32
    %dma_wait3A_1875 = arith.constant 0 : i32
    %dma_wait3A_1876 = tpu.memref_slice %arg4[%dma_wait3A_1872, %dma_wait3A_1874, %dma_wait3A_1875] : memref<2x64x512xf32, #tpu.memory_space<vmem>> -> memref<1x64x512xf32, #tpu.memory_space<vmem>>
    %dma_wait3A_1877 = tpu.memref_squeeze %dma_wait3A_1876 : memref<1x64x512xf32, #tpu.memory_space<vmem>> -> memref<64x512xf32, #tpu.memory_space<vmem>>
    %dma_wait3A_1878 = arith.constant 0 : i32
    %dma_wait3A_1879 = tpu.memref_slice %arg2[%dma_wait3A_1878, %multiple_of3A_134] : memref<64x1000000xf32, #tpu.memory_space<hbm>> -> memref<64x512xf32, #tpu.memory_space<hbm>>
    %dma_wait3A_1880 = tpu.memref_slice %arg5[%dma_wait3A_1873] : memref<2x!tpu.dma_semaphore, #tpu.memory_space<semaphore_mem>> -> memref<1x!tpu.dma_semaphore, #tpu.memory_space<semaphore_mem>>
    %dma_wait3A_1881 = tpu.memref_squeeze %dma_wait3A_1880 : memref<1x!tpu.dma_semaphore, #tpu.memory_space<semaphore_mem>> -> memref<!tpu.dma_semaphore, #tpu.memory_space<semaphore_mem>>
    %dma_wait3A_1882 = arith.constant 0 : i32
    %dma_wait3A_1883 = arith.constant 0 : i32
    %dma_wait3A_1884 = tpu.memref_slice %arg4[%dma_wait3A_1872, %dma_wait3A_1882, %dma_wait3A_1883] : memref<2x64x512xf32, #tpu.memory_space<vmem>> -> memref<1x64x512xf32, #tpu.memory_space<vmem>>
    %dma_wait3A_1885 = tpu.memref_squeeze %dma_wait3A_1884 : memref<1x64x512xf32, #tpu.memory_space<vmem>> -> memref<64x512xf32, #tpu.memory_space<vmem>>
    %dma_wait3A_1886 = arith.constant 0 : i32
    %dma_wait3A_1887 = tpu.memref_slice %arg2[%dma_wait3A_1886, %multiple_of3A_134] : memref<64x1000000xf32, #tpu.memory_space<hbm>> -> memref<64x512xf32, #tpu.memory_space<hbm>>
    tpu.wait_dma2 semaphore(%dma_wait3A_1881 : memref<!tpu.dma_semaphore, #tpu.memory_space<semaphore_mem>>) src(%dma_wait3A_1887 : memref<64x512xf32, #tpu.memory_space<hbm>>) dst(%dma_wait3A_1885 : memref<64x512xf32, #tpu.memory_space<vmem>>)
    %dma_wait3A_1888 = arith.constant 1 : i32
    %dma_wait3A_1889 = arith.constant 1 : i32
    %dma_wait3A_1890 = arith.constant 0 : i32
    %dma_wait3A_1891 = arith.constant 0 : i32
    %dma_wait3A_1892 = tpu.memref_slice %arg4[%dma_wait3A_1888, %dma_wait3A_1890, %dma_wait3A_1891] : memref<2x64x512xf32, #tpu.memory_space<vmem>> -> memref<1x64x512xf32, #tpu.memory_space<vmem>>
    %dma_wait3A_1893 = tpu.memref_squeeze %dma_wait3A_1892 : memref<1x64x512xf32, #tpu.memory_space<vmem>> -> memref<64x512xf32, #tpu.memory_space<vmem>>
    %dma_wait3A_1894 = arith.constant 0 : i32
    %dma_wait3A_1895 = tpu.memref_slice %arg3[%dma_wait3A_1894, %multiple_of3A_129] : memref<64x1000000xf32, #tpu.memory_space<hbm>> -> memref<64x512xf32, #tpu.memory_space<hbm>>
    %dma_wait3A_1896 = tpu.memref_slice %arg6[%dma_wait3A_1889] : memref<2x!tpu.dma_semaphore, #tpu.memory_space<semaphore_mem>> -> memref<1x!tpu.dma_semaphore, #tpu.memory_space<semaphore_mem>>
    %dma_wait3A_1897 = tpu.memref_squeeze %dma_wait3A_1896 : memref<1x!tpu.dma_semaphore, #tpu.memory_space<semaphore_mem>> -> memref<!tpu.dma_semaphore, #tpu.memory_space<semaphore_mem>>
    %dma_wait3A_1898 = arith.constant 0 : i32
    %dma_wait3A_1899 = tpu.memref_slice %arg3[%dma_wait3A_1898, %multiple_of3A_129] : memref<64x1000000xf32, #tpu.memory_space<hbm>> -> memref<64x512xf32, #tpu.memory_space<hbm>>
    %dma_wait3A_1900 = arith.constant 0 : i32
    %dma_wait3A_1901 = arith.constant 0 : i32
    %dma_wait3A_1902 = tpu.memref_slice %arg4[%dma_wait3A_1888, %dma_wait3A_1900, %dma_wait3A_1901] : memref<2x64x512xf32, #tpu.memory_space<vmem>> -> memref<1x64x512xf32, #tpu.memory_space<vmem>>
    %dma_wait3A_1903 = tpu.memref_squeeze %dma_wait3A_1902 : memref<1x64x512xf32, #tpu.memory_space<vmem>> -> memref<64x512xf32, #tpu.memory_space<vmem>>
    tpu.wait_dma2 semaphore(%dma_wait3A_1897 : memref<!tpu.dma_semaphore, #tpu.memory_space<semaphore_mem>>) src(%dma_wait3A_1903 : memref<64x512xf32, #tpu.memory_space<vmem>>) dst(%dma_wait3A_1899 : memref<64x512xf32, #tpu.memory_space<hbm>>)
    %dma_start3A_1904 = arith.constant 1 : i32
    %dma_start3A_1905 = arith.constant 1 : i32
    %dma_start3A_1906 = arith.constant 0 : i32
    %dma_start3A_1907 = arith.constant 0 : i32
    %dma_start3A_1908 = tpu.memref_slice %arg4[%dma_start3A_1904, %dma_start3A_1906, %dma_start3A_1907] : memref<2x64x512xf32, #tpu.memory_space<vmem>> -> memref<1x64x512xf32, #tpu.memory_space<vmem>>
    %dma_start3A_1909 = tpu.memref_squeeze %dma_start3A_1908 : memref<1x64x512xf32, #tpu.memory_space<vmem>> -> memref<64x512xf32, #tpu.memory_space<vmem>>
    %dma_start3A_1910 = arith.constant 0 : i32
    %dma_start3A_1911 = tpu.memref_slice %arg2[%dma_start3A_1910, %multiple_of3A_139] : memref<64x1000000xf32, #tpu.memory_space<hbm>> -> memref<64x512xf32, #tpu.memory_space<hbm>>
    %dma_start3A_1912 = tpu.memref_slice %arg5[%dma_start3A_1905] : memref<2x!tpu.dma_semaphore, #tpu.memory_space<semaphore_mem>> -> memref<1x!tpu.dma_semaphore, #tpu.memory_space<semaphore_mem>>
    %dma_start3A_1913 = tpu.memref_squeeze %dma_start3A_1912 : memref<1x!tpu.dma_semaphore, #tpu.memory_space<semaphore_mem>> -> memref<!tpu.dma_semaphore, #tpu.memory_space<semaphore_mem>>
    %dma_start3A_1914 = arith.constant 0 : i32
    %dma_start3A_1915 = arith.constant 0 : i32
    %dma_start3A_1916 = tpu.memref_slice %arg4[%dma_start3A_1904, %dma_start3A_1914, %dma_start3A_1915] : memref<2x64x512xf32, #tpu.memory_space<vmem>> -> memref<1x64x512xf32, #tpu.memory_space<vmem>>
    %dma_start3A_1917 = tpu.memref_squeeze %dma_start3A_1916 : memref<1x64x512xf32, #tpu.memory_space<vmem>> -> memref<64x512xf32, #tpu.memory_space<vmem>>
    %dma_start3A_1918 = arith.constant 0 : i32
    %dma_start3A_1919 = tpu.memref_slice %arg2[%dma_start3A_1918, %multiple_of3A_139] : memref<64x1000000xf32, #tpu.memory_space<hbm>> -> memref<64x512xf32, #tpu.memory_space<hbm>>
    tpu.enqueue_dma source(%dma_start3A_1919 : memref<64x512xf32, #tpu.memory_space<hbm>>) target(%dma_start3A_1917 : memref<64x512xf32, #tpu.memory_space<vmem>>) target_semaphore(%dma_start3A_1913 : memref<!tpu.dma_semaphore, #tpu.memory_space<semaphore_mem>>)
    %dma_start3A_1920 = arith.constant 0 : i32
    %dma_start3A_1921 = arith.constant 0 : i32
    %dma_start3A_1922 = arith.constant 0 : i32
    %dma_start3A_1923 = arith.constant 0 : i32
    %dma_start3A_1924 = tpu.memref_slice %arg4[%dma_start3A_1920, %dma_start3A_1922, %dma_start3A_1923] : memref<2x64x512xf32, #tpu.memory_space<vmem>> -> memref<1x64x512xf32, #tpu.memory_space<vmem>>
    %dma_start3A_1925 = tpu.memref_squeeze %dma_start3A_1924 : memref<1x64x512xf32, #tpu.memory_space<vmem>> -> memref<64x512xf32, #tpu.memory_space<vmem>>
    %dma_start3A_1926 = arith.constant 0 : i32
    %dma_start3A_1927 = tpu.memref_slice %arg3[%dma_start3A_1926, %multiple_of3A_134] : memref<64x1000000xf32, #tpu.memory_space<hbm>> -> memref<64x512xf32, #tpu.memory_space<hbm>>
    %dma_start3A_1928 = tpu.memref_slice %arg6[%dma_start3A_1921] : memref<2x!tpu.dma_semaphore, #tpu.memory_space<semaphore_mem>> -> memref<1x!tpu.dma_semaphore, #tpu.memory_space<semaphore_mem>>
    %dma_start3A_1929 = tpu.memref_squeeze %dma_start3A_1928 : memref<1x!tpu.dma_semaphore, #tpu.memory_space<semaphore_mem>> -> memref<!tpu.dma_semaphore, #tpu.memory_space<semaphore_mem>>
    %dma_start3A_1930 = arith.constant 0 : i32
    %dma_start3A_1931 = tpu.memref_slice %arg3[%dma_start3A_1930, %multiple_of3A_134] : memref<64x1000000xf32, #tpu.memory_space<hbm>> -> memref<64x512xf32, #tpu.memory_space<hbm>>
    %dma_start3A_1932 = arith.constant 0 : i32
    %dma_start3A_1933 = arith.constant 0 : i32
    %dma_start3A_1934 = tpu.memref_slice %arg4[%dma_start3A_1920, %dma_start3A_1932, %dma_start3A_1933] : memref<2x64x512xf32, #tpu.memory_space<vmem>> -> memref<1x64x512xf32, #tpu.memory_space<vmem>>
    %dma_start3A_1935 = tpu.memref_squeeze %dma_start3A_1934 : memref<1x64x512xf32, #tpu.memory_space<vmem>> -> memref<64x512xf32, #tpu.memory_space<vmem>>
    tpu.enqueue_dma source(%dma_start3A_1935 : memref<64x512xf32, #tpu.memory_space<vmem>>) target(%dma_start3A_1931 : memref<64x512xf32, #tpu.memory_space<hbm>>) target_semaphore(%dma_start3A_1929 : memref<!tpu.dma_semaphore, #tpu.memory_space<semaphore_mem>>)
    %dma_wait3A_1936 = arith.constant 1 : i32
    %dma_wait3A_1937 = arith.constant 1 : i32
    %dma_wait3A_1938 = arith.constant 0 : i32
    %dma_wait3A_1939 = arith.constant 0 : i32
    %dma_wait3A_1940 = tpu.memref_slice %arg4[%dma_wait3A_1936, %dma_wait3A_1938, %dma_wait3A_1939] : memref<2x64x512xf32, #tpu.memory_space<vmem>> -> memref<1x64x512xf32, #tpu.memory_space<vmem>>
    %dma_wait3A_1941 = tpu.memref_squeeze %dma_wait3A_1940 : memref<1x64x512xf32, #tpu.memory_space<vmem>> -> memref<64x512xf32, #tpu.memory_space<vmem>>
    %dma_wait3A_1942 = arith.constant 0 : i32
    %dma_wait3A_1943 = tpu.memref_slice %arg2[%dma_wait3A_1942, %multiple_of3A_139] : memref<64x1000000xf32, #tpu.memory_space<hbm>> -> memref<64x512xf32, #tpu.memory_space<hbm>>
    %dma_wait3A_1944 = tpu.memref_slice %arg5[%dma_wait3A_1937] : memref<2x!tpu.dma_semaphore, #tpu.memory_space<semaphore_mem>> -> memref<1x!tpu.dma_semaphore, #tpu.memory_space<semaphore_mem>>
    %dma_wait3A_1945 = tpu.memref_squeeze %dma_wait3A_1944 : memref<1x!tpu.dma_semaphore, #tpu.memory_space<semaphore_mem>> -> memref<!tpu.dma_semaphore, #tpu.memory_space<semaphore_mem>>
    %dma_wait3A_1946 = arith.constant 0 : i32
    %dma_wait3A_1947 = arith.constant 0 : i32
    %dma_wait3A_1948 = tpu.memref_slice %arg4[%dma_wait3A_1936, %dma_wait3A_1946, %dma_wait3A_1947] : memref<2x64x512xf32, #tpu.memory_space<vmem>> -> memref<1x64x512xf32, #tpu.memory_space<vmem>>
    %dma_wait3A_1949 = tpu.memref_squeeze %dma_wait3A_1948 : memref<1x64x512xf32, #tpu.memory_space<vmem>> -> memref<64x512xf32, #tpu.memory_space<vmem>>
    %dma_wait3A_1950 = arith.constant 0 : i32
    %dma_wait3A_1951 = tpu.memref_slice %arg2[%dma_wait3A_1950, %multiple_of3A_139] : memref<64x1000000xf32, #tpu.memory_space<hbm>> -> memref<64x512xf32, #tpu.memory_space<hbm>>
    tpu.wait_dma2 semaphore(%dma_wait3A_1945 : memref<!tpu.dma_semaphore, #tpu.memory_space<semaphore_mem>>) src(%dma_wait3A_1951 : memref<64x512xf32, #tpu.memory_space<hbm>>) dst(%dma_wait3A_1949 : memref<64x512xf32, #tpu.memory_space<vmem>>)
    %dma_wait3A_1952 = arith.constant 0 : i32
    %dma_wait3A_1953 = arith.constant 0 : i32
    %dma_wait3A_1954 = arith.constant 0 : i32
    %dma_wait3A_1955 = arith.constant 0 : i32
    %dma_wait3A_1956 = tpu.memref_slice %arg4[%dma_wait3A_1952, %dma_wait3A_1954, %dma_wait3A_1955] : memref<2x64x512xf32, #tpu.memory_space<vmem>> -> memref<1x64x512xf32, #tpu.memory_space<vmem>>
    %dma_wait3A_1957 = tpu.memref_squeeze %dma_wait3A_1956 : memref<1x64x512xf32, #tpu.memory_space<vmem>> -> memref<64x512xf32, #tpu.memory_space<vmem>>
    %dma_wait3A_1958 = arith.constant 0 : i32
    %dma_wait3A_1959 = tpu.memref_slice %arg3[%dma_wait3A_1958, %multiple_of3A_134] : memref<64x1000000xf32, #tpu.memory_space<hbm>> -> memref<64x512xf32, #tpu.memory_space<hbm>>
    %dma_wait3A_1960 = tpu.memref_slice %arg6[%dma_wait3A_1953] : memref<2x!tpu.dma_semaphore, #tpu.memory_space<semaphore_mem>> -> memref<1x!tpu.dma_semaphore, #tpu.memory_space<semaphore_mem>>
    %dma_wait3A_1961 = tpu.memref_squeeze %dma_wait3A_1960 : memref<1x!tpu.dma_semaphore, #tpu.memory_space<semaphore_mem>> -> memref<!tpu.dma_semaphore, #tpu.memory_space<semaphore_mem>>
    %dma_wait3A_1962 = arith.constant 0 : i32
    %dma_wait3A_1963 = tpu.memref_slice %arg3[%dma_wait3A_1962, %multiple_of3A_134] : memref<64x1000000xf32, #tpu.memory_space<hbm>> -> memref<64x512xf32, #tpu.memory_space<hbm>>
    %dma_wait3A_1964 = arith.constant 0 : i32
    %dma_wait3A_1965 = arith.constant 0 : i32
    %dma_wait3A_1966 = tpu.memref_slice %arg4[%dma_wait3A_1952, %dma_wait3A_1964, %dma_wait3A_1965] : memref<2x64x512xf32, #tpu.memory_space<vmem>> -> memref<1x64x512xf32, #tpu.memory_space<vmem>>
    %dma_wait3A_1967 = tpu.memref_squeeze %dma_wait3A_1966 : memref<1x64x512xf32, #tpu.memory_space<vmem>> -> memref<64x512xf32, #tpu.memory_space<vmem>>
    tpu.wait_dma2 semaphore(%dma_wait3A_1961 : memref<!tpu.dma_semaphore, #tpu.memory_space<semaphore_mem>>) src(%dma_wait3A_1967 : memref<64x512xf32, #tpu.memory_space<vmem>>) dst(%dma_wait3A_1963 : memref<64x512xf32, #tpu.memory_space<hbm>>)
    %dma_start3A_1968 = arith.constant 0 : i32
    %dma_start3A_1969 = arith.constant 0 : i32
    %dma_start3A_1970 = arith.constant 0 : i32
    %dma_start3A_1971 = arith.constant 0 : i32
    %dma_start3A_1972 = tpu.memref_slice %arg4[%dma_start3A_1968, %dma_start3A_1970, %dma_start3A_1971] : memref<2x64x512xf32, #tpu.memory_space<vmem>> -> memref<1x64x512xf32, #tpu.memory_space<vmem>>
    %dma_start3A_1973 = tpu.memref_squeeze %dma_start3A_1972 : memref<1x64x512xf32, #tpu.memory_space<vmem>> -> memref<64x512xf32, #tpu.memory_space<vmem>>
    %dma_start3A_1974 = arith.constant 0 : i32
    %dma_start3A_1975 = tpu.memref_slice %arg2[%dma_start3A_1974, %multiple_of3A_144] : memref<64x1000000xf32, #tpu.memory_space<hbm>> -> memref<64x512xf32, #tpu.memory_space<hbm>>
    %dma_start3A_1976 = tpu.memref_slice %arg5[%dma_start3A_1969] : memref<2x!tpu.dma_semaphore, #tpu.memory_space<semaphore_mem>> -> memref<1x!tpu.dma_semaphore, #tpu.memory_space<semaphore_mem>>
    %dma_start3A_1977 = tpu.memref_squeeze %dma_start3A_1976 : memref<1x!tpu.dma_semaphore, #tpu.memory_space<semaphore_mem>> -> memref<!tpu.dma_semaphore, #tpu.memory_space<semaphore_mem>>
    %dma_start3A_1978 = arith.constant 0 : i32
    %dma_start3A_1979 = arith.constant 0 : i32
    %dma_start3A_1980 = tpu.memref_slice %arg4[%dma_start3A_1968, %dma_start3A_1978, %dma_start3A_1979] : memref<2x64x512xf32, #tpu.memory_space<vmem>> -> memref<1x64x512xf32, #tpu.memory_space<vmem>>
    %dma_start3A_1981 = tpu.memref_squeeze %dma_start3A_1980 : memref<1x64x512xf32, #tpu.memory_space<vmem>> -> memref<64x512xf32, #tpu.memory_space<vmem>>
    %dma_start3A_1982 = arith.constant 0 : i32
    %dma_start3A_1983 = tpu.memref_slice %arg2[%dma_start3A_1982, %multiple_of3A_144] : memref<64x1000000xf32, #tpu.memory_space<hbm>> -> memref<64x512xf32, #tpu.memory_space<hbm>>
    tpu.enqueue_dma source(%dma_start3A_1983 : memref<64x512xf32, #tpu.memory_space<hbm>>) target(%dma_start3A_1981 : memref<64x512xf32, #tpu.memory_space<vmem>>) target_semaphore(%dma_start3A_1977 : memref<!tpu.dma_semaphore, #tpu.memory_space<semaphore_mem>>)
    %dma_start3A_1984 = arith.constant 1 : i32
    %dma_start3A_1985 = arith.constant 1 : i32
    %dma_start3A_1986 = arith.constant 0 : i32
    %dma_start3A_1987 = arith.constant 0 : i32
    %dma_start3A_1988 = tpu.memref_slice %arg4[%dma_start3A_1984, %dma_start3A_1986, %dma_start3A_1987] : memref<2x64x512xf32, #tpu.memory_space<vmem>> -> memref<1x64x512xf32, #tpu.memory_space<vmem>>
    %dma_start3A_1989 = tpu.memref_squeeze %dma_start3A_1988 : memref<1x64x512xf32, #tpu.memory_space<vmem>> -> memref<64x512xf32, #tpu.memory_space<vmem>>
    %dma_start3A_1990 = arith.constant 0 : i32
    %dma_start3A_1991 = tpu.memref_slice %arg3[%dma_start3A_1990, %multiple_of3A_139] : memref<64x1000000xf32, #tpu.memory_space<hbm>> -> memref<64x512xf32, #tpu.memory_space<hbm>>
    %dma_start3A_1992 = tpu.memref_slice %arg6[%dma_start3A_1985] : memref<2x!tpu.dma_semaphore, #tpu.memory_space<semaphore_mem>> -> memref<1x!tpu.dma_semaphore, #tpu.memory_space<semaphore_mem>>
    %dma_start3A_1993 = tpu.memref_squeeze %dma_start3A_1992 : memref<1x!tpu.dma_semaphore, #tpu.memory_space<semaphore_mem>> -> memref<!tpu.dma_semaphore, #tpu.memory_space<semaphore_mem>>
    %dma_start3A_1994 = arith.constant 0 : i32
    %dma_start3A_1995 = tpu.memref_slice %arg3[%dma_start3A_1994, %multiple_of3A_139] : memref<64x1000000xf32, #tpu.memory_space<hbm>> -> memref<64x512xf32, #tpu.memory_space<hbm>>
    %dma_start3A_1996 = arith.constant 0 : i32
    %dma_start3A_1997 = arith.constant 0 : i32
    %dma_start3A_1998 = tpu.memref_slice %arg4[%dma_start3A_1984, %dma_start3A_1996, %dma_start3A_1997] : memref<2x64x512xf32, #tpu.memory_space<vmem>> -> memref<1x64x512xf32, #tpu.memory_space<vmem>>
    %dma_start3A_1999 = tpu.memref_squeeze %dma_start3A_1998 : memref<1x64x512xf32, #tpu.memory_space<vmem>> -> memref<64x512xf32, #tpu.memory_space<vmem>>
    tpu.enqueue_dma source(%dma_start3A_1999 : memref<64x512xf32, #tpu.memory_space<vmem>>) target(%dma_start3A_1995 : memref<64x512xf32, #tpu.memory_space<hbm>>) target_semaphore(%dma_start3A_1993 : memref<!tpu.dma_semaphore, #tpu.memory_space<semaphore_mem>>)
    %dma_wait3A_2000 = arith.constant 0 : i32
    %dma_wait3A_2001 = arith.constant 0 : i32
    %dma_wait3A_2002 = arith.constant 0 : i32
    %dma_wait3A_2003 = arith.constant 0 : i32
    %dma_wait3A_2004 = tpu.memref_slice %arg4[%dma_wait3A_2000, %dma_wait3A_2002, %dma_wait3A_2003] : memref<2x64x512xf32, #tpu.memory_space<vmem>> -> memref<1x64x512xf32, #tpu.memory_space<vmem>>
    %dma_wait3A_2005 = tpu.memref_squeeze %dma_wait3A_2004 : memref<1x64x512xf32, #tpu.memory_space<vmem>> -> memref<64x512xf32, #tpu.memory_space<vmem>>
    %dma_wait3A_2006 = arith.constant 0 : i32
    %dma_wait3A_2007 = tpu.memref_slice %arg2[%dma_wait3A_2006, %multiple_of3A_144] : memref<64x1000000xf32, #tpu.memory_space<hbm>> -> memref<64x512xf32, #tpu.memory_space<hbm>>
    %dma_wait3A_2008 = tpu.memref_slice %arg5[%dma_wait3A_2001] : memref<2x!tpu.dma_semaphore, #tpu.memory_space<semaphore_mem>> -> memref<1x!tpu.dma_semaphore, #tpu.memory_space<semaphore_mem>>
    %dma_wait3A_2009 = tpu.memref_squeeze %dma_wait3A_2008 : memref<1x!tpu.dma_semaphore, #tpu.memory_space<semaphore_mem>> -> memref<!tpu.dma_semaphore, #tpu.memory_space<semaphore_mem>>
    %dma_wait3A_2010 = arith.constant 0 : i32
    %dma_wait3A_2011 = arith.constant 0 : i32
    %dma_wait3A_2012 = tpu.memref_slice %arg4[%dma_wait3A_2000, %dma_wait3A_2010, %dma_wait3A_2011] : memref<2x64x512xf32, #tpu.memory_space<vmem>> -> memref<1x64x512xf32, #tpu.memory_space<vmem>>
    %dma_wait3A_2013 = tpu.memref_squeeze %dma_wait3A_2012 : memref<1x64x512xf32, #tpu.memory_space<vmem>> -> memref<64x512xf32, #tpu.memory_space<vmem>>
    %dma_wait3A_2014 = arith.constant 0 : i32
    %dma_wait3A_2015 = tpu.memref_slice %arg2[%dma_wait3A_2014, %multiple_of3A_144] : memref<64x1000000xf32, #tpu.memory_space<hbm>> -> memref<64x512xf32, #tpu.memory_space<hbm>>
    tpu.wait_dma2 semaphore(%dma_wait3A_2009 : memref<!tpu.dma_semaphore, #tpu.memory_space<semaphore_mem>>) src(%dma_wait3A_2015 : memref<64x512xf32, #tpu.memory_space<hbm>>) dst(%dma_wait3A_2013 : memref<64x512xf32, #tpu.memory_space<vmem>>)
    %dma_wait3A_2016 = arith.constant 1 : i32
    %dma_wait3A_2017 = arith.constant 1 : i32
    %dma_wait3A_2018 = arith.constant 0 : i32
    %dma_wait3A_2019 = arith.constant 0 : i32
    %dma_wait3A_2020 = tpu.memref_slice %arg4[%dma_wait3A_2016, %dma_wait3A_2018, %dma_wait3A_2019] : memref<2x64x512xf32, #tpu.memory_space<vmem>> -> memref<1x64x512xf32, #tpu.memory_space<vmem>>
    %dma_wait3A_2021 = tpu.memref_squeeze %dma_wait3A_2020 : memref<1x64x512xf32, #tpu.memory_space<vmem>> -> memref<64x512xf32, #tpu.memory_space<vmem>>
    %dma_wait3A_2022 = arith.constant 0 : i32
    %dma_wait3A_2023 = tpu.memref_slice %arg3[%dma_wait3A_2022, %multiple_of3A_139] : memref<64x1000000xf32, #tpu.memory_space<hbm>> -> memref<64x512xf32, #tpu.memory_space<hbm>>
    %dma_wait3A_2024 = tpu.memref_slice %arg6[%dma_wait3A_2017] : memref<2x!tpu.dma_semaphore, #tpu.memory_space<semaphore_mem>> -> memref<1x!tpu.dma_semaphore, #tpu.memory_space<semaphore_mem>>
    %dma_wait3A_2025 = tpu.memref_squeeze %dma_wait3A_2024 : memref<1x!tpu.dma_semaphore, #tpu.memory_space<semaphore_mem>> -> memref<!tpu.dma_semaphore, #tpu.memory_space<semaphore_mem>>
    %dma_wait3A_2026 = arith.constant 0 : i32
    %dma_wait3A_2027 = tpu.memref_slice %arg3[%dma_wait3A_2026, %multiple_of3A_139] : memref<64x1000000xf32, #tpu.memory_space<hbm>> -> memref<64x512xf32, #tpu.memory_space<hbm>>
    %dma_wait3A_2028 = arith.constant 0 : i32
    %dma_wait3A_2029 = arith.constant 0 : i32
    %dma_wait3A_2030 = tpu.memref_slice %arg4[%dma_wait3A_2016, %dma_wait3A_2028, %dma_wait3A_2029] : memref<2x64x512xf32, #tpu.memory_space<vmem>> -> memref<1x64x512xf32, #tpu.memory_space<vmem>>
    %dma_wait3A_2031 = tpu.memref_squeeze %dma_wait3A_2030 : memref<1x64x512xf32, #tpu.memory_space<vmem>> -> memref<64x512xf32, #tpu.memory_space<vmem>>
    tpu.wait_dma2 semaphore(%dma_wait3A_2025 : memref<!tpu.dma_semaphore, #tpu.memory_space<semaphore_mem>>) src(%dma_wait3A_2031 : memref<64x512xf32, #tpu.memory_space<vmem>>) dst(%dma_wait3A_2027 : memref<64x512xf32, #tpu.memory_space<hbm>>)
    %dma_start3A_2032 = arith.constant 1 : i32
    %dma_start3A_2033 = arith.constant 1 : i32
    %dma_start3A_2034 = arith.constant 0 : i32
    %dma_start3A_2035 = arith.constant 0 : i32
    %dma_start3A_2036 = tpu.memref_slice %arg4[%dma_start3A_2032, %dma_start3A_2034, %dma_start3A_2035] : memref<2x64x512xf32, #tpu.memory_space<vmem>> -> memref<1x64x512xf32, #tpu.memory_space<vmem>>
    %dma_start3A_2037 = tpu.memref_squeeze %dma_start3A_2036 : memref<1x64x512xf32, #tpu.memory_space<vmem>> -> memref<64x512xf32, #tpu.memory_space<vmem>>
    %dma_start3A_2038 = arith.constant 0 : i32
    %dma_start3A_2039 = tpu.memref_slice %arg2[%dma_start3A_2038, %multiple_of3A_149] : memref<64x1000000xf32, #tpu.memory_space<hbm>> -> memref<64x512xf32, #tpu.memory_space<hbm>>
    %dma_start3A_2040 = tpu.memref_slice %arg5[%dma_start3A_2033] : memref<2x!tpu.dma_semaphore, #tpu.memory_space<semaphore_mem>> -> memref<1x!tpu.dma_semaphore, #tpu.memory_space<semaphore_mem>>
    %dma_start3A_2041 = tpu.memref_squeeze %dma_start3A_2040 : memref<1x!tpu.dma_semaphore, #tpu.memory_space<semaphore_mem>> -> memref<!tpu.dma_semaphore, #tpu.memory_space<semaphore_mem>>
    %dma_start3A_2042 = arith.constant 0 : i32
    %dma_start3A_2043 = arith.constant 0 : i32
    %dma_start3A_2044 = tpu.memref_slice %arg4[%dma_start3A_2032, %dma_start3A_2042, %dma_start3A_2043] : memref<2x64x512xf32, #tpu.memory_space<vmem>> -> memref<1x64x512xf32, #tpu.memory_space<vmem>>
    %dma_start3A_2045 = tpu.memref_squeeze %dma_start3A_2044 : memref<1x64x512xf32, #tpu.memory_space<vmem>> -> memref<64x512xf32, #tpu.memory_space<vmem>>
    %dma_start3A_2046 = arith.constant 0 : i32
    %dma_start3A_2047 = tpu.memref_slice %arg2[%dma_start3A_2046, %multiple_of3A_149] : memref<64x1000000xf32, #tpu.memory_space<hbm>> -> memref<64x512xf32, #tpu.memory_space<hbm>>
    tpu.enqueue_dma source(%dma_start3A_2047 : memref<64x512xf32, #tpu.memory_space<hbm>>) target(%dma_start3A_2045 : memref<64x512xf32, #tpu.memory_space<vmem>>) target_semaphore(%dma_start3A_2041 : memref<!tpu.dma_semaphore, #tpu.memory_space<semaphore_mem>>)
    %dma_start3A_2048 = arith.constant 0 : i32
    %dma_start3A_2049 = arith.constant 0 : i32
    %dma_start3A_2050 = arith.constant 0 : i32
    %dma_start3A_2051 = arith.constant 0 : i32
    %dma_start3A_2052 = tpu.memref_slice %arg4[%dma_start3A_2048, %dma_start3A_2050, %dma_start3A_2051] : memref<2x64x512xf32, #tpu.memory_space<vmem>> -> memref<1x64x512xf32, #tpu.memory_space<vmem>>
    %dma_start3A_2053 = tpu.memref_squeeze %dma_start3A_2052 : memref<1x64x512xf32, #tpu.memory_space<vmem>> -> memref<64x512xf32, #tpu.memory_space<vmem>>
    %dma_start3A_2054 = arith.constant 0 : i32
    %dma_start3A_2055 = tpu.memref_slice %arg3[%dma_start3A_2054, %multiple_of3A_144] : memref<64x1000000xf32, #tpu.memory_space<hbm>> -> memref<64x512xf32, #tpu.memory_space<hbm>>
    %dma_start3A_2056 = tpu.memref_slice %arg6[%dma_start3A_2049] : memref<2x!tpu.dma_semaphore, #tpu.memory_space<semaphore_mem>> -> memref<1x!tpu.dma_semaphore, #tpu.memory_space<semaphore_mem>>
    %dma_start3A_2057 = tpu.memref_squeeze %dma_start3A_2056 : memref<1x!tpu.dma_semaphore, #tpu.memory_space<semaphore_mem>> -> memref<!tpu.dma_semaphore, #tpu.memory_space<semaphore_mem>>
    %dma_start3A_2058 = arith.constant 0 : i32
    %dma_start3A_2059 = tpu.memref_slice %arg3[%dma_start3A_2058, %multiple_of3A_144] : memref<64x1000000xf32, #tpu.memory_space<hbm>> -> memref<64x512xf32, #tpu.memory_space<hbm>>
    %dma_start3A_2060 = arith.constant 0 : i32
    %dma_start3A_2061 = arith.constant 0 : i32
    %dma_start3A_2062 = tpu.memref_slice %arg4[%dma_start3A_2048, %dma_start3A_2060, %dma_start3A_2061] : memref<2x64x512xf32, #tpu.memory_space<vmem>> -> memref<1x64x512xf32, #tpu.memory_space<vmem>>
    %dma_start3A_2063 = tpu.memref_squeeze %dma_start3A_2062 : memref<1x64x512xf32, #tpu.memory_space<vmem>> -> memref<64x512xf32, #tpu.memory_space<vmem>>
    tpu.enqueue_dma source(%dma_start3A_2063 : memref<64x512xf32, #tpu.memory_space<vmem>>) target(%dma_start3A_2059 : memref<64x512xf32, #tpu.memory_space<hbm>>) target_semaphore(%dma_start3A_2057 : memref<!tpu.dma_semaphore, #tpu.memory_space<semaphore_mem>>)
    %dma_wait3A_2064 = arith.constant 1 : i32
    %dma_wait3A_2065 = arith.constant 1 : i32
    %dma_wait3A_2066 = arith.constant 0 : i32
    %dma_wait3A_2067 = arith.constant 0 : i32
    %dma_wait3A_2068 = tpu.memref_slice %arg4[%dma_wait3A_2064, %dma_wait3A_2066, %dma_wait3A_2067] : memref<2x64x512xf32, #tpu.memory_space<vmem>> -> memref<1x64x512xf32, #tpu.memory_space<vmem>>
    %dma_wait3A_2069 = tpu.memref_squeeze %dma_wait3A_2068 : memref<1x64x512xf32, #tpu.memory_space<vmem>> -> memref<64x512xf32, #tpu.memory_space<vmem>>
    %dma_wait3A_2070 = arith.constant 0 : i32
    %dma_wait3A_2071 = tpu.memref_slice %arg2[%dma_wait3A_2070, %multiple_of3A_149] : memref<64x1000000xf32, #tpu.memory_space<hbm>> -> memref<64x512xf32, #tpu.memory_space<hbm>>
    %dma_wait3A_2072 = tpu.memref_slice %arg5[%dma_wait3A_2065] : memref<2x!tpu.dma_semaphore, #tpu.memory_space<semaphore_mem>> -> memref<1x!tpu.dma_semaphore, #tpu.memory_space<semaphore_mem>>
    %dma_wait3A_2073 = tpu.memref_squeeze %dma_wait3A_2072 : memref<1x!tpu.dma_semaphore, #tpu.memory_space<semaphore_mem>> -> memref<!tpu.dma_semaphore, #tpu.memory_space<semaphore_mem>>
    %dma_wait3A_2074 = arith.constant 0 : i32
    %dma_wait3A_2075 = arith.constant 0 : i32
    %dma_wait3A_2076 = tpu.memref_slice %arg4[%dma_wait3A_2064, %dma_wait3A_2074, %dma_wait3A_2075] : memref<2x64x512xf32, #tpu.memory_space<vmem>> -> memref<1x64x512xf32, #tpu.memory_space<vmem>>
    %dma_wait3A_2077 = tpu.memref_squeeze %dma_wait3A_2076 : memref<1x64x512xf32, #tpu.memory_space<vmem>> -> memref<64x512xf32, #tpu.memory_space<vmem>>
    %dma_wait3A_2078 = arith.constant 0 : i32
    %dma_wait3A_2079 = tpu.memref_slice %arg2[%dma_wait3A_2078, %multiple_of3A_149] : memref<64x1000000xf32, #tpu.memory_space<hbm>> -> memref<64x512xf32, #tpu.memory_space<hbm>>
    tpu.wait_dma2 semaphore(%dma_wait3A_2073 : memref<!tpu.dma_semaphore, #tpu.memory_space<semaphore_mem>>) src(%dma_wait3A_2079 : memref<64x512xf32, #tpu.memory_space<hbm>>) dst(%dma_wait3A_2077 : memref<64x512xf32, #tpu.memory_space<vmem>>)
    %dma_wait3A_2080 = arith.constant 0 : i32
    %dma_wait3A_2081 = arith.constant 0 : i32
    %dma_wait3A_2082 = arith.constant 0 : i32
    %dma_wait3A_2083 = arith.constant 0 : i32
    %dma_wait3A_2084 = tpu.memref_slice %arg4[%dma_wait3A_2080, %dma_wait3A_2082, %dma_wait3A_2083] : memref<2x64x512xf32, #tpu.memory_space<vmem>> -> memref<1x64x512xf32, #tpu.memory_space<vmem>>
    %dma_wait3A_2085 = tpu.memref_squeeze %dma_wait3A_2084 : memref<1x64x512xf32, #tpu.memory_space<vmem>> -> memref<64x512xf32, #tpu.memory_space<vmem>>
    %dma_wait3A_2086 = arith.constant 0 : i32
    %dma_wait3A_2087 = tpu.memref_slice %arg3[%dma_wait3A_2086, %multiple_of3A_144] : memref<64x1000000xf32, #tpu.memory_space<hbm>> -> memref<64x512xf32, #tpu.memory_space<hbm>>
    %dma_wait3A_2088 = tpu.memref_slice %arg6[%dma_wait3A_2081] : memref<2x!tpu.dma_semaphore, #tpu.memory_space<semaphore_mem>> -> memref<1x!tpu.dma_semaphore, #tpu.memory_space<semaphore_mem>>
    %dma_wait3A_2089 = tpu.memref_squeeze %dma_wait3A_2088 : memref<1x!tpu.dma_semaphore, #tpu.memory_space<semaphore_mem>> -> memref<!tpu.dma_semaphore, #tpu.memory_space<semaphore_mem>>
    %dma_wait3A_2090 = arith.constant 0 : i32
    %dma_wait3A_2091 = tpu.memref_slice %arg3[%dma_wait3A_2090, %multiple_of3A_144] : memref<64x1000000xf32, #tpu.memory_space<hbm>> -> memref<64x512xf32, #tpu.memory_space<hbm>>
    %dma_wait3A_2092 = arith.constant 0 : i32
    %dma_wait3A_2093 = arith.constant 0 : i32
    %dma_wait3A_2094 = tpu.memref_slice %arg4[%dma_wait3A_2080, %dma_wait3A_2092, %dma_wait3A_2093] : memref<2x64x512xf32, #tpu.memory_space<vmem>> -> memref<1x64x512xf32, #tpu.memory_space<vmem>>
    %dma_wait3A_2095 = tpu.memref_squeeze %dma_wait3A_2094 : memref<1x64x512xf32, #tpu.memory_space<vmem>> -> memref<64x512xf32, #tpu.memory_space<vmem>>
    tpu.wait_dma2 semaphore(%dma_wait3A_2089 : memref<!tpu.dma_semaphore, #tpu.memory_space<semaphore_mem>>) src(%dma_wait3A_2095 : memref<64x512xf32, #tpu.memory_space<vmem>>) dst(%dma_wait3A_2091 : memref<64x512xf32, #tpu.memory_space<hbm>>)
    %dma_start3A_2096 = arith.constant 0 : i32
    %dma_start3A_2097 = arith.constant 0 : i32
    %dma_start3A_2098 = arith.constant 0 : i32
    %dma_start3A_2099 = arith.constant 0 : i32
    %dma_start3A_2100 = tpu.memref_slice %arg4[%dma_start3A_2096, %dma_start3A_2098, %dma_start3A_2099] : memref<2x64x512xf32, #tpu.memory_space<vmem>> -> memref<1x64x512xf32, #tpu.memory_space<vmem>>
    %dma_start3A_2101 = tpu.memref_squeeze %dma_start3A_2100 : memref<1x64x512xf32, #tpu.memory_space<vmem>> -> memref<64x512xf32, #tpu.memory_space<vmem>>
    %dma_start3A_2102 = arith.constant 0 : i32
    %dma_start3A_2103 = tpu.memref_slice %arg2[%dma_start3A_2102, %multiple_of3A_154] : memref<64x1000000xf32, #tpu.memory_space<hbm>> -> memref<64x512xf32, #tpu.memory_space<hbm>>
    %dma_start3A_2104 = tpu.memref_slice %arg5[%dma_start3A_2097] : memref<2x!tpu.dma_semaphore, #tpu.memory_space<semaphore_mem>> -> memref<1x!tpu.dma_semaphore, #tpu.memory_space<semaphore_mem>>
    %dma_start3A_2105 = tpu.memref_squeeze %dma_start3A_2104 : memref<1x!tpu.dma_semaphore, #tpu.memory_space<semaphore_mem>> -> memref<!tpu.dma_semaphore, #tpu.memory_space<semaphore_mem>>
    %dma_start3A_2106 = arith.constant 0 : i32
    %dma_start3A_2107 = arith.constant 0 : i32
    %dma_start3A_2108 = tpu.memref_slice %arg4[%dma_start3A_2096, %dma_start3A_2106, %dma_start3A_2107] : memref<2x64x512xf32, #tpu.memory_space<vmem>> -> memref<1x64x512xf32, #tpu.memory_space<vmem>>
    %dma_start3A_2109 = tpu.memref_squeeze %dma_start3A_2108 : memref<1x64x512xf32, #tpu.memory_space<vmem>> -> memref<64x512xf32, #tpu.memory_space<vmem>>
    %dma_start3A_2110 = arith.constant 0 : i32
    %dma_start3A_2111 = tpu.memref_slice %arg2[%dma_start3A_2110, %multiple_of3A_154] : memref<64x1000000xf32, #tpu.memory_space<hbm>> -> memref<64x512xf32, #tpu.memory_space<hbm>>
    tpu.enqueue_dma source(%dma_start3A_2111 : memref<64x512xf32, #tpu.memory_space<hbm>>) target(%dma_start3A_2109 : memref<64x512xf32, #tpu.memory_space<vmem>>) target_semaphore(%dma_start3A_2105 : memref<!tpu.dma_semaphore, #tpu.memory_space<semaphore_mem>>)
    %dma_start3A_2112 = arith.constant 1 : i32
    %dma_start3A_2113 = arith.constant 1 : i32
    %dma_start3A_2114 = arith.constant 0 : i32
    %dma_start3A_2115 = arith.constant 0 : i32
    %dma_start3A_2116 = tpu.memref_slice %arg4[%dma_start3A_2112, %dma_start3A_2114, %dma_start3A_2115] : memref<2x64x512xf32, #tpu.memory_space<vmem>> -> memref<1x64x512xf32, #tpu.memory_space<vmem>>
    %dma_start3A_2117 = tpu.memref_squeeze %dma_start3A_2116 : memref<1x64x512xf32, #tpu.memory_space<vmem>> -> memref<64x512xf32, #tpu.memory_space<vmem>>
    %dma_start3A_2118 = arith.constant 0 : i32
    %dma_start3A_2119 = tpu.memref_slice %arg3[%dma_start3A_2118, %multiple_of3A_149] : memref<64x1000000xf32, #tpu.memory_space<hbm>> -> memref<64x512xf32, #tpu.memory_space<hbm>>
    %dma_start3A_2120 = tpu.memref_slice %arg6[%dma_start3A_2113] : memref<2x!tpu.dma_semaphore, #tpu.memory_space<semaphore_mem>> -> memref<1x!tpu.dma_semaphore, #tpu.memory_space<semaphore_mem>>
    %dma_start3A_2121 = tpu.memref_squeeze %dma_start3A_2120 : memref<1x!tpu.dma_semaphore, #tpu.memory_space<semaphore_mem>> -> memref<!tpu.dma_semaphore, #tpu.memory_space<semaphore_mem>>
    %dma_start3A_2122 = arith.constant 0 : i32
    %dma_start3A_2123 = tpu.memref_slice %arg3[%dma_start3A_2122, %multiple_of3A_149] : memref<64x1000000xf32, #tpu.memory_space<hbm>> -> memref<64x512xf32, #tpu.memory_space<hbm>>
    %dma_start3A_2124 = arith.constant 0 : i32
    %dma_start3A_2125 = arith.constant 0 : i32
    %dma_start3A_2126 = tpu.memref_slice %arg4[%dma_start3A_2112, %dma_start3A_2124, %dma_start3A_2125] : memref<2x64x512xf32, #tpu.memory_space<vmem>> -> memref<1x64x512xf32, #tpu.memory_space<vmem>>
    %dma_start3A_2127 = tpu.memref_squeeze %dma_start3A_2126 : memref<1x64x512xf32, #tpu.memory_space<vmem>> -> memref<64x512xf32, #tpu.memory_space<vmem>>
    tpu.enqueue_dma source(%dma_start3A_2127 : memref<64x512xf32, #tpu.memory_space<vmem>>) target(%dma_start3A_2123 : memref<64x512xf32, #tpu.memory_space<hbm>>) target_semaphore(%dma_start3A_2121 : memref<!tpu.dma_semaphore, #tpu.memory_space<semaphore_mem>>)
    %dma_wait3A_2128 = arith.constant 0 : i32
    %dma_wait3A_2129 = arith.constant 0 : i32
    %dma_wait3A_2130 = arith.constant 0 : i32
    %dma_wait3A_2131 = arith.constant 0 : i32
    %dma_wait3A_2132 = tpu.memref_slice %arg4[%dma_wait3A_2128, %dma_wait3A_2130, %dma_wait3A_2131] : memref<2x64x512xf32, #tpu.memory_space<vmem>> -> memref<1x64x512xf32, #tpu.memory_space<vmem>>
    %dma_wait3A_2133 = tpu.memref_squeeze %dma_wait3A_2132 : memref<1x64x512xf32, #tpu.memory_space<vmem>> -> memref<64x512xf32, #tpu.memory_space<vmem>>
    %dma_wait3A_2134 = arith.constant 0 : i32
    %dma_wait3A_2135 = tpu.memref_slice %arg2[%dma_wait3A_2134, %multiple_of3A_154] : memref<64x1000000xf32, #tpu.memory_space<hbm>> -> memref<64x512xf32, #tpu.memory_space<hbm>>
    %dma_wait3A_2136 = tpu.memref_slice %arg5[%dma_wait3A_2129] : memref<2x!tpu.dma_semaphore, #tpu.memory_space<semaphore_mem>> -> memref<1x!tpu.dma_semaphore, #tpu.memory_space<semaphore_mem>>
    %dma_wait3A_2137 = tpu.memref_squeeze %dma_wait3A_2136 : memref<1x!tpu.dma_semaphore, #tpu.memory_space<semaphore_mem>> -> memref<!tpu.dma_semaphore, #tpu.memory_space<semaphore_mem>>
    %dma_wait3A_2138 = arith.constant 0 : i32
    %dma_wait3A_2139 = arith.constant 0 : i32
    %dma_wait3A_2140 = tpu.memref_slice %arg4[%dma_wait3A_2128, %dma_wait3A_2138, %dma_wait3A_2139] : memref<2x64x512xf32, #tpu.memory_space<vmem>> -> memref<1x64x512xf32, #tpu.memory_space<vmem>>
    %dma_wait3A_2141 = tpu.memref_squeeze %dma_wait3A_2140 : memref<1x64x512xf32, #tpu.memory_space<vmem>> -> memref<64x512xf32, #tpu.memory_space<vmem>>
    %dma_wait3A_2142 = arith.constant 0 : i32
    %dma_wait3A_2143 = tpu.memref_slice %arg2[%dma_wait3A_2142, %multiple_of3A_154] : memref<64x1000000xf32, #tpu.memory_space<hbm>> -> memref<64x512xf32, #tpu.memory_space<hbm>>
    tpu.wait_dma2 semaphore(%dma_wait3A_2137 : memref<!tpu.dma_semaphore, #tpu.memory_space<semaphore_mem>>) src(%dma_wait3A_2143 : memref<64x512xf32, #tpu.memory_space<hbm>>) dst(%dma_wait3A_2141 : memref<64x512xf32, #tpu.memory_space<vmem>>)
    %dma_wait3A_2144 = arith.constant 1 : i32
    %dma_wait3A_2145 = arith.constant 1 : i32
    %dma_wait3A_2146 = arith.constant 0 : i32
    %dma_wait3A_2147 = arith.constant 0 : i32
    %dma_wait3A_2148 = tpu.memref_slice %arg4[%dma_wait3A_2144, %dma_wait3A_2146, %dma_wait3A_2147] : memref<2x64x512xf32, #tpu.memory_space<vmem>> -> memref<1x64x512xf32, #tpu.memory_space<vmem>>
    %dma_wait3A_2149 = tpu.memref_squeeze %dma_wait3A_2148 : memref<1x64x512xf32, #tpu.memory_space<vmem>> -> memref<64x512xf32, #tpu.memory_space<vmem>>
    %dma_wait3A_2150 = arith.constant 0 : i32
    %dma_wait3A_2151 = tpu.memref_slice %arg3[%dma_wait3A_2150, %multiple_of3A_149] : memref<64x1000000xf32, #tpu.memory_space<hbm>> -> memref<64x512xf32, #tpu.memory_space<hbm>>
    %dma_wait3A_2152 = tpu.memref_slice %arg6[%dma_wait3A_2145] : memref<2x!tpu.dma_semaphore, #tpu.memory_space<semaphore_mem>> -> memref<1x!tpu.dma_semaphore, #tpu.memory_space<semaphore_mem>>
    %dma_wait3A_2153 = tpu.memref_squeeze %dma_wait3A_2152 : memref<1x!tpu.dma_semaphore, #tpu.memory_space<semaphore_mem>> -> memref<!tpu.dma_semaphore, #tpu.memory_space<semaphore_mem>>
    %dma_wait3A_2154 = arith.constant 0 : i32
    %dma_wait3A_2155 = tpu.memref_slice %arg3[%dma_wait3A_2154, %multiple_of3A_149] : memref<64x1000000xf32, #tpu.memory_space<hbm>> -> memref<64x512xf32, #tpu.memory_space<hbm>>
    %dma_wait3A_2156 = arith.constant 0 : i32
    %dma_wait3A_2157 = arith.constant 0 : i32
    %dma_wait3A_2158 = tpu.memref_slice %arg4[%dma_wait3A_2144, %dma_wait3A_2156, %dma_wait3A_2157] : memref<2x64x512xf32, #tpu.memory_space<vmem>> -> memref<1x64x512xf32, #tpu.memory_space<vmem>>
    %dma_wait3A_2159 = tpu.memref_squeeze %dma_wait3A_2158 : memref<1x64x512xf32, #tpu.memory_space<vmem>> -> memref<64x512xf32, #tpu.memory_space<vmem>>
    tpu.wait_dma2 semaphore(%dma_wait3A_2153 : memref<!tpu.dma_semaphore, #tpu.memory_space<semaphore_mem>>) src(%dma_wait3A_2159 : memref<64x512xf32, #tpu.memory_space<vmem>>) dst(%dma_wait3A_2155 : memref<64x512xf32, #tpu.memory_space<hbm>>)
    %dma_start3A_2160 = arith.constant 1 : i32
    %dma_start3A_2161 = arith.constant 1 : i32
    %dma_start3A_2162 = arith.constant 0 : i32
    %dma_start3A_2163 = arith.constant 0 : i32
    %dma_start3A_2164 = tpu.memref_slice %arg4[%dma_start3A_2160, %dma_start3A_2162, %dma_start3A_2163] : memref<2x64x512xf32, #tpu.memory_space<vmem>> -> memref<1x64x512xf32, #tpu.memory_space<vmem>>
    %dma_start3A_2165 = tpu.memref_squeeze %dma_start3A_2164 : memref<1x64x512xf32, #tpu.memory_space<vmem>> -> memref<64x512xf32, #tpu.memory_space<vmem>>
    %dma_start3A_2166 = arith.constant 0 : i32
    %dma_start3A_2167 = tpu.memref_slice %arg2[%dma_start3A_2166, %multiple_of3A_159] : memref<64x1000000xf32, #tpu.memory_space<hbm>> -> memref<64x512xf32, #tpu.memory_space<hbm>>
    %dma_start3A_2168 = tpu.memref_slice %arg5[%dma_start3A_2161] : memref<2x!tpu.dma_semaphore, #tpu.memory_space<semaphore_mem>> -> memref<1x!tpu.dma_semaphore, #tpu.memory_space<semaphore_mem>>
    %dma_start3A_2169 = tpu.memref_squeeze %dma_start3A_2168 : memref<1x!tpu.dma_semaphore, #tpu.memory_space<semaphore_mem>> -> memref<!tpu.dma_semaphore, #tpu.memory_space<semaphore_mem>>
    %dma_start3A_2170 = arith.constant 0 : i32
    %dma_start3A_2171 = arith.constant 0 : i32
    %dma_start3A_2172 = tpu.memref_slice %arg4[%dma_start3A_2160, %dma_start3A_2170, %dma_start3A_2171] : memref<2x64x512xf32, #tpu.memory_space<vmem>> -> memref<1x64x512xf32, #tpu.memory_space<vmem>>
    %dma_start3A_2173 = tpu.memref_squeeze %dma_start3A_2172 : memref<1x64x512xf32, #tpu.memory_space<vmem>> -> memref<64x512xf32, #tpu.memory_space<vmem>>
    %dma_start3A_2174 = arith.constant 0 : i32
    %dma_start3A_2175 = tpu.memref_slice %arg2[%dma_start3A_2174, %multiple_of3A_159] : memref<64x1000000xf32, #tpu.memory_space<hbm>> -> memref<64x512xf32, #tpu.memory_space<hbm>>
    tpu.enqueue_dma source(%dma_start3A_2175 : memref<64x512xf32, #tpu.memory_space<hbm>>) target(%dma_start3A_2173 : memref<64x512xf32, #tpu.memory_space<vmem>>) target_semaphore(%dma_start3A_2169 : memref<!tpu.dma_semaphore, #tpu.memory_space<semaphore_mem>>)
    %dma_start3A_2176 = arith.constant 0 : i32
    %dma_start3A_2177 = arith.constant 0 : i32
    %dma_start3A_2178 = arith.constant 0 : i32
    %dma_start3A_2179 = arith.constant 0 : i32
    %dma_start3A_2180 = tpu.memref_slice %arg4[%dma_start3A_2176, %dma_start3A_2178, %dma_start3A_2179] : memref<2x64x512xf32, #tpu.memory_space<vmem>> -> memref<1x64x512xf32, #tpu.memory_space<vmem>>
    %dma_start3A_2181 = tpu.memref_squeeze %dma_start3A_2180 : memref<1x64x512xf32, #tpu.memory_space<vmem>> -> memref<64x512xf32, #tpu.memory_space<vmem>>
    %dma_start3A_2182 = arith.constant 0 : i32
    %dma_start3A_2183 = tpu.memref_slice %arg3[%dma_start3A_2182, %multiple_of3A_154] : memref<64x1000000xf32, #tpu.memory_space<hbm>> -> memref<64x512xf32, #tpu.memory_space<hbm>>
    %dma_start3A_2184 = tpu.memref_slice %arg6[%dma_start3A_2177] : memref<2x!tpu.dma_semaphore, #tpu.memory_space<semaphore_mem>> -> memref<1x!tpu.dma_semaphore, #tpu.memory_space<semaphore_mem>>
    %dma_start3A_2185 = tpu.memref_squeeze %dma_start3A_2184 : memref<1x!tpu.dma_semaphore, #tpu.memory_space<semaphore_mem>> -> memref<!tpu.dma_semaphore, #tpu.memory_space<semaphore_mem>>
    %dma_start3A_2186 = arith.constant 0 : i32
    %dma_start3A_2187 = tpu.memref_slice %arg3[%dma_start3A_2186, %multiple_of3A_154] : memref<64x1000000xf32, #tpu.memory_space<hbm>> -> memref<64x512xf32, #tpu.memory_space<hbm>>
    %dma_start3A_2188 = arith.constant 0 : i32
    %dma_start3A_2189 = arith.constant 0 : i32
    %dma_start3A_2190 = tpu.memref_slice %arg4[%dma_start3A_2176, %dma_start3A_2188, %dma_start3A_2189] : memref<2x64x512xf32, #tpu.memory_space<vmem>> -> memref<1x64x512xf32, #tpu.memory_space<vmem>>
    %dma_start3A_2191 = tpu.memref_squeeze %dma_start3A_2190 : memref<1x64x512xf32, #tpu.memory_space<vmem>> -> memref<64x512xf32, #tpu.memory_space<vmem>>
    tpu.enqueue_dma source(%dma_start3A_2191 : memref<64x512xf32, #tpu.memory_space<vmem>>) target(%dma_start3A_2187 : memref<64x512xf32, #tpu.memory_space<hbm>>) target_semaphore(%dma_start3A_2185 : memref<!tpu.dma_semaphore, #tpu.memory_space<semaphore_mem>>)
    %dma_wait3A_2192 = arith.constant 1 : i32
    %dma_wait3A_2193 = arith.constant 1 : i32
    %dma_wait3A_2194 = arith.constant 0 : i32
    %dma_wait3A_2195 = arith.constant 0 : i32
    %dma_wait3A_2196 = tpu.memref_slice %arg4[%dma_wait3A_2192, %dma_wait3A_2194, %dma_wait3A_2195] : memref<2x64x512xf32, #tpu.memory_space<vmem>> -> memref<1x64x512xf32, #tpu.memory_space<vmem>>
    %dma_wait3A_2197 = tpu.memref_squeeze %dma_wait3A_2196 : memref<1x64x512xf32, #tpu.memory_space<vmem>> -> memref<64x512xf32, #tpu.memory_space<vmem>>
    %dma_wait3A_2198 = arith.constant 0 : i32
    %dma_wait3A_2199 = tpu.memref_slice %arg2[%dma_wait3A_2198, %multiple_of3A_159] : memref<64x1000000xf32, #tpu.memory_space<hbm>> -> memref<64x512xf32, #tpu.memory_space<hbm>>
    %dma_wait3A_2200 = tpu.memref_slice %arg5[%dma_wait3A_2193] : memref<2x!tpu.dma_semaphore, #tpu.memory_space<semaphore_mem>> -> memref<1x!tpu.dma_semaphore, #tpu.memory_space<semaphore_mem>>
    %dma_wait3A_2201 = tpu.memref_squeeze %dma_wait3A_2200 : memref<1x!tpu.dma_semaphore, #tpu.memory_space<semaphore_mem>> -> memref<!tpu.dma_semaphore, #tpu.memory_space<semaphore_mem>>
    %dma_wait3A_2202 = arith.constant 0 : i32
    %dma_wait3A_2203 = arith.constant 0 : i32
    %dma_wait3A_2204 = tpu.memref_slice %arg4[%dma_wait3A_2192, %dma_wait3A_2202, %dma_wait3A_2203] : memref<2x64x512xf32, #tpu.memory_space<vmem>> -> memref<1x64x512xf32, #tpu.memory_space<vmem>>
    %dma_wait3A_2205 = tpu.memref_squeeze %dma_wait3A_2204 : memref<1x64x512xf32, #tpu.memory_space<vmem>> -> memref<64x512xf32, #tpu.memory_space<vmem>>
    %dma_wait3A_2206 = arith.constant 0 : i32
    %dma_wait3A_2207 = tpu.memref_slice %arg2[%dma_wait3A_2206, %multiple_of3A_159] : memref<64x1000000xf32, #tpu.memory_space<hbm>> -> memref<64x512xf32, #tpu.memory_space<hbm>>
    tpu.wait_dma2 semaphore(%dma_wait3A_2201 : memref<!tpu.dma_semaphore, #tpu.memory_space<semaphore_mem>>) src(%dma_wait3A_2207 : memref<64x512xf32, #tpu.memory_space<hbm>>) dst(%dma_wait3A_2205 : memref<64x512xf32, #tpu.memory_space<vmem>>)
    %dma_wait3A_2208 = arith.constant 0 : i32
    %dma_wait3A_2209 = arith.constant 0 : i32
    %dma_wait3A_2210 = arith.constant 0 : i32
    %dma_wait3A_2211 = arith.constant 0 : i32
    %dma_wait3A_2212 = tpu.memref_slice %arg4[%dma_wait3A_2208, %dma_wait3A_2210, %dma_wait3A_2211] : memref<2x64x512xf32, #tpu.memory_space<vmem>> -> memref<1x64x512xf32, #tpu.memory_space<vmem>>
    %dma_wait3A_2213 = tpu.memref_squeeze %dma_wait3A_2212 : memref<1x64x512xf32, #tpu.memory_space<vmem>> -> memref<64x512xf32, #tpu.memory_space<vmem>>
    %dma_wait3A_2214 = arith.constant 0 : i32
    %dma_wait3A_2215 = tpu.memref_slice %arg3[%dma_wait3A_2214, %multiple_of3A_154] : memref<64x1000000xf32, #tpu.memory_space<hbm>> -> memref<64x512xf32, #tpu.memory_space<hbm>>
    %dma_wait3A_2216 = tpu.memref_slice %arg6[%dma_wait3A_2209] : memref<2x!tpu.dma_semaphore, #tpu.memory_space<semaphore_mem>> -> memref<1x!tpu.dma_semaphore, #tpu.memory_space<semaphore_mem>>
    %dma_wait3A_2217 = tpu.memref_squeeze %dma_wait3A_2216 : memref<1x!tpu.dma_semaphore, #tpu.memory_space<semaphore_mem>> -> memref<!tpu.dma_semaphore, #tpu.memory_space<semaphore_mem>>
    %dma_wait3A_2218 = arith.constant 0 : i32
    %dma_wait3A_2219 = tpu.memref_slice %arg3[%dma_wait3A_2218, %multiple_of3A_154] : memref<64x1000000xf32, #tpu.memory_space<hbm>> -> memref<64x512xf32, #tpu.memory_space<hbm>>
    %dma_wait3A_2220 = arith.constant 0 : i32
    %dma_wait3A_2221 = arith.constant 0 : i32
    %dma_wait3A_2222 = tpu.memref_slice %arg4[%dma_wait3A_2208, %dma_wait3A_2220, %dma_wait3A_2221] : memref<2x64x512xf32, #tpu.memory_space<vmem>> -> memref<1x64x512xf32, #tpu.memory_space<vmem>>
    %dma_wait3A_2223 = tpu.memref_squeeze %dma_wait3A_2222 : memref<1x64x512xf32, #tpu.memory_space<vmem>> -> memref<64x512xf32, #tpu.memory_space<vmem>>
    tpu.wait_dma2 semaphore(%dma_wait3A_2217 : memref<!tpu.dma_semaphore, #tpu.memory_space<semaphore_mem>>) src(%dma_wait3A_2223 : memref<64x512xf32, #tpu.memory_space<vmem>>) dst(%dma_wait3A_2219 : memref<64x512xf32, #tpu.memory_space<hbm>>)
    %dma_start3A_2224 = arith.constant 0 : i32
    %dma_start3A_2225 = arith.constant 0 : i32
    %dma_start3A_2226 = arith.constant 0 : i32
    %dma_start3A_2227 = arith.constant 0 : i32
    %dma_start3A_2228 = tpu.memref_slice %arg4[%dma_start3A_2224, %dma_start3A_2226, %dma_start3A_2227] : memref<2x64x512xf32, #tpu.memory_space<vmem>> -> memref<1x64x512xf32, #tpu.memory_space<vmem>>
    %dma_start3A_2229 = tpu.memref_squeeze %dma_start3A_2228 : memref<1x64x512xf32, #tpu.memory_space<vmem>> -> memref<64x512xf32, #tpu.memory_space<vmem>>
    %dma_start3A_2230 = arith.constant 0 : i32
    %dma_start3A_2231 = tpu.memref_slice %arg2[%dma_start3A_2230, %multiple_of3A_164] : memref<64x1000000xf32, #tpu.memory_space<hbm>> -> memref<64x512xf32, #tpu.memory_space<hbm>>
    %dma_start3A_2232 = tpu.memref_slice %arg5[%dma_start3A_2225] : memref<2x!tpu.dma_semaphore, #tpu.memory_space<semaphore_mem>> -> memref<1x!tpu.dma_semaphore, #tpu.memory_space<semaphore_mem>>
    %dma_start3A_2233 = tpu.memref_squeeze %dma_start3A_2232 : memref<1x!tpu.dma_semaphore, #tpu.memory_space<semaphore_mem>> -> memref<!tpu.dma_semaphore, #tpu.memory_space<semaphore_mem>>
    %dma_start3A_2234 = arith.constant 0 : i32
    %dma_start3A_2235 = arith.constant 0 : i32
    %dma_start3A_2236 = tpu.memref_slice %arg4[%dma_start3A_2224, %dma_start3A_2234, %dma_start3A_2235] : memref<2x64x512xf32, #tpu.memory_space<vmem>> -> memref<1x64x512xf32, #tpu.memory_space<vmem>>
    %dma_start3A_2237 = tpu.memref_squeeze %dma_start3A_2236 : memref<1x64x512xf32, #tpu.memory_space<vmem>> -> memref<64x512xf32, #tpu.memory_space<vmem>>
    %dma_start3A_2238 = arith.constant 0 : i32
    %dma_start3A_2239 = tpu.memref_slice %arg2[%dma_start3A_2238, %multiple_of3A_164] : memref<64x1000000xf32, #tpu.memory_space<hbm>> -> memref<64x512xf32, #tpu.memory_space<hbm>>
    tpu.enqueue_dma source(%dma_start3A_2239 : memref<64x512xf32, #tpu.memory_space<hbm>>) target(%dma_start3A_2237 : memref<64x512xf32, #tpu.memory_space<vmem>>) target_semaphore(%dma_start3A_2233 : memref<!tpu.dma_semaphore, #tpu.memory_space<semaphore_mem>>)
    %dma_start3A_2240 = arith.constant 1 : i32
    %dma_start3A_2241 = arith.constant 1 : i32
    %dma_start3A_2242 = arith.constant 0 : i32
    %dma_start3A_2243 = arith.constant 0 : i32
    %dma_start3A_2244 = tpu.memref_slice %arg4[%dma_start3A_2240, %dma_start3A_2242, %dma_start3A_2243] : memref<2x64x512xf32, #tpu.memory_space<vmem>> -> memref<1x64x512xf32, #tpu.memory_space<vmem>>
    %dma_start3A_2245 = tpu.memref_squeeze %dma_start3A_2244 : memref<1x64x512xf32, #tpu.memory_space<vmem>> -> memref<64x512xf32, #tpu.memory_space<vmem>>
    %dma_start3A_2246 = arith.constant 0 : i32
    %dma_start3A_2247 = tpu.memref_slice %arg3[%dma_start3A_2246, %multiple_of3A_159] : memref<64x1000000xf32, #tpu.memory_space<hbm>> -> memref<64x512xf32, #tpu.memory_space<hbm>>
    %dma_start3A_2248 = tpu.memref_slice %arg6[%dma_start3A_2241] : memref<2x!tpu.dma_semaphore, #tpu.memory_space<semaphore_mem>> -> memref<1x!tpu.dma_semaphore, #tpu.memory_space<semaphore_mem>>
    %dma_start3A_2249 = tpu.memref_squeeze %dma_start3A_2248 : memref<1x!tpu.dma_semaphore, #tpu.memory_space<semaphore_mem>> -> memref<!tpu.dma_semaphore, #tpu.memory_space<semaphore_mem>>
    %dma_start3A_2250 = arith.constant 0 : i32
    %dma_start3A_2251 = tpu.memref_slice %arg3[%dma_start3A_2250, %multiple_of3A_159] : memref<64x1000000xf32, #tpu.memory_space<hbm>> -> memref<64x512xf32, #tpu.memory_space<hbm>>
    %dma_start3A_2252 = arith.constant 0 : i32
    %dma_start3A_2253 = arith.constant 0 : i32
    %dma_start3A_2254 = tpu.memref_slice %arg4[%dma_start3A_2240, %dma_start3A_2252, %dma_start3A_2253] : memref<2x64x512xf32, #tpu.memory_space<vmem>> -> memref<1x64x512xf32, #tpu.memory_space<vmem>>
    %dma_start3A_2255 = tpu.memref_squeeze %dma_start3A_2254 : memref<1x64x512xf32, #tpu.memory_space<vmem>> -> memref<64x512xf32, #tpu.memory_space<vmem>>
    tpu.enqueue_dma source(%dma_start3A_2255 : memref<64x512xf32, #tpu.memory_space<vmem>>) target(%dma_start3A_2251 : memref<64x512xf32, #tpu.memory_space<hbm>>) target_semaphore(%dma_start3A_2249 : memref<!tpu.dma_semaphore, #tpu.memory_space<semaphore_mem>>)
    %dma_wait3A_2256 = arith.constant 0 : i32
    %dma_wait3A_2257 = arith.constant 0 : i32
    %dma_wait3A_2258 = arith.constant 0 : i32
    %dma_wait3A_2259 = arith.constant 0 : i32
    %dma_wait3A_2260 = tpu.memref_slice %arg4[%dma_wait3A_2256, %dma_wait3A_2258, %dma_wait3A_2259] : memref<2x64x512xf32, #tpu.memory_space<vmem>> -> memref<1x64x512xf32, #tpu.memory_space<vmem>>
    %dma_wait3A_2261 = tpu.memref_squeeze %dma_wait3A_2260 : memref<1x64x512xf32, #tpu.memory_space<vmem>> -> memref<64x512xf32, #tpu.memory_space<vmem>>
    %dma_wait3A_2262 = arith.constant 0 : i32
    %dma_wait3A_2263 = tpu.memref_slice %arg2[%dma_wait3A_2262, %multiple_of3A_164] : memref<64x1000000xf32, #tpu.memory_space<hbm>> -> memref<64x512xf32, #tpu.memory_space<hbm>>
    %dma_wait3A_2264 = tpu.memref_slice %arg5[%dma_wait3A_2257] : memref<2x!tpu.dma_semaphore, #tpu.memory_space<semaphore_mem>> -> memref<1x!tpu.dma_semaphore, #tpu.memory_space<semaphore_mem>>
    %dma_wait3A_2265 = tpu.memref_squeeze %dma_wait3A_2264 : memref<1x!tpu.dma_semaphore, #tpu.memory_space<semaphore_mem>> -> memref<!tpu.dma_semaphore, #tpu.memory_space<semaphore_mem>>
    %dma_wait3A_2266 = arith.constant 0 : i32
    %dma_wait3A_2267 = arith.constant 0 : i32
    %dma_wait3A_2268 = tpu.memref_slice %arg4[%dma_wait3A_2256, %dma_wait3A_2266, %dma_wait3A_2267] : memref<2x64x512xf32, #tpu.memory_space<vmem>> -> memref<1x64x512xf32, #tpu.memory_space<vmem>>
    %dma_wait3A_2269 = tpu.memref_squeeze %dma_wait3A_2268 : memref<1x64x512xf32, #tpu.memory_space<vmem>> -> memref<64x512xf32, #tpu.memory_space<vmem>>
    %dma_wait3A_2270 = arith.constant 0 : i32
    %dma_wait3A_2271 = tpu.memref_slice %arg2[%dma_wait3A_2270, %multiple_of3A_164] : memref<64x1000000xf32, #tpu.memory_space<hbm>> -> memref<64x512xf32, #tpu.memory_space<hbm>>
    tpu.wait_dma2 semaphore(%dma_wait3A_2265 : memref<!tpu.dma_semaphore, #tpu.memory_space<semaphore_mem>>) src(%dma_wait3A_2271 : memref<64x512xf32, #tpu.memory_space<hbm>>) dst(%dma_wait3A_2269 : memref<64x512xf32, #tpu.memory_space<vmem>>)
    %dma_wait3A_2272 = arith.constant 1 : i32
    %dma_wait3A_2273 = arith.constant 1 : i32
    %dma_wait3A_2274 = arith.constant 0 : i32
    %dma_wait3A_2275 = arith.constant 0 : i32
    %dma_wait3A_2276 = tpu.memref_slice %arg4[%dma_wait3A_2272, %dma_wait3A_2274, %dma_wait3A_2275] : memref<2x64x512xf32, #tpu.memory_space<vmem>> -> memref<1x64x512xf32, #tpu.memory_space<vmem>>
    %dma_wait3A_2277 = tpu.memref_squeeze %dma_wait3A_2276 : memref<1x64x512xf32, #tpu.memory_space<vmem>> -> memref<64x512xf32, #tpu.memory_space<vmem>>
    %dma_wait3A_2278 = arith.constant 0 : i32
    %dma_wait3A_2279 = tpu.memref_slice %arg3[%dma_wait3A_2278, %multiple_of3A_159] : memref<64x1000000xf32, #tpu.memory_space<hbm>> -> memref<64x512xf32, #tpu.memory_space<hbm>>
    %dma_wait3A_2280 = tpu.memref_slice %arg6[%dma_wait3A_2273] : memref<2x!tpu.dma_semaphore, #tpu.memory_space<semaphore_mem>> -> memref<1x!tpu.dma_semaphore, #tpu.memory_space<semaphore_mem>>
    %dma_wait3A_2281 = tpu.memref_squeeze %dma_wait3A_2280 : memref<1x!tpu.dma_semaphore, #tpu.memory_space<semaphore_mem>> -> memref<!tpu.dma_semaphore, #tpu.memory_space<semaphore_mem>>
    %dma_wait3A_2282 = arith.constant 0 : i32
    %dma_wait3A_2283 = tpu.memref_slice %arg3[%dma_wait3A_2282, %multiple_of3A_159] : memref<64x1000000xf32, #tpu.memory_space<hbm>> -> memref<64x512xf32, #tpu.memory_space<hbm>>
    %dma_wait3A_2284 = arith.constant 0 : i32
    %dma_wait3A_2285 = arith.constant 0 : i32
    %dma_wait3A_2286 = tpu.memref_slice %arg4[%dma_wait3A_2272, %dma_wait3A_2284, %dma_wait3A_2285] : memref<2x64x512xf32, #tpu.memory_space<vmem>> -> memref<1x64x512xf32, #tpu.memory_space<vmem>>
    %dma_wait3A_2287 = tpu.memref_squeeze %dma_wait3A_2286 : memref<1x64x512xf32, #tpu.memory_space<vmem>> -> memref<64x512xf32, #tpu.memory_space<vmem>>
    tpu.wait_dma2 semaphore(%dma_wait3A_2281 : memref<!tpu.dma_semaphore, #tpu.memory_space<semaphore_mem>>) src(%dma_wait3A_2287 : memref<64x512xf32, #tpu.memory_space<vmem>>) dst(%dma_wait3A_2283 : memref<64x512xf32, #tpu.memory_space<hbm>>)
    %dma_start3A_2288 = arith.constant 1 : i32
    %dma_start3A_2289 = arith.constant 1 : i32
    %dma_start3A_2290 = arith.constant 0 : i32
    %dma_start3A_2291 = arith.constant 0 : i32
    %dma_start3A_2292 = tpu.memref_slice %arg4[%dma_start3A_2288, %dma_start3A_2290, %dma_start3A_2291] : memref<2x64x512xf32, #tpu.memory_space<vmem>> -> memref<1x64x512xf32, #tpu.memory_space<vmem>>
    %dma_start3A_2293 = tpu.memref_squeeze %dma_start3A_2292 : memref<1x64x512xf32, #tpu.memory_space<vmem>> -> memref<64x512xf32, #tpu.memory_space<vmem>>
    %dma_start3A_2294 = arith.constant 0 : i32
    %dma_start3A_2295 = tpu.memref_slice %arg2[%dma_start3A_2294, %multiple_of3A_169] : memref<64x1000000xf32, #tpu.memory_space<hbm>> -> memref<64x512xf32, #tpu.memory_space<hbm>>
    %dma_start3A_2296 = tpu.memref_slice %arg5[%dma_start3A_2289] : memref<2x!tpu.dma_semaphore, #tpu.memory_space<semaphore_mem>> -> memref<1x!tpu.dma_semaphore, #tpu.memory_space<semaphore_mem>>
    %dma_start3A_2297 = tpu.memref_squeeze %dma_start3A_2296 : memref<1x!tpu.dma_semaphore, #tpu.memory_space<semaphore_mem>> -> memref<!tpu.dma_semaphore, #tpu.memory_space<semaphore_mem>>
    %dma_start3A_2298 = arith.constant 0 : i32
    %dma_start3A_2299 = arith.constant 0 : i32
    %dma_start3A_2300 = tpu.memref_slice %arg4[%dma_start3A_2288, %dma_start3A_2298, %dma_start3A_2299] : memref<2x64x512xf32, #tpu.memory_space<vmem>> -> memref<1x64x512xf32, #tpu.memory_space<vmem>>
    %dma_start3A_2301 = tpu.memref_squeeze %dma_start3A_2300 : memref<1x64x512xf32, #tpu.memory_space<vmem>> -> memref<64x512xf32, #tpu.memory_space<vmem>>
    %dma_start3A_2302 = arith.constant 0 : i32
    %dma_start3A_2303 = tpu.memref_slice %arg2[%dma_start3A_2302, %multiple_of3A_169] : memref<64x1000000xf32, #tpu.memory_space<hbm>> -> memref<64x512xf32, #tpu.memory_space<hbm>>
    tpu.enqueue_dma source(%dma_start3A_2303 : memref<64x512xf32, #tpu.memory_space<hbm>>) target(%dma_start3A_2301 : memref<64x512xf32, #tpu.memory_space<vmem>>) target_semaphore(%dma_start3A_2297 : memref<!tpu.dma_semaphore, #tpu.memory_space<semaphore_mem>>)
    %dma_start3A_2304 = arith.constant 0 : i32
    %dma_start3A_2305 = arith.constant 0 : i32
    %dma_start3A_2306 = arith.constant 0 : i32
    %dma_start3A_2307 = arith.constant 0 : i32
    %dma_start3A_2308 = tpu.memref_slice %arg4[%dma_start3A_2304, %dma_start3A_2306, %dma_start3A_2307] : memref<2x64x512xf32, #tpu.memory_space<vmem>> -> memref<1x64x512xf32, #tpu.memory_space<vmem>>
    %dma_start3A_2309 = tpu.memref_squeeze %dma_start3A_2308 : memref<1x64x512xf32, #tpu.memory_space<vmem>> -> memref<64x512xf32, #tpu.memory_space<vmem>>
    %dma_start3A_2310 = arith.constant 0 : i32
    %dma_start3A_2311 = tpu.memref_slice %arg3[%dma_start3A_2310, %multiple_of3A_164] : memref<64x1000000xf32, #tpu.memory_space<hbm>> -> memref<64x512xf32, #tpu.memory_space<hbm>>
    %dma_start3A_2312 = tpu.memref_slice %arg6[%dma_start3A_2305] : memref<2x!tpu.dma_semaphore, #tpu.memory_space<semaphore_mem>> -> memref<1x!tpu.dma_semaphore, #tpu.memory_space<semaphore_mem>>
    %dma_start3A_2313 = tpu.memref_squeeze %dma_start3A_2312 : memref<1x!tpu.dma_semaphore, #tpu.memory_space<semaphore_mem>> -> memref<!tpu.dma_semaphore, #tpu.memory_space<semaphore_mem>>
    %dma_start3A_2314 = arith.constant 0 : i32
    %dma_start3A_2315 = tpu.memref_slice %arg3[%dma_start3A_2314, %multiple_of3A_164] : memref<64x1000000xf32, #tpu.memory_space<hbm>> -> memref<64x512xf32, #tpu.memory_space<hbm>>
    %dma_start3A_2316 = arith.constant 0 : i32
    %dma_start3A_2317 = arith.constant 0 : i32
    %dma_start3A_2318 = tpu.memref_slice %arg4[%dma_start3A_2304, %dma_start3A_2316, %dma_start3A_2317] : memref<2x64x512xf32, #tpu.memory_space<vmem>> -> memref<1x64x512xf32, #tpu.memory_space<vmem>>
    %dma_start3A_2319 = tpu.memref_squeeze %dma_start3A_2318 : memref<1x64x512xf32, #tpu.memory_space<vmem>> -> memref<64x512xf32, #tpu.memory_space<vmem>>
    tpu.enqueue_dma source(%dma_start3A_2319 : memref<64x512xf32, #tpu.memory_space<vmem>>) target(%dma_start3A_2315 : memref<64x512xf32, #tpu.memory_space<hbm>>) target_semaphore(%dma_start3A_2313 : memref<!tpu.dma_semaphore, #tpu.memory_space<semaphore_mem>>)
    %dma_wait3A_2320 = arith.constant 1 : i32
    %dma_wait3A_2321 = arith.constant 1 : i32
    %dma_wait3A_2322 = arith.constant 0 : i32
    %dma_wait3A_2323 = arith.constant 0 : i32
    %dma_wait3A_2324 = tpu.memref_slice %arg4[%dma_wait3A_2320, %dma_wait3A_2322, %dma_wait3A_2323] : memref<2x64x512xf32, #tpu.memory_space<vmem>> -> memref<1x64x512xf32, #tpu.memory_space<vmem>>
    %dma_wait3A_2325 = tpu.memref_squeeze %dma_wait3A_2324 : memref<1x64x512xf32, #tpu.memory_space<vmem>> -> memref<64x512xf32, #tpu.memory_space<vmem>>
    %dma_wait3A_2326 = arith.constant 0 : i32
    %dma_wait3A_2327 = tpu.memref_slice %arg2[%dma_wait3A_2326, %multiple_of3A_169] : memref<64x1000000xf32, #tpu.memory_space<hbm>> -> memref<64x512xf32, #tpu.memory_space<hbm>>
    %dma_wait3A_2328 = tpu.memref_slice %arg5[%dma_wait3A_2321] : memref<2x!tpu.dma_semaphore, #tpu.memory_space<semaphore_mem>> -> memref<1x!tpu.dma_semaphore, #tpu.memory_space<semaphore_mem>>
    %dma_wait3A_2329 = tpu.memref_squeeze %dma_wait3A_2328 : memref<1x!tpu.dma_semaphore, #tpu.memory_space<semaphore_mem>> -> memref<!tpu.dma_semaphore, #tpu.memory_space<semaphore_mem>>
    %dma_wait3A_2330 = arith.constant 0 : i32
    %dma_wait3A_2331 = arith.constant 0 : i32
    %dma_wait3A_2332 = tpu.memref_slice %arg4[%dma_wait3A_2320, %dma_wait3A_2330, %dma_wait3A_2331] : memref<2x64x512xf32, #tpu.memory_space<vmem>> -> memref<1x64x512xf32, #tpu.memory_space<vmem>>
    %dma_wait3A_2333 = tpu.memref_squeeze %dma_wait3A_2332 : memref<1x64x512xf32, #tpu.memory_space<vmem>> -> memref<64x512xf32, #tpu.memory_space<vmem>>
    %dma_wait3A_2334 = arith.constant 0 : i32
    %dma_wait3A_2335 = tpu.memref_slice %arg2[%dma_wait3A_2334, %multiple_of3A_169] : memref<64x1000000xf32, #tpu.memory_space<hbm>> -> memref<64x512xf32, #tpu.memory_space<hbm>>
    tpu.wait_dma2 semaphore(%dma_wait3A_2329 : memref<!tpu.dma_semaphore, #tpu.memory_space<semaphore_mem>>) src(%dma_wait3A_2335 : memref<64x512xf32, #tpu.memory_space<hbm>>) dst(%dma_wait3A_2333 : memref<64x512xf32, #tpu.memory_space<vmem>>)
    %dma_wait3A_2336 = arith.constant 0 : i32
    %dma_wait3A_2337 = arith.constant 0 : i32
    %dma_wait3A_2338 = arith.constant 0 : i32
    %dma_wait3A_2339 = arith.constant 0 : i32
    %dma_wait3A_2340 = tpu.memref_slice %arg4[%dma_wait3A_2336, %dma_wait3A_2338, %dma_wait3A_2339] : memref<2x64x512xf32, #tpu.memory_space<vmem>> -> memref<1x64x512xf32, #tpu.memory_space<vmem>>
    %dma_wait3A_2341 = tpu.memref_squeeze %dma_wait3A_2340 : memref<1x64x512xf32, #tpu.memory_space<vmem>> -> memref<64x512xf32, #tpu.memory_space<vmem>>
    %dma_wait3A_2342 = arith.constant 0 : i32
    %dma_wait3A_2343 = tpu.memref_slice %arg3[%dma_wait3A_2342, %multiple_of3A_164] : memref<64x1000000xf32, #tpu.memory_space<hbm>> -> memref<64x512xf32, #tpu.memory_space<hbm>>
    %dma_wait3A_2344 = tpu.memref_slice %arg6[%dma_wait3A_2337] : memref<2x!tpu.dma_semaphore, #tpu.memory_space<semaphore_mem>> -> memref<1x!tpu.dma_semaphore, #tpu.memory_space<semaphore_mem>>
    %dma_wait3A_2345 = tpu.memref_squeeze %dma_wait3A_2344 : memref<1x!tpu.dma_semaphore, #tpu.memory_space<semaphore_mem>> -> memref<!tpu.dma_semaphore, #tpu.memory_space<semaphore_mem>>
    %dma_wait3A_2346 = arith.constant 0 : i32
    %dma_wait3A_2347 = tpu.memref_slice %arg3[%dma_wait3A_2346, %multiple_of3A_164] : memref<64x1000000xf32, #tpu.memory_space<hbm>> -> memref<64x512xf32, #tpu.memory_space<hbm>>
    %dma_wait3A_2348 = arith.constant 0 : i32
    %dma_wait3A_2349 = arith.constant 0 : i32
    %dma_wait3A_2350 = tpu.memref_slice %arg4[%dma_wait3A_2336, %dma_wait3A_2348, %dma_wait3A_2349] : memref<2x64x512xf32, #tpu.memory_space<vmem>> -> memref<1x64x512xf32, #tpu.memory_space<vmem>>
    %dma_wait3A_2351 = tpu.memref_squeeze %dma_wait3A_2350 : memref<1x64x512xf32, #tpu.memory_space<vmem>> -> memref<64x512xf32, #tpu.memory_space<vmem>>
    tpu.wait_dma2 semaphore(%dma_wait3A_2345 : memref<!tpu.dma_semaphore, #tpu.memory_space<semaphore_mem>>) src(%dma_wait3A_2351 : memref<64x512xf32, #tpu.memory_space<vmem>>) dst(%dma_wait3A_2347 : memref<64x512xf32, #tpu.memory_space<hbm>>)
    %dma_start3A_2352 = arith.constant 0 : i32
    %dma_start3A_2353 = arith.constant 0 : i32
    %dma_start3A_2354 = arith.constant 0 : i32
    %dma_start3A_2355 = arith.constant 0 : i32
    %dma_start3A_2356 = tpu.memref_slice %arg4[%dma_start3A_2352, %dma_start3A_2354, %dma_start3A_2355] : memref<2x64x512xf32, #tpu.memory_space<vmem>> -> memref<1x64x512xf32, #tpu.memory_space<vmem>>
    %dma_start3A_2357 = tpu.memref_squeeze %dma_start3A_2356 : memref<1x64x512xf32, #tpu.memory_space<vmem>> -> memref<64x512xf32, #tpu.memory_space<vmem>>
    %dma_start3A_2358 = arith.constant 0 : i32
    %dma_start3A_2359 = tpu.memref_slice %arg2[%dma_start3A_2358, %multiple_of3A_174] : memref<64x1000000xf32, #tpu.memory_space<hbm>> -> memref<64x512xf32, #tpu.memory_space<hbm>>
    %dma_start3A_2360 = tpu.memref_slice %arg5[%dma_start3A_2353] : memref<2x!tpu.dma_semaphore, #tpu.memory_space<semaphore_mem>> -> memref<1x!tpu.dma_semaphore, #tpu.memory_space<semaphore_mem>>
    %dma_start3A_2361 = tpu.memref_squeeze %dma_start3A_2360 : memref<1x!tpu.dma_semaphore, #tpu.memory_space<semaphore_mem>> -> memref<!tpu.dma_semaphore, #tpu.memory_space<semaphore_mem>>
    %dma_start3A_2362 = arith.constant 0 : i32
    %dma_start3A_2363 = arith.constant 0 : i32
    %dma_start3A_2364 = tpu.memref_slice %arg4[%dma_start3A_2352, %dma_start3A_2362, %dma_start3A_2363] : memref<2x64x512xf32, #tpu.memory_space<vmem>> -> memref<1x64x512xf32, #tpu.memory_space<vmem>>
    %dma_start3A_2365 = tpu.memref_squeeze %dma_start3A_2364 : memref<1x64x512xf32, #tpu.memory_space<vmem>> -> memref<64x512xf32, #tpu.memory_space<vmem>>
    %dma_start3A_2366 = arith.constant 0 : i32
    %dma_start3A_2367 = tpu.memref_slice %arg2[%dma_start3A_2366, %multiple_of3A_174] : memref<64x1000000xf32, #tpu.memory_space<hbm>> -> memref<64x512xf32, #tpu.memory_space<hbm>>
    tpu.enqueue_dma source(%dma_start3A_2367 : memref<64x512xf32, #tpu.memory_space<hbm>>) target(%dma_start3A_2365 : memref<64x512xf32, #tpu.memory_space<vmem>>) target_semaphore(%dma_start3A_2361 : memref<!tpu.dma_semaphore, #tpu.memory_space<semaphore_mem>>)
    %dma_start3A_2368 = arith.constant 1 : i32
    %dma_start3A_2369 = arith.constant 1 : i32
    %dma_start3A_2370 = arith.constant 0 : i32
    %dma_start3A_2371 = arith.constant 0 : i32
    %dma_start3A_2372 = tpu.memref_slice %arg4[%dma_start3A_2368, %dma_start3A_2370, %dma_start3A_2371] : memref<2x64x512xf32, #tpu.memory_space<vmem>> -> memref<1x64x512xf32, #tpu.memory_space<vmem>>
    %dma_start3A_2373 = tpu.memref_squeeze %dma_start3A_2372 : memref<1x64x512xf32, #tpu.memory_space<vmem>> -> memref<64x512xf32, #tpu.memory_space<vmem>>
    %dma_start3A_2374 = arith.constant 0 : i32
    %dma_start3A_2375 = tpu.memref_slice %arg3[%dma_start3A_2374, %multiple_of3A_169] : memref<64x1000000xf32, #tpu.memory_space<hbm>> -> memref<64x512xf32, #tpu.memory_space<hbm>>
    %dma_start3A_2376 = tpu.memref_slice %arg6[%dma_start3A_2369] : memref<2x!tpu.dma_semaphore, #tpu.memory_space<semaphore_mem>> -> memref<1x!tpu.dma_semaphore, #tpu.memory_space<semaphore_mem>>
    %dma_start3A_2377 = tpu.memref_squeeze %dma_start3A_2376 : memref<1x!tpu.dma_semaphore, #tpu.memory_space<semaphore_mem>> -> memref<!tpu.dma_semaphore, #tpu.memory_space<semaphore_mem>>
    %dma_start3A_2378 = arith.constant 0 : i32
    %dma_start3A_2379 = tpu.memref_slice %arg3[%dma_start3A_2378, %multiple_of3A_169] : memref<64x1000000xf32, #tpu.memory_space<hbm>> -> memref<64x512xf32, #tpu.memory_space<hbm>>
    %dma_start3A_2380 = arith.constant 0 : i32
    %dma_start3A_2381 = arith.constant 0 : i32
    %dma_start3A_2382 = tpu.memref_slice %arg4[%dma_start3A_2368, %dma_start3A_2380, %dma_start3A_2381] : memref<2x64x512xf32, #tpu.memory_space<vmem>> -> memref<1x64x512xf32, #tpu.memory_space<vmem>>
    %dma_start3A_2383 = tpu.memref_squeeze %dma_start3A_2382 : memref<1x64x512xf32, #tpu.memory_space<vmem>> -> memref<64x512xf32, #tpu.memory_space<vmem>>
    tpu.enqueue_dma source(%dma_start3A_2383 : memref<64x512xf32, #tpu.memory_space<vmem>>) target(%dma_start3A_2379 : memref<64x512xf32, #tpu.memory_space<hbm>>) target_semaphore(%dma_start3A_2377 : memref<!tpu.dma_semaphore, #tpu.memory_space<semaphore_mem>>)
    %dma_wait3A_2384 = arith.constant 0 : i32
    %dma_wait3A_2385 = arith.constant 0 : i32
    %dma_wait3A_2386 = arith.constant 0 : i32
    %dma_wait3A_2387 = arith.constant 0 : i32
    %dma_wait3A_2388 = tpu.memref_slice %arg4[%dma_wait3A_2384, %dma_wait3A_2386, %dma_wait3A_2387] : memref<2x64x512xf32, #tpu.memory_space<vmem>> -> memref<1x64x512xf32, #tpu.memory_space<vmem>>
    %dma_wait3A_2389 = tpu.memref_squeeze %dma_wait3A_2388 : memref<1x64x512xf32, #tpu.memory_space<vmem>> -> memref<64x512xf32, #tpu.memory_space<vmem>>
    %dma_wait3A_2390 = arith.constant 0 : i32
    %dma_wait3A_2391 = tpu.memref_slice %arg2[%dma_wait3A_2390, %multiple_of3A_174] : memref<64x1000000xf32, #tpu.memory_space<hbm>> -> memref<64x512xf32, #tpu.memory_space<hbm>>
    %dma_wait3A_2392 = tpu.memref_slice %arg5[%dma_wait3A_2385] : memref<2x!tpu.dma_semaphore, #tpu.memory_space<semaphore_mem>> -> memref<1x!tpu.dma_semaphore, #tpu.memory_space<semaphore_mem>>
    %dma_wait3A_2393 = tpu.memref_squeeze %dma_wait3A_2392 : memref<1x!tpu.dma_semaphore, #tpu.memory_space<semaphore_mem>> -> memref<!tpu.dma_semaphore, #tpu.memory_space<semaphore_mem>>
    %dma_wait3A_2394 = arith.constant 0 : i32
    %dma_wait3A_2395 = arith.constant 0 : i32
    %dma_wait3A_2396 = tpu.memref_slice %arg4[%dma_wait3A_2384, %dma_wait3A_2394, %dma_wait3A_2395] : memref<2x64x512xf32, #tpu.memory_space<vmem>> -> memref<1x64x512xf32, #tpu.memory_space<vmem>>
    %dma_wait3A_2397 = tpu.memref_squeeze %dma_wait3A_2396 : memref<1x64x512xf32, #tpu.memory_space<vmem>> -> memref<64x512xf32, #tpu.memory_space<vmem>>
    %dma_wait3A_2398 = arith.constant 0 : i32
    %dma_wait3A_2399 = tpu.memref_slice %arg2[%dma_wait3A_2398, %multiple_of3A_174] : memref<64x1000000xf32, #tpu.memory_space<hbm>> -> memref<64x512xf32, #tpu.memory_space<hbm>>
    tpu.wait_dma2 semaphore(%dma_wait3A_2393 : memref<!tpu.dma_semaphore, #tpu.memory_space<semaphore_mem>>) src(%dma_wait3A_2399 : memref<64x512xf32, #tpu.memory_space<hbm>>) dst(%dma_wait3A_2397 : memref<64x512xf32, #tpu.memory_space<vmem>>)
    %dma_wait3A_2400 = arith.constant 1 : i32
    %dma_wait3A_2401 = arith.constant 1 : i32
    %dma_wait3A_2402 = arith.constant 0 : i32
    %dma_wait3A_2403 = arith.constant 0 : i32
    %dma_wait3A_2404 = tpu.memref_slice %arg4[%dma_wait3A_2400, %dma_wait3A_2402, %dma_wait3A_2403] : memref<2x64x512xf32, #tpu.memory_space<vmem>> -> memref<1x64x512xf32, #tpu.memory_space<vmem>>
    %dma_wait3A_2405 = tpu.memref_squeeze %dma_wait3A_2404 : memref<1x64x512xf32, #tpu.memory_space<vmem>> -> memref<64x512xf32, #tpu.memory_space<vmem>>
    %dma_wait3A_2406 = arith.constant 0 : i32
    %dma_wait3A_2407 = tpu.memref_slice %arg3[%dma_wait3A_2406, %multiple_of3A_169] : memref<64x1000000xf32, #tpu.memory_space<hbm>> -> memref<64x512xf32, #tpu.memory_space<hbm>>
    %dma_wait3A_2408 = tpu.memref_slice %arg6[%dma_wait3A_2401] : memref<2x!tpu.dma_semaphore, #tpu.memory_space<semaphore_mem>> -> memref<1x!tpu.dma_semaphore, #tpu.memory_space<semaphore_mem>>
    %dma_wait3A_2409 = tpu.memref_squeeze %dma_wait3A_2408 : memref<1x!tpu.dma_semaphore, #tpu.memory_space<semaphore_mem>> -> memref<!tpu.dma_semaphore, #tpu.memory_space<semaphore_mem>>
    %dma_wait3A_2410 = arith.constant 0 : i32
    %dma_wait3A_2411 = tpu.memref_slice %arg3[%dma_wait3A_2410, %multiple_of3A_169] : memref<64x1000000xf32, #tpu.memory_space<hbm>> -> memref<64x512xf32, #tpu.memory_space<hbm>>
    %dma_wait3A_2412 = arith.constant 0 : i32
    %dma_wait3A_2413 = arith.constant 0 : i32
    %dma_wait3A_2414 = tpu.memref_slice %arg4[%dma_wait3A_2400, %dma_wait3A_2412, %dma_wait3A_2413] : memref<2x64x512xf32, #tpu.memory_space<vmem>> -> memref<1x64x512xf32, #tpu.memory_space<vmem>>
    %dma_wait3A_2415 = tpu.memref_squeeze %dma_wait3A_2414 : memref<1x64x512xf32, #tpu.memory_space<vmem>> -> memref<64x512xf32, #tpu.memory_space<vmem>>
    tpu.wait_dma2 semaphore(%dma_wait3A_2409 : memref<!tpu.dma_semaphore, #tpu.memory_space<semaphore_mem>>) src(%dma_wait3A_2415 : memref<64x512xf32, #tpu.memory_space<vmem>>) dst(%dma_wait3A_2411 : memref<64x512xf32, #tpu.memory_space<hbm>>)
    %dma_start3A_2416 = arith.constant 1 : i32
    %dma_start3A_2417 = arith.constant 1 : i32
    %dma_start3A_2418 = arith.constant 0 : i32
    %dma_start3A_2419 = arith.constant 0 : i32
    %dma_start3A_2420 = tpu.memref_slice %arg4[%dma_start3A_2416, %dma_start3A_2418, %dma_start3A_2419] : memref<2x64x512xf32, #tpu.memory_space<vmem>> -> memref<1x64x512xf32, #tpu.memory_space<vmem>>
    %dma_start3A_2421 = tpu.memref_squeeze %dma_start3A_2420 : memref<1x64x512xf32, #tpu.memory_space<vmem>> -> memref<64x512xf32, #tpu.memory_space<vmem>>
    %dma_start3A_2422 = arith.constant 0 : i32
    %dma_start3A_2423 = tpu.memref_slice %arg2[%dma_start3A_2422, %multiple_of3A_179] : memref<64x1000000xf32, #tpu.memory_space<hbm>> -> memref<64x512xf32, #tpu.memory_space<hbm>>
    %dma_start3A_2424 = tpu.memref_slice %arg5[%dma_start3A_2417] : memref<2x!tpu.dma_semaphore, #tpu.memory_space<semaphore_mem>> -> memref<1x!tpu.dma_semaphore, #tpu.memory_space<semaphore_mem>>
    %dma_start3A_2425 = tpu.memref_squeeze %dma_start3A_2424 : memref<1x!tpu.dma_semaphore, #tpu.memory_space<semaphore_mem>> -> memref<!tpu.dma_semaphore, #tpu.memory_space<semaphore_mem>>
    %dma_start3A_2426 = arith.constant 0 : i32
    %dma_start3A_2427 = arith.constant 0 : i32
    %dma_start3A_2428 = tpu.memref_slice %arg4[%dma_start3A_2416, %dma_start3A_2426, %dma_start3A_2427] : memref<2x64x512xf32, #tpu.memory_space<vmem>> -> memref<1x64x512xf32, #tpu.memory_space<vmem>>
    %dma_start3A_2429 = tpu.memref_squeeze %dma_start3A_2428 : memref<1x64x512xf32, #tpu.memory_space<vmem>> -> memref<64x512xf32, #tpu.memory_space<vmem>>
    %dma_start3A_2430 = arith.constant 0 : i32
    %dma_start3A_2431 = tpu.memref_slice %arg2[%dma_start3A_2430, %multiple_of3A_179] : memref<64x1000000xf32, #tpu.memory_space<hbm>> -> memref<64x512xf32, #tpu.memory_space<hbm>>
    tpu.enqueue_dma source(%dma_start3A_2431 : memref<64x512xf32, #tpu.memory_space<hbm>>) target(%dma_start3A_2429 : memref<64x512xf32, #tpu.memory_space<vmem>>) target_semaphore(%dma_start3A_2425 : memref<!tpu.dma_semaphore, #tpu.memory_space<semaphore_mem>>)
    %dma_start3A_2432 = arith.constant 0 : i32
    %dma_start3A_2433 = arith.constant 0 : i32
    %dma_start3A_2434 = arith.constant 0 : i32
    %dma_start3A_2435 = arith.constant 0 : i32
    %dma_start3A_2436 = tpu.memref_slice %arg4[%dma_start3A_2432, %dma_start3A_2434, %dma_start3A_2435] : memref<2x64x512xf32, #tpu.memory_space<vmem>> -> memref<1x64x512xf32, #tpu.memory_space<vmem>>
    %dma_start3A_2437 = tpu.memref_squeeze %dma_start3A_2436 : memref<1x64x512xf32, #tpu.memory_space<vmem>> -> memref<64x512xf32, #tpu.memory_space<vmem>>
    %dma_start3A_2438 = arith.constant 0 : i32
    %dma_start3A_2439 = tpu.memref_slice %arg3[%dma_start3A_2438, %multiple_of3A_174] : memref<64x1000000xf32, #tpu.memory_space<hbm>> -> memref<64x512xf32, #tpu.memory_space<hbm>>
    %dma_start3A_2440 = tpu.memref_slice %arg6[%dma_start3A_2433] : memref<2x!tpu.dma_semaphore, #tpu.memory_space<semaphore_mem>> -> memref<1x!tpu.dma_semaphore, #tpu.memory_space<semaphore_mem>>
    %dma_start3A_2441 = tpu.memref_squeeze %dma_start3A_2440 : memref<1x!tpu.dma_semaphore, #tpu.memory_space<semaphore_mem>> -> memref<!tpu.dma_semaphore, #tpu.memory_space<semaphore_mem>>
    %dma_start3A_2442 = arith.constant 0 : i32
    %dma_start3A_2443 = tpu.memref_slice %arg3[%dma_start3A_2442, %multiple_of3A_174] : memref<64x1000000xf32, #tpu.memory_space<hbm>> -> memref<64x512xf32, #tpu.memory_space<hbm>>
    %dma_start3A_2444 = arith.constant 0 : i32
    %dma_start3A_2445 = arith.constant 0 : i32
    %dma_start3A_2446 = tpu.memref_slice %arg4[%dma_start3A_2432, %dma_start3A_2444, %dma_start3A_2445] : memref<2x64x512xf32, #tpu.memory_space<vmem>> -> memref<1x64x512xf32, #tpu.memory_space<vmem>>
    %dma_start3A_2447 = tpu.memref_squeeze %dma_start3A_2446 : memref<1x64x512xf32, #tpu.memory_space<vmem>> -> memref<64x512xf32, #tpu.memory_space<vmem>>
    tpu.enqueue_dma source(%dma_start3A_2447 : memref<64x512xf32, #tpu.memory_space<vmem>>) target(%dma_start3A_2443 : memref<64x512xf32, #tpu.memory_space<hbm>>) target_semaphore(%dma_start3A_2441 : memref<!tpu.dma_semaphore, #tpu.memory_space<semaphore_mem>>)
    %dma_wait3A_2448 = arith.constant 1 : i32
    %dma_wait3A_2449 = arith.constant 1 : i32
    %dma_wait3A_2450 = arith.constant 0 : i32
    %dma_wait3A_2451 = arith.constant 0 : i32
    %dma_wait3A_2452 = tpu.memref_slice %arg4[%dma_wait3A_2448, %dma_wait3A_2450, %dma_wait3A_2451] : memref<2x64x512xf32, #tpu.memory_space<vmem>> -> memref<1x64x512xf32, #tpu.memory_space<vmem>>
    %dma_wait3A_2453 = tpu.memref_squeeze %dma_wait3A_2452 : memref<1x64x512xf32, #tpu.memory_space<vmem>> -> memref<64x512xf32, #tpu.memory_space<vmem>>
    %dma_wait3A_2454 = arith.constant 0 : i32
    %dma_wait3A_2455 = tpu.memref_slice %arg2[%dma_wait3A_2454, %multiple_of3A_179] : memref<64x1000000xf32, #tpu.memory_space<hbm>> -> memref<64x512xf32, #tpu.memory_space<hbm>>
    %dma_wait3A_2456 = tpu.memref_slice %arg5[%dma_wait3A_2449] : memref<2x!tpu.dma_semaphore, #tpu.memory_space<semaphore_mem>> -> memref<1x!tpu.dma_semaphore, #tpu.memory_space<semaphore_mem>>
    %dma_wait3A_2457 = tpu.memref_squeeze %dma_wait3A_2456 : memref<1x!tpu.dma_semaphore, #tpu.memory_space<semaphore_mem>> -> memref<!tpu.dma_semaphore, #tpu.memory_space<semaphore_mem>>
    %dma_wait3A_2458 = arith.constant 0 : i32
    %dma_wait3A_2459 = arith.constant 0 : i32
    %dma_wait3A_2460 = tpu.memref_slice %arg4[%dma_wait3A_2448, %dma_wait3A_2458, %dma_wait3A_2459] : memref<2x64x512xf32, #tpu.memory_space<vmem>> -> memref<1x64x512xf32, #tpu.memory_space<vmem>>
    %dma_wait3A_2461 = tpu.memref_squeeze %dma_wait3A_2460 : memref<1x64x512xf32, #tpu.memory_space<vmem>> -> memref<64x512xf32, #tpu.memory_space<vmem>>
    %dma_wait3A_2462 = arith.constant 0 : i32
    %dma_wait3A_2463 = tpu.memref_slice %arg2[%dma_wait3A_2462, %multiple_of3A_179] : memref<64x1000000xf32, #tpu.memory_space<hbm>> -> memref<64x512xf32, #tpu.memory_space<hbm>>
    tpu.wait_dma2 semaphore(%dma_wait3A_2457 : memref<!tpu.dma_semaphore, #tpu.memory_space<semaphore_mem>>) src(%dma_wait3A_2463 : memref<64x512xf32, #tpu.memory_space<hbm>>) dst(%dma_wait3A_2461 : memref<64x512xf32, #tpu.memory_space<vmem>>)
    %dma_wait3A_2464 = arith.constant 0 : i32
    %dma_wait3A_2465 = arith.constant 0 : i32
    %dma_wait3A_2466 = arith.constant 0 : i32
    %dma_wait3A_2467 = arith.constant 0 : i32
    %dma_wait3A_2468 = tpu.memref_slice %arg4[%dma_wait3A_2464, %dma_wait3A_2466, %dma_wait3A_2467] : memref<2x64x512xf32, #tpu.memory_space<vmem>> -> memref<1x64x512xf32, #tpu.memory_space<vmem>>
    %dma_wait3A_2469 = tpu.memref_squeeze %dma_wait3A_2468 : memref<1x64x512xf32, #tpu.memory_space<vmem>> -> memref<64x512xf32, #tpu.memory_space<vmem>>
    %dma_wait3A_2470 = arith.constant 0 : i32
    %dma_wait3A_2471 = tpu.memref_slice %arg3[%dma_wait3A_2470, %multiple_of3A_174] : memref<64x1000000xf32, #tpu.memory_space<hbm>> -> memref<64x512xf32, #tpu.memory_space<hbm>>
    %dma_wait3A_2472 = tpu.memref_slice %arg6[%dma_wait3A_2465] : memref<2x!tpu.dma_semaphore, #tpu.memory_space<semaphore_mem>> -> memref<1x!tpu.dma_semaphore, #tpu.memory_space<semaphore_mem>>
    %dma_wait3A_2473 = tpu.memref_squeeze %dma_wait3A_2472 : memref<1x!tpu.dma_semaphore, #tpu.memory_space<semaphore_mem>> -> memref<!tpu.dma_semaphore, #tpu.memory_space<semaphore_mem>>
    %dma_wait3A_2474 = arith.constant 0 : i32
    %dma_wait3A_2475 = tpu.memref_slice %arg3[%dma_wait3A_2474, %multiple_of3A_174] : memref<64x1000000xf32, #tpu.memory_space<hbm>> -> memref<64x512xf32, #tpu.memory_space<hbm>>
    %dma_wait3A_2476 = arith.constant 0 : i32
    %dma_wait3A_2477 = arith.constant 0 : i32
    %dma_wait3A_2478 = tpu.memref_slice %arg4[%dma_wait3A_2464, %dma_wait3A_2476, %dma_wait3A_2477] : memref<2x64x512xf32, #tpu.memory_space<vmem>> -> memref<1x64x512xf32, #tpu.memory_space<vmem>>
    %dma_wait3A_2479 = tpu.memref_squeeze %dma_wait3A_2478 : memref<1x64x512xf32, #tpu.memory_space<vmem>> -> memref<64x512xf32, #tpu.memory_space<vmem>>
    tpu.wait_dma2 semaphore(%dma_wait3A_2473 : memref<!tpu.dma_semaphore, #tpu.memory_space<semaphore_mem>>) src(%dma_wait3A_2479 : memref<64x512xf32, #tpu.memory_space<vmem>>) dst(%dma_wait3A_2475 : memref<64x512xf32, #tpu.memory_space<hbm>>)
    %dma_start3A_2480 = arith.constant 0 : i32
    %dma_start3A_2481 = arith.constant 0 : i32
    %dma_start3A_2482 = arith.constant 0 : i32
    %dma_start3A_2483 = arith.constant 0 : i32
    %dma_start3A_2484 = tpu.memref_slice %arg4[%dma_start3A_2480, %dma_start3A_2482, %dma_start3A_2483] : memref<2x64x512xf32, #tpu.memory_space<vmem>> -> memref<1x64x512xf32, #tpu.memory_space<vmem>>
    %dma_start3A_2485 = tpu.memref_squeeze %dma_start3A_2484 : memref<1x64x512xf32, #tpu.memory_space<vmem>> -> memref<64x512xf32, #tpu.memory_space<vmem>>
    %dma_start3A_2486 = arith.constant 0 : i32
    %dma_start3A_2487 = tpu.memref_slice %arg2[%dma_start3A_2486, %multiple_of3A_184] : memref<64x1000000xf32, #tpu.memory_space<hbm>> -> memref<64x512xf32, #tpu.memory_space<hbm>>
    %dma_start3A_2488 = tpu.memref_slice %arg5[%dma_start3A_2481] : memref<2x!tpu.dma_semaphore, #tpu.memory_space<semaphore_mem>> -> memref<1x!tpu.dma_semaphore, #tpu.memory_space<semaphore_mem>>
    %dma_start3A_2489 = tpu.memref_squeeze %dma_start3A_2488 : memref<1x!tpu.dma_semaphore, #tpu.memory_space<semaphore_mem>> -> memref<!tpu.dma_semaphore, #tpu.memory_space<semaphore_mem>>
    %dma_start3A_2490 = arith.constant 0 : i32
    %dma_start3A_2491 = arith.constant 0 : i32
    %dma_start3A_2492 = tpu.memref_slice %arg4[%dma_start3A_2480, %dma_start3A_2490, %dma_start3A_2491] : memref<2x64x512xf32, #tpu.memory_space<vmem>> -> memref<1x64x512xf32, #tpu.memory_space<vmem>>
    %dma_start3A_2493 = tpu.memref_squeeze %dma_start3A_2492 : memref<1x64x512xf32, #tpu.memory_space<vmem>> -> memref<64x512xf32, #tpu.memory_space<vmem>>
    %dma_start3A_2494 = arith.constant 0 : i32
    %dma_start3A_2495 = tpu.memref_slice %arg2[%dma_start3A_2494, %multiple_of3A_184] : memref<64x1000000xf32, #tpu.memory_space<hbm>> -> memref<64x512xf32, #tpu.memory_space<hbm>>
    tpu.enqueue_dma source(%dma_start3A_2495 : memref<64x512xf32, #tpu.memory_space<hbm>>) target(%dma_start3A_2493 : memref<64x512xf32, #tpu.memory_space<vmem>>) target_semaphore(%dma_start3A_2489 : memref<!tpu.dma_semaphore, #tpu.memory_space<semaphore_mem>>)
    %dma_start3A_2496 = arith.constant 1 : i32
    %dma_start3A_2497 = arith.constant 1 : i32
    %dma_start3A_2498 = arith.constant 0 : i32
    %dma_start3A_2499 = arith.constant 0 : i32
    %dma_start3A_2500 = tpu.memref_slice %arg4[%dma_start3A_2496, %dma_start3A_2498, %dma_start3A_2499] : memref<2x64x512xf32, #tpu.memory_space<vmem>> -> memref<1x64x512xf32, #tpu.memory_space<vmem>>
    %dma_start3A_2501 = tpu.memref_squeeze %dma_start3A_2500 : memref<1x64x512xf32, #tpu.memory_space<vmem>> -> memref<64x512xf32, #tpu.memory_space<vmem>>
    %dma_start3A_2502 = arith.constant 0 : i32
    %dma_start3A_2503 = tpu.memref_slice %arg3[%dma_start3A_2502, %multiple_of3A_179] : memref<64x1000000xf32, #tpu.memory_space<hbm>> -> memref<64x512xf32, #tpu.memory_space<hbm>>
    %dma_start3A_2504 = tpu.memref_slice %arg6[%dma_start3A_2497] : memref<2x!tpu.dma_semaphore, #tpu.memory_space<semaphore_mem>> -> memref<1x!tpu.dma_semaphore, #tpu.memory_space<semaphore_mem>>
    %dma_start3A_2505 = tpu.memref_squeeze %dma_start3A_2504 : memref<1x!tpu.dma_semaphore, #tpu.memory_space<semaphore_mem>> -> memref<!tpu.dma_semaphore, #tpu.memory_space<semaphore_mem>>
    %dma_start3A_2506 = arith.constant 0 : i32
    %dma_start3A_2507 = tpu.memref_slice %arg3[%dma_start3A_2506, %multiple_of3A_179] : memref<64x1000000xf32, #tpu.memory_space<hbm>> -> memref<64x512xf32, #tpu.memory_space<hbm>>
    %dma_start3A_2508 = arith.constant 0 : i32
    %dma_start3A_2509 = arith.constant 0 : i32
    %dma_start3A_2510 = tpu.memref_slice %arg4[%dma_start3A_2496, %dma_start3A_2508, %dma_start3A_2509] : memref<2x64x512xf32, #tpu.memory_space<vmem>> -> memref<1x64x512xf32, #tpu.memory_space<vmem>>
    %dma_start3A_2511 = tpu.memref_squeeze %dma_start3A_2510 : memref<1x64x512xf32, #tpu.memory_space<vmem>> -> memref<64x512xf32, #tpu.memory_space<vmem>>
    tpu.enqueue_dma source(%dma_start3A_2511 : memref<64x512xf32, #tpu.memory_space<vmem>>) target(%dma_start3A_2507 : memref<64x512xf32, #tpu.memory_space<hbm>>) target_semaphore(%dma_start3A_2505 : memref<!tpu.dma_semaphore, #tpu.memory_space<semaphore_mem>>)
    %dma_wait3A_2512 = arith.constant 0 : i32
    %dma_wait3A_2513 = arith.constant 0 : i32
    %dma_wait3A_2514 = arith.constant 0 : i32
    %dma_wait3A_2515 = arith.constant 0 : i32
    %dma_wait3A_2516 = tpu.memref_slice %arg4[%dma_wait3A_2512, %dma_wait3A_2514, %dma_wait3A_2515] : memref<2x64x512xf32, #tpu.memory_space<vmem>> -> memref<1x64x512xf32, #tpu.memory_space<vmem>>
    %dma_wait3A_2517 = tpu.memref_squeeze %dma_wait3A_2516 : memref<1x64x512xf32, #tpu.memory_space<vmem>> -> memref<64x512xf32, #tpu.memory_space<vmem>>
    %dma_wait3A_2518 = arith.constant 0 : i32
    %dma_wait3A_2519 = tpu.memref_slice %arg2[%dma_wait3A_2518, %multiple_of3A_184] : memref<64x1000000xf32, #tpu.memory_space<hbm>> -> memref<64x512xf32, #tpu.memory_space<hbm>>
    %dma_wait3A_2520 = tpu.memref_slice %arg5[%dma_wait3A_2513] : memref<2x!tpu.dma_semaphore, #tpu.memory_space<semaphore_mem>> -> memref<1x!tpu.dma_semaphore, #tpu.memory_space<semaphore_mem>>
    %dma_wait3A_2521 = tpu.memref_squeeze %dma_wait3A_2520 : memref<1x!tpu.dma_semaphore, #tpu.memory_space<semaphore_mem>> -> memref<!tpu.dma_semaphore, #tpu.memory_space<semaphore_mem>>
    %dma_wait3A_2522 = arith.constant 0 : i32
    %dma_wait3A_2523 = arith.constant 0 : i32
    %dma_wait3A_2524 = tpu.memref_slice %arg4[%dma_wait3A_2512, %dma_wait3A_2522, %dma_wait3A_2523] : memref<2x64x512xf32, #tpu.memory_space<vmem>> -> memref<1x64x512xf32, #tpu.memory_space<vmem>>
    %dma_wait3A_2525 = tpu.memref_squeeze %dma_wait3A_2524 : memref<1x64x512xf32, #tpu.memory_space<vmem>> -> memref<64x512xf32, #tpu.memory_space<vmem>>
    %dma_wait3A_2526 = arith.constant 0 : i32
    %dma_wait3A_2527 = tpu.memref_slice %arg2[%dma_wait3A_2526, %multiple_of3A_184] : memref<64x1000000xf32, #tpu.memory_space<hbm>> -> memref<64x512xf32, #tpu.memory_space<hbm>>
    tpu.wait_dma2 semaphore(%dma_wait3A_2521 : memref<!tpu.dma_semaphore, #tpu.memory_space<semaphore_mem>>) src(%dma_wait3A_2527 : memref<64x512xf32, #tpu.memory_space<hbm>>) dst(%dma_wait3A_2525 : memref<64x512xf32, #tpu.memory_space<vmem>>)
    %dma_wait3A_2528 = arith.constant 1 : i32
    %dma_wait3A_2529 = arith.constant 1 : i32
    %dma_wait3A_2530 = arith.constant 0 : i32
    %dma_wait3A_2531 = arith.constant 0 : i32
    %dma_wait3A_2532 = tpu.memref_slice %arg4[%dma_wait3A_2528, %dma_wait3A_2530, %dma_wait3A_2531] : memref<2x64x512xf32, #tpu.memory_space<vmem>> -> memref<1x64x512xf32, #tpu.memory_space<vmem>>
    %dma_wait3A_2533 = tpu.memref_squeeze %dma_wait3A_2532 : memref<1x64x512xf32, #tpu.memory_space<vmem>> -> memref<64x512xf32, #tpu.memory_space<vmem>>
    %dma_wait3A_2534 = arith.constant 0 : i32
    %dma_wait3A_2535 = tpu.memref_slice %arg3[%dma_wait3A_2534, %multiple_of3A_179] : memref<64x1000000xf32, #tpu.memory_space<hbm>> -> memref<64x512xf32, #tpu.memory_space<hbm>>
    %dma_wait3A_2536 = tpu.memref_slice %arg6[%dma_wait3A_2529] : memref<2x!tpu.dma_semaphore, #tpu.memory_space<semaphore_mem>> -> memref<1x!tpu.dma_semaphore, #tpu.memory_space<semaphore_mem>>
    %dma_wait3A_2537 = tpu.memref_squeeze %dma_wait3A_2536 : memref<1x!tpu.dma_semaphore, #tpu.memory_space<semaphore_mem>> -> memref<!tpu.dma_semaphore, #tpu.memory_space<semaphore_mem>>
    %dma_wait3A_2538 = arith.constant 0 : i32
    %dma_wait3A_2539 = tpu.memref_slice %arg3[%dma_wait3A_2538, %multiple_of3A_179] : memref<64x1000000xf32, #tpu.memory_space<hbm>> -> memref<64x512xf32, #tpu.memory_space<hbm>>
    %dma_wait3A_2540 = arith.constant 0 : i32
    %dma_wait3A_2541 = arith.constant 0 : i32
    %dma_wait3A_2542 = tpu.memref_slice %arg4[%dma_wait3A_2528, %dma_wait3A_2540, %dma_wait3A_2541] : memref<2x64x512xf32, #tpu.memory_space<vmem>> -> memref<1x64x512xf32, #tpu.memory_space<vmem>>
    %dma_wait3A_2543 = tpu.memref_squeeze %dma_wait3A_2542 : memref<1x64x512xf32, #tpu.memory_space<vmem>> -> memref<64x512xf32, #tpu.memory_space<vmem>>
    tpu.wait_dma2 semaphore(%dma_wait3A_2537 : memref<!tpu.dma_semaphore, #tpu.memory_space<semaphore_mem>>) src(%dma_wait3A_2543 : memref<64x512xf32, #tpu.memory_space<vmem>>) dst(%dma_wait3A_2539 : memref<64x512xf32, #tpu.memory_space<hbm>>)
    %dma_start3A_2544 = arith.constant 1 : i32
    %dma_start3A_2545 = arith.constant 1 : i32
    %dma_start3A_2546 = arith.constant 0 : i32
    %dma_start3A_2547 = arith.constant 0 : i32
    %dma_start3A_2548 = tpu.memref_slice %arg4[%dma_start3A_2544, %dma_start3A_2546, %dma_start3A_2547] : memref<2x64x512xf32, #tpu.memory_space<vmem>> -> memref<1x64x512xf32, #tpu.memory_space<vmem>>
    %dma_start3A_2549 = tpu.memref_squeeze %dma_start3A_2548 : memref<1x64x512xf32, #tpu.memory_space<vmem>> -> memref<64x512xf32, #tpu.memory_space<vmem>>
    %dma_start3A_2550 = arith.constant 0 : i32
    %dma_start3A_2551 = tpu.memref_slice %arg2[%dma_start3A_2550, %multiple_of3A_189] : memref<64x1000000xf32, #tpu.memory_space<hbm>> -> memref<64x512xf32, #tpu.memory_space<hbm>>
    %dma_start3A_2552 = tpu.memref_slice %arg5[%dma_start3A_2545] : memref<2x!tpu.dma_semaphore, #tpu.memory_space<semaphore_mem>> -> memref<1x!tpu.dma_semaphore, #tpu.memory_space<semaphore_mem>>
    %dma_start3A_2553 = tpu.memref_squeeze %dma_start3A_2552 : memref<1x!tpu.dma_semaphore, #tpu.memory_space<semaphore_mem>> -> memref<!tpu.dma_semaphore, #tpu.memory_space<semaphore_mem>>
    %dma_start3A_2554 = arith.constant 0 : i32
    %dma_start3A_2555 = arith.constant 0 : i32
    %dma_start3A_2556 = tpu.memref_slice %arg4[%dma_start3A_2544, %dma_start3A_2554, %dma_start3A_2555] : memref<2x64x512xf32, #tpu.memory_space<vmem>> -> memref<1x64x512xf32, #tpu.memory_space<vmem>>
    %dma_start3A_2557 = tpu.memref_squeeze %dma_start3A_2556 : memref<1x64x512xf32, #tpu.memory_space<vmem>> -> memref<64x512xf32, #tpu.memory_space<vmem>>
    %dma_start3A_2558 = arith.constant 0 : i32
    %dma_start3A_2559 = tpu.memref_slice %arg2[%dma_start3A_2558, %multiple_of3A_189] : memref<64x1000000xf32, #tpu.memory_space<hbm>> -> memref<64x512xf32, #tpu.memory_space<hbm>>
    tpu.enqueue_dma source(%dma_start3A_2559 : memref<64x512xf32, #tpu.memory_space<hbm>>) target(%dma_start3A_2557 : memref<64x512xf32, #tpu.memory_space<vmem>>) target_semaphore(%dma_start3A_2553 : memref<!tpu.dma_semaphore, #tpu.memory_space<semaphore_mem>>)
    %dma_start3A_2560 = arith.constant 0 : i32
    %dma_start3A_2561 = arith.constant 0 : i32
    %dma_start3A_2562 = arith.constant 0 : i32
    %dma_start3A_2563 = arith.constant 0 : i32
    %dma_start3A_2564 = tpu.memref_slice %arg4[%dma_start3A_2560, %dma_start3A_2562, %dma_start3A_2563] : memref<2x64x512xf32, #tpu.memory_space<vmem>> -> memref<1x64x512xf32, #tpu.memory_space<vmem>>
    %dma_start3A_2565 = tpu.memref_squeeze %dma_start3A_2564 : memref<1x64x512xf32, #tpu.memory_space<vmem>> -> memref<64x512xf32, #tpu.memory_space<vmem>>
    %dma_start3A_2566 = arith.constant 0 : i32
    %dma_start3A_2567 = tpu.memref_slice %arg3[%dma_start3A_2566, %multiple_of3A_184] : memref<64x1000000xf32, #tpu.memory_space<hbm>> -> memref<64x512xf32, #tpu.memory_space<hbm>>
    %dma_start3A_2568 = tpu.memref_slice %arg6[%dma_start3A_2561] : memref<2x!tpu.dma_semaphore, #tpu.memory_space<semaphore_mem>> -> memref<1x!tpu.dma_semaphore, #tpu.memory_space<semaphore_mem>>
    %dma_start3A_2569 = tpu.memref_squeeze %dma_start3A_2568 : memref<1x!tpu.dma_semaphore, #tpu.memory_space<semaphore_mem>> -> memref<!tpu.dma_semaphore, #tpu.memory_space<semaphore_mem>>
    %dma_start3A_2570 = arith.constant 0 : i32
    %dma_start3A_2571 = tpu.memref_slice %arg3[%dma_start3A_2570, %multiple_of3A_184] : memref<64x1000000xf32, #tpu.memory_space<hbm>> -> memref<64x512xf32, #tpu.memory_space<hbm>>
    %dma_start3A_2572 = arith.constant 0 : i32
    %dma_start3A_2573 = arith.constant 0 : i32
    %dma_start3A_2574 = tpu.memref_slice %arg4[%dma_start3A_2560, %dma_start3A_2572, %dma_start3A_2573] : memref<2x64x512xf32, #tpu.memory_space<vmem>> -> memref<1x64x512xf32, #tpu.memory_space<vmem>>
    %dma_start3A_2575 = tpu.memref_squeeze %dma_start3A_2574 : memref<1x64x512xf32, #tpu.memory_space<vmem>> -> memref<64x512xf32, #tpu.memory_space<vmem>>
    tpu.enqueue_dma source(%dma_start3A_2575 : memref<64x512xf32, #tpu.memory_space<vmem>>) target(%dma_start3A_2571 : memref<64x512xf32, #tpu.memory_space<hbm>>) target_semaphore(%dma_start3A_2569 : memref<!tpu.dma_semaphore, #tpu.memory_space<semaphore_mem>>)
    %dma_wait3A_2576 = arith.constant 1 : i32
    %dma_wait3A_2577 = arith.constant 1 : i32
    %dma_wait3A_2578 = arith.constant 0 : i32
    %dma_wait3A_2579 = arith.constant 0 : i32
    %dma_wait3A_2580 = tpu.memref_slice %arg4[%dma_wait3A_2576, %dma_wait3A_2578, %dma_wait3A_2579] : memref<2x64x512xf32, #tpu.memory_space<vmem>> -> memref<1x64x512xf32, #tpu.memory_space<vmem>>
    %dma_wait3A_2581 = tpu.memref_squeeze %dma_wait3A_2580 : memref<1x64x512xf32, #tpu.memory_space<vmem>> -> memref<64x512xf32, #tpu.memory_space<vmem>>
    %dma_wait3A_2582 = arith.constant 0 : i32
    %dma_wait3A_2583 = tpu.memref_slice %arg2[%dma_wait3A_2582, %multiple_of3A_189] : memref<64x1000000xf32, #tpu.memory_space<hbm>> -> memref<64x512xf32, #tpu.memory_space<hbm>>
    %dma_wait3A_2584 = tpu.memref_slice %arg5[%dma_wait3A_2577] : memref<2x!tpu.dma_semaphore, #tpu.memory_space<semaphore_mem>> -> memref<1x!tpu.dma_semaphore, #tpu.memory_space<semaphore_mem>>
    %dma_wait3A_2585 = tpu.memref_squeeze %dma_wait3A_2584 : memref<1x!tpu.dma_semaphore, #tpu.memory_space<semaphore_mem>> -> memref<!tpu.dma_semaphore, #tpu.memory_space<semaphore_mem>>
    %dma_wait3A_2586 = arith.constant 0 : i32
    %dma_wait3A_2587 = arith.constant 0 : i32
    %dma_wait3A_2588 = tpu.memref_slice %arg4[%dma_wait3A_2576, %dma_wait3A_2586, %dma_wait3A_2587] : memref<2x64x512xf32, #tpu.memory_space<vmem>> -> memref<1x64x512xf32, #tpu.memory_space<vmem>>
    %dma_wait3A_2589 = tpu.memref_squeeze %dma_wait3A_2588 : memref<1x64x512xf32, #tpu.memory_space<vmem>> -> memref<64x512xf32, #tpu.memory_space<vmem>>
    %dma_wait3A_2590 = arith.constant 0 : i32
    %dma_wait3A_2591 = tpu.memref_slice %arg2[%dma_wait3A_2590, %multiple_of3A_189] : memref<64x1000000xf32, #tpu.memory_space<hbm>> -> memref<64x512xf32, #tpu.memory_space<hbm>>
    tpu.wait_dma2 semaphore(%dma_wait3A_2585 : memref<!tpu.dma_semaphore, #tpu.memory_space<semaphore_mem>>) src(%dma_wait3A_2591 : memref<64x512xf32, #tpu.memory_space<hbm>>) dst(%dma_wait3A_2589 : memref<64x512xf32, #tpu.memory_space<vmem>>)
    %dma_wait3A_2592 = arith.constant 0 : i32
    %dma_wait3A_2593 = arith.constant 0 : i32
    %dma_wait3A_2594 = arith.constant 0 : i32
    %dma_wait3A_2595 = arith.constant 0 : i32
    %dma_wait3A_2596 = tpu.memref_slice %arg4[%dma_wait3A_2592, %dma_wait3A_2594, %dma_wait3A_2595] : memref<2x64x512xf32, #tpu.memory_space<vmem>> -> memref<1x64x512xf32, #tpu.memory_space<vmem>>
    %dma_wait3A_2597 = tpu.memref_squeeze %dma_wait3A_2596 : memref<1x64x512xf32, #tpu.memory_space<vmem>> -> memref<64x512xf32, #tpu.memory_space<vmem>>
    %dma_wait3A_2598 = arith.constant 0 : i32
    %dma_wait3A_2599 = tpu.memref_slice %arg3[%dma_wait3A_2598, %multiple_of3A_184] : memref<64x1000000xf32, #tpu.memory_space<hbm>> -> memref<64x512xf32, #tpu.memory_space<hbm>>
    %dma_wait3A_2600 = tpu.memref_slice %arg6[%dma_wait3A_2593] : memref<2x!tpu.dma_semaphore, #tpu.memory_space<semaphore_mem>> -> memref<1x!tpu.dma_semaphore, #tpu.memory_space<semaphore_mem>>
    %dma_wait3A_2601 = tpu.memref_squeeze %dma_wait3A_2600 : memref<1x!tpu.dma_semaphore, #tpu.memory_space<semaphore_mem>> -> memref<!tpu.dma_semaphore, #tpu.memory_space<semaphore_mem>>
    %dma_wait3A_2602 = arith.constant 0 : i32
    %dma_wait3A_2603 = tpu.memref_slice %arg3[%dma_wait3A_2602, %multiple_of3A_184] : memref<64x1000000xf32, #tpu.memory_space<hbm>> -> memref<64x512xf32, #tpu.memory_space<hbm>>
    %dma_wait3A_2604 = arith.constant 0 : i32
    %dma_wait3A_2605 = arith.constant 0 : i32
    %dma_wait3A_2606 = tpu.memref_slice %arg4[%dma_wait3A_2592, %dma_wait3A_2604, %dma_wait3A_2605] : memref<2x64x512xf32, #tpu.memory_space<vmem>> -> memref<1x64x512xf32, #tpu.memory_space<vmem>>
    %dma_wait3A_2607 = tpu.memref_squeeze %dma_wait3A_2606 : memref<1x64x512xf32, #tpu.memory_space<vmem>> -> memref<64x512xf32, #tpu.memory_space<vmem>>
    tpu.wait_dma2 semaphore(%dma_wait3A_2601 : memref<!tpu.dma_semaphore, #tpu.memory_space<semaphore_mem>>) src(%dma_wait3A_2607 : memref<64x512xf32, #tpu.memory_space<vmem>>) dst(%dma_wait3A_2603 : memref<64x512xf32, #tpu.memory_space<hbm>>)
    %dma_start3A_2608 = arith.constant 0 : i32
    %dma_start3A_2609 = arith.constant 0 : i32
    %dma_start3A_2610 = arith.constant 0 : i32
    %dma_start3A_2611 = arith.constant 0 : i32
    %dma_start3A_2612 = tpu.memref_slice %arg4[%dma_start3A_2608, %dma_start3A_2610, %dma_start3A_2611] : memref<2x64x512xf32, #tpu.memory_space<vmem>> -> memref<1x64x512xf32, #tpu.memory_space<vmem>>
    %dma_start3A_2613 = tpu.memref_squeeze %dma_start3A_2612 : memref<1x64x512xf32, #tpu.memory_space<vmem>> -> memref<64x512xf32, #tpu.memory_space<vmem>>
    %dma_start3A_2614 = arith.constant 0 : i32
    %dma_start3A_2615 = tpu.memref_slice %arg2[%dma_start3A_2614, %multiple_of3A_194] : memref<64x1000000xf32, #tpu.memory_space<hbm>> -> memref<64x512xf32, #tpu.memory_space<hbm>>
    %dma_start3A_2616 = tpu.memref_slice %arg5[%dma_start3A_2609] : memref<2x!tpu.dma_semaphore, #tpu.memory_space<semaphore_mem>> -> memref<1x!tpu.dma_semaphore, #tpu.memory_space<semaphore_mem>>
    %dma_start3A_2617 = tpu.memref_squeeze %dma_start3A_2616 : memref<1x!tpu.dma_semaphore, #tpu.memory_space<semaphore_mem>> -> memref<!tpu.dma_semaphore, #tpu.memory_space<semaphore_mem>>
    %dma_start3A_2618 = arith.constant 0 : i32
    %dma_start3A_2619 = arith.constant 0 : i32
    %dma_start3A_2620 = tpu.memref_slice %arg4[%dma_start3A_2608, %dma_start3A_2618, %dma_start3A_2619] : memref<2x64x512xf32, #tpu.memory_space<vmem>> -> memref<1x64x512xf32, #tpu.memory_space<vmem>>
    %dma_start3A_2621 = tpu.memref_squeeze %dma_start3A_2620 : memref<1x64x512xf32, #tpu.memory_space<vmem>> -> memref<64x512xf32, #tpu.memory_space<vmem>>
    %dma_start3A_2622 = arith.constant 0 : i32
    %dma_start3A_2623 = tpu.memref_slice %arg2[%dma_start3A_2622, %multiple_of3A_194] : memref<64x1000000xf32, #tpu.memory_space<hbm>> -> memref<64x512xf32, #tpu.memory_space<hbm>>
    tpu.enqueue_dma source(%dma_start3A_2623 : memref<64x512xf32, #tpu.memory_space<hbm>>) target(%dma_start3A_2621 : memref<64x512xf32, #tpu.memory_space<vmem>>) target_semaphore(%dma_start3A_2617 : memref<!tpu.dma_semaphore, #tpu.memory_space<semaphore_mem>>)
    %dma_start3A_2624 = arith.constant 1 : i32
    %dma_start3A_2625 = arith.constant 1 : i32
    %dma_start3A_2626 = arith.constant 0 : i32
    %dma_start3A_2627 = arith.constant 0 : i32
    %dma_start3A_2628 = tpu.memref_slice %arg4[%dma_start3A_2624, %dma_start3A_2626, %dma_start3A_2627] : memref<2x64x512xf32, #tpu.memory_space<vmem>> -> memref<1x64x512xf32, #tpu.memory_space<vmem>>
    %dma_start3A_2629 = tpu.memref_squeeze %dma_start3A_2628 : memref<1x64x512xf32, #tpu.memory_space<vmem>> -> memref<64x512xf32, #tpu.memory_space<vmem>>
    %dma_start3A_2630 = arith.constant 0 : i32
    %dma_start3A_2631 = tpu.memref_slice %arg3[%dma_start3A_2630, %multiple_of3A_189] : memref<64x1000000xf32, #tpu.memory_space<hbm>> -> memref<64x512xf32, #tpu.memory_space<hbm>>
    %dma_start3A_2632 = tpu.memref_slice %arg6[%dma_start3A_2625] : memref<2x!tpu.dma_semaphore, #tpu.memory_space<semaphore_mem>> -> memref<1x!tpu.dma_semaphore, #tpu.memory_space<semaphore_mem>>
    %dma_start3A_2633 = tpu.memref_squeeze %dma_start3A_2632 : memref<1x!tpu.dma_semaphore, #tpu.memory_space<semaphore_mem>> -> memref<!tpu.dma_semaphore, #tpu.memory_space<semaphore_mem>>
    %dma_start3A_2634 = arith.constant 0 : i32
    %dma_start3A_2635 = tpu.memref_slice %arg3[%dma_start3A_2634, %multiple_of3A_189] : memref<64x1000000xf32, #tpu.memory_space<hbm>> -> memref<64x512xf32, #tpu.memory_space<hbm>>
    %dma_start3A_2636 = arith.constant 0 : i32
    %dma_start3A_2637 = arith.constant 0 : i32
    %dma_start3A_2638 = tpu.memref_slice %arg4[%dma_start3A_2624, %dma_start3A_2636, %dma_start3A_2637] : memref<2x64x512xf32, #tpu.memory_space<vmem>> -> memref<1x64x512xf32, #tpu.memory_space<vmem>>
    %dma_start3A_2639 = tpu.memref_squeeze %dma_start3A_2638 : memref<1x64x512xf32, #tpu.memory_space<vmem>> -> memref<64x512xf32, #tpu.memory_space<vmem>>
    tpu.enqueue_dma source(%dma_start3A_2639 : memref<64x512xf32, #tpu.memory_space<vmem>>) target(%dma_start3A_2635 : memref<64x512xf32, #tpu.memory_space<hbm>>) target_semaphore(%dma_start3A_2633 : memref<!tpu.dma_semaphore, #tpu.memory_space<semaphore_mem>>)
    %dma_wait3A_2640 = arith.constant 0 : i32
    %dma_wait3A_2641 = arith.constant 0 : i32
    %dma_wait3A_2642 = arith.constant 0 : i32
    %dma_wait3A_2643 = arith.constant 0 : i32
    %dma_wait3A_2644 = tpu.memref_slice %arg4[%dma_wait3A_2640, %dma_wait3A_2642, %dma_wait3A_2643] : memref<2x64x512xf32, #tpu.memory_space<vmem>> -> memref<1x64x512xf32, #tpu.memory_space<vmem>>
    %dma_wait3A_2645 = tpu.memref_squeeze %dma_wait3A_2644 : memref<1x64x512xf32, #tpu.memory_space<vmem>> -> memref<64x512xf32, #tpu.memory_space<vmem>>
    %dma_wait3A_2646 = arith.constant 0 : i32
    %dma_wait3A_2647 = tpu.memref_slice %arg2[%dma_wait3A_2646, %multiple_of3A_194] : memref<64x1000000xf32, #tpu.memory_space<hbm>> -> memref<64x512xf32, #tpu.memory_space<hbm>>
    %dma_wait3A_2648 = tpu.memref_slice %arg5[%dma_wait3A_2641] : memref<2x!tpu.dma_semaphore, #tpu.memory_space<semaphore_mem>> -> memref<1x!tpu.dma_semaphore, #tpu.memory_space<semaphore_mem>>
    %dma_wait3A_2649 = tpu.memref_squeeze %dma_wait3A_2648 : memref<1x!tpu.dma_semaphore, #tpu.memory_space<semaphore_mem>> -> memref<!tpu.dma_semaphore, #tpu.memory_space<semaphore_mem>>
    %dma_wait3A_2650 = arith.constant 0 : i32
    %dma_wait3A_2651 = arith.constant 0 : i32
    %dma_wait3A_2652 = tpu.memref_slice %arg4[%dma_wait3A_2640, %dma_wait3A_2650, %dma_wait3A_2651] : memref<2x64x512xf32, #tpu.memory_space<vmem>> -> memref<1x64x512xf32, #tpu.memory_space<vmem>>
    %dma_wait3A_2653 = tpu.memref_squeeze %dma_wait3A_2652 : memref<1x64x512xf32, #tpu.memory_space<vmem>> -> memref<64x512xf32, #tpu.memory_space<vmem>>
    %dma_wait3A_2654 = arith.constant 0 : i32
    %dma_wait3A_2655 = tpu.memref_slice %arg2[%dma_wait3A_2654, %multiple_of3A_194] : memref<64x1000000xf32, #tpu.memory_space<hbm>> -> memref<64x512xf32, #tpu.memory_space<hbm>>
    tpu.wait_dma2 semaphore(%dma_wait3A_2649 : memref<!tpu.dma_semaphore, #tpu.memory_space<semaphore_mem>>) src(%dma_wait3A_2655 : memref<64x512xf32, #tpu.memory_space<hbm>>) dst(%dma_wait3A_2653 : memref<64x512xf32, #tpu.memory_space<vmem>>)
    %dma_wait3A_2656 = arith.constant 1 : i32
    %dma_wait3A_2657 = arith.constant 1 : i32
    %dma_wait3A_2658 = arith.constant 0 : i32
    %dma_wait3A_2659 = arith.constant 0 : i32
    %dma_wait3A_2660 = tpu.memref_slice %arg4[%dma_wait3A_2656, %dma_wait3A_2658, %dma_wait3A_2659] : memref<2x64x512xf32, #tpu.memory_space<vmem>> -> memref<1x64x512xf32, #tpu.memory_space<vmem>>
    %dma_wait3A_2661 = tpu.memref_squeeze %dma_wait3A_2660 : memref<1x64x512xf32, #tpu.memory_space<vmem>> -> memref<64x512xf32, #tpu.memory_space<vmem>>
    %dma_wait3A_2662 = arith.constant 0 : i32
    %dma_wait3A_2663 = tpu.memref_slice %arg3[%dma_wait3A_2662, %multiple_of3A_189] : memref<64x1000000xf32, #tpu.memory_space<hbm>> -> memref<64x512xf32, #tpu.memory_space<hbm>>
    %dma_wait3A_2664 = tpu.memref_slice %arg6[%dma_wait3A_2657] : memref<2x!tpu.dma_semaphore, #tpu.memory_space<semaphore_mem>> -> memref<1x!tpu.dma_semaphore, #tpu.memory_space<semaphore_mem>>
    %dma_wait3A_2665 = tpu.memref_squeeze %dma_wait3A_2664 : memref<1x!tpu.dma_semaphore, #tpu.memory_space<semaphore_mem>> -> memref<!tpu.dma_semaphore, #tpu.memory_space<semaphore_mem>>
    %dma_wait3A_2666 = arith.constant 0 : i32
    %dma_wait3A_2667 = tpu.memref_slice %arg3[%dma_wait3A_2666, %multiple_of3A_189] : memref<64x1000000xf32, #tpu.memory_space<hbm>> -> memref<64x512xf32, #tpu.memory_space<hbm>>
    %dma_wait3A_2668 = arith.constant 0 : i32
    %dma_wait3A_2669 = arith.constant 0 : i32
    %dma_wait3A_2670 = tpu.memref_slice %arg4[%dma_wait3A_2656, %dma_wait3A_2668, %dma_wait3A_2669] : memref<2x64x512xf32, #tpu.memory_space<vmem>> -> memref<1x64x512xf32, #tpu.memory_space<vmem>>
    %dma_wait3A_2671 = tpu.memref_squeeze %dma_wait3A_2670 : memref<1x64x512xf32, #tpu.memory_space<vmem>> -> memref<64x512xf32, #tpu.memory_space<vmem>>
    tpu.wait_dma2 semaphore(%dma_wait3A_2665 : memref<!tpu.dma_semaphore, #tpu.memory_space<semaphore_mem>>) src(%dma_wait3A_2671 : memref<64x512xf32, #tpu.memory_space<vmem>>) dst(%dma_wait3A_2667 : memref<64x512xf32, #tpu.memory_space<hbm>>)
    %dma_start3A_2672 = arith.constant 1 : i32
    %dma_start3A_2673 = arith.constant 1 : i32
    %dma_start3A_2674 = arith.constant 0 : i32
    %dma_start3A_2675 = arith.constant 0 : i32
    %dma_start3A_2676 = tpu.memref_slice %arg4[%dma_start3A_2672, %dma_start3A_2674, %dma_start3A_2675] : memref<2x64x512xf32, #tpu.memory_space<vmem>> -> memref<1x64x512xf32, #tpu.memory_space<vmem>>
    %dma_start3A_2677 = tpu.memref_squeeze %dma_start3A_2676 : memref<1x64x512xf32, #tpu.memory_space<vmem>> -> memref<64x512xf32, #tpu.memory_space<vmem>>
    %dma_start3A_2678 = arith.constant 0 : i32
    %dma_start3A_2679 = tpu.memref_slice %arg2[%dma_start3A_2678, %multiple_of3A_199] : memref<64x1000000xf32, #tpu.memory_space<hbm>> -> memref<64x512xf32, #tpu.memory_space<hbm>>
    %dma_start3A_2680 = tpu.memref_slice %arg5[%dma_start3A_2673] : memref<2x!tpu.dma_semaphore, #tpu.memory_space<semaphore_mem>> -> memref<1x!tpu.dma_semaphore, #tpu.memory_space<semaphore_mem>>
    %dma_start3A_2681 = tpu.memref_squeeze %dma_start3A_2680 : memref<1x!tpu.dma_semaphore, #tpu.memory_space<semaphore_mem>> -> memref<!tpu.dma_semaphore, #tpu.memory_space<semaphore_mem>>
    %dma_start3A_2682 = arith.constant 0 : i32
    %dma_start3A_2683 = arith.constant 0 : i32
    %dma_start3A_2684 = tpu.memref_slice %arg4[%dma_start3A_2672, %dma_start3A_2682, %dma_start3A_2683] : memref<2x64x512xf32, #tpu.memory_space<vmem>> -> memref<1x64x512xf32, #tpu.memory_space<vmem>>
    %dma_start3A_2685 = tpu.memref_squeeze %dma_start3A_2684 : memref<1x64x512xf32, #tpu.memory_space<vmem>> -> memref<64x512xf32, #tpu.memory_space<vmem>>
    %dma_start3A_2686 = arith.constant 0 : i32
    %dma_start3A_2687 = tpu.memref_slice %arg2[%dma_start3A_2686, %multiple_of3A_199] : memref<64x1000000xf32, #tpu.memory_space<hbm>> -> memref<64x512xf32, #tpu.memory_space<hbm>>
    tpu.enqueue_dma source(%dma_start3A_2687 : memref<64x512xf32, #tpu.memory_space<hbm>>) target(%dma_start3A_2685 : memref<64x512xf32, #tpu.memory_space<vmem>>) target_semaphore(%dma_start3A_2681 : memref<!tpu.dma_semaphore, #tpu.memory_space<semaphore_mem>>)
    %dma_start3A_2688 = arith.constant 0 : i32
    %dma_start3A_2689 = arith.constant 0 : i32
    %dma_start3A_2690 = arith.constant 0 : i32
    %dma_start3A_2691 = arith.constant 0 : i32
    %dma_start3A_2692 = tpu.memref_slice %arg4[%dma_start3A_2688, %dma_start3A_2690, %dma_start3A_2691] : memref<2x64x512xf32, #tpu.memory_space<vmem>> -> memref<1x64x512xf32, #tpu.memory_space<vmem>>
    %dma_start3A_2693 = tpu.memref_squeeze %dma_start3A_2692 : memref<1x64x512xf32, #tpu.memory_space<vmem>> -> memref<64x512xf32, #tpu.memory_space<vmem>>
    %dma_start3A_2694 = arith.constant 0 : i32
    %dma_start3A_2695 = tpu.memref_slice %arg3[%dma_start3A_2694, %multiple_of3A_194] : memref<64x1000000xf32, #tpu.memory_space<hbm>> -> memref<64x512xf32, #tpu.memory_space<hbm>>
    %dma_start3A_2696 = tpu.memref_slice %arg6[%dma_start3A_2689] : memref<2x!tpu.dma_semaphore, #tpu.memory_space<semaphore_mem>> -> memref<1x!tpu.dma_semaphore, #tpu.memory_space<semaphore_mem>>
    %dma_start3A_2697 = tpu.memref_squeeze %dma_start3A_2696 : memref<1x!tpu.dma_semaphore, #tpu.memory_space<semaphore_mem>> -> memref<!tpu.dma_semaphore, #tpu.memory_space<semaphore_mem>>
    %dma_start3A_2698 = arith.constant 0 : i32
    %dma_start3A_2699 = tpu.memref_slice %arg3[%dma_start3A_2698, %multiple_of3A_194] : memref<64x1000000xf32, #tpu.memory_space<hbm>> -> memref<64x512xf32, #tpu.memory_space<hbm>>
    %dma_start3A_2700 = arith.constant 0 : i32
    %dma_start3A_2701 = arith.constant 0 : i32
    %dma_start3A_2702 = tpu.memref_slice %arg4[%dma_start3A_2688, %dma_start3A_2700, %dma_start3A_2701] : memref<2x64x512xf32, #tpu.memory_space<vmem>> -> memref<1x64x512xf32, #tpu.memory_space<vmem>>
    %dma_start3A_2703 = tpu.memref_squeeze %dma_start3A_2702 : memref<1x64x512xf32, #tpu.memory_space<vmem>> -> memref<64x512xf32, #tpu.memory_space<vmem>>
    tpu.enqueue_dma source(%dma_start3A_2703 : memref<64x512xf32, #tpu.memory_space<vmem>>) target(%dma_start3A_2699 : memref<64x512xf32, #tpu.memory_space<hbm>>) target_semaphore(%dma_start3A_2697 : memref<!tpu.dma_semaphore, #tpu.memory_space<semaphore_mem>>)
    %dma_wait3A_2704 = arith.constant 1 : i32
    %dma_wait3A_2705 = arith.constant 1 : i32
    %dma_wait3A_2706 = arith.constant 0 : i32
    %dma_wait3A_2707 = arith.constant 0 : i32
    %dma_wait3A_2708 = tpu.memref_slice %arg4[%dma_wait3A_2704, %dma_wait3A_2706, %dma_wait3A_2707] : memref<2x64x512xf32, #tpu.memory_space<vmem>> -> memref<1x64x512xf32, #tpu.memory_space<vmem>>
    %dma_wait3A_2709 = tpu.memref_squeeze %dma_wait3A_2708 : memref<1x64x512xf32, #tpu.memory_space<vmem>> -> memref<64x512xf32, #tpu.memory_space<vmem>>
    %dma_wait3A_2710 = arith.constant 0 : i32
    %dma_wait3A_2711 = tpu.memref_slice %arg2[%dma_wait3A_2710, %multiple_of3A_199] : memref<64x1000000xf32, #tpu.memory_space<hbm>> -> memref<64x512xf32, #tpu.memory_space<hbm>>
    %dma_wait3A_2712 = tpu.memref_slice %arg5[%dma_wait3A_2705] : memref<2x!tpu.dma_semaphore, #tpu.memory_space<semaphore_mem>> -> memref<1x!tpu.dma_semaphore, #tpu.memory_space<semaphore_mem>>
    %dma_wait3A_2713 = tpu.memref_squeeze %dma_wait3A_2712 : memref<1x!tpu.dma_semaphore, #tpu.memory_space<semaphore_mem>> -> memref<!tpu.dma_semaphore, #tpu.memory_space<semaphore_mem>>
    %dma_wait3A_2714 = arith.constant 0 : i32
    %dma_wait3A_2715 = arith.constant 0 : i32
    %dma_wait3A_2716 = tpu.memref_slice %arg4[%dma_wait3A_2704, %dma_wait3A_2714, %dma_wait3A_2715] : memref<2x64x512xf32, #tpu.memory_space<vmem>> -> memref<1x64x512xf32, #tpu.memory_space<vmem>>
    %dma_wait3A_2717 = tpu.memref_squeeze %dma_wait3A_2716 : memref<1x64x512xf32, #tpu.memory_space<vmem>> -> memref<64x512xf32, #tpu.memory_space<vmem>>
    %dma_wait3A_2718 = arith.constant 0 : i32
    %dma_wait3A_2719 = tpu.memref_slice %arg2[%dma_wait3A_2718, %multiple_of3A_199] : memref<64x1000000xf32, #tpu.memory_space<hbm>> -> memref<64x512xf32, #tpu.memory_space<hbm>>
    tpu.wait_dma2 semaphore(%dma_wait3A_2713 : memref<!tpu.dma_semaphore, #tpu.memory_space<semaphore_mem>>) src(%dma_wait3A_2719 : memref<64x512xf32, #tpu.memory_space<hbm>>) dst(%dma_wait3A_2717 : memref<64x512xf32, #tpu.memory_space<vmem>>)
    %dma_wait3A_2720 = arith.constant 0 : i32
    %dma_wait3A_2721 = arith.constant 0 : i32
    %dma_wait3A_2722 = arith.constant 0 : i32
    %dma_wait3A_2723 = arith.constant 0 : i32
    %dma_wait3A_2724 = tpu.memref_slice %arg4[%dma_wait3A_2720, %dma_wait3A_2722, %dma_wait3A_2723] : memref<2x64x512xf32, #tpu.memory_space<vmem>> -> memref<1x64x512xf32, #tpu.memory_space<vmem>>
    %dma_wait3A_2725 = tpu.memref_squeeze %dma_wait3A_2724 : memref<1x64x512xf32, #tpu.memory_space<vmem>> -> memref<64x512xf32, #tpu.memory_space<vmem>>
    %dma_wait3A_2726 = arith.constant 0 : i32
    %dma_wait3A_2727 = tpu.memref_slice %arg3[%dma_wait3A_2726, %multiple_of3A_194] : memref<64x1000000xf32, #tpu.memory_space<hbm>> -> memref<64x512xf32, #tpu.memory_space<hbm>>
    %dma_wait3A_2728 = tpu.memref_slice %arg6[%dma_wait3A_2721] : memref<2x!tpu.dma_semaphore, #tpu.memory_space<semaphore_mem>> -> memref<1x!tpu.dma_semaphore, #tpu.memory_space<semaphore_mem>>
    %dma_wait3A_2729 = tpu.memref_squeeze %dma_wait3A_2728 : memref<1x!tpu.dma_semaphore, #tpu.memory_space<semaphore_mem>> -> memref<!tpu.dma_semaphore, #tpu.memory_space<semaphore_mem>>
    %dma_wait3A_2730 = arith.constant 0 : i32
    %dma_wait3A_2731 = tpu.memref_slice %arg3[%dma_wait3A_2730, %multiple_of3A_194] : memref<64x1000000xf32, #tpu.memory_space<hbm>> -> memref<64x512xf32, #tpu.memory_space<hbm>>
    %dma_wait3A_2732 = arith.constant 0 : i32
    %dma_wait3A_2733 = arith.constant 0 : i32
    %dma_wait3A_2734 = tpu.memref_slice %arg4[%dma_wait3A_2720, %dma_wait3A_2732, %dma_wait3A_2733] : memref<2x64x512xf32, #tpu.memory_space<vmem>> -> memref<1x64x512xf32, #tpu.memory_space<vmem>>
    %dma_wait3A_2735 = tpu.memref_squeeze %dma_wait3A_2734 : memref<1x64x512xf32, #tpu.memory_space<vmem>> -> memref<64x512xf32, #tpu.memory_space<vmem>>
    tpu.wait_dma2 semaphore(%dma_wait3A_2729 : memref<!tpu.dma_semaphore, #tpu.memory_space<semaphore_mem>>) src(%dma_wait3A_2735 : memref<64x512xf32, #tpu.memory_space<vmem>>) dst(%dma_wait3A_2731 : memref<64x512xf32, #tpu.memory_space<hbm>>)
    %dma_start3A_2736 = arith.constant 0 : i32
    %dma_start3A_2737 = arith.constant 0 : i32
    %dma_start3A_2738 = arith.constant 0 : i32
    %dma_start3A_2739 = arith.constant 0 : i32
    %dma_start3A_2740 = tpu.memref_slice %arg4[%dma_start3A_2736, %dma_start3A_2738, %dma_start3A_2739] : memref<2x64x512xf32, #tpu.memory_space<vmem>> -> memref<1x64x512xf32, #tpu.memory_space<vmem>>
    %dma_start3A_2741 = tpu.memref_squeeze %dma_start3A_2740 : memref<1x64x512xf32, #tpu.memory_space<vmem>> -> memref<64x512xf32, #tpu.memory_space<vmem>>
    %dma_start3A_2742 = arith.constant 0 : i32
    %dma_start3A_2743 = tpu.memref_slice %arg2[%dma_start3A_2742, %multiple_of3A_204] : memref<64x1000000xf32, #tpu.memory_space<hbm>> -> memref<64x512xf32, #tpu.memory_space<hbm>>
    %dma_start3A_2744 = tpu.memref_slice %arg5[%dma_start3A_2737] : memref<2x!tpu.dma_semaphore, #tpu.memory_space<semaphore_mem>> -> memref<1x!tpu.dma_semaphore, #tpu.memory_space<semaphore_mem>>
    %dma_start3A_2745 = tpu.memref_squeeze %dma_start3A_2744 : memref<1x!tpu.dma_semaphore, #tpu.memory_space<semaphore_mem>> -> memref<!tpu.dma_semaphore, #tpu.memory_space<semaphore_mem>>
    %dma_start3A_2746 = arith.constant 0 : i32
    %dma_start3A_2747 = arith.constant 0 : i32
    %dma_start3A_2748 = tpu.memref_slice %arg4[%dma_start3A_2736, %dma_start3A_2746, %dma_start3A_2747] : memref<2x64x512xf32, #tpu.memory_space<vmem>> -> memref<1x64x512xf32, #tpu.memory_space<vmem>>
    %dma_start3A_2749 = tpu.memref_squeeze %dma_start3A_2748 : memref<1x64x512xf32, #tpu.memory_space<vmem>> -> memref<64x512xf32, #tpu.memory_space<vmem>>
    %dma_start3A_2750 = arith.constant 0 : i32
    %dma_start3A_2751 = tpu.memref_slice %arg2[%dma_start3A_2750, %multiple_of3A_204] : memref<64x1000000xf32, #tpu.memory_space<hbm>> -> memref<64x512xf32, #tpu.memory_space<hbm>>
    tpu.enqueue_dma source(%dma_start3A_2751 : memref<64x512xf32, #tpu.memory_space<hbm>>) target(%dma_start3A_2749 : memref<64x512xf32, #tpu.memory_space<vmem>>) target_semaphore(%dma_start3A_2745 : memref<!tpu.dma_semaphore, #tpu.memory_space<semaphore_mem>>)
    %dma_start3A_2752 = arith.constant 1 : i32
    %dma_start3A_2753 = arith.constant 1 : i32
    %dma_start3A_2754 = arith.constant 0 : i32
    %dma_start3A_2755 = arith.constant 0 : i32
    %dma_start3A_2756 = tpu.memref_slice %arg4[%dma_start3A_2752, %dma_start3A_2754, %dma_start3A_2755] : memref<2x64x512xf32, #tpu.memory_space<vmem>> -> memref<1x64x512xf32, #tpu.memory_space<vmem>>
    %dma_start3A_2757 = tpu.memref_squeeze %dma_start3A_2756 : memref<1x64x512xf32, #tpu.memory_space<vmem>> -> memref<64x512xf32, #tpu.memory_space<vmem>>
    %dma_start3A_2758 = arith.constant 0 : i32
    %dma_start3A_2759 = tpu.memref_slice %arg3[%dma_start3A_2758, %multiple_of3A_199] : memref<64x1000000xf32, #tpu.memory_space<hbm>> -> memref<64x512xf32, #tpu.memory_space<hbm>>
    %dma_start3A_2760 = tpu.memref_slice %arg6[%dma_start3A_2753] : memref<2x!tpu.dma_semaphore, #tpu.memory_space<semaphore_mem>> -> memref<1x!tpu.dma_semaphore, #tpu.memory_space<semaphore_mem>>
    %dma_start3A_2761 = tpu.memref_squeeze %dma_start3A_2760 : memref<1x!tpu.dma_semaphore, #tpu.memory_space<semaphore_mem>> -> memref<!tpu.dma_semaphore, #tpu.memory_space<semaphore_mem>>
    %dma_start3A_2762 = arith.constant 0 : i32
    %dma_start3A_2763 = tpu.memref_slice %arg3[%dma_start3A_2762, %multiple_of3A_199] : memref<64x1000000xf32, #tpu.memory_space<hbm>> -> memref<64x512xf32, #tpu.memory_space<hbm>>
    %dma_start3A_2764 = arith.constant 0 : i32
    %dma_start3A_2765 = arith.constant 0 : i32
    %dma_start3A_2766 = tpu.memref_slice %arg4[%dma_start3A_2752, %dma_start3A_2764, %dma_start3A_2765] : memref<2x64x512xf32, #tpu.memory_space<vmem>> -> memref<1x64x512xf32, #tpu.memory_space<vmem>>
    %dma_start3A_2767 = tpu.memref_squeeze %dma_start3A_2766 : memref<1x64x512xf32, #tpu.memory_space<vmem>> -> memref<64x512xf32, #tpu.memory_space<vmem>>
    tpu.enqueue_dma source(%dma_start3A_2767 : memref<64x512xf32, #tpu.memory_space<vmem>>) target(%dma_start3A_2763 : memref<64x512xf32, #tpu.memory_space<hbm>>) target_semaphore(%dma_start3A_2761 : memref<!tpu.dma_semaphore, #tpu.memory_space<semaphore_mem>>)
    %dma_wait3A_2768 = arith.constant 0 : i32
    %dma_wait3A_2769 = arith.constant 0 : i32
    %dma_wait3A_2770 = arith.constant 0 : i32
    %dma_wait3A_2771 = arith.constant 0 : i32
    %dma_wait3A_2772 = tpu.memref_slice %arg4[%dma_wait3A_2768, %dma_wait3A_2770, %dma_wait3A_2771] : memref<2x64x512xf32, #tpu.memory_space<vmem>> -> memref<1x64x512xf32, #tpu.memory_space<vmem>>
    %dma_wait3A_2773 = tpu.memref_squeeze %dma_wait3A_2772 : memref<1x64x512xf32, #tpu.memory_space<vmem>> -> memref<64x512xf32, #tpu.memory_space<vmem>>
    %dma_wait3A_2774 = arith.constant 0 : i32
    %dma_wait3A_2775 = tpu.memref_slice %arg2[%dma_wait3A_2774, %multiple_of3A_204] : memref<64x1000000xf32, #tpu.memory_space<hbm>> -> memref<64x512xf32, #tpu.memory_space<hbm>>
    %dma_wait3A_2776 = tpu.memref_slice %arg5[%dma_wait3A_2769] : memref<2x!tpu.dma_semaphore, #tpu.memory_space<semaphore_mem>> -> memref<1x!tpu.dma_semaphore, #tpu.memory_space<semaphore_mem>>
    %dma_wait3A_2777 = tpu.memref_squeeze %dma_wait3A_2776 : memref<1x!tpu.dma_semaphore, #tpu.memory_space<semaphore_mem>> -> memref<!tpu.dma_semaphore, #tpu.memory_space<semaphore_mem>>
    %dma_wait3A_2778 = arith.constant 0 : i32
    %dma_wait3A_2779 = arith.constant 0 : i32
    %dma_wait3A_2780 = tpu.memref_slice %arg4[%dma_wait3A_2768, %dma_wait3A_2778, %dma_wait3A_2779] : memref<2x64x512xf32, #tpu.memory_space<vmem>> -> memref<1x64x512xf32, #tpu.memory_space<vmem>>
    %dma_wait3A_2781 = tpu.memref_squeeze %dma_wait3A_2780 : memref<1x64x512xf32, #tpu.memory_space<vmem>> -> memref<64x512xf32, #tpu.memory_space<vmem>>
    %dma_wait3A_2782 = arith.constant 0 : i32
    %dma_wait3A_2783 = tpu.memref_slice %arg2[%dma_wait3A_2782, %multiple_of3A_204] : memref<64x1000000xf32, #tpu.memory_space<hbm>> -> memref<64x512xf32, #tpu.memory_space<hbm>>
    tpu.wait_dma2 semaphore(%dma_wait3A_2777 : memref<!tpu.dma_semaphore, #tpu.memory_space<semaphore_mem>>) src(%dma_wait3A_2783 : memref<64x512xf32, #tpu.memory_space<hbm>>) dst(%dma_wait3A_2781 : memref<64x512xf32, #tpu.memory_space<vmem>>)
    %dma_wait3A_2784 = arith.constant 1 : i32
    %dma_wait3A_2785 = arith.constant 1 : i32
    %dma_wait3A_2786 = arith.constant 0 : i32
    %dma_wait3A_2787 = arith.constant 0 : i32
    %dma_wait3A_2788 = tpu.memref_slice %arg4[%dma_wait3A_2784, %dma_wait3A_2786, %dma_wait3A_2787] : memref<2x64x512xf32, #tpu.memory_space<vmem>> -> memref<1x64x512xf32, #tpu.memory_space<vmem>>
    %dma_wait3A_2789 = tpu.memref_squeeze %dma_wait3A_2788 : memref<1x64x512xf32, #tpu.memory_space<vmem>> -> memref<64x512xf32, #tpu.memory_space<vmem>>
    %dma_wait3A_2790 = arith.constant 0 : i32
    %dma_wait3A_2791 = tpu.memref_slice %arg3[%dma_wait3A_2790, %multiple_of3A_199] : memref<64x1000000xf32, #tpu.memory_space<hbm>> -> memref<64x512xf32, #tpu.memory_space<hbm>>
    %dma_wait3A_2792 = tpu.memref_slice %arg6[%dma_wait3A_2785] : memref<2x!tpu.dma_semaphore, #tpu.memory_space<semaphore_mem>> -> memref<1x!tpu.dma_semaphore, #tpu.memory_space<semaphore_mem>>
    %dma_wait3A_2793 = tpu.memref_squeeze %dma_wait3A_2792 : memref<1x!tpu.dma_semaphore, #tpu.memory_space<semaphore_mem>> -> memref<!tpu.dma_semaphore, #tpu.memory_space<semaphore_mem>>
    %dma_wait3A_2794 = arith.constant 0 : i32
    %dma_wait3A_2795 = tpu.memref_slice %arg3[%dma_wait3A_2794, %multiple_of3A_199] : memref<64x1000000xf32, #tpu.memory_space<hbm>> -> memref<64x512xf32, #tpu.memory_space<hbm>>
    %dma_wait3A_2796 = arith.constant 0 : i32
    %dma_wait3A_2797 = arith.constant 0 : i32
    %dma_wait3A_2798 = tpu.memref_slice %arg4[%dma_wait3A_2784, %dma_wait3A_2796, %dma_wait3A_2797] : memref<2x64x512xf32, #tpu.memory_space<vmem>> -> memref<1x64x512xf32, #tpu.memory_space<vmem>>
    %dma_wait3A_2799 = tpu.memref_squeeze %dma_wait3A_2798 : memref<1x64x512xf32, #tpu.memory_space<vmem>> -> memref<64x512xf32, #tpu.memory_space<vmem>>
    tpu.wait_dma2 semaphore(%dma_wait3A_2793 : memref<!tpu.dma_semaphore, #tpu.memory_space<semaphore_mem>>) src(%dma_wait3A_2799 : memref<64x512xf32, #tpu.memory_space<vmem>>) dst(%dma_wait3A_2795 : memref<64x512xf32, #tpu.memory_space<hbm>>)
    %dma_start3A_2800 = arith.constant 1 : i32
    %dma_start3A_2801 = arith.constant 1 : i32
    %dma_start3A_2802 = arith.constant 0 : i32
    %dma_start3A_2803 = arith.constant 0 : i32
    %dma_start3A_2804 = tpu.memref_slice %arg4[%dma_start3A_2800, %dma_start3A_2802, %dma_start3A_2803] : memref<2x64x512xf32, #tpu.memory_space<vmem>> -> memref<1x64x512xf32, #tpu.memory_space<vmem>>
    %dma_start3A_2805 = tpu.memref_squeeze %dma_start3A_2804 : memref<1x64x512xf32, #tpu.memory_space<vmem>> -> memref<64x512xf32, #tpu.memory_space<vmem>>
    %dma_start3A_2806 = arith.constant 0 : i32
    %dma_start3A_2807 = tpu.memref_slice %arg2[%dma_start3A_2806, %multiple_of3A_209] : memref<64x1000000xf32, #tpu.memory_space<hbm>> -> memref<64x512xf32, #tpu.memory_space<hbm>>
    %dma_start3A_2808 = tpu.memref_slice %arg5[%dma_start3A_2801] : memref<2x!tpu.dma_semaphore, #tpu.memory_space<semaphore_mem>> -> memref<1x!tpu.dma_semaphore, #tpu.memory_space<semaphore_mem>>
    %dma_start3A_2809 = tpu.memref_squeeze %dma_start3A_2808 : memref<1x!tpu.dma_semaphore, #tpu.memory_space<semaphore_mem>> -> memref<!tpu.dma_semaphore, #tpu.memory_space<semaphore_mem>>
    %dma_start3A_2810 = arith.constant 0 : i32
    %dma_start3A_2811 = arith.constant 0 : i32
    %dma_start3A_2812 = tpu.memref_slice %arg4[%dma_start3A_2800, %dma_start3A_2810, %dma_start3A_2811] : memref<2x64x512xf32, #tpu.memory_space<vmem>> -> memref<1x64x512xf32, #tpu.memory_space<vmem>>
    %dma_start3A_2813 = tpu.memref_squeeze %dma_start3A_2812 : memref<1x64x512xf32, #tpu.memory_space<vmem>> -> memref<64x512xf32, #tpu.memory_space<vmem>>
    %dma_start3A_2814 = arith.constant 0 : i32
    %dma_start3A_2815 = tpu.memref_slice %arg2[%dma_start3A_2814, %multiple_of3A_209] : memref<64x1000000xf32, #tpu.memory_space<hbm>> -> memref<64x512xf32, #tpu.memory_space<hbm>>
    tpu.enqueue_dma source(%dma_start3A_2815 : memref<64x512xf32, #tpu.memory_space<hbm>>) target(%dma_start3A_2813 : memref<64x512xf32, #tpu.memory_space<vmem>>) target_semaphore(%dma_start3A_2809 : memref<!tpu.dma_semaphore, #tpu.memory_space<semaphore_mem>>)
    %dma_start3A_2816 = arith.constant 0 : i32
    %dma_start3A_2817 = arith.constant 0 : i32
    %dma_start3A_2818 = arith.constant 0 : i32
    %dma_start3A_2819 = arith.constant 0 : i32
    %dma_start3A_2820 = tpu.memref_slice %arg4[%dma_start3A_2816, %dma_start3A_2818, %dma_start3A_2819] : memref<2x64x512xf32, #tpu.memory_space<vmem>> -> memref<1x64x512xf32, #tpu.memory_space<vmem>>
    %dma_start3A_2821 = tpu.memref_squeeze %dma_start3A_2820 : memref<1x64x512xf32, #tpu.memory_space<vmem>> -> memref<64x512xf32, #tpu.memory_space<vmem>>
    %dma_start3A_2822 = arith.constant 0 : i32
    %dma_start3A_2823 = tpu.memref_slice %arg3[%dma_start3A_2822, %multiple_of3A_204] : memref<64x1000000xf32, #tpu.memory_space<hbm>> -> memref<64x512xf32, #tpu.memory_space<hbm>>
    %dma_start3A_2824 = tpu.memref_slice %arg6[%dma_start3A_2817] : memref<2x!tpu.dma_semaphore, #tpu.memory_space<semaphore_mem>> -> memref<1x!tpu.dma_semaphore, #tpu.memory_space<semaphore_mem>>
    %dma_start3A_2825 = tpu.memref_squeeze %dma_start3A_2824 : memref<1x!tpu.dma_semaphore, #tpu.memory_space<semaphore_mem>> -> memref<!tpu.dma_semaphore, #tpu.memory_space<semaphore_mem>>
    %dma_start3A_2826 = arith.constant 0 : i32
    %dma_start3A_2827 = tpu.memref_slice %arg3[%dma_start3A_2826, %multiple_of3A_204] : memref<64x1000000xf32, #tpu.memory_space<hbm>> -> memref<64x512xf32, #tpu.memory_space<hbm>>
    %dma_start3A_2828 = arith.constant 0 : i32
    %dma_start3A_2829 = arith.constant 0 : i32
    %dma_start3A_2830 = tpu.memref_slice %arg4[%dma_start3A_2816, %dma_start3A_2828, %dma_start3A_2829] : memref<2x64x512xf32, #tpu.memory_space<vmem>> -> memref<1x64x512xf32, #tpu.memory_space<vmem>>
    %dma_start3A_2831 = tpu.memref_squeeze %dma_start3A_2830 : memref<1x64x512xf32, #tpu.memory_space<vmem>> -> memref<64x512xf32, #tpu.memory_space<vmem>>
    tpu.enqueue_dma source(%dma_start3A_2831 : memref<64x512xf32, #tpu.memory_space<vmem>>) target(%dma_start3A_2827 : memref<64x512xf32, #tpu.memory_space<hbm>>) target_semaphore(%dma_start3A_2825 : memref<!tpu.dma_semaphore, #tpu.memory_space<semaphore_mem>>)
    %dma_wait3A_2832 = arith.constant 1 : i32
    %dma_wait3A_2833 = arith.constant 1 : i32
    %dma_wait3A_2834 = arith.constant 0 : i32
    %dma_wait3A_2835 = arith.constant 0 : i32
    %dma_wait3A_2836 = tpu.memref_slice %arg4[%dma_wait3A_2832, %dma_wait3A_2834, %dma_wait3A_2835] : memref<2x64x512xf32, #tpu.memory_space<vmem>> -> memref<1x64x512xf32, #tpu.memory_space<vmem>>
    %dma_wait3A_2837 = tpu.memref_squeeze %dma_wait3A_2836 : memref<1x64x512xf32, #tpu.memory_space<vmem>> -> memref<64x512xf32, #tpu.memory_space<vmem>>
    %dma_wait3A_2838 = arith.constant 0 : i32
    %dma_wait3A_2839 = tpu.memref_slice %arg2[%dma_wait3A_2838, %multiple_of3A_209] : memref<64x1000000xf32, #tpu.memory_space<hbm>> -> memref<64x512xf32, #tpu.memory_space<hbm>>
    %dma_wait3A_2840 = tpu.memref_slice %arg5[%dma_wait3A_2833] : memref<2x!tpu.dma_semaphore, #tpu.memory_space<semaphore_mem>> -> memref<1x!tpu.dma_semaphore, #tpu.memory_space<semaphore_mem>>
    %dma_wait3A_2841 = tpu.memref_squeeze %dma_wait3A_2840 : memref<1x!tpu.dma_semaphore, #tpu.memory_space<semaphore_mem>> -> memref<!tpu.dma_semaphore, #tpu.memory_space<semaphore_mem>>
    %dma_wait3A_2842 = arith.constant 0 : i32
    %dma_wait3A_2843 = arith.constant 0 : i32
    %dma_wait3A_2844 = tpu.memref_slice %arg4[%dma_wait3A_2832, %dma_wait3A_2842, %dma_wait3A_2843] : memref<2x64x512xf32, #tpu.memory_space<vmem>> -> memref<1x64x512xf32, #tpu.memory_space<vmem>>
    %dma_wait3A_2845 = tpu.memref_squeeze %dma_wait3A_2844 : memref<1x64x512xf32, #tpu.memory_space<vmem>> -> memref<64x512xf32, #tpu.memory_space<vmem>>
    %dma_wait3A_2846 = arith.constant 0 : i32
    %dma_wait3A_2847 = tpu.memref_slice %arg2[%dma_wait3A_2846, %multiple_of3A_209] : memref<64x1000000xf32, #tpu.memory_space<hbm>> -> memref<64x512xf32, #tpu.memory_space<hbm>>
    tpu.wait_dma2 semaphore(%dma_wait3A_2841 : memref<!tpu.dma_semaphore, #tpu.memory_space<semaphore_mem>>) src(%dma_wait3A_2847 : memref<64x512xf32, #tpu.memory_space<hbm>>) dst(%dma_wait3A_2845 : memref<64x512xf32, #tpu.memory_space<vmem>>)
    %dma_start3A_2848 = arith.constant 1 : i32
    %dma_start3A_2849 = arith.constant 1 : i32
    %dma_start3A_2850 = arith.constant 0 : i32
    %dma_start3A_2851 = arith.constant 0 : i32
    %dma_start3A_2852 = tpu.memref_slice %arg4[%dma_start3A_2848, %dma_start3A_2850, %dma_start3A_2851] : memref<2x64x512xf32, #tpu.memory_space<vmem>> -> memref<1x64x512xf32, #tpu.memory_space<vmem>>
    %dma_start3A_2853 = tpu.memref_squeeze %dma_start3A_2852 : memref<1x64x512xf32, #tpu.memory_space<vmem>> -> memref<64x512xf32, #tpu.memory_space<vmem>>
    %dma_start3A_2854 = arith.constant 0 : i32
    %dma_start3A_2855 = tpu.memref_slice %arg3[%dma_start3A_2854, %multiple_of3A_209] : memref<64x1000000xf32, #tpu.memory_space<hbm>> -> memref<64x512xf32, #tpu.memory_space<hbm>>
    %dma_start3A_2856 = tpu.memref_slice %arg6[%dma_start3A_2849] : memref<2x!tpu.dma_semaphore, #tpu.memory_space<semaphore_mem>> -> memref<1x!tpu.dma_semaphore, #tpu.memory_space<semaphore_mem>>
    %dma_start3A_2857 = tpu.memref_squeeze %dma_start3A_2856 : memref<1x!tpu.dma_semaphore, #tpu.memory_space<semaphore_mem>> -> memref<!tpu.dma_semaphore, #tpu.memory_space<semaphore_mem>>
    %dma_start3A_2858 = arith.constant 0 : i32
    %dma_start3A_2859 = tpu.memref_slice %arg3[%dma_start3A_2858, %multiple_of3A_209] : memref<64x1000000xf32, #tpu.memory_space<hbm>> -> memref<64x512xf32, #tpu.memory_space<hbm>>
    %dma_start3A_2860 = arith.constant 0 : i32
    %dma_start3A_2861 = arith.constant 0 : i32
    %dma_start3A_2862 = tpu.memref_slice %arg4[%dma_start3A_2848, %dma_start3A_2860, %dma_start3A_2861] : memref<2x64x512xf32, #tpu.memory_space<vmem>> -> memref<1x64x512xf32, #tpu.memory_space<vmem>>
    %dma_start3A_2863 = tpu.memref_squeeze %dma_start3A_2862 : memref<1x64x512xf32, #tpu.memory_space<vmem>> -> memref<64x512xf32, #tpu.memory_space<vmem>>
    tpu.enqueue_dma source(%dma_start3A_2863 : memref<64x512xf32, #tpu.memory_space<vmem>>) target(%dma_start3A_2859 : memref<64x512xf32, #tpu.memory_space<hbm>>) target_semaphore(%dma_start3A_2857 : memref<!tpu.dma_semaphore, #tpu.memory_space<semaphore_mem>>)
    %dma_wait3A_2864 = arith.constant 1 : i32
    %dma_wait3A_2865 = arith.constant 1 : i32
    %dma_wait3A_2866 = arith.constant 0 : i32
    %dma_wait3A_2867 = arith.constant 0 : i32
    %dma_wait3A_2868 = tpu.memref_slice %arg4[%dma_wait3A_2864, %dma_wait3A_2866, %dma_wait3A_2867] : memref<2x64x512xf32, #tpu.memory_space<vmem>> -> memref<1x64x512xf32, #tpu.memory_space<vmem>>
    %dma_wait3A_2869 = tpu.memref_squeeze %dma_wait3A_2868 : memref<1x64x512xf32, #tpu.memory_space<vmem>> -> memref<64x512xf32, #tpu.memory_space<vmem>>
    %dma_wait3A_2870 = arith.constant 0 : i32
    %dma_wait3A_2871 = tpu.memref_slice %arg3[%dma_wait3A_2870, %multiple_of3A_209] : memref<64x1000000xf32, #tpu.memory_space<hbm>> -> memref<64x512xf32, #tpu.memory_space<hbm>>
    %dma_wait3A_2872 = tpu.memref_slice %arg6[%dma_wait3A_2865] : memref<2x!tpu.dma_semaphore, #tpu.memory_space<semaphore_mem>> -> memref<1x!tpu.dma_semaphore, #tpu.memory_space<semaphore_mem>>
    %dma_wait3A_2873 = tpu.memref_squeeze %dma_wait3A_2872 : memref<1x!tpu.dma_semaphore, #tpu.memory_space<semaphore_mem>> -> memref<!tpu.dma_semaphore, #tpu.memory_space<semaphore_mem>>
    %dma_wait3A_2874 = arith.constant 0 : i32
    %dma_wait3A_2875 = tpu.memref_slice %arg3[%dma_wait3A_2874, %multiple_of3A_209] : memref<64x1000000xf32, #tpu.memory_space<hbm>> -> memref<64x512xf32, #tpu.memory_space<hbm>>
    %dma_wait3A_2876 = arith.constant 0 : i32
    %dma_wait3A_2877 = arith.constant 0 : i32
    %dma_wait3A_2878 = tpu.memref_slice %arg4[%dma_wait3A_2864, %dma_wait3A_2876, %dma_wait3A_2877] : memref<2x64x512xf32, #tpu.memory_space<vmem>> -> memref<1x64x512xf32, #tpu.memory_space<vmem>>
    %dma_wait3A_2879 = tpu.memref_squeeze %dma_wait3A_2878 : memref<1x64x512xf32, #tpu.memory_space<vmem>> -> memref<64x512xf32, #tpu.memory_space<vmem>>
    tpu.wait_dma2 semaphore(%dma_wait3A_2873 : memref<!tpu.dma_semaphore, #tpu.memory_space<semaphore_mem>>) src(%dma_wait3A_2879 : memref<64x512xf32, #tpu.memory_space<vmem>>) dst(%dma_wait3A_2875 : memref<64x512xf32, #tpu.memory_space<hbm>>)
    %dma_wait3A_2880 = arith.constant 0 : i32
    %dma_wait3A_2881 = arith.constant 0 : i32
    %dma_wait3A_2882 = arith.constant 0 : i32
    %dma_wait3A_2883 = arith.constant 0 : i32
    %dma_wait3A_2884 = tpu.memref_slice %arg4[%dma_wait3A_2880, %dma_wait3A_2882, %dma_wait3A_2883] : memref<2x64x512xf32, #tpu.memory_space<vmem>> -> memref<1x64x512xf32, #tpu.memory_space<vmem>>
    %dma_wait3A_2885 = tpu.memref_squeeze %dma_wait3A_2884 : memref<1x64x512xf32, #tpu.memory_space<vmem>> -> memref<64x512xf32, #tpu.memory_space<vmem>>
    %dma_wait3A_2886 = arith.constant 0 : i32
    %dma_wait3A_2887 = tpu.memref_slice %arg3[%dma_wait3A_2886, %multiple_of3A_204] : memref<64x1000000xf32, #tpu.memory_space<hbm>> -> memref<64x512xf32, #tpu.memory_space<hbm>>
    %dma_wait3A_2888 = tpu.memref_slice %arg6[%dma_wait3A_2881] : memref<2x!tpu.dma_semaphore, #tpu.memory_space<semaphore_mem>> -> memref<1x!tpu.dma_semaphore, #tpu.memory_space<semaphore_mem>>
    %dma_wait3A_2889 = tpu.memref_squeeze %dma_wait3A_2888 : memref<1x!tpu.dma_semaphore, #tpu.memory_space<semaphore_mem>> -> memref<!tpu.dma_semaphore, #tpu.memory_space<semaphore_mem>>
    %dma_wait3A_2890 = arith.constant 0 : i32
    %dma_wait3A_2891 = tpu.memref_slice %arg3[%dma_wait3A_2890, %multiple_of3A_204] : memref<64x1000000xf32, #tpu.memory_space<hbm>> -> memref<64x512xf32, #tpu.memory_space<hbm>>
    %dma_wait3A_2892 = arith.constant 0 : i32
    %dma_wait3A_2893 = arith.constant 0 : i32
    %dma_wait3A_2894 = tpu.memref_slice %arg4[%dma_wait3A_2880, %dma_wait3A_2892, %dma_wait3A_2893] : memref<2x64x512xf32, #tpu.memory_space<vmem>> -> memref<1x64x512xf32, #tpu.memory_space<vmem>>
    %dma_wait3A_2895 = tpu.memref_squeeze %dma_wait3A_2894 : memref<1x64x512xf32, #tpu.memory_space<vmem>> -> memref<64x512xf32, #tpu.memory_space<vmem>>
    tpu.wait_dma2 semaphore(%dma_wait3A_2889 : memref<!tpu.dma_semaphore, #tpu.memory_space<semaphore_mem>>) src(%dma_wait3A_2895 : memref<64x512xf32, #tpu.memory_space<vmem>>) dst(%dma_wait3A_2891 : memref<64x512xf32, #tpu.memory_space<hbm>>)
    return
  }
}

module attributes {stable_mosaic.version = 14 : i64} {
  func.func @_tc_body(%arg0: i32, %arg1: memref<64x16384xf32, #tpu.memory_space<vmem>>, %arg2: memref<64x16384xf32, #tpu.memory_space<vmem>>) attributes {dimension_semantics = [#tpu.dimension_semantics<parallel>], iteration_bounds = array<i64: 62>, scalar_prefetch = 0 : i64, scratch_operands = 0 : i64, tpu.core_type = #tpu.core_type<tc>, window_params = [{transform_indices = @transform_0, window_bounds = array<i64: 64, 16384>}, {transform_indices = @transform_1, window_bounds = array<i64: 64, 16384>}]} {
    %get3A = arith.constant 0 : index
    %get3A_0 = arith.constant 0 : index
    %get3A_1 = vector.load %arg1[%get3A, %get3A_0] : memref<64x16384xf32, #tpu.memory_space<vmem>>, vector<64x16384xf32>
    %swap3A = arith.constant 0 : index
    %swap3A_2 = arith.constant 0 : index
    %swap3A_3 = vector.load %arg2[%swap3A, %swap3A_2] : memref<64x16384xf32, #tpu.memory_space<vmem>>, vector<64x16384xf32>
    tpu.vector_store %arg2[%swap3A, %swap3A_2], %get3A_1 {strides = array<i32>} : memref<64x16384xf32, #tpu.memory_space<vmem>>, vector<64x16384xf32>,
    return
  }
  func.func @transform_0(%arg0: i32) -> (i32, i32) {
    %c0_i32 = arith.constant 0 : i32
    %c0_i32_0 = arith.constant 0 : i32
    return %c0_i32, %arg0 : i32, i32
  }
  func.func @transform_1(%arg0: i32) -> (i32, i32) {
    %c0_i32 = arith.constant 0 : i32
    %c0_i32_0 = arith.constant 0 : i32
    return %c0_i32, %arg0 : i32, i32
  }
}

module attributes {stable_mosaic.version = 14 : i64} {
  func.func @_fin_body(%arg0: i32, %arg1: memref<64x1000000xf32, #tpu.memory_space<any>>, %arg2: memref<64x16384xf32, #tpu.memory_space<vmem>>, %arg3: memref<64x16384xf32, #tpu.memory_space<vmem>>) attributes {dimension_semantics = [#tpu.dimension_semantics<parallel>], iteration_bounds = array<i64: 20>, scalar_prefetch = 0 : i64, scratch_operands = 0 : i64, tpu.core_type = #tpu.core_type<tc>, window_params = [{}, {transform_indices = @transform_1, window_bounds = array<i64: 64, 16384>}, {transform_indices = @transform_2, window_bounds = array<i64: 64, 16384>}]} {
    %get3A = arith.constant 0 : index
    %get3A_0 = arith.constant 0 : index
    %get3A_1 = vector.load %arg2[%get3A, %get3A_0] : memref<64x16384xf32, #tpu.memory_space<vmem>>, vector<64x16384xf32>
    %swap3A = arith.constant 0 : index
    %swap3A_2 = arith.constant 0 : index
    %swap3A_3 = vector.load %arg3[%swap3A, %swap3A_2] : memref<64x16384xf32, #tpu.memory_space<vmem>>, vector<64x16384xf32>
    tpu.vector_store %arg3[%swap3A, %swap3A_2], %get3A_1 {strides = array<i32>} : memref<64x16384xf32, #tpu.memory_space<vmem>>, vector<64x16384xf32>,
    return
  }
  func.func @transform_1(%arg0: i32) -> (i32, i32) {
    %add3A = arith.constant 42 : i32
    %add3A_0 = arith.addi %arg0, %add3A : i32
    %c0_i32 = arith.constant 0 : i32
    %c0_i32_1 = arith.constant 0 : i32
    return %c0_i32, %add3A_0 : i32, i32
  }
  func.func @transform_2(%arg0: i32) -> (i32, i32) {
    %add3A = arith.constant 42 : i32
    %add3A_0 = arith.addi %arg0, %add3A : i32
    %c0_i32 = arith.constant 0 : i32
    %c0_i32_1 = arith.constant 0 : i32
    return %c0_i32, %add3A_0 : i32, i32
  }
}

</mosaic_0001>

<sc_bundles>
// kernel: kernel.5.cloned.1.call-start
scs
__scs_entry_jumppad:
0x0: {  	(pc) =	sbr.rel $0x88, $3  }
0x1: {  	(tag) =	ssettag $0x0;
	lr =	simm.s32 $0x1  }
0x2: {  	[smem:$0x3F9F] =	sst lr;
	_ =	strace $0xD0000000  }
0x3: {  	_ = 	snop  }
0x4: {  	_ = 	snop  }
0x5: {  	_ = 	snop  }
0x6: {  	_ = 	snop  }
0x7: {  	_ = 	snop  }
__scs_overlays_trampoline_lowered:
0x8: {  	[smem:$0x3FAE] =	sst s0  }
0x9: {  	[smem:$0x3FAF] =	sst s1  }
0xa: {  	[smem:$0x3FB0] =	sst s2  }
0xb: {  	[smem:$0x3FB1] =	sst s3  }
0xc: {  	[smem:$0x3FB2] =	sst s4  }
0xd: {  	[smem:$0x3FB3] =	sst s5  }
0xe: {  	[smem:$0x3FB4] =	sst s6  }
0xf: {  	[smem:$0x3FB5] =	sst s7  }
0x10: {  	[smem:$0x3FB6] =	sst s8  }
0x11: {  	[smem:$0x3FB7] =	sst s9;
	s0 =	simm.s32 @!p0 $0x0  }
0x12: {  	s1 =	sld [smem:$0x3F9D];
	s0 =	simm.s32 @p0 $0x1  }
0x13: {  	[smem:$0x3FB8] =	sst s0;
	s0 =	simm.s32 @!p1 $0x0  }
0x14: {  	s2 =	sld [smem:$0x3F9C];
	s0 =	simm.s32 @p1 $0x1  }
0x15: {  	[smem:$0x3FB9] =	sst s0;
	s0 =	simm.s32 @!p2 $0x0  }
0x16: {  	s3 =	sld [smem:$0x3FDB];
	s0 =	simm.s32 @p2 $0x1  }
0x17: {  	s4 =	simm.s32 $0x1BF5;
	[smem:$0x3FBB] =	sst s0  }
0x18: {  	s0 =	sld [smem:$0x3F9E];
	_ =	swait.ge [sflag:s4], $0x0  }
0x19: {  	s7 =	sld [smem:$0x3F9F]  }
0x1a: {  	s8 =	sadd.s32 $0xFFFFE003, lr  }
0x1b: {  	s9 =	sadd.s32 $0xFFFFFEF7, lr;
	s5 =	simm.s32 $0xFFFFFFFF;
	p2 =	slt.u32 s8, $0xFFFFF086  }
0x1c: {  	p1 =	slt.u32 s9, $0xF7A;
	s5 =	simm.s32 @!p2 $0x0  }
0x1d: {  	s5 =	simm.s32 @p1 $0x1;
	p0 =	seq.s32 s7, s2  }
0x1e: {  	s7 =	smul.u32 @!p0 $0xF7A, s2;
	p2 =	seq.s32 @!p0 s5, $0x0  }
0x1f: {  	s9 =	smul.u32 $0xF7A, s1;
	s8 =	simm.s32 @!p0 $0x1BF5;
	p2 =	por !p2, p0  }
0x20: {  	[sflag:s8] =	ssyncset.s32 @!p0 $0xFFFFF086;
	s6 =	sadd.s32 @!p0 s3, s7;
	s7 =	simm.s32 @!p0 $0x108  }
0x21: {  	s3 =	sadd.s32 s3, s9;
	s6 =	sadd.s32 @!p0 $0x88, s6;
	s7 =	simm.s32 @p2 $0x1082  }
0x22: {  	[simem:s7], [sflag:s8] =	dma.local @!p0 [hbm:s6], $0xF7A  }
0x23: {  	s9 =	sor.u32 $0xD0000000, s2;
	s6 =	simm.s32 $0x108;
	_ =	swait.ge @!p0 [sflag:s8], $0x0  }
0x24: {  	s3 =	sadd.s32 $0x88, s3;
	s6 =	simm.s32 @!p1 $0x1082;
	[sflag:s4] =	ssyncset.s32 $0xFFFFF086  }
0x25: {  	[simem:s6], [sflag:s4] =	dma.local [hbm:s3], $0xF7A  }
0x26: {  	[smem:$0x3F9F] =	sst s1;
	(tag) =	ssettag s2;
	_ =	strace s9  }
0x27: {  	s1 =	sld [smem:$0x3FAF]  }
0x28: {  	s2 =	sld [smem:$0x3FB0]  }
0x29: {  	s4 =	sld [smem:$0x3FB2]  }
0x2a: {  	p0 =	seq.s32 s5, $0x0;
	s5 =	sld [smem:$0x3FB3]  }
0x2b: {  	s6 =	sld [smem:$0x3FB4]  }
0x2c: {  	s7 =	sld [smem:$0x3FB5]  }
0x2d: {  	s3 =	simm.s32 $0x108;
	s8 =	sld [smem:$0x3FB6]  }
0x2e: {  	s3 =	simm.s32 @!p0 $0x1082;
	s9 =	sld [smem:$0x3FB7]  }
0x2f: {  	lr =	sadd.s32 s0, s3;
	s0 =	sld [smem:$0x3FAE]  }
0x30: {  	s3 =	sld [smem:$0x3FB1]  }
0x31: {  	[smem:$0x3FBA] =	sst s10  }
0x32: {  	s10 =	sld [smem:$0x3FB8];
	_ =	sdelay $0x3  }
0x33: {  	p0 =	seq.s32 s10, $0x1;
	s10 =	sld [smem:$0x3FBA];
	_ =	sdelay $0x3  }
0x34: {  	[smem:$0x3FBA] =	sst s10  }
0x35: {  	s10 =	sld [smem:$0x3FB9];
	_ =	sdelay $0x3  }
0x36: {  	p1 =	seq.s32 s10, $0x1;
	s10 =	sld [smem:$0x3FBA];
	_ =	sdelay $0x3  }
0x37: {  	[smem:$0x3FBA] =	sst s10  }
0x38: {  	s10 =	sld [smem:$0x3FBB]  }
0x39: {  	_ = 	snop;
	(pc) =	sbr.ind lr, $3  }
0x3a: {  	_ = 	snop  }
0x3b: {  	_ = 	snop  }
0x3c: {  	p2 =	seq.s32 s10, $0x1;
	s10 =	sld [smem:$0x3FBA]  }
0x3d: {  	_ =	shalt  }
0x3e: {  	_ =	shalt  }
0x3f: {  	_ =	shalt  }
0x40: {  	_ =	shalt  }
0x41: {  	_ =	shalt  }
0x42: {  	_ =	shalt  }
0x43: {  	_ =	shalt  }
0x44: {  	_ =	shalt  }
0x45: {  	_ =	shalt  }
0x46: {  	_ =	shalt  }
0x47: {  	_ =	shalt  }
0x48: {  	_ =	shalt  }
0x49: {  	_ =	shalt  }
0x4a: {  	_ =	shalt  }
0x4b: {  	_ =	shalt  }
0x4c: {  	_ =	shalt  }
0x4d: {  	_ =	shalt  }
0x4e: {  	_ =	shalt  }
0x4f: {  	_ =	shalt  }
0x50: {  	_ =	shalt  }
0x51: {  	_ =	shalt  }
0x52: {  	_ =	shalt  }
0x53: {  	_ =	shalt  }
0x54: {  	_ =	shalt  }
0x55: {  	_ =	shalt  }
0x56: {  	_ =	shalt  }
0x57: {  	_ =	shalt  }
0x58: {  	_ =	shalt  }
0x59: {  	_ =	shalt  }
0x5a: {  	_ =	shalt  }
0x5b: {  	_ =	shalt  }
0x5c: {  	_ =	shalt  }
0x5d: {  	_ =	shalt  }
0x5e: {  	_ =	shalt  }
0x5f: {  	_ =	shalt  }
0x60: {  	_ =	shalt  }
0x61: {  	_ =	shalt  }
0x62: {  	_ =	shalt  }
0x63: {  	_ =	shalt  }
0x64: {  	_ =	shalt  }
0x65: {  	_ =	shalt  }
0x66: {  	_ =	shalt  }
0x67: {  	_ =	shalt  }
0x68: {  	_ =	shalt  }
0x69: {  	_ =	shalt  }
0x6a: {  	_ =	shalt  }
0x6b: {  	_ =	shalt  }
0x6c: {  	_ =	shalt  }
0x6d: {  	_ =	shalt  }
0x6e: {  	_ =	shalt  }
0x6f: {  	_ =	shalt  }
0x70: {  	_ =	shalt  }
0x71: {  	_ =	shalt  }
0x72: {  	_ =	shalt  }
0x73: {  	_ =	shalt  }
0x74: {  	_ =	shalt  }
0x75: {  	_ =	shalt  }
0x76: {  	_ =	shalt  }
0x77: {  	_ =	shalt  }
0x78: {  	_ =	shalt  }
0x79: {  	_ =	shalt  }
0x7a: {  	_ =	shalt  }
0x7b: {  	_ =	shalt  }
0x7c: {  	_ =	shalt  }
0x7d: {  	_ =	shalt  }
0x7e: {  	_ =	shalt  }
0x7f: {  	_ =	shalt  }
0x80: {  	_ =	shalt  }
0x81: {  	_ =	shalt  }
0x82: {  	_ =	shalt  }
0x83: {  	_ =	shalt  }
0x84: {  	_ =	shalt  }
0x85: {  	_ =	shalt  }
0x86: {  	_ =	shalt  }
0x87: {  	_ =	shalt  }
.Lfunc_end0:
.L_simem_size_0:
called_computation_lowered:
.L_overlay_start_0:
0x88: {  	s2 =	sld [smem:$0x3FD9]  }
0x89: {  	s3 =	sld [smem:$0x3FFE];
	_ =	sdelay $0x1  }
0x8a: {  	s1 =	srdreg.scid  }
0x8b: {  	s0 =	sand.u32 $0x1, s1  }
0x8c: {  	s15 =	sshll.u32 s0, $0xA;
	s2 =	sadd.s32 s3, s2  }
0x8d: {  	s2 =	sadd.s32 s2, s15  }
0x8e: {  	[smem:$0x3FC6] =	sst s2  }
0x8f: {  	_ = 	snop  }
0x90: {  	s2 =	sld [smem:$0x3FD0];
	_ =	sdelay $0x2  }
0x91: {  	s4 =	simm.s32 $0xA;
	s5 =	simm.s32 $0x10;
	s16 =	sld [smem:$0x3FC8]  }
0x92: {  	[smem:s5], [sflag:s4] =	dma.local [hbm:s2], $0x1  }
0x93: {  	_ =	swait.eq [sflag:s4], $0x1  }
0x94: {  	[sflag:s4] =	ssyncset.done $0x0  }
0x95: {  	[sflag:s4] =	ssyncadd.s32 $0xFFFFFFFF  }
0x96: {  	s17 =	sld [smem:$0x11];
	(tm) =	ssettm $0x1  }
0x97: {  	s18 =	sld [smem:$0x3FFB];
	_ =	sdelay $0x3  }
0x98: {  	_ =	strace s18  }
0x99: {  	s4 =	sld [smem:$0x3FFC];
	_ =	sdelay $0x3  }
0x9a: {  	_ =	strace s4  }
0x9b: {  	s4 =	sld [smem:$0x3FFD];
	_ =	sdelay $0x3  }
0x9c: {  	_ =	strace s4  }
0x9d: {  	_ =	strace $0x8FFFFFFF  }
0x9e: {  	s19 =	sld [smem:$0x3FDB];
	_ =	sdelay $0x1  }
0x9f: {  	s20 =	simm.s32 $_scs_section_size  }
0xa0: {  	s6 =	simm.s32 $_size__tile_overlayer_lowered;
	s7 =	simm.s32 $_tile_overlayer_lowered  }
0xa1: {  	s23 =	simm.s32 $0x1BFF;
	s22 =	sshll.u32 s7, $0x1;
	s4 =	sadd.s32 s20, s19  }
0xa2: {  	s8 =	simm.s32 $0x0;
	s21 =	sshll.u32 s6, $0x1;
	s6 =	sadd.s32 s22, s4  }
0xa3: {  	[timem:s8], [sflag:s23] =	dma.local [hbm:s6], s21  }
0xa4: {  	_ =	swait.ge [sflag:s23], s21  }
0xa5: {  	s5 =	ssub.s32 $0x0, s21;
	[sflag:s23] =	ssyncset.done $0x0  }
0xa6: {  	[sflag:s23] =	ssyncadd.s32 s5;
	_ =	sdelay $0x1  }
0xa7: {  	s24 =	simm.s32 $0x1B8B  }
0xa8: {  	_ =	swait.ge [sflag:s24], $0x1  }
0xa9: {  	[sflag:s24] =	ssyncset.done $0x0  }
0xaa: {  	s25 =	simm.s32 $0x1B8E;
	[sflag:s24] =	ssyncadd.s32 $0xFFFFFFFF  }
0xab: {  	s26 =	simm.s32 $execute0_lowered;
	[smem:$0x3FD2] =	sst s25  }
0xac: {  	s5 =	sshll.u32 s26, $0x1;
	_ =	strace $0x80000046;
	[dreg:$0x1] =	wrdreg $0xFFFFFFFF  }
0xad: {  	s28 =	simm.s32 $_size_execute0_lowered;
	s4 =	sadd.s32 s4, s5;
	[dreg:$0x0] =	wrdreg $0x0  }
0xae: {  	s5 =	sshll.u32 s28, $0x1;
	[dreg:$0x2] =	wrdreg s4  }
0xaf: {  	[dreg:$0x3] =	wrdreg s5  }
0xb0: {  	[dreg:$0x4] =	wrdreg $0xC0  }
0xb1: {  	_ =	task [dreg:s8], $0x5FFFF  }
0xb2: {  	[dreg:$0x1] =	wrdreg $0xFFFFFFFF  }
0xb3: {  	[dreg:$0x0] =	wrdreg $0x60  }
0xb4: {  	[dreg:$0x2] =	wrdreg s16  }
0xb5: {  	[dreg:$0x3] =	wrdreg s17  }
0xb6: {  	[dreg:$0x4] =	wrdreg $0x9  }
0xb7: {  	_ =	task.clear_ibuf [dreg:s8], $0x5FFFF;
	_ =	strace $0x90000046  }
0xb8: {  	s29 =	simm.s32 $0x9;
	_ =	strace $0x80000048  }
0xb9: {  	_ =	swait.ge [sflag:s29], $0x1  }
0xba: {  	[sflag:s29] =	ssyncadd.s32 $0xFFFFFFFF  }
0xbb: {  	_ =	strace $0x90000048  }
0xbc: {  	_ =	sfence  }
0xbd: {  	s30 =	sld [smem:$0x0];
	_ =	sdelay $0x2  }
0xbe: {  	s31 =	sshll.u32 s1, $0xD;
	s1 =	sshrl.u32 s1, $0x2  }
0xbf: {  	s3 =	sand.u32 $0x4000, s31;
	s1 =	sadd.s32 s1, s30  }
0xc0: {  	s0 =	sor.u32 s3, s0;
	s1 =	sshll.u32 s1, $0x11  }
0xc1: {  	s0 =	sor.u32 s1, s0  }
0xc2: {  	s0 =	sadd.s32 $0x8F2B, s0  }
0xc3: {  	[sflag:s0] =	ssyncadd.remote.s32 $0x1  }
0xc4: {  	_ =	sfence.sel $0xFFFF  }
0xc5: {  	[dreg:$0x0] =	wrdreg $0xFFFFFFFF;
	(pc) =	sbr.abs _section_cstart, $3  }
0xc6: {  	[dreg:$0x1] =	wrdreg $0xFFFFFFFF  }
0xc7: {  	_ =	task.clear_ibuf [dreg:s8], $0x2FFFF;
	_ =	strace $0x9FFFFFFF  }
0xc8: {  	(tm) =	ssettm $0x7FFFFFFF  }
0xc9: {  	_ =	shalt  }
tec
execute0_lowered:
.L_overlay_start_1:
0x0: {  	(tag) =	ssettag $0x1  }
0x1: {  	s1 =	srdreg.scid  }
0x2: {  	s3 =	rddreg [dreg:$0x0];
	s4 =	stileid.u32;
	s5 =	sand.u32 $0x1, s1  }
0x3: {  	s2 =	simm.s32 $0x0;
	s7 =	sshll.u32 s4, $0xA;
	s8 =	sshll.u32 s5, $0x9  }
0x4: {  	[smem:$0x7FF] =	sst s2;
	s4 =	sor.u32 s8, s7  }
0x5: {  	s0 =	rddreg [dreg:$0x1];
	_ =	strace $0x80000047;
	s1 =	sadd.s32 s3, s4  }
0x6: {  	s6 =	sor.u32 $0x4000, s4;
	s10 =	sadd.s32 s0, s4;
	[dreg:$0x3] =	wrdreg s1  }
0x7: {  	s7 =	sor.u32 $0x8000, s4;
	s9 =	sadd.s32 s3, s6;
	[dreg:$0x5] =	wrdreg s10  }
0x8: {  	s11 =	sadd.s32 s3, s7;
	[dreg:$0x4] =	wrdreg s9  }
0x9: {  	s13 =	sor.u32 $0xC000, s4;
	s12 =	sadd.s32 s0, s6;
	[dreg:$0x6] =	wrdreg s11  }
0xa: {  	s14 =	sadd.s32 s3, s13;
	[dreg:$0x7] =	wrdreg s12  }
0xb: {  	s16 =	sor.u32 $0x10000, s4;
	s15 =	sadd.s32 s0, s7;
	[dreg:$0x8] =	wrdreg s14  }
0xc: {  	s17 =	sadd.s32 s3, s16;
	[dreg:$0x9] =	wrdreg s15  }
0xd: {  	s19 =	sor.u32 $0x14000, s4;
	s18 =	sadd.s32 s0, s13;
	[dreg:$0xa] =	wrdreg s17  }
0xe: {  	s20 =	sadd.s32 s3, s19;
	[dreg:$0xb] =	wrdreg s18  }
0xf: {  	s22 =	sor.u32 $0x18000, s4;
	s21 =	sadd.s32 s0, s16;
	[dreg:$0xc] =	wrdreg s20  }
0x10: {  	s23 =	sadd.s32 s3, s22;
	[dreg:$0xd] =	wrdreg s21  }
0x11: {  	s25 =	sor.u32 $0x1C000, s4;
	s24 =	sadd.s32 s0, s19;
	[dreg:$0xe] =	wrdreg s23  }
0x12: {  	s26 =	sadd.s32 s3, s25;
	[dreg:$0xf] =	wrdreg s24  }
0x13: {  	s7 =	sadd.s32 s0, s22;
	[dreg:$0x10] =	wrdreg s26  }
0x14: {  	s8 =	sor.u32 $0x20000, s4;
	s10 =	sadd.s32 s0, s25;
	[dreg:$0x11] =	wrdreg s7  }
0x15: {  	s13 =	sadd.s32 s0, s8;
	[dreg:$0x13] =	wrdreg s10  }
0x16: {  	[dreg:$0x15] =	wrdreg s13  }
0x17: {  	s9 =	sadd.s32 s3, s8;
	s11 =	sor.u32 $0x24000, s4;
	s1 =	rddreg [dreg:$0x3]  }
0x18: {  	s14 =	sor.u32 $0x28000, s4;
	[dreg:$0x12] =	wrdreg s9;
	s12 =	sadd.s32 s3, s11  }
0x19: {  	s15 =	sadd.s32 s3, s14;
	[dreg:$0x14] =	wrdreg s12  }
0x1a: {  	s17 =	sor.u32 $0x2C000, s4;
	s16 =	sadd.s32 s0, s11;
	[dreg:$0x16] =	wrdreg s15  }
0x1b: {  	s18 =	sadd.s32 s3, s17;
	[dreg:$0x17] =	wrdreg s16  }
0x1c: {  	s20 =	sor.u32 $0x30000, s4;
	s19 =	sadd.s32 s0, s14;
	[dreg:$0x18] =	wrdreg s18  }
0x1d: {  	s21 =	sadd.s32 s3, s20;
	[dreg:$0x19] =	wrdreg s19  }
0x1e: {  	s23 =	sor.u32 $0x34000, s4;
	s22 =	sadd.s32 s0, s17;
	[dreg:$0x1a] =	wrdreg s21  }
0x1f: {  	s24 =	sadd.s32 s3, s23;
	[dreg:$0x1b] =	wrdreg s22  }
0x20: {  	s26 =	sor.u32 $0x38000, s4;
	s25 =	sadd.s32 s0, s20;
	[dreg:$0x1c] =	wrdreg s24  }
0x21: {  	s8 =	sadd.s32 s3, s26;
	[dreg:$0x1d] =	wrdreg s25  }
0x22: {  	s10 =	sor.u32 $0x3C000, s4;
	s9 =	sadd.s32 s0, s23;
	[dreg:$0x1e] =	wrdreg s8  }
0x23: {  	s13 =	sor.u32 $0x40000, s4;
	s11 =	sadd.s32 s3, s10;
	[dreg:$0x1f] =	wrdreg s9  }
0x24: {  	s14 =	sadd.s32 s3, s13;
	[smem:$0x7DC] =	sst s11  }
0x25: {  	s12 =	sadd.s32 s0, s26;
	[smem:$0x7DE] =	sst s14  }
0x26: {  	s15 =	sadd.s32 s0, s10;
	[smem:$0x7DD] =	sst s12  }
0x27: {  	s16 =	sor.u32 $0x44000, s4;
	s18 =	sadd.s32 s0, s13;
	[smem:$0x7DF] =	sst s15  }
0x28: {  	s19 =	sor.u32 $0x48000, s4;
	s17 =	sadd.s32 s3, s16;
	[smem:$0x7E1] =	sst s18  }
0x29: {  	s20 =	sadd.s32 s3, s19;
	[smem:$0x7E0] =	sst s17  }
0x2a: {  	s22 =	sor.u32 $0x4C000, s4;
	s21 =	sadd.s32 s0, s16;
	[smem:$0x7E2] =	sst s20  }
0x2b: {  	s23 =	sadd.s32 s3, s22;
	[smem:$0x7E3] =	sst s21  }
0x2c: {  	s25 =	sor.u32 $0x50000, s4;
	s24 =	sadd.s32 s0, s19;
	[smem:$0x7E4] =	sst s23  }
0x2d: {  	s26 =	sadd.s32 s3, s25;
	[smem:$0x7E5] =	sst s24  }
0x2e: {  	s8 =	sor.u32 $0x54000, s4;
	s6 =	sadd.s32 s0, s22;
	[smem:$0x7E6] =	sst s26  }
0x2f: {  	s9 =	sadd.s32 s3, s8;
	[smem:$0x7E7] =	sst s6  }
0x30: {  	s11 =	sor.u32 $0x58000, s4;
	s10 =	sadd.s32 s0, s25;
	[smem:$0x7E8] =	sst s9  }
0x31: {  	p0 =	por $0x0, $0x0;
	s12 =	sadd.s32 s3, s11;
	[smem:$0x7E9] =	sst s10  }
0x32: {  	s14 =	sor.u32 $0x5C000, s4;
	s13 =	sadd.s32 s0, s8;
	[smem:$0x7EA] =	sst s12  }
0x33: {  	s5 =	ssub.s32 $0x2, s5;
	s15 =	sadd.s32 s3, s14;
	[smem:$0x7EB] =	sst s13  }
0x34: {  	s7 =	sor.u32 $0x8C000, s4;
	s16 =	sadd.s32 s0, s11;
	[smem:$0x7EC] =	sst s15  }
0x35: {  	s19 =	sadd.s32 s0, s14;
	s17 =	sor.u32 $0x60000, s4;
	[smem:$0x7ED] =	sst s16  }
0x36: {  	s20 =	sor.u32 $0x64000, s4;
	[smem:$0x7EF] =	sst s19;
	s18 =	sadd.s32 s3, s17  }
0x37: {  	s23 =	sor.u32 $0x68000, s4;
	s21 =	sadd.s32 s3, s20;
	[smem:$0x7EE] =	sst s18  }
0x38: {  	s26 =	sor.u32 $0x6C000, s4;
	s22 =	sadd.s32 s0, s17;
	[smem:$0x7F0] =	sst s21  }
0x39: {  	s10 =	sor.u32 $0x70000, s4;
	s24 =	sadd.s32 s3, s23;
	[smem:$0x7F1] =	sst s22  }
0x3a: {  	s13 =	sor.u32 $0x74000, s4;
	s25 =	sadd.s32 s0, s20;
	[smem:$0x7F2] =	sst s24  }
0x3b: {  	s16 =	sor.u32 $0x78000, s4;
	s8 =	sadd.s32 s3, s26;
	[smem:$0x7F3] =	sst s25  }
0x3c: {  	s19 =	sor.u32 $0x7C000, s4;
	s9 =	sadd.s32 s0, s23;
	[smem:$0x7F4] =	sst s8  }
0x3d: {  	s11 =	sadd.s32 s3, s10;
	s12 =	sadd.s32 s0, s26;
	[smem:$0x7F5] =	sst s9  }
0x3e: {  	s14 =	sadd.s32 s3, s13;
	s15 =	sadd.s32 s0, s10;
	[smem:$0x7F6] =	sst s11  }
0x3f: {  	s17 =	sadd.s32 s3, s16;
	s20 =	sadd.s32 s3, s19;
	[smem:$0x7F7] =	sst s12  }
0x40: {  	s23 =	sor.u32 $0x84000, s4;
	s31 =	sadd.s32 s0, s19;
	[smem:$0x7F8] =	sst s14  }
0x41: {  	s10 =	sor.u32 $0x90000, s4;
	s8 =	sshrl.u32 s5, $0x1;
	[smem:$0x7F9] =	sst s15  }
0x42: {  	[smem:$0x7FA] =	sst s17;
	s18 =	sadd.s32 s0, s13;
	s9 =	sor.u32 $0xA4000, s4  }
0x43: {  	[smem:$0x7FC] =	sst s20;
	s21 =	sadd.s32 s0, s16;
	s22 =	sor.u32 $0x80000, s4  }
0x44: {  	s28 =	sadd.s32 s3, s23;
	s24 =	sor.u32 $0x88000, s4;
	s26 =	sadd.s32 s0, s23  }
0x45: {  	s23 =	sadd.s32 s3, s7;
	s11 =	sor.u32 $0x94000, s4;
	s12 =	sor.u32 $0x98000, s4  }
0x46: {  	s20 =	sadd.s32 s0, s10;
	s13 =	sor.u32 $0x9C000, s4;
	[smem:$0x7FB] =	sst s18  }
0x47: {  	s4 =	sor.u32 $0xA0000, s4;
	s8 =	ssub.s32 s5, s8;
	[smem:$0x7FD] =	sst s21  }
0x48: {  	s30 =	sadd.s32 s3, s22;
	s29 =	sadd.s32 s0, s22;
	s25 =	sadd.s32 s3, s24  }
0x49: {  	s24 =	sadd.s32 s0, s24;
	s21 =	sadd.s32 s3, s10;
	s22 =	sadd.s32 s0, s7  }
0x4a: {  	s19 =	sadd.s32 s3, s11;
	s17 =	sadd.s32 s3, s12;
	s16 =	smax.u32 s8, $0x1  }
0x4b: {  	s18 =	sadd.s32 s0, s11;
	s14 =	sadd.s32 s3, s13;
	p1 =	sne.s32 s16, $0x1  }
.Ltmp0:
0x4c: {  	s15 =	sadd.s32 s0, s12;
	s11 =	sadd.s32 s3, s4;
	(pc) =	sbr.rel @!p1 .LBB2_3-.Ltmp0, $4  }
0x4d: {  	s12 =	sadd.s32 s0, s13;
	s5 =	sadd.s32 s3, s9;
	s6 =	sadd.s32 s0, s4  }
0x4e: {  	s3 =	sadd.s32 s0, s9;
	s4 =	simm.s32 $0x1000;
	s9 =	simm.s32 $0x8000  }
0x4f: {  	s13 =	simm.s32 $0x2;
	s7 =	simm.s32 $0x3;
	s10 =	simm.s32 $0x4  }
0x50: {  	s8 =	simm.s32 $0x7A1400;
	s0 =	sadd.s32 $0xFFFFFFFF, s16;
	s16 =	simm.s32 $0x1  }
0x51: {  	[tilespmem:s2], [sflag:$0x1] =	stream.strided.gather [hbm4b:s1+s4], $0x8000, s8, s4, $0x38;
	[tilespmem:$0x10000] =	vst v63  }
0x52: {  	_ =	swait.ge [sflag:s16], $0x8000  }
0x53: {  	s1 =	rddreg [dreg:$0x4];
	[sflag:s16] =	ssyncset.done $0x0  }
0x54: {  	[smem:$0x7DA] =	sst s0;
	[sflag:s16] =	ssyncadd.s32 $0xFFFF8000  }
0x55: {  	[tilespmem:s9], [sflag:$0x2] =	stream.strided.gather [hbm4b:s1+s4], $0x8000, s8, s4, $0x38;
	[tilespmem:$0x10000] =	vst v63  }
0x56: {  	s0 =	rddreg [dreg:$0x5]  }
0x57: {  	[hbm4b:s0+s4] =	stream.strided.scatter [tilespmem:s2], [sflag:$0x3], $0x8000, s8, s4, $0x38;
	[tilespmem:$0x10000] =	vst v63  }
0x58: {  	_ =	swait.ge [sflag:s13], $0x8000  }
0x59: {  	[sflag:s13] =	ssyncset.done $0x0  }
0x5a: {  	[sflag:s13] =	ssyncadd.s32 $0xFFFF8000  }
0x5b: {  	_ =	swait.ge [sflag:s7], $0x8000  }
0x5c: {  	[sflag:s7] =	ssyncset.done $0x0  }
0x5d: {  	s0 =	rddreg [dreg:$0x6];
	[sflag:s7] =	ssyncadd.s32 $0xFFFF8000  }
0x5e: {  	[tilespmem:s2], [sflag:$0x1] =	stream.strided.gather [hbm4b:s0+s4], $0x8000, s8, s4, $0x38;
	[tilespmem:$0x10000] =	vst v63  }
0x5f: {  	s1 =	rddreg [dreg:$0x7]  }
0x60: {  	[hbm4b:s1+s4] =	stream.strided.scatter [tilespmem:s9], [sflag:$0x4], $0x8000, s8, s4, $0x38;
	[tilespmem:$0x10000] =	vst v63  }
0x61: {  	_ =	swait.ge [sflag:s16], $0x8000  }
0x62: {  	[sflag:s16] =	ssyncset.done $0x0  }
0x63: {  	[sflag:s16] =	ssyncadd.s32 $0xFFFF8000  }
0x64: {  	_ =	swait.ge [sflag:s10], $0x8000  }
0x65: {  	[sflag:s10] =	ssyncset.done $0x0  }
0x66: {  	s0 =	rddreg [dreg:$0x8];
	[sflag:s10] =	ssyncadd.s32 $0xFFFF8000  }
0x67: {  	[tilespmem:s9], [sflag:$0x2] =	stream.strided.gather [hbm4b:s0+s4], $0x8000, s8, s4, $0x38;
	[tilespmem:$0x10000] =	vst v63  }
0x68: {  	s1 =	rddreg [dreg:$0x9]  }
0x69: {  	[hbm4b:s1+s4] =	stream.strided.scatter [tilespmem:s2], [sflag:$0x3], $0x8000, s8, s4, $0x38;
	[tilespmem:$0x10000] =	vst v63  }
0x6a: {  	_ =	swait.ge [sflag:s13], $0x8000  }
0x6b: {  	[sflag:s13] =	ssyncset.done $0x0  }
0x6c: {  	[sflag:s13] =	ssyncadd.s32 $0xFFFF8000  }
0x6d: {  	_ =	swait.ge [sflag:s7], $0x8000  }
0x6e: {  	[sflag:s7] =	ssyncset.done $0x0  }
0x6f: {  	s0 =	rddreg [dreg:$0xa];
	[sflag:s7] =	ssyncadd.s32 $0xFFFF8000  }
0x70: {  	[tilespmem:s2], [sflag:$0x1] =	stream.strided.gather [hbm4b:s0+s4], $0x8000, s8, s4, $0x38;
	[tilespmem:$0x10000] =	vst v63  }
0x71: {  	s1 =	rddreg [dreg:$0xb]  }
0x72: {  	[hbm4b:s1+s4] =	stream.strided.scatter [tilespmem:s9], [sflag:$0x4], $0x8000, s8, s4, $0x38;
	[tilespmem:$0x10000] =	vst v63  }
0x73: {  	_ =	swait.ge [sflag:s16], $0x8000  }
0x74: {  	[sflag:s16] =	ssyncset.done $0x0  }
0x75: {  	[sflag:s16] =	ssyncadd.s32 $0xFFFF8000  }
0x76: {  	_ =	swait.ge [sflag:s10], $0x8000  }
0x77: {  	[sflag:s10] =	ssyncset.done $0x0  }
0x78: {  	s0 =	rddreg [dreg:$0xc];
	[sflag:s10] =	ssyncadd.s32 $0xFFFF8000  }
0x79: {  	[tilespmem:s9], [sflag:$0x2] =	stream.strided.gather [hbm4b:s0+s4], $0x8000, s8, s4, $0x38;
	[tilespmem:$0x10000] =	vst v63  }
0x7a: {  	s1 =	rddreg [dreg:$0xd]  }
0x7b: {  	[hbm4b:s1+s4] =	stream.strided.scatter [tilespmem:s2], [sflag:$0x3], $0x8000, s8, s4, $0x38;
	[tilespmem:$0x10000] =	vst v63  }
0x7c: {  	_ =	swait.ge [sflag:s13], $0x8000  }
0x7d: {  	[sflag:s13] =	ssyncset.done $0x0  }
0x7e: {  	[sflag:s13] =	ssyncadd.s32 $0xFFFF8000  }
0x7f: {  	_ =	swait.ge [sflag:s7], $0x8000  }
0x80: {  	[sflag:s7] =	ssyncset.done $0x0  }
0x81: {  	s0 =	rddreg [dreg:$0xe];
	[sflag:s7] =	ssyncadd.s32 $0xFFFF8000  }
0x82: {  	[tilespmem:s2], [sflag:$0x1] =	stream.strided.gather [hbm4b:s0+s4], $0x8000, s8, s4, $0x38;
	[tilespmem:$0x10000] =	vst v63  }
0x83: {  	s1 =	rddreg [dreg:$0xf]  }
0x84: {  	[hbm4b:s1+s4] =	stream.strided.scatter [tilespmem:s9], [sflag:$0x4], $0x8000, s8, s4, $0x38;
	[tilespmem:$0x10000] =	vst v63  }
0x85: {  	_ =	swait.ge [sflag:s16], $0x8000  }
0x86: {  	[sflag:s16] =	ssyncset.done $0x0  }
0x87: {  	[sflag:s16] =	ssyncadd.s32 $0xFFFF8000  }
0x88: {  	_ =	swait.ge [sflag:s10], $0x8000  }
0x89: {  	[sflag:s10] =	ssyncset.done $0x0  }
0x8a: {  	s0 =	rddreg [dreg:$0x10];
	[sflag:s10] =	ssyncadd.s32 $0xFFFF8000  }
0x8b: {  	[tilespmem:s9], [sflag:$0x2] =	stream.strided.gather [hbm4b:s0+s4], $0x8000, s8, s4, $0x38;
	[tilespmem:$0x10000] =	vst v63  }
0x8c: {  	s1 =	rddreg [dreg:$0x11]  }
0x8d: {  	[hbm4b:s1+s4] =	stream.strided.scatter [tilespmem:s2], [sflag:$0x3], $0x8000, s8, s4, $0x38;
	[tilespmem:$0x10000] =	vst v63  }
0x8e: {  	_ =	swait.ge [sflag:s13], $0x8000  }
0x8f: {  	[sflag:s13] =	ssyncset.done $0x0  }
0x90: {  	[sflag:s13] =	ssyncadd.s32 $0xFFFF8000  }
0x91: {  	_ =	swait.ge [sflag:s7], $0x8000  }
0x92: {  	[sflag:s7] =	ssyncset.done $0x0  }
0x93: {  	s0 =	rddreg [dreg:$0x12];
	[sflag:s7] =	ssyncadd.s32 $0xFFFF8000  }
0x94: {  	[tilespmem:s2], [sflag:$0x1] =	stream.strided.gather [hbm4b:s0+s4], $0x8000, s8, s4, $0x38;
	[tilespmem:$0x10000] =	vst v63  }
0x95: {  	s1 =	rddreg [dreg:$0x13]  }
0x96: {  	[hbm4b:s1+s4] =	stream.strided.scatter [tilespmem:s9], [sflag:$0x4], $0x8000, s8, s4, $0x38;
	[tilespmem:$0x10000] =	vst v63  }
0x97: {  	_ =	swait.ge [sflag:s16], $0x8000  }
0x98: {  	[sflag:s16] =	ssyncset.done $0x0  }
0x99: {  	[sflag:s16] =	ssyncadd.s32 $0xFFFF8000  }
0x9a: {  	_ =	swait.ge [sflag:s10], $0x8000  }
0x9b: {  	[sflag:s10] =	ssyncset.done $0x0  }
0x9c: {  	s0 =	rddreg [dreg:$0x14];
	[sflag:s10] =	ssyncadd.s32 $0xFFFF8000  }
0x9d: {  	[tilespmem:s9], [sflag:$0x2] =	stream.strided.gather [hbm4b:s0+s4], $0x8000, s8, s4, $0x38;
	[tilespmem:$0x10000] =	vst v63  }
0x9e: {  	s1 =	rddreg [dreg:$0x15]  }
0x9f: {  	[hbm4b:s1+s4] =	stream.strided.scatter [tilespmem:s2], [sflag:$0x3], $0x8000, s8, s4, $0x38;
	[tilespmem:$0x10000] =	vst v63  }
0xa0: {  	_ =	swait.ge [sflag:s13], $0x8000  }
0xa1: {  	[sflag:s13] =	ssyncset.done $0x0  }
0xa2: {  	[sflag:s13] =	ssyncadd.s32 $0xFFFF8000  }
0xa3: {  	_ =	swait.ge [sflag:s7], $0x8000  }
0xa4: {  	[sflag:s7] =	ssyncset.done $0x0  }
0xa5: {  	s0 =	rddreg [dreg:$0x16];
	[sflag:s7] =	ssyncadd.s32 $0xFFFF8000  }
0xa6: {  	[tilespmem:s2], [sflag:$0x1] =	stream.strided.gather [hbm4b:s0+s4], $0x8000, s8, s4, $0x38;
	[tilespmem:$0x10000] =	vst v63  }
0xa7: {  	s1 =	rddreg [dreg:$0x17]  }
0xa8: {  	[hbm4b:s1+s4] =	stream.strided.scatter [tilespmem:s9], [sflag:$0x4], $0x8000, s8, s4, $0x38;
	[tilespmem:$0x10000] =	vst v63  }
0xa9: {  	_ =	swait.ge [sflag:s16], $0x8000  }
0xaa: {  	[sflag:s16] =	ssyncset.done $0x0  }
0xab: {  	[sflag:s16] =	ssyncadd.s32 $0xFFFF8000  }
0xac: {  	_ =	swait.ge [sflag:s10], $0x8000  }
0xad: {  	[sflag:s10] =	ssyncset.done $0x0  }
0xae: {  	s0 =	rddreg [dreg:$0x18];
	[sflag:s10] =	ssyncadd.s32 $0xFFFF8000  }
0xaf: {  	[tilespmem:s9], [sflag:$0x2] =	stream.strided.gather [hbm4b:s0+s4], $0x8000, s8, s4, $0x38;
	[tilespmem:$0x10000] =	vst v63  }
0xb0: {  	s1 =	rddreg [dreg:$0x19]  }
0xb1: {  	[hbm4b:s1+s4] =	stream.strided.scatter [tilespmem:s2], [sflag:$0x3], $0x8000, s8, s4, $0x38;
	[tilespmem:$0x10000] =	vst v63  }
0xb2: {  	_ =	swait.ge [sflag:s13], $0x8000  }
0xb3: {  	[sflag:s13] =	ssyncset.done $0x0  }
0xb4: {  	[sflag:s13] =	ssyncadd.s32 $0xFFFF8000  }
0xb5: {  	_ =	swait.ge [sflag:s7], $0x8000  }
0xb6: {  	[sflag:s7] =	ssyncset.done $0x0  }
0xb7: {  	s0 =	rddreg [dreg:$0x1a];
	[sflag:s7] =	ssyncadd.s32 $0xFFFF8000  }
0xb8: {  	[tilespmem:s2], [sflag:$0x1] =	stream.strided.gather [hbm4b:s0+s4], $0x8000, s8, s4, $0x38;
	[tilespmem:$0x10000] =	vst v63  }
0xb9: {  	s1 =	rddreg [dreg:$0x1b]  }
0xba: {  	[hbm4b:s1+s4] =	stream.strided.scatter [tilespmem:s9], [sflag:$0x4], $0x8000, s8, s4, $0x38;
	[tilespmem:$0x10000] =	vst v63  }
0xbb: {  	_ =	swait.ge [sflag:s16], $0x8000  }
0xbc: {  	[sflag:s16] =	ssyncset.done $0x0  }
0xbd: {  	[sflag:s16] =	ssyncadd.s32 $0xFFFF8000  }
0xbe: {  	_ =	swait.ge [sflag:s10], $0x8000  }
0xbf: {  	[sflag:s10] =	ssyncset.done $0x0  }
0xc0: {  	s0 =	rddreg [dreg:$0x1c];
	[sflag:s10] =	ssyncadd.s32 $0xFFFF8000  }
0xc1: {  	[tilespmem:s9], [sflag:$0x2] =	stream.strided.gather [hbm4b:s0+s4], $0x8000, s8, s4, $0x38;
	[tilespmem:$0x10000] =	vst v63  }
0xc2: {  	s1 =	rddreg [dreg:$0x1d]  }
0xc3: {  	[hbm4b:s1+s4] =	stream.strided.scatter [tilespmem:s2], [sflag:$0x3], $0x8000, s8, s4, $0x38;
	[tilespmem:$0x10000] =	vst v63  }
0xc4: {  	_ =	swait.ge [sflag:s13], $0x8000  }
0xc5: {  	[sflag:s13] =	ssyncset.done $0x0  }
0xc6: {  	[sflag:s13] =	ssyncadd.s32 $0xFFFF8000  }
0xc7: {  	_ =	swait.ge [sflag:s7], $0x8000  }
0xc8: {  	[sflag:s7] =	ssyncset.done $0x0  }
0xc9: {  	s0 =	rddreg [dreg:$0x1e];
	[sflag:s7] =	ssyncadd.s32 $0xFFFF8000  }
0xca: {  	[tilespmem:s2], [sflag:$0x1] =	stream.strided.gather [hbm4b:s0+s4], $0x8000, s8, s4, $0x38;
	[tilespmem:$0x10000] =	vst v63  }
0xcb: {  	s1 =	rddreg [dreg:$0x1f]  }
0xcc: {  	[hbm4b:s1+s4] =	stream.strided.scatter [tilespmem:s9], [sflag:$0x4], $0x8000, s8, s4, $0x38;
	[tilespmem:$0x10000] =	vst v63  }
0xcd: {  	_ =	swait.ge [sflag:s16], $0x8000  }
0xce: {  	[sflag:s16] =	ssyncset.done $0x0  }
0xcf: {  	[sflag:s16] =	ssyncadd.s32 $0xFFFF8000  }
0xd0: {  	_ =	swait.ge [sflag:s10], $0x8000  }
0xd1: {  	s0 =	sld [smem:$0x7DC]  }
0xd2: {  	[sflag:s10] =	ssyncset.done $0x0  }
0xd3: {  	s1 =	sld [smem:$0x7DD];
	[sflag:s10] =	ssyncadd.s32 $0xFFFF8000  }
0xd4: {  	[tilespmem:s9], [sflag:$0x2] =	stream.strided.gather [hbm4b:s0+s4], $0x8000, s8, s4, $0x38;
	[tilespmem:$0x10000] =	vst v63  }
0xd5: {  	_ = 	snop  }
0xd6: {  	[hbm4b:s1+s4] =	stream.strided.scatter [tilespmem:s2], [sflag:$0x3], $0x8000, s8, s4, $0x38;
	[tilespmem:$0x10000] =	vst v63  }
0xd7: {  	_ =	swait.ge [sflag:s13], $0x8000  }
0xd8: {  	[sflag:s13] =	ssyncset.done $0x0  }
0xd9: {  	[sflag:s13] =	ssyncadd.s32 $0xFFFF8000  }
0xda: {  	_ =	swait.ge [sflag:s7], $0x8000  }
0xdb: {  	s0 =	sld [smem:$0x7DE]  }
0xdc: {  	[sflag:s7] =	ssyncset.done $0x0  }
0xdd: {  	s1 =	sld [smem:$0x7DF];
	[sflag:s7] =	ssyncadd.s32 $0xFFFF8000  }
0xde: {  	[tilespmem:s2], [sflag:$0x1] =	stream.strided.gather [hbm4b:s0+s4], $0x8000, s8, s4, $0x38;
	[tilespmem:$0x10000] =	vst v63  }
0xdf: {  	_ = 	snop  }
0xe0: {  	[hbm4b:s1+s4] =	stream.strided.scatter [tilespmem:s9], [sflag:$0x4], $0x8000, s8, s4, $0x38;
	[tilespmem:$0x10000] =	vst v63  }
0xe1: {  	_ =	swait.ge [sflag:s16], $0x8000  }
0xe2: {  	[sflag:s16] =	ssyncset.done $0x0  }
0xe3: {  	[sflag:s16] =	ssyncadd.s32 $0xFFFF8000  }
0xe4: {  	_ =	swait.ge [sflag:s10], $0x8000  }
0xe5: {  	s0 =	sld [smem:$0x7E0]  }
0xe6: {  	[sflag:s10] =	ssyncset.done $0x0  }
0xe7: {  	s1 =	sld [smem:$0x7E1];
	[sflag:s10] =	ssyncadd.s32 $0xFFFF8000  }
0xe8: {  	[tilespmem:s9], [sflag:$0x2] =	stream.strided.gather [hbm4b:s0+s4], $0x8000, s8, s4, $0x38;
	[tilespmem:$0x10000] =	vst v63  }
0xe9: {  	_ = 	snop  }
0xea: {  	[hbm4b:s1+s4] =	stream.strided.scatter [tilespmem:s2], [sflag:$0x3], $0x8000, s8, s4, $0x38;
	[tilespmem:$0x10000] =	vst v63  }
0xeb: {  	_ =	swait.ge [sflag:s13], $0x8000  }
0xec: {  	[sflag:s13] =	ssyncset.done $0x0  }
0xed: {  	[sflag:s13] =	ssyncadd.s32 $0xFFFF8000  }
0xee: {  	_ =	swait.ge [sflag:s7], $0x8000  }
0xef: {  	s0 =	sld [smem:$0x7E2]  }
0xf0: {  	[sflag:s7] =	ssyncset.done $0x0  }
0xf1: {  	s1 =	sld [smem:$0x7E3];
	[sflag:s7] =	ssyncadd.s32 $0xFFFF8000  }
0xf2: {  	[tilespmem:s2], [sflag:$0x1] =	stream.strided.gather [hbm4b:s0+s4], $0x8000, s8, s4, $0x38;
	[tilespmem:$0x10000] =	vst v63  }
0xf3: {  	_ = 	snop  }
0xf4: {  	[hbm4b:s1+s4] =	stream.strided.scatter [tilespmem:s9], [sflag:$0x4], $0x8000, s8, s4, $0x38;
	[tilespmem:$0x10000] =	vst v63  }
0xf5: {  	_ =	swait.ge [sflag:s16], $0x8000  }
0xf6: {  	[sflag:s16] =	ssyncset.done $0x0  }
0xf7: {  	[sflag:s16] =	ssyncadd.s32 $0xFFFF8000  }
0xf8: {  	_ =	swait.ge [sflag:s10], $0x8000  }
0xf9: {  	s0 =	sld [smem:$0x7E4]  }
0xfa: {  	[sflag:s10] =	ssyncset.done $0x0  }
0xfb: {  	s1 =	sld [smem:$0x7E5];
	[sflag:s10] =	ssyncadd.s32 $0xFFFF8000  }
0xfc: {  	[tilespmem:s9], [sflag:$0x2] =	stream.strided.gather [hbm4b:s0+s4], $0x8000, s8, s4, $0x38;
	[tilespmem:$0x10000] =	vst v63  }
0xfd: {  	_ = 	snop  }
0xfe: {  	[hbm4b:s1+s4] =	stream.strided.scatter [tilespmem:s2], [sflag:$0x3], $0x8000, s8, s4, $0x38;
	[tilespmem:$0x10000] =	vst v63  }
0xff: {  	_ =	swait.ge [sflag:s13], $0x8000  }
0x100: {  	[sflag:s13] =	ssyncset.done $0x0  }
0x101: {  	[sflag:s13] =	ssyncadd.s32 $0xFFFF8000  }
0x102: {  	_ =	swait.ge [sflag:s7], $0x8000  }
0x103: {  	s0 =	sld [smem:$0x7E6]  }
0x104: {  	[sflag:s7] =	ssyncset.done $0x0  }
0x105: {  	s1 =	sld [smem:$0x7E7];
	[sflag:s7] =	ssyncadd.s32 $0xFFFF8000  }
0x106: {  	[tilespmem:s2], [sflag:$0x1] =	stream.strided.gather [hbm4b:s0+s4], $0x8000, s8, s4, $0x38;
	[tilespmem:$0x10000] =	vst v63  }
0x107: {  	_ = 	snop  }
0x108: {  	[hbm4b:s1+s4] =	stream.strided.scatter [tilespmem:s9], [sflag:$0x4], $0x8000, s8, s4, $0x38;
	[tilespmem:$0x10000] =	vst v63  }
0x109: {  	_ =	swait.ge [sflag:s16], $0x8000  }
0x10a: {  	[sflag:s16] =	ssyncset.done $0x0  }
0x10b: {  	[sflag:s16] =	ssyncadd.s32 $0xFFFF8000  }
0x10c: {  	_ =	swait.ge [sflag:s10], $0x8000  }
0x10d: {  	s0 =	sld [smem:$0x7E8]  }
0x10e: {  	[sflag:s10] =	ssyncset.done $0x0  }
0x10f: {  	s1 =	sld [smem:$0x7E9];
	[sflag:s10] =	ssyncadd.s32 $0xFFFF8000  }
0x110: {  	[tilespmem:s9], [sflag:$0x2] =	stream.strided.gather [hbm4b:s0+s4], $0x8000, s8, s4, $0x38;
	[tilespmem:$0x10000] =	vst v63  }
0x111: {  	_ = 	snop  }
0x112: {  	[hbm4b:s1+s4] =	stream.strided.scatter [tilespmem:s2], [sflag:$0x3], $0x8000, s8, s4, $0x38;
	[tilespmem:$0x10000] =	vst v63  }
0x113: {  	_ =	swait.ge [sflag:s13], $0x8000  }
0x114: {  	[sflag:s13] =	ssyncset.done $0x0  }
0x115: {  	[sflag:s13] =	ssyncadd.s32 $0xFFFF8000  }
0x116: {  	_ =	swait.ge [sflag:s7], $0x8000  }
0x117: {  	s0 =	sld [smem:$0x7EA]  }
0x118: {  	[sflag:s7] =	ssyncset.done $0x0  }
0x119: {  	s1 =	sld [smem:$0x7EB];
	[sflag:s7] =	ssyncadd.s32 $0xFFFF8000  }
0x11a: {  	[tilespmem:s2], [sflag:$0x1] =	stream.strided.gather [hbm4b:s0+s4], $0x8000, s8, s4, $0x38;
	[tilespmem:$0x10000] =	vst v63  }
0x11b: {  	_ = 	snop  }
0x11c: {  	[hbm4b:s1+s4] =	stream.strided.scatter [tilespmem:s9], [sflag:$0x4], $0x8000, s8, s4, $0x38;
	[tilespmem:$0x10000] =	vst v63  }
0x11d: {  	_ =	swait.ge [sflag:s16], $0x8000  }
0x11e: {  	[sflag:s16] =	ssyncset.done $0x0  }
0x11f: {  	[sflag:s16] =	ssyncadd.s32 $0xFFFF8000  }
0x120: {  	_ =	swait.ge [sflag:s10], $0x8000  }
0x121: {  	s0 =	sld [smem:$0x7EC]  }
0x122: {  	[sflag:s10] =	ssyncset.done $0x0  }
0x123: {  	s1 =	sld [smem:$0x7ED];
	[sflag:s10] =	ssyncadd.s32 $0xFFFF8000  }
0x124: {  	[tilespmem:s9], [sflag:$0x2] =	stream.strided.gather [hbm4b:s0+s4], $0x8000, s8, s4, $0x38;
	[tilespmem:$0x10000] =	vst v63  }
0x125: {  	_ = 	snop  }
0x126: {  	[hbm4b:s1+s4] =	stream.strided.scatter [tilespmem:s2], [sflag:$0x3], $0x8000, s8, s4, $0x38;
	[tilespmem:$0x10000] =	vst v63  }
0x127: {  	_ =	swait.ge [sflag:s13], $0x8000  }
0x128: {  	[sflag:s13] =	ssyncset.done $0x0  }
0x129: {  	[sflag:s13] =	ssyncadd.s32 $0xFFFF8000  }
0x12a: {  	_ =	swait.ge [sflag:s7], $0x8000  }
0x12b: {  	s0 =	sld [smem:$0x7EE]  }
0x12c: {  	[sflag:s7] =	ssyncset.done $0x0  }
0x12d: {  	s1 =	sld [smem:$0x7EF];
	[sflag:s7] =	ssyncadd.s32 $0xFFFF8000  }
0x12e: {  	[tilespmem:s2], [sflag:$0x1] =	stream.strided.gather [hbm4b:s0+s4], $0x8000, s8, s4, $0x38;
	[tilespmem:$0x10000] =	vst v63  }
0x12f: {  	_ = 	snop  }
0x130: {  	[hbm4b:s1+s4] =	stream.strided.scatter [tilespmem:s9], [sflag:$0x4], $0x8000, s8, s4, $0x38;
	[tilespmem:$0x10000] =	vst v63  }
0x131: {  	_ =	swait.ge [sflag:s16], $0x8000  }
0x132: {  	[sflag:s16] =	ssyncset.done $0x0  }
0x133: {  	[sflag:s16] =	ssyncadd.s32 $0xFFFF8000  }
0x134: {  	_ =	swait.ge [sflag:s10], $0x8000  }
0x135: {  	s0 =	sld [smem:$0x7F0]  }
0x136: {  	[sflag:s10] =	ssyncset.done $0x0  }
0x137: {  	s1 =	sld [smem:$0x7F1];
	[sflag:s10] =	ssyncadd.s32 $0xFFFF8000  }
0x138: {  	[tilespmem:s9], [sflag:$0x2] =	stream.strided.gather [hbm4b:s0+s4], $0x8000, s8, s4, $0x38;
	[tilespmem:$0x10000] =	vst v63  }
0x139: {  	_ = 	snop  }
0x13a: {  	[hbm4b:s1+s4] =	stream.strided.scatter [tilespmem:s2], [sflag:$0x3], $0x8000, s8, s4, $0x38;
	[tilespmem:$0x10000] =	vst v63  }
0x13b: {  	_ =	swait.ge [sflag:s13], $0x8000  }
0x13c: {  	[sflag:s13] =	ssyncset.done $0x0  }
0x13d: {  	[sflag:s13] =	ssyncadd.s32 $0xFFFF8000  }
0x13e: {  	_ =	swait.ge [sflag:s7], $0x8000  }
0x13f: {  	s0 =	sld [smem:$0x7F2]  }
0x140: {  	[sflag:s7] =	ssyncset.done $0x0  }
0x141: {  	s1 =	sld [smem:$0x7F3];
	[sflag:s7] =	ssyncadd.s32 $0xFFFF8000  }
0x142: {  	[tilespmem:s2], [sflag:$0x1] =	stream.strided.gather [hbm4b:s0+s4], $0x8000, s8, s4, $0x38;
	[tilespmem:$0x10000] =	vst v63  }
0x143: {  	_ = 	snop  }
0x144: {  	[hbm4b:s1+s4] =	stream.strided.scatter [tilespmem:s9], [sflag:$0x4], $0x8000, s8, s4, $0x38;
	[tilespmem:$0x10000] =	vst v63  }
0x145: {  	_ =	swait.ge [sflag:s16], $0x8000  }
0x146: {  	[sflag:s16] =	ssyncset.done $0x0  }
0x147: {  	[sflag:s16] =	ssyncadd.s32 $0xFFFF8000  }
0x148: {  	_ =	swait.ge [sflag:s10], $0x8000  }
0x149: {  	s0 =	sld [smem:$0x7F4]  }
0x14a: {  	[sflag:s10] =	ssyncset.done $0x0  }
0x14b: {  	s1 =	sld [smem:$0x7F5];
	[sflag:s10] =	ssyncadd.s32 $0xFFFF8000  }
0x14c: {  	[tilespmem:s9], [sflag:$0x2] =	stream.strided.gather [hbm4b:s0+s4], $0x8000, s8, s4, $0x38;
	[tilespmem:$0x10000] =	vst v63  }
0x14d: {  	_ = 	snop  }
0x14e: {  	[hbm4b:s1+s4] =	stream.strided.scatter [tilespmem:s2], [sflag:$0x3], $0x8000, s8, s4, $0x38;
	[tilespmem:$0x10000] =	vst v63  }
0x14f: {  	_ =	swait.ge [sflag:s13], $0x8000  }
0x150: {  	[sflag:s13] =	ssyncset.done $0x0  }
0x151: {  	[sflag:s13] =	ssyncadd.s32 $0xFFFF8000  }
0x152: {  	_ =	swait.ge [sflag:s7], $0x8000  }
0x153: {  	s0 =	sld [smem:$0x7F6]  }
0x154: {  	[sflag:s7] =	ssyncset.done $0x0  }
0x155: {  	s1 =	sld [smem:$0x7F7];
	[sflag:s7] =	ssyncadd.s32 $0xFFFF8000  }
0x156: {  	[tilespmem:s2], [sflag:$0x1] =	stream.strided.gather [hbm4b:s0+s4], $0x8000, s8, s4, $0x38;
	[tilespmem:$0x10000] =	vst v63  }
0x157: {  	_ = 	snop  }
0x158: {  	[hbm4b:s1+s4] =	stream.strided.scatter [tilespmem:s9], [sflag:$0x4], $0x8000, s8, s4, $0x38;
	[tilespmem:$0x10000] =	vst v63  }
0x159: {  	_ =	swait.ge [sflag:s16], $0x8000  }
0x15a: {  	[sflag:s16] =	ssyncset.done $0x0  }
0x15b: {  	[sflag:s16] =	ssyncadd.s32 $0xFFFF8000  }
0x15c: {  	_ =	swait.ge [sflag:s10], $0x8000  }
0x15d: {  	s0 =	sld [smem:$0x7F8]  }
0x15e: {  	[sflag:s10] =	ssyncset.done $0x0  }
0x15f: {  	s1 =	sld [smem:$0x7F9];
	[sflag:s10] =	ssyncadd.s32 $0xFFFF8000  }
0x160: {  	[tilespmem:s9], [sflag:$0x2] =	stream.strided.gather [hbm4b:s0+s4], $0x8000, s8, s4, $0x38;
	[tilespmem:$0x10000] =	vst v63  }
0x161: {  	_ = 	snop  }
0x162: {  	[hbm4b:s1+s4] =	stream.strided.scatter [tilespmem:s2], [sflag:$0x3], $0x8000, s8, s4, $0x38;
	[tilespmem:$0x10000] =	vst v63  }
0x163: {  	_ =	swait.ge [sflag:s13], $0x8000  }
0x164: {  	[sflag:s13] =	ssyncset.done $0x0  }
0x165: {  	[sflag:s13] =	ssyncadd.s32 $0xFFFF8000  }
0x166: {  	_ =	swait.ge [sflag:s7], $0x8000  }
0x167: {  	s0 =	sld [smem:$0x7FA]  }
0x168: {  	[sflag:s7] =	ssyncset.done $0x0  }
0x169: {  	s1 =	sld [smem:$0x7FB];
	[sflag:s7] =	ssyncadd.s32 $0xFFFF8000  }
0x16a: {  	[tilespmem:s2], [sflag:$0x1] =	stream.strided.gather [hbm4b:s0+s4], $0x8000, s8, s4, $0x38;
	[tilespmem:$0x10000] =	vst v63  }
0x16b: {  	_ = 	snop  }
0x16c: {  	[hbm4b:s1+s4] =	stream.strided.scatter [tilespmem:s9], [sflag:$0x4], $0x8000, s8, s4, $0x38;
	[tilespmem:$0x10000] =	vst v63  }
0x16d: {  	_ =	swait.ge [sflag:s16], $0x8000  }
0x16e: {  	[sflag:s16] =	ssyncset.done $0x0  }
0x16f: {  	[sflag:s16] =	ssyncadd.s32 $0xFFFF8000  }
0x170: {  	_ =	swait.ge [sflag:s10], $0x8000  }
0x171: {  	s0 =	sld [smem:$0x7FC]  }
0x172: {  	[sflag:s10] =	ssyncset.done $0x0  }
0x173: {  	s1 =	sld [smem:$0x7FD];
	[sflag:s10] =	ssyncadd.s32 $0xFFFF8000  }
0x174: {  	[tilespmem:s9], [sflag:$0x2] =	stream.strided.gather [hbm4b:s0+s4], $0x8000, s8, s4, $0x38;
	[tilespmem:$0x10000] =	vst v63  }
0x175: {  	_ = 	snop  }
0x176: {  	[hbm4b:s1+s4] =	stream.strided.scatter [tilespmem:s2], [sflag:$0x3], $0x8000, s8, s4, $0x38;
	[tilespmem:$0x10000] =	vst v63  }
0x177: {  	_ =	swait.ge [sflag:s13], $0x8000  }
0x178: {  	[sflag:s13] =	ssyncset.done $0x0  }
0x179: {  	[sflag:s13] =	ssyncadd.s32 $0xFFFF8000  }
0x17a: {  	_ =	swait.ge [sflag:s7], $0x8000  }
0x17b: {  	[sflag:s7] =	ssyncset.done $0x0  }
0x17c: {  	[sflag:s7] =	ssyncadd.s32 $0xFFFF8000  }
0x17d: {  	[tilespmem:s2], [sflag:$0x1] =	stream.strided.gather [hbm4b:s30+s4], $0x8000, s8, s4, $0x38;
	[tilespmem:$0x10000] =	vst v63  }
0x17e: {  	_ = 	snop  }
0x17f: {  	[hbm4b:s31+s4] =	stream.strided.scatter [tilespmem:s9], [sflag:$0x4], $0x8000, s8, s4, $0x38;
	[tilespmem:$0x10000] =	vst v63  }
0x180: {  	_ =	swait.ge [sflag:s16], $0x8000  }
0x181: {  	[sflag:s16] =	ssyncset.done $0x0  }
0x182: {  	[sflag:s16] =	ssyncadd.s32 $0xFFFF8000  }
0x183: {  	_ =	swait.ge [sflag:s10], $0x8000  }
0x184: {  	[sflag:s10] =	ssyncset.done $0x0  }
0x185: {  	[sflag:s10] =	ssyncadd.s32 $0xFFFF8000  }
0x186: {  	[tilespmem:s9], [sflag:$0x2] =	stream.strided.gather [hbm4b:s28+s4], $0x8000, s8, s4, $0x38;
	[tilespmem:$0x10000] =	vst v63  }
0x187: {  	_ = 	snop  }
0x188: {  	[hbm4b:s29+s4] =	stream.strided.scatter [tilespmem:s2], [sflag:$0x3], $0x8000, s8, s4, $0x38;
	[tilespmem:$0x10000] =	vst v63  }
0x189: {  	_ =	swait.ge [sflag:s13], $0x8000  }
0x18a: {  	[sflag:s13] =	ssyncset.done $0x0  }
0x18b: {  	[sflag:s13] =	ssyncadd.s32 $0xFFFF8000  }
0x18c: {  	_ =	swait.ge [sflag:s7], $0x8000  }
0x18d: {  	[sflag:s7] =	ssyncset.done $0x0  }
0x18e: {  	[sflag:s7] =	ssyncadd.s32 $0xFFFF8000  }
0x18f: {  	[tilespmem:s2], [sflag:$0x1] =	stream.strided.gather [hbm4b:s25+s4], $0x8000, s8, s4, $0x38;
	[tilespmem:$0x10000] =	vst v63  }
0x190: {  	_ = 	snop  }
0x191: {  	[hbm4b:s26+s4] =	stream.strided.scatter [tilespmem:s9], [sflag:$0x4], $0x8000, s8, s4, $0x38;
	[tilespmem:$0x10000] =	vst v63  }
0x192: {  	_ =	swait.ge [sflag:s16], $0x8000  }
0x193: {  	[sflag:s16] =	ssyncset.done $0x0  }
0x194: {  	[sflag:s16] =	ssyncadd.s32 $0xFFFF8000  }
0x195: {  	_ =	swait.ge [sflag:s10], $0x8000  }
0x196: {  	[sflag:s10] =	ssyncset.done $0x0  }
0x197: {  	[sflag:s10] =	ssyncadd.s32 $0xFFFF8000  }
0x198: {  	[tilespmem:s9], [sflag:$0x2] =	stream.strided.gather [hbm4b:s23+s4], $0x8000, s8, s4, $0x38;
	[tilespmem:$0x10000] =	vst v63  }
0x199: {  	_ = 	snop  }
0x19a: {  	[hbm4b:s24+s4] =	stream.strided.scatter [tilespmem:s2], [sflag:$0x3], $0x8000, s8, s4, $0x38;
	[tilespmem:$0x10000] =	vst v63  }
0x19b: {  	_ =	swait.ge [sflag:s13], $0x8000  }
0x19c: {  	[sflag:s13] =	ssyncset.done $0x0  }
0x19d: {  	[sflag:s13] =	ssyncadd.s32 $0xFFFF8000  }
0x19e: {  	_ =	swait.ge [sflag:s7], $0x8000  }
0x19f: {  	[sflag:s7] =	ssyncset.done $0x0  }
0x1a0: {  	[sflag:s7] =	ssyncadd.s32 $0xFFFF8000  }
0x1a1: {  	[tilespmem:s2], [sflag:$0x1] =	stream.strided.gather [hbm4b:s21+s4], $0x8000, s8, s4, $0x38;
	[tilespmem:$0x10000] =	vst v63  }
0x1a2: {  	_ = 	snop  }
0x1a3: {  	[hbm4b:s22+s4] =	stream.strided.scatter [tilespmem:s9], [sflag:$0x4], $0x8000, s8, s4, $0x38;
	[tilespmem:$0x10000] =	vst v63  }
0x1a4: {  	_ =	swait.ge [sflag:s16], $0x8000  }
0x1a5: {  	[sflag:s16] =	ssyncset.done $0x0  }
0x1a6: {  	[sflag:s16] =	ssyncadd.s32 $0xFFFF8000  }
0x1a7: {  	_ =	swait.ge [sflag:s10], $0x8000  }
0x1a8: {  	[sflag:s10] =	ssyncset.done $0x0  }
0x1a9: {  	[sflag:s10] =	ssyncadd.s32 $0xFFFF8000  }
0x1aa: {  	[tilespmem:s9], [sflag:$0x2] =	stream.strided.gather [hbm4b:s19+s4], $0x8000, s8, s4, $0x38;
	[tilespmem:$0x10000] =	vst v63  }
0x1ab: {  	_ = 	snop  }
0x1ac: {  	[hbm4b:s20+s4] =	stream.strided.scatter [tilespmem:s2], [sflag:$0x3], $0x8000, s8, s4, $0x38;
	[tilespmem:$0x10000] =	vst v63  }
0x1ad: {  	_ =	swait.ge [sflag:s13], $0x8000  }
0x1ae: {  	[sflag:s13] =	ssyncset.done $0x0  }
0x1af: {  	[sflag:s13] =	ssyncadd.s32 $0xFFFF8000  }
0x1b0: {  	_ =	swait.ge [sflag:s7], $0x8000  }
0x1b1: {  	[sflag:s7] =	ssyncset.done $0x0  }
0x1b2: {  	[sflag:s7] =	ssyncadd.s32 $0xFFFF8000  }
0x1b3: {  	[tilespmem:s2], [sflag:$0x1] =	stream.strided.gather [hbm4b:s17+s4], $0x8000, s8, s4, $0x38;
	[tilespmem:$0x10000] =	vst v63  }
0x1b4: {  	_ = 	snop  }
0x1b5: {  	[hbm4b:s18+s4] =	stream.strided.scatter [tilespmem:s9], [sflag:$0x4], $0x8000, s8, s4, $0x38;
	[tilespmem:$0x10000] =	vst v63  }
0x1b6: {  	_ =	swait.ge [sflag:s16], $0x8000  }
0x1b7: {  	[sflag:s16] =	ssyncset.done $0x0  }
0x1b8: {  	[sflag:s16] =	ssyncadd.s32 $0xFFFF8000  }
0x1b9: {  	_ =	swait.ge [sflag:s10], $0x8000  }
0x1ba: {  	[sflag:s10] =	ssyncset.done $0x0  }
0x1bb: {  	[sflag:s10] =	ssyncadd.s32 $0xFFFF8000  }
0x1bc: {  	[tilespmem:s9], [sflag:$0x2] =	stream.strided.gather [hbm4b:s14+s4], $0x8000, s8, s4, $0x38;
	[tilespmem:$0x10000] =	vst v63  }
0x1bd: {  	_ = 	snop  }
0x1be: {  	[hbm4b:s15+s4] =	stream.strided.scatter [tilespmem:s2], [sflag:$0x3], $0x8000, s8, s4, $0x38;
	[tilespmem:$0x10000] =	vst v63  }
0x1bf: {  	_ =	swait.ge [sflag:s13], $0x8000  }
0x1c0: {  	[sflag:s13] =	ssyncset.done $0x0  }
0x1c1: {  	[sflag:s13] =	ssyncadd.s32 $0xFFFF8000  }
0x1c2: {  	_ =	swait.ge [sflag:s7], $0x8000  }
0x1c3: {  	[sflag:s7] =	ssyncset.done $0x0  }
0x1c4: {  	[sflag:s7] =	ssyncadd.s32 $0xFFFF8000  }
0x1c5: {  	[tilespmem:s2], [sflag:$0x1] =	stream.strided.gather [hbm4b:s11+s4], $0x8000, s8, s4, $0x38;
	[tilespmem:$0x10000] =	vst v63  }
0x1c6: {  	_ = 	snop  }
0x1c7: {  	[hbm4b:s12+s4] =	stream.strided.scatter [tilespmem:s9], [sflag:$0x4], $0x8000, s8, s4, $0x38;
	[tilespmem:$0x10000] =	vst v63  }
0x1c8: {  	_ =	swait.ge [sflag:s16], $0x8000  }
0x1c9: {  	[sflag:s16] =	ssyncset.done $0x0  }
0x1ca: {  	[sflag:s16] =	ssyncadd.s32 $0xFFFF8000  }
0x1cb: {  	_ =	swait.ge [sflag:s10], $0x8000  }
0x1cc: {  	[sflag:s10] =	ssyncset.done $0x0  }
0x1cd: {  	[sflag:s10] =	ssyncadd.s32 $0xFFFF8000  }
0x1ce: {  	[tilespmem:s9], [sflag:$0x2] =	stream.strided.gather [hbm4b:s5+s4], $0x8000, s8, s4, $0x38;
	[tilespmem:$0x10000] =	vst v63  }
0x1cf: {  	_ = 	snop  }
0x1d0: {  	[hbm4b:s6+s4] =	stream.strided.scatter [tilespmem:s2], [sflag:$0x3], $0x8000, s8, s4, $0x38;
	[tilespmem:$0x10000] =	vst v63  }
0x1d1: {  	_ =	swait.ge [sflag:s13], $0x8000  }
0x1d2: {  	[sflag:s13] =	ssyncset.done $0x0  }
0x1d3: {  	[sflag:s13] =	ssyncadd.s32 $0xFFFF8000  }
0x1d4: {  	[hbm4b:s3+s4] =	stream.strided.scatter [tilespmem:s9], [sflag:$0x4], $0x8000, s8, s4, $0x38;
	[tilespmem:$0x10000] =	vst v63  }
0x1d5: {  	_ =	swait.ge [sflag:s10], $0x8000  }
0x1d6: {  	s1 =	sld [smem:$0x7DA];
	_ =	sdelay $0x2  }
0x1d7: {  	p1 =	sne.s32 s1, $0x1  }
.Ltmp1:
0x1d8: {  	[sflag:s10] =	ssyncset.done $0x0;
	(pc) =	sbr.rel @!p1 .LBB2_3-.Ltmp1, $4  }
0x1d9: {  	[sflag:s10] =	ssyncadd.s32 $0xFFFF8000  }
0x1da: {  	_ =	swait.ge [sflag:s7], $0x8000  }
0x1db: {  	s0 =	sadd.s32 $0xFFFFFFFF, s1;
	s1 =	rddreg [dreg:$0x3]  }
0x1dc: {  	p0 =	por $0x1, $0x1;
	[sflag:s7] =	ssyncset.done $0x0;
	[smem:$0x7DB] =	sst s31  }
.LBB2_2:
0x1dd: {  	[sflag:s7] =	ssyncadd.s32 $0xFFFF8000;
	s31 =	smov.u32 s30  }
0x1de: {  	s30 =	smov.u32 s29;
	s29 =	smov.u32 s28;
	s28 =	smov.u32 s26  }
0x1df: {  	s26 =	smov.u32 s25;
	s25 =	smov.u32 s24;
	s24 =	smov.u32 s23  }
0x1e0: {  	s23 =	smov.u32 s22;
	s22 =	smov.u32 s21;
	s21 =	smov.u32 s20  }
0x1e1: {  	s20 =	smov.u32 s19;
	s19 =	smov.u32 s18;
	s18 =	smov.u32 s17  }
0x1e2: {  	[tilespmem:s2], [sflag:$0x1] =	stream.strided.gather [hbm4b:s1+s4], $0x8000, s8, s4, $0x38;
	[tilespmem:$0x10000] =	vst v63  }
0x1e3: {  	s17 =	smov.u32 s15;
	s15 =	smov.u32 s14;
	_ =	swait.ge [sflag:s16], $0x8000  }
0x1e4: {  	s14 =	smov.u32 s12;
	s12 =	smov.u32 s11;
	[sflag:s16] =	ssyncset.done $0x0  }
0x1e5: {  	s11 =	smov.u32 s6;
	s1 =	rddreg [dreg:$0x4];
	[sflag:s16] =	ssyncadd.s32 $0xFFFF8000  }
0x1e6: {  	[tilespmem:s9], [sflag:$0x2] =	stream.strided.gather [hbm4b:s1+s4], $0x8000, s8, s4, $0x38;
	[tilespmem:$0x10000] =	vst v63  }
0x1e7: {  	s6 =	smov.u32 s5;
	s5 =	smov.u32 s3;
	s3 =	rddreg [dreg:$0x5]  }
0x1e8: {  	[hbm4b:s3+s4] =	stream.strided.scatter [tilespmem:s2], [sflag:$0x3], $0x8000, s8, s4, $0x38;
	[tilespmem:$0x10000] =	vst v63  }
0x1e9: {  	_ =	swait.ge [sflag:s13], $0x8000  }
0x1ea: {  	[sflag:s13] =	ssyncset.done $0x0  }
0x1eb: {  	[sflag:s13] =	ssyncadd.s32 $0xFFFF8000  }
0x1ec: {  	_ =	swait.ge [sflag:s7], $0x8000  }
0x1ed: {  	[sflag:s7] =	ssyncset.done $0x0  }
0x1ee: {  	s1 =	rddreg [dreg:$0x6];
	[sflag:s7] =	ssyncadd.s32 $0xFFFF8000  }
0x1ef: {  	[tilespmem:s2], [sflag:$0x1] =	stream.strided.gather [hbm4b:s1+s4], $0x8000, s8, s4, $0x38;
	[tilespmem:$0x10000] =	vst v63  }
0x1f0: {  	s3 =	rddreg [dreg:$0x7]  }
0x1f1: {  	[hbm4b:s3+s4] =	stream.strided.scatter [tilespmem:s9], [sflag:$0x4], $0x8000, s8, s4, $0x38;
	[tilespmem:$0x10000] =	vst v63  }
0x1f2: {  	_ =	swait.ge [sflag:s16], $0x8000  }
0x1f3: {  	[sflag:s16] =	ssyncset.done $0x0  }
0x1f4: {  	[sflag:s16] =	ssyncadd.s32 $0xFFFF8000  }
0x1f5: {  	_ =	swait.ge [sflag:s10], $0x8000  }
0x1f6: {  	[sflag:s10] =	ssyncset.done $0x0  }
0x1f7: {  	s1 =	rddreg [dreg:$0x8];
	[sflag:s10] =	ssyncadd.s32 $0xFFFF8000  }
0x1f8: {  	[tilespmem:s9], [sflag:$0x2] =	stream.strided.gather [hbm4b:s1+s4], $0x8000, s8, s4, $0x38;
	[tilespmem:$0x10000] =	vst v63  }
0x1f9: {  	s3 =	rddreg [dreg:$0x9]  }
0x1fa: {  	[hbm4b:s3+s4] =	stream.strided.scatter [tilespmem:s2], [sflag:$0x3], $0x8000, s8, s4, $0x38;
	[tilespmem:$0x10000] =	vst v63  }
0x1fb: {  	_ =	swait.ge [sflag:s13], $0x8000  }
0x1fc: {  	[sflag:s13] =	ssyncset.done $0x0  }
0x1fd: {  	[sflag:s13] =	ssyncadd.s32 $0xFFFF8000  }
0x1fe: {  	_ =	swait.ge [sflag:s7], $0x8000  }
0x1ff: {  	[sflag:s7] =	ssyncset.done $0x0  }
0x200: {  	s1 =	rddreg [dreg:$0xa];
	[sflag:s7] =	ssyncadd.s32 $0xFFFF8000  }
0x201: {  	[tilespmem:s2], [sflag:$0x1] =	stream.strided.gather [hbm4b:s1+s4], $0x8000, s8, s4, $0x38;
	[tilespmem:$0x10000] =	vst v63  }
0x202: {  	s3 =	rddreg [dreg:$0xb]  }
0x203: {  	[hbm4b:s3+s4] =	stream.strided.scatter [tilespmem:s9], [sflag:$0x4], $0x8000, s8, s4, $0x38;
	[tilespmem:$0x10000] =	vst v63  }
0x204: {  	_ =	swait.ge [sflag:s16], $0x8000  }
0x205: {  	[sflag:s16] =	ssyncset.done $0x0  }
0x206: {  	[sflag:s16] =	ssyncadd.s32 $0xFFFF8000  }
0x207: {  	_ =	swait.ge [sflag:s10], $0x8000  }
0x208: {  	[sflag:s10] =	ssyncset.done $0x0  }
0x209: {  	s1 =	rddreg [dreg:$0xc];
	[sflag:s10] =	ssyncadd.s32 $0xFFFF8000  }
0x20a: {  	[tilespmem:s9], [sflag:$0x2] =	stream.strided.gather [hbm4b:s1+s4], $0x8000, s8, s4, $0x38;
	[tilespmem:$0x10000] =	vst v63  }
0x20b: {  	s3 =	rddreg [dreg:$0xd]  }
0x20c: {  	[hbm4b:s3+s4] =	stream.strided.scatter [tilespmem:s2], [sflag:$0x3], $0x8000, s8, s4, $0x38;
	[tilespmem:$0x10000] =	vst v63  }
0x20d: {  	_ =	swait.ge [sflag:s13], $0x8000  }
0x20e: {  	[sflag:s13] =	ssyncset.done $0x0  }
0x20f: {  	[sflag:s13] =	ssyncadd.s32 $0xFFFF8000  }
0x210: {  	_ =	swait.ge [sflag:s7], $0x8000  }
0x211: {  	[sflag:s7] =	ssyncset.done $0x0  }
0x212: {  	s1 =	rddreg [dreg:$0xe];
	[sflag:s7] =	ssyncadd.s32 $0xFFFF8000  }
0x213: {  	[tilespmem:s2], [sflag:$0x1] =	stream.strided.gather [hbm4b:s1+s4], $0x8000, s8, s4, $0x38;
	[tilespmem:$0x10000] =	vst v63  }
0x214: {  	s3 =	rddreg [dreg:$0xf]  }
0x215: {  	[hbm4b:s3+s4] =	stream.strided.scatter [tilespmem:s9], [sflag:$0x4], $0x8000, s8, s4, $0x38;
	[tilespmem:$0x10000] =	vst v63  }
0x216: {  	_ =	swait.ge [sflag:s16], $0x8000  }
0x217: {  	[sflag:s16] =	ssyncset.done $0x0  }
0x218: {  	[sflag:s16] =	ssyncadd.s32 $0xFFFF8000  }
0x219: {  	_ =	swait.ge [sflag:s10], $0x8000  }
0x21a: {  	[sflag:s10] =	ssyncset.done $0x0  }
0x21b: {  	s1 =	rddreg [dreg:$0x10];
	[sflag:s10] =	ssyncadd.s32 $0xFFFF8000  }
0x21c: {  	[tilespmem:s9], [sflag:$0x2] =	stream.strided.gather [hbm4b:s1+s4], $0x8000, s8, s4, $0x38;
	[tilespmem:$0x10000] =	vst v63  }
0x21d: {  	s3 =	rddreg [dreg:$0x11]  }
0x21e: {  	[hbm4b:s3+s4] =	stream.strided.scatter [tilespmem:s2], [sflag:$0x3], $0x8000, s8, s4, $0x38;
	[tilespmem:$0x10000] =	vst v63  }
0x21f: {  	_ =	swait.ge [sflag:s13], $0x8000  }
0x220: {  	[sflag:s13] =	ssyncset.done $0x0  }
0x221: {  	[sflag:s13] =	ssyncadd.s32 $0xFFFF8000  }
0x222: {  	_ =	swait.ge [sflag:s7], $0x8000  }
0x223: {  	[sflag:s7] =	ssyncset.done $0x0  }
0x224: {  	s1 =	rddreg [dreg:$0x12];
	[sflag:s7] =	ssyncadd.s32 $0xFFFF8000  }
0x225: {  	[tilespmem:s2], [sflag:$0x1] =	stream.strided.gather [hbm4b:s1+s4], $0x8000, s8, s4, $0x38;
	[tilespmem:$0x10000] =	vst v63  }
0x226: {  	s3 =	rddreg [dreg:$0x13]  }
0x227: {  	[hbm4b:s3+s4] =	stream.strided.scatter [tilespmem:s9], [sflag:$0x4], $0x8000, s8, s4, $0x38;
	[tilespmem:$0x10000] =	vst v63  }
0x228: {  	_ =	swait.ge [sflag:s16], $0x8000  }
0x229: {  	[sflag:s16] =	ssyncset.done $0x0  }
0x22a: {  	[sflag:s16] =	ssyncadd.s32 $0xFFFF8000  }
0x22b: {  	_ =	swait.ge [sflag:s10], $0x8000  }
0x22c: {  	[sflag:s10] =	ssyncset.done $0x0  }
0x22d: {  	s1 =	rddreg [dreg:$0x14];
	[sflag:s10] =	ssyncadd.s32 $0xFFFF8000  }
0x22e: {  	[tilespmem:s9], [sflag:$0x2] =	stream.strided.gather [hbm4b:s1+s4], $0x8000, s8, s4, $0x38;
	[tilespmem:$0x10000] =	vst v63  }
0x22f: {  	s3 =	rddreg [dreg:$0x15]  }
0x230: {  	[hbm4b:s3+s4] =	stream.strided.scatter [tilespmem:s2], [sflag:$0x3], $0x8000, s8, s4, $0x38;
	[tilespmem:$0x10000] =	vst v63  }
0x231: {  	_ =	swait.ge [sflag:s13], $0x8000  }
0x232: {  	[sflag:s13] =	ssyncset.done $0x0  }
0x233: {  	[sflag:s13] =	ssyncadd.s32 $0xFFFF8000  }
0x234: {  	_ =	swait.ge [sflag:s7], $0x8000  }
0x235: {  	[sflag:s7] =	ssyncset.done $0x0  }
0x236: {  	s1 =	rddreg [dreg:$0x16];
	[sflag:s7] =	ssyncadd.s32 $0xFFFF8000  }
0x237: {  	[tilespmem:s2], [sflag:$0x1] =	stream.strided.gather [hbm4b:s1+s4], $0x8000, s8, s4, $0x38;
	[tilespmem:$0x10000] =	vst v63  }
0x238: {  	s3 =	rddreg [dreg:$0x17]  }
0x239: {  	[hbm4b:s3+s4] =	stream.strided.scatter [tilespmem:s9], [sflag:$0x4], $0x8000, s8, s4, $0x38;
	[tilespmem:$0x10000] =	vst v63  }
0x23a: {  	_ =	swait.ge [sflag:s16], $0x8000  }
0x23b: {  	[sflag:s16] =	ssyncset.done $0x0  }
0x23c: {  	[sflag:s16] =	ssyncadd.s32 $0xFFFF8000  }
0x23d: {  	_ =	swait.ge [sflag:s10], $0x8000  }
0x23e: {  	[sflag:s10] =	ssyncset.done $0x0  }
0x23f: {  	s1 =	rddreg [dreg:$0x18];
	[sflag:s10] =	ssyncadd.s32 $0xFFFF8000  }
0x240: {  	[tilespmem:s9], [sflag:$0x2] =	stream.strided.gather [hbm4b:s1+s4], $0x8000, s8, s4, $0x38;
	[tilespmem:$0x10000] =	vst v63  }
0x241: {  	s3 =	rddreg [dreg:$0x19]  }
0x242: {  	[hbm4b:s3+s4] =	stream.strided.scatter [tilespmem:s2], [sflag:$0x3], $0x8000, s8, s4, $0x38;
	[tilespmem:$0x10000] =	vst v63  }
0x243: {  	_ =	swait.ge [sflag:s13], $0x8000  }
0x244: {  	[sflag:s13] =	ssyncset.done $0x0  }
0x245: {  	[sflag:s13] =	ssyncadd.s32 $0xFFFF8000  }
0x246: {  	_ =	swait.ge [sflag:s7], $0x8000  }
0x247: {  	[sflag:s7] =	ssyncset.done $0x0  }
0x248: {  	s1 =	rddreg [dreg:$0x1a];
	[sflag:s7] =	ssyncadd.s32 $0xFFFF8000  }
0x249: {  	[tilespmem:s2], [sflag:$0x1] =	stream.strided.gather [hbm4b:s1+s4], $0x8000, s8, s4, $0x38;
	[tilespmem:$0x10000] =	vst v63  }
0x24a: {  	s3 =	rddreg [dreg:$0x1b]  }
0x24b: {  	[hbm4b:s3+s4] =	stream.strided.scatter [tilespmem:s9], [sflag:$0x4], $0x8000, s8, s4, $0x38;
	[tilespmem:$0x10000] =	vst v63  }
0x24c: {  	_ =	swait.ge [sflag:s16], $0x8000  }
0x24d: {  	[sflag:s16] =	ssyncset.done $0x0  }
0x24e: {  	[sflag:s16] =	ssyncadd.s32 $0xFFFF8000  }
0x24f: {  	_ =	swait.ge [sflag:s10], $0x8000  }
0x250: {  	[sflag:s10] =	ssyncset.done $0x0  }
0x251: {  	s1 =	rddreg [dreg:$0x1c];
	[sflag:s10] =	ssyncadd.s32 $0xFFFF8000  }
0x252: {  	[tilespmem:s9], [sflag:$0x2] =	stream.strided.gather [hbm4b:s1+s4], $0x8000, s8, s4, $0x38;
	[tilespmem:$0x10000] =	vst v63  }
0x253: {  	s3 =	rddreg [dreg:$0x1d]  }
0x254: {  	[hbm4b:s3+s4] =	stream.strided.scatter [tilespmem:s2], [sflag:$0x3], $0x8000, s8, s4, $0x38;
	[tilespmem:$0x10000] =	vst v63  }
0x255: {  	_ =	swait.ge [sflag:s13], $0x8000  }
0x256: {  	[sflag:s13] =	ssyncset.done $0x0  }
0x257: {  	[sflag:s13] =	ssyncadd.s32 $0xFFFF8000  }
0x258: {  	_ =	swait.ge [sflag:s7], $0x8000  }
0x259: {  	[sflag:s7] =	ssyncset.done $0x0  }
0x25a: {  	s1 =	rddreg [dreg:$0x1e];
	[sflag:s7] =	ssyncadd.s32 $0xFFFF8000  }
0x25b: {  	[tilespmem:s2], [sflag:$0x1] =	stream.strided.gather [hbm4b:s1+s4], $0x8000, s8, s4, $0x38;
	[tilespmem:$0x10000] =	vst v63  }
0x25c: {  	s3 =	rddreg [dreg:$0x1f]  }
0x25d: {  	[hbm4b:s3+s4] =	stream.strided.scatter [tilespmem:s9], [sflag:$0x4], $0x8000, s8, s4, $0x38;
	[tilespmem:$0x10000] =	vst v63  }
0x25e: {  	_ =	swait.ge [sflag:s16], $0x8000  }
0x25f: {  	[sflag:s16] =	ssyncset.done $0x0  }
0x260: {  	[sflag:s16] =	ssyncadd.s32 $0xFFFF8000  }
0x261: {  	_ =	swait.ge [sflag:s10], $0x8000  }
0x262: {  	s1 =	sld [smem:$0x7DC]  }
0x263: {  	[sflag:s10] =	ssyncset.done $0x0  }
0x264: {  	s3 =	sld [smem:$0x7DD];
	[sflag:s10] =	ssyncadd.s32 $0xFFFF8000  }
0x265: {  	[tilespmem:s9], [sflag:$0x2] =	stream.strided.gather [hbm4b:s1+s4], $0x8000, s8, s4, $0x38;
	[tilespmem:$0x10000] =	vst v63  }
0x266: {  	_ = 	snop  }
0x267: {  	[hbm4b:s3+s4] =	stream.strided.scatter [tilespmem:s2], [sflag:$0x3], $0x8000, s8, s4, $0x38;
	[tilespmem:$0x10000] =	vst v63  }
0x268: {  	_ =	swait.ge [sflag:s13], $0x8000  }
0x269: {  	[sflag:s13] =	ssyncset.done $0x0  }
0x26a: {  	[sflag:s13] =	ssyncadd.s32 $0xFFFF8000  }
0x26b: {  	_ =	swait.ge [sflag:s7], $0x8000  }
0x26c: {  	s1 =	sld [smem:$0x7DE]  }
0x26d: {  	[sflag:s7] =	ssyncset.done $0x0  }
0x26e: {  	s3 =	sld [smem:$0x7DF];
	[sflag:s7] =	ssyncadd.s32 $0xFFFF8000  }
0x26f: {  	[tilespmem:s2], [sflag:$0x1] =	stream.strided.gather [hbm4b:s1+s4], $0x8000, s8, s4, $0x38;
	[tilespmem:$0x10000] =	vst v63  }
0x270: {  	_ = 	snop  }
0x271: {  	[hbm4b:s3+s4] =	stream.strided.scatter [tilespmem:s9], [sflag:$0x4], $0x8000, s8, s4, $0x38;
	[tilespmem:$0x10000] =	vst v63  }
0x272: {  	_ =	swait.ge [sflag:s16], $0x8000  }
0x273: {  	[sflag:s16] =	ssyncset.done $0x0  }
0x274: {  	[sflag:s16] =	ssyncadd.s32 $0xFFFF8000  }
0x275: {  	_ =	swait.ge [sflag:s10], $0x8000  }
0x276: {  	s1 =	sld [smem:$0x7E0]  }
0x277: {  	[sflag:s10] =	ssyncset.done $0x0  }
0x278: {  	s3 =	sld [smem:$0x7E1];
	[sflag:s10] =	ssyncadd.s32 $0xFFFF8000  }
0x279: {  	[tilespmem:s9], [sflag:$0x2] =	stream.strided.gather [hbm4b:s1+s4], $0x8000, s8, s4, $0x38;
	[tilespmem:$0x10000] =	vst v63  }
0x27a: {  	_ = 	snop  }
0x27b: {  	[hbm4b:s3+s4] =	stream.strided.scatter [tilespmem:s2], [sflag:$0x3], $0x8000, s8, s4, $0x38;
	[tilespmem:$0x10000] =	vst v63  }
0x27c: {  	_ =	swait.ge [sflag:s13], $0x8000  }
0x27d: {  	[sflag:s13] =	ssyncset.done $0x0  }
0x27e: {  	[sflag:s13] =	ssyncadd.s32 $0xFFFF8000  }
0x27f: {  	_ =	swait.ge [sflag:s7], $0x8000  }
0x280: {  	s1 =	sld [smem:$0x7E2]  }
0x281: {  	[sflag:s7] =	ssyncset.done $0x0  }
0x282: {  	s3 =	sld [smem:$0x7E3];
	[sflag:s7] =	ssyncadd.s32 $0xFFFF8000  }
0x283: {  	[tilespmem:s2], [sflag:$0x1] =	stream.strided.gather [hbm4b:s1+s4], $0x8000, s8, s4, $0x38;
	[tilespmem:$0x10000] =	vst v63  }
0x284: {  	_ = 	snop  }
0x285: {  	[hbm4b:s3+s4] =	stream.strided.scatter [tilespmem:s9], [sflag:$0x4], $0x8000, s8, s4, $0x38;
	[tilespmem:$0x10000] =	vst v63  }
0x286: {  	_ =	swait.ge [sflag:s16], $0x8000  }
0x287: {  	[sflag:s16] =	ssyncset.done $0x0  }
0x288: {  	[sflag:s16] =	ssyncadd.s32 $0xFFFF8000  }
0x289: {  	_ =	swait.ge [sflag:s10], $0x8000  }
0x28a: {  	s1 =	sld [smem:$0x7E4]  }
0x28b: {  	[sflag:s10] =	ssyncset.done $0x0  }
0x28c: {  	s3 =	sld [smem:$0x7E5];
	[sflag:s10] =	ssyncadd.s32 $0xFFFF8000  }
0x28d: {  	[tilespmem:s9], [sflag:$0x2] =	stream.strided.gather [hbm4b:s1+s4], $0x8000, s8, s4, $0x38;
	[tilespmem:$0x10000] =	vst v63  }
0x28e: {  	_ = 	snop  }
0x28f: {  	[hbm4b:s3+s4] =	stream.strided.scatter [tilespmem:s2], [sflag:$0x3], $0x8000, s8, s4, $0x38;
	[tilespmem:$0x10000] =	vst v63  }
0x290: {  	_ =	swait.ge [sflag:s13], $0x8000  }
0x291: {  	[sflag:s13] =	ssyncset.done $0x0  }
0x292: {  	[sflag:s13] =	ssyncadd.s32 $0xFFFF8000  }
0x293: {  	_ =	swait.ge [sflag:s7], $0x8000  }
0x294: {  	s1 =	sld [smem:$0x7E6]  }
0x295: {  	[sflag:s7] =	ssyncset.done $0x0  }
0x296: {  	s3 =	sld [smem:$0x7E7];
	[sflag:s7] =	ssyncadd.s32 $0xFFFF8000  }
0x297: {  	[tilespmem:s2], [sflag:$0x1] =	stream.strided.gather [hbm4b:s1+s4], $0x8000, s8, s4, $0x38;
	[tilespmem:$0x10000] =	vst v63  }
0x298: {  	_ = 	snop  }
0x299: {  	[hbm4b:s3+s4] =	stream.strided.scatter [tilespmem:s9], [sflag:$0x4], $0x8000, s8, s4, $0x38;
	[tilespmem:$0x10000] =	vst v63  }
0x29a: {  	_ =	swait.ge [sflag:s16], $0x8000  }
0x29b: {  	[sflag:s16] =	ssyncset.done $0x0  }
0x29c: {  	[sflag:s16] =	ssyncadd.s32 $0xFFFF8000  }
0x29d: {  	_ =	swait.ge [sflag:s10], $0x8000  }
0x29e: {  	s1 =	sld [smem:$0x7E8]  }
0x29f: {  	[sflag:s10] =	ssyncset.done $0x0  }
0x2a0: {  	s3 =	sld [smem:$0x7E9];
	[sflag:s10] =	ssyncadd.s32 $0xFFFF8000  }
0x2a1: {  	[tilespmem:s9], [sflag:$0x2] =	stream.strided.gather [hbm4b:s1+s4], $0x8000, s8, s4, $0x38;
	[tilespmem:$0x10000] =	vst v63  }
0x2a2: {  	_ = 	snop  }
0x2a3: {  	[hbm4b:s3+s4] =	stream.strided.scatter [tilespmem:s2], [sflag:$0x3], $0x8000, s8, s4, $0x38;
	[tilespmem:$0x10000] =	vst v63  }
0x2a4: {  	_ =	swait.ge [sflag:s13], $0x8000  }
0x2a5: {  	[sflag:s13] =	ssyncset.done $0x0  }
0x2a6: {  	[sflag:s13] =	ssyncadd.s32 $0xFFFF8000  }
0x2a7: {  	_ =	swait.ge [sflag:s7], $0x8000  }
0x2a8: {  	s1 =	sld [smem:$0x7EA]  }
0x2a9: {  	[sflag:s7] =	ssyncset.done $0x0  }
0x2aa: {  	s3 =	sld [smem:$0x7EB];
	[sflag:s7] =	ssyncadd.s32 $0xFFFF8000  }
0x2ab: {  	[tilespmem:s2], [sflag:$0x1] =	stream.strided.gather [hbm4b:s1+s4], $0x8000, s8, s4, $0x38;
	[tilespmem:$0x10000] =	vst v63  }
0x2ac: {  	_ = 	snop  }
0x2ad: {  	[hbm4b:s3+s4] =	stream.strided.scatter [tilespmem:s9], [sflag:$0x4], $0x8000, s8, s4, $0x38;
	[tilespmem:$0x10000] =	vst v63  }
0x2ae: {  	_ =	swait.ge [sflag:s16], $0x8000  }
0x2af: {  	[sflag:s16] =	ssyncset.done $0x0  }
0x2b0: {  	[sflag:s16] =	ssyncadd.s32 $0xFFFF8000  }
0x2b1: {  	_ =	swait.ge [sflag:s10], $0x8000  }
0x2b2: {  	s1 =	sld [smem:$0x7EC]  }
0x2b3: {  	[sflag:s10] =	ssyncset.done $0x0  }
0x2b4: {  	s3 =	sld [smem:$0x7ED];
	[sflag:s10] =	ssyncadd.s32 $0xFFFF8000  }
0x2b5: {  	[tilespmem:s9], [sflag:$0x2] =	stream.strided.gather [hbm4b:s1+s4], $0x8000, s8, s4, $0x38;
	[tilespmem:$0x10000] =	vst v63  }
0x2b6: {  	_ = 	snop  }
0x2b7: {  	[hbm4b:s3+s4] =	stream.strided.scatter [tilespmem:s2], [sflag:$0x3], $0x8000, s8, s4, $0x38;
	[tilespmem:$0x10000] =	vst v63  }
0x2b8: {  	_ =	swait.ge [sflag:s13], $0x8000  }
0x2b9: {  	[sflag:s13] =	ssyncset.done $0x0  }
0x2ba: {  	[sflag:s13] =	ssyncadd.s32 $0xFFFF8000  }
0x2bb: {  	_ =	swait.ge [sflag:s7], $0x8000  }
0x2bc: {  	s1 =	sld [smem:$0x7EE]  }
0x2bd: {  	[sflag:s7] =	ssyncset.done $0x0  }
0x2be: {  	s3 =	sld [smem:$0x7EF];
	[sflag:s7] =	ssyncadd.s32 $0xFFFF8000  }
0x2bf: {  	[tilespmem:s2], [sflag:$0x1] =	stream.strided.gather [hbm4b:s1+s4], $0x8000, s8, s4, $0x38;
	[tilespmem:$0x10000] =	vst v63  }
0x2c0: {  	_ = 	snop  }
0x2c1: {  	[hbm4b:s3+s4] =	stream.strided.scatter [tilespmem:s9], [sflag:$0x4], $0x8000, s8, s4, $0x38;
	[tilespmem:$0x10000] =	vst v63  }
0x2c2: {  	_ =	swait.ge [sflag:s16], $0x8000  }
0x2c3: {  	[sflag:s16] =	ssyncset.done $0x0  }
0x2c4: {  	[sflag:s16] =	ssyncadd.s32 $0xFFFF8000  }
0x2c5: {  	_ =	swait.ge [sflag:s10], $0x8000  }
0x2c6: {  	s1 =	sld [smem:$0x7F0]  }
0x2c7: {  	[sflag:s10] =	ssyncset.done $0x0  }
0x2c8: {  	s3 =	sld [smem:$0x7F1];
	[sflag:s10] =	ssyncadd.s32 $0xFFFF8000  }
0x2c9: {  	[tilespmem:s9], [sflag:$0x2] =	stream.strided.gather [hbm4b:s1+s4], $0x8000, s8, s4, $0x38;
	[tilespmem:$0x10000] =	vst v63  }
0x2ca: {  	_ = 	snop  }
0x2cb: {  	[hbm4b:s3+s4] =	stream.strided.scatter [tilespmem:s2], [sflag:$0x3], $0x8000, s8, s4, $0x38;
	[tilespmem:$0x10000] =	vst v63  }
0x2cc: {  	_ =	swait.ge [sflag:s13], $0x8000  }
0x2cd: {  	[sflag:s13] =	ssyncset.done $0x0  }
0x2ce: {  	[sflag:s13] =	ssyncadd.s32 $0xFFFF8000  }
0x2cf: {  	_ =	swait.ge [sflag:s7], $0x8000  }
0x2d0: {  	s1 =	sld [smem:$0x7F2]  }
0x2d1: {  	[sflag:s7] =	ssyncset.done $0x0  }
0x2d2: {  	s3 =	sld [smem:$0x7F3];
	[sflag:s7] =	ssyncadd.s32 $0xFFFF8000  }
0x2d3: {  	[tilespmem:s2], [sflag:$0x1] =	stream.strided.gather [hbm4b:s1+s4], $0x8000, s8, s4, $0x38;
	[tilespmem:$0x10000] =	vst v63  }
0x2d4: {  	_ = 	snop  }
0x2d5: {  	[hbm4b:s3+s4] =	stream.strided.scatter [tilespmem:s9], [sflag:$0x4], $0x8000, s8, s4, $0x38;
	[tilespmem:$0x10000] =	vst v63  }
0x2d6: {  	_ =	swait.ge [sflag:s16], $0x8000  }
0x2d7: {  	[sflag:s16] =	ssyncset.done $0x0  }
0x2d8: {  	[sflag:s16] =	ssyncadd.s32 $0xFFFF8000  }
0x2d9: {  	_ =	swait.ge [sflag:s10], $0x8000  }
0x2da: {  	s1 =	sld [smem:$0x7F4]  }
0x2db: {  	[sflag:s10] =	ssyncset.done $0x0  }
0x2dc: {  	s3 =	sld [smem:$0x7F5];
	[sflag:s10] =	ssyncadd.s32 $0xFFFF8000  }
0x2dd: {  	[tilespmem:s9], [sflag:$0x2] =	stream.strided.gather [hbm4b:s1+s4], $0x8000, s8, s4, $0x38;
	[tilespmem:$0x10000] =	vst v63  }
0x2de: {  	_ = 	snop  }
0x2df: {  	[hbm4b:s3+s4] =	stream.strided.scatter [tilespmem:s2], [sflag:$0x3], $0x8000, s8, s4, $0x38;
	[tilespmem:$0x10000] =	vst v63  }
0x2e0: {  	_ =	swait.ge [sflag:s13], $0x8000  }
0x2e1: {  	[sflag:s13] =	ssyncset.done $0x0  }
0x2e2: {  	[sflag:s13] =	ssyncadd.s32 $0xFFFF8000  }
0x2e3: {  	_ =	swait.ge [sflag:s7], $0x8000  }
0x2e4: {  	s1 =	sld [smem:$0x7F6]  }
0x2e5: {  	[sflag:s7] =	ssyncset.done $0x0  }
0x2e6: {  	s3 =	sld [smem:$0x7F7];
	[sflag:s7] =	ssyncadd.s32 $0xFFFF8000  }
0x2e7: {  	[tilespmem:s2], [sflag:$0x1] =	stream.strided.gather [hbm4b:s1+s4], $0x8000, s8, s4, $0x38;
	[tilespmem:$0x10000] =	vst v63  }
0x2e8: {  	_ = 	snop  }
0x2e9: {  	[hbm4b:s3+s4] =	stream.strided.scatter [tilespmem:s9], [sflag:$0x4], $0x8000, s8, s4, $0x38;
	[tilespmem:$0x10000] =	vst v63  }
0x2ea: {  	_ =	swait.ge [sflag:s16], $0x8000  }
0x2eb: {  	[sflag:s16] =	ssyncset.done $0x0  }
0x2ec: {  	[sflag:s16] =	ssyncadd.s32 $0xFFFF8000  }
0x2ed: {  	_ =	swait.ge [sflag:s10], $0x8000  }
0x2ee: {  	s1 =	sld [smem:$0x7F8]  }
0x2ef: {  	[sflag:s10] =	ssyncset.done $0x0  }
0x2f0: {  	s3 =	sld [smem:$0x7F9];
	[sflag:s10] =	ssyncadd.s32 $0xFFFF8000  }
0x2f1: {  	[tilespmem:s9], [sflag:$0x2] =	stream.strided.gather [hbm4b:s1+s4], $0x8000, s8, s4, $0x38;
	[tilespmem:$0x10000] =	vst v63  }
0x2f2: {  	_ = 	snop  }
0x2f3: {  	[hbm4b:s3+s4] =	stream.strided.scatter [tilespmem:s2], [sflag:$0x3], $0x8000, s8, s4, $0x38;
	[tilespmem:$0x10000] =	vst v63  }
0x2f4: {  	_ =	swait.ge [sflag:s13], $0x8000  }
0x2f5: {  	[sflag:s13] =	ssyncset.done $0x0  }
0x2f6: {  	[sflag:s13] =	ssyncadd.s32 $0xFFFF8000  }
0x2f7: {  	_ =	swait.ge [sflag:s7], $0x8000  }
0x2f8: {  	s1 =	sld [smem:$0x7FA]  }
0x2f9: {  	[sflag:s7] =	ssyncset.done $0x0  }
0x2fa: {  	s3 =	sld [smem:$0x7FB];
	[sflag:s7] =	ssyncadd.s32 $0xFFFF8000  }
0x2fb: {  	[tilespmem:s2], [sflag:$0x1] =	stream.strided.gather [hbm4b:s1+s4], $0x8000, s8, s4, $0x38;
	[tilespmem:$0x10000] =	vst v63  }
0x2fc: {  	_ = 	snop  }
0x2fd: {  	[hbm4b:s3+s4] =	stream.strided.scatter [tilespmem:s9], [sflag:$0x4], $0x8000, s8, s4, $0x38;
	[tilespmem:$0x10000] =	vst v63  }
0x2fe: {  	_ =	swait.ge [sflag:s16], $0x8000  }
0x2ff: {  	[sflag:s16] =	ssyncset.done $0x0  }
0x300: {  	[sflag:s16] =	ssyncadd.s32 $0xFFFF8000  }
0x301: {  	_ =	swait.ge [sflag:s10], $0x8000  }
0x302: {  	s1 =	sld [smem:$0x7FC]  }
0x303: {  	[sflag:s10] =	ssyncset.done $0x0  }
0x304: {  	s3 =	sld [smem:$0x7FD];
	[sflag:s10] =	ssyncadd.s32 $0xFFFF8000  }
0x305: {  	[tilespmem:s9], [sflag:$0x2] =	stream.strided.gather [hbm4b:s1+s4], $0x8000, s8, s4, $0x38;
	[tilespmem:$0x10000] =	vst v63  }
0x306: {  	_ = 	snop  }
0x307: {  	[hbm4b:s3+s4] =	stream.strided.scatter [tilespmem:s2], [sflag:$0x3], $0x8000, s8, s4, $0x38;
	[tilespmem:$0x10000] =	vst v63  }
0x308: {  	s3 =	smov.u32 s5  }
0x309: {  	s5 =	smov.u32 s6;
	s6 =	smov.u32 s11;
	s11 =	smov.u32 s12  }
0x30a: {  	s12 =	smov.u32 s14;
	s14 =	smov.u32 s15;
	s15 =	smov.u32 s17  }
0x30b: {  	s17 =	smov.u32 s18;
	s18 =	smov.u32 s19;
	s19 =	smov.u32 s20  }
0x30c: {  	s20 =	smov.u32 s21;
	s21 =	smov.u32 s22;
	s22 =	smov.u32 s23  }
0x30d: {  	s23 =	smov.u32 s24;
	s24 =	smov.u32 s25;
	s25 =	smov.u32 s26  }
0x30e: {  	s26 =	smov.u32 s28;
	s28 =	smov.u32 s29;
	s29 =	smov.u32 s30  }
0x30f: {  	s30 =	smov.u32 s31;
	s31 =	sld [smem:$0x7DB];
	_ =	swait.ge [sflag:s13], $0x8000  }
0x310: {  	[sflag:s13] =	ssyncset.done $0x0  }
0x311: {  	[sflag:s13] =	ssyncadd.s32 $0xFFFF8000  }
0x312: {  	_ =	swait.ge [sflag:s7], $0x8000  }
0x313: {  	[sflag:s7] =	ssyncset.done $0x0  }
0x314: {  	[sflag:s7] =	ssyncadd.s32 $0xFFFF8000  }
0x315: {  	[tilespmem:s2], [sflag:$0x1] =	stream.strided.gather [hbm4b:s30+s4], $0x8000, s8, s4, $0x38;
	[tilespmem:$0x10000] =	vst v63  }
0x316: {  	_ = 	snop  }
0x317: {  	[hbm4b:s31+s4] =	stream.strided.scatter [tilespmem:s9], [sflag:$0x4], $0x8000, s8, s4, $0x38;
	[tilespmem:$0x10000] =	vst v63  }
0x318: {  	_ =	swait.ge [sflag:s16], $0x8000  }
0x319: {  	[sflag:s16] =	ssyncset.done $0x0  }
0x31a: {  	[sflag:s16] =	ssyncadd.s32 $0xFFFF8000  }
0x31b: {  	_ =	swait.ge [sflag:s10], $0x8000  }
0x31c: {  	[sflag:s10] =	ssyncset.done $0x0  }
0x31d: {  	[sflag:s10] =	ssyncadd.s32 $0xFFFF8000  }
0x31e: {  	[tilespmem:s9], [sflag:$0x2] =	stream.strided.gather [hbm4b:s28+s4], $0x8000, s8, s4, $0x38;
	[tilespmem:$0x10000] =	vst v63  }
0x31f: {  	_ = 	snop  }
0x320: {  	[hbm4b:s29+s4] =	stream.strided.scatter [tilespmem:s2], [sflag:$0x3], $0x8000, s8, s4, $0x38;
	[tilespmem:$0x10000] =	vst v63  }
0x321: {  	_ =	swait.ge [sflag:s13], $0x8000  }
0x322: {  	[sflag:s13] =	ssyncset.done $0x0  }
0x323: {  	[sflag:s13] =	ssyncadd.s32 $0xFFFF8000  }
0x324: {  	_ =	swait.ge [sflag:s7], $0x8000  }
0x325: {  	[sflag:s7] =	ssyncset.done $0x0  }
0x326: {  	[sflag:s7] =	ssyncadd.s32 $0xFFFF8000  }
0x327: {  	[tilespmem:s2], [sflag:$0x1] =	stream.strided.gather [hbm4b:s25+s4], $0x8000, s8, s4, $0x38;
	[tilespmem:$0x10000] =	vst v63  }
0x328: {  	_ = 	snop  }
0x329: {  	[hbm4b:s26+s4] =	stream.strided.scatter [tilespmem:s9], [sflag:$0x4], $0x8000, s8, s4, $0x38;
	[tilespmem:$0x10000] =	vst v63  }
0x32a: {  	_ =	swait.ge [sflag:s16], $0x8000  }
0x32b: {  	[sflag:s16] =	ssyncset.done $0x0  }
0x32c: {  	[sflag:s16] =	ssyncadd.s32 $0xFFFF8000  }
0x32d: {  	_ =	swait.ge [sflag:s10], $0x8000  }
0x32e: {  	[sflag:s10] =	ssyncset.done $0x0  }
0x32f: {  	[sflag:s10] =	ssyncadd.s32 $0xFFFF8000  }
0x330: {  	[tilespmem:s9], [sflag:$0x2] =	stream.strided.gather [hbm4b:s23+s4], $0x8000, s8, s4, $0x38;
	[tilespmem:$0x10000] =	vst v63  }
0x331: {  	_ = 	snop  }
0x332: {  	[hbm4b:s24+s4] =	stream.strided.scatter [tilespmem:s2], [sflag:$0x3], $0x8000, s8, s4, $0x38;
	[tilespmem:$0x10000] =	vst v63  }
0x333: {  	_ =	swait.ge [sflag:s13], $0x8000  }
0x334: {  	[sflag:s13] =	ssyncset.done $0x0  }
0x335: {  	[sflag:s13] =	ssyncadd.s32 $0xFFFF8000  }
0x336: {  	_ =	swait.ge [sflag:s7], $0x8000  }
0x337: {  	[sflag:s7] =	ssyncset.done $0x0  }
0x338: {  	[sflag:s7] =	ssyncadd.s32 $0xFFFF8000  }
0x339: {  	[tilespmem:s2], [sflag:$0x1] =	stream.strided.gather [hbm4b:s21+s4], $0x8000, s8, s4, $0x38;
	[tilespmem:$0x10000] =	vst v63  }
0x33a: {  	_ = 	snop  }
0x33b: {  	[hbm4b:s22+s4] =	stream.strided.scatter [tilespmem:s9], [sflag:$0x4], $0x8000, s8, s4, $0x38;
	[tilespmem:$0x10000] =	vst v63  }
0x33c: {  	_ =	swait.ge [sflag:s16], $0x8000  }
0x33d: {  	[sflag:s16] =	ssyncset.done $0x0  }
0x33e: {  	[sflag:s16] =	ssyncadd.s32 $0xFFFF8000  }
0x33f: {  	_ =	swait.ge [sflag:s10], $0x8000  }
0x340: {  	[sflag:s10] =	ssyncset.done $0x0  }
0x341: {  	[sflag:s10] =	ssyncadd.s32 $0xFFFF8000  }
0x342: {  	[tilespmem:s9], [sflag:$0x2] =	stream.strided.gather [hbm4b:s19+s4], $0x8000, s8, s4, $0x38;
	[tilespmem:$0x10000] =	vst v63  }
0x343: {  	_ = 	snop  }
0x344: {  	[hbm4b:s20+s4] =	stream.strided.scatter [tilespmem:s2], [sflag:$0x3], $0x8000, s8, s4, $0x38;
	[tilespmem:$0x10000] =	vst v63  }
0x345: {  	_ =	swait.ge [sflag:s13], $0x8000  }
0x346: {  	[sflag:s13] =	ssyncset.done $0x0  }
0x347: {  	[sflag:s13] =	ssyncadd.s32 $0xFFFF8000  }
0x348: {  	_ =	swait.ge [sflag:s7], $0x8000  }
0x349: {  	[sflag:s7] =	ssyncset.done $0x0  }
0x34a: {  	[sflag:s7] =	ssyncadd.s32 $0xFFFF8000  }
0x34b: {  	[tilespmem:s2], [sflag:$0x1] =	stream.strided.gather [hbm4b:s17+s4], $0x8000, s8, s4, $0x38;
	[tilespmem:$0x10000] =	vst v63  }
0x34c: {  	_ = 	snop  }
0x34d: {  	[hbm4b:s18+s4] =	stream.strided.scatter [tilespmem:s9], [sflag:$0x4], $0x8000, s8, s4, $0x38;
	[tilespmem:$0x10000] =	vst v63  }
0x34e: {  	_ =	swait.ge [sflag:s16], $0x8000  }
0x34f: {  	[sflag:s16] =	ssyncset.done $0x0  }
0x350: {  	[sflag:s16] =	ssyncadd.s32 $0xFFFF8000  }
0x351: {  	_ =	swait.ge [sflag:s10], $0x8000  }
0x352: {  	[sflag:s10] =	ssyncset.done $0x0  }
0x353: {  	[sflag:s10] =	ssyncadd.s32 $0xFFFF8000  }
0x354: {  	[tilespmem:s9], [sflag:$0x2] =	stream.strided.gather [hbm4b:s14+s4], $0x8000, s8, s4, $0x38;
	[tilespmem:$0x10000] =	vst v63  }
0x355: {  	_ = 	snop  }
0x356: {  	[hbm4b:s15+s4] =	stream.strided.scatter [tilespmem:s2], [sflag:$0x3], $0x8000, s8, s4, $0x38;
	[tilespmem:$0x10000] =	vst v63  }
0x357: {  	_ =	swait.ge [sflag:s13], $0x8000  }
0x358: {  	[sflag:s13] =	ssyncset.done $0x0  }
0x359: {  	[sflag:s13] =	ssyncadd.s32 $0xFFFF8000  }
0x35a: {  	_ =	swait.ge [sflag:s7], $0x8000  }
0x35b: {  	[sflag:s7] =	ssyncset.done $0x0  }
0x35c: {  	[sflag:s7] =	ssyncadd.s32 $0xFFFF8000  }
0x35d: {  	[tilespmem:s2], [sflag:$0x1] =	stream.strided.gather [hbm4b:s11+s4], $0x8000, s8, s4, $0x38;
	[tilespmem:$0x10000] =	vst v63  }
0x35e: {  	_ = 	snop  }
0x35f: {  	[hbm4b:s12+s4] =	stream.strided.scatter [tilespmem:s9], [sflag:$0x4], $0x8000, s8, s4, $0x38;
	[tilespmem:$0x10000] =	vst v63  }
0x360: {  	_ =	swait.ge [sflag:s16], $0x8000  }
0x361: {  	[sflag:s16] =	ssyncset.done $0x0  }
0x362: {  	[sflag:s16] =	ssyncadd.s32 $0xFFFF8000  }
0x363: {  	_ =	swait.ge [sflag:s10], $0x8000  }
0x364: {  	[sflag:s10] =	ssyncset.done $0x0  }
0x365: {  	[sflag:s10] =	ssyncadd.s32 $0xFFFF8000  }
0x366: {  	[tilespmem:s9], [sflag:$0x2] =	stream.strided.gather [hbm4b:s5+s4], $0x8000, s8, s4, $0x38;
	[tilespmem:$0x10000] =	vst v63  }
0x367: {  	_ = 	snop  }
0x368: {  	[hbm4b:s6+s4] =	stream.strided.scatter [tilespmem:s2], [sflag:$0x3], $0x8000, s8, s4, $0x38;
	[tilespmem:$0x10000] =	vst v63  }
0x369: {  	_ =	swait.ge [sflag:s13], $0x8000  }
0x36a: {  	[sflag:s13] =	ssyncset.done $0x0  }
0x36b: {  	p1 =	sne.s32 s0, $0x1;
	[sflag:s13] =	ssyncadd.s32 $0xFFFF8000  }
0x36c: {  	[hbm4b:s3+s4] =	stream.strided.scatter [tilespmem:s9], [sflag:$0x4], $0x8000, s8, s4, $0x38;
	[tilespmem:$0x10000] =	vst v63  }
.Ltmp2:
0x36d: {  	_ =	swait.ge [sflag:s10], $0x8000;
	(pc) =	sbr.rel @p1 .LBB2_2-.Ltmp2, $4  }
0x36e: {  	[sflag:s10] =	ssyncset.done $0x0  }
0x36f: {  	[sflag:s10] =	ssyncadd.s32 $0xFFFF8000  }
0x370: {  	_ =	swait.ge [sflag:s7], $0x8000  }
0x371: {  	s0 =	sadd.s32 $0xFFFFFFFF, s0;
	s1 =	rddreg [dreg:$0x3];
	[sflag:s7] =	ssyncset.done $0x0  }
.LBB2_3:
0x372: {  	[sflag:s7] =	ssyncadd.s32 @p0 $0xFFFF8000  }
0x373: {  	[tilespmem:s2], [sflag:$0x1] =	stream.strided.gather [hbm4b:s1+s4], $0x8000, s8, s4, $0x38;
	[tilespmem:$0x10000] =	vst v63  }
0x374: {  	_ =	swait.ge [sflag:s16], $0x8000  }
0x375: {  	[sflag:s16] =	ssyncset.done $0x0  }
0x376: {  	s0 =	rddreg [dreg:$0x4];
	[sflag:s16] =	ssyncadd.s32 $0xFFFF8000  }
0x377: {  	[tilespmem:s9], [sflag:$0x2] =	stream.strided.gather [hbm4b:s0+s4], $0x8000, s8, s4, $0x38;
	[tilespmem:$0x10000] =	vst v63  }
0x378: {  	s1 =	rddreg [dreg:$0x5]  }
0x379: {  	[hbm4b:s1+s4] =	stream.strided.scatter [tilespmem:s2], [sflag:$0x3], $0x8000, s8, s4, $0x38;
	[tilespmem:$0x10000] =	vst v63  }
0x37a: {  	_ =	swait.ge [sflag:s13], $0x8000  }
0x37b: {  	[sflag:s13] =	ssyncset.done $0x0  }
0x37c: {  	[sflag:s13] =	ssyncadd.s32 $0xFFFF8000  }
0x37d: {  	_ =	swait.ge [sflag:s7], $0x8000  }
0x37e: {  	[sflag:s7] =	ssyncset.done $0x0  }
0x37f: {  	s0 =	rddreg [dreg:$0x6];
	[sflag:s7] =	ssyncadd.s32 $0xFFFF8000  }
0x380: {  	[tilespmem:s2], [sflag:$0x1] =	stream.strided.gather [hbm4b:s0+s4], $0x8000, s8, s4, $0x38;
	[tilespmem:$0x10000] =	vst v63  }
0x381: {  	s1 =	rddreg [dreg:$0x7]  }
0x382: {  	[hbm4b:s1+s4] =	stream.strided.scatter [tilespmem:s9], [sflag:$0x4], $0x8000, s8, s4, $0x38;
	[tilespmem:$0x10000] =	vst v63  }
0x383: {  	_ =	swait.ge [sflag:s16], $0x8000  }
0x384: {  	[sflag:s16] =	ssyncset.done $0x0  }
0x385: {  	[sflag:s16] =	ssyncadd.s32 $0xFFFF8000  }
0x386: {  	_ =	swait.ge [sflag:s10], $0x8000  }
0x387: {  	[sflag:s10] =	ssyncset.done $0x0  }
0x388: {  	s0 =	rddreg [dreg:$0x8];
	[sflag:s10] =	ssyncadd.s32 $0xFFFF8000  }
0x389: {  	[tilespmem:s9], [sflag:$0x2] =	stream.strided.gather [hbm4b:s0+s4], $0x8000, s8, s4, $0x38;
	[tilespmem:$0x10000] =	vst v63  }
0x38a: {  	s1 =	rddreg [dreg:$0x9]  }
0x38b: {  	[hbm4b:s1+s4] =	stream.strided.scatter [tilespmem:s2], [sflag:$0x3], $0x8000, s8, s4, $0x38;
	[tilespmem:$0x10000] =	vst v63  }
0x38c: {  	_ =	swait.ge [sflag:s13], $0x8000  }
0x38d: {  	[sflag:s13] =	ssyncset.done $0x0  }
0x38e: {  	[sflag:s13] =	ssyncadd.s32 $0xFFFF8000  }
0x38f: {  	_ =	swait.ge [sflag:s7], $0x8000  }
0x390: {  	[sflag:s7] =	ssyncset.done $0x0  }
0x391: {  	s0 =	rddreg [dreg:$0xa];
	[sflag:s7] =	ssyncadd.s32 $0xFFFF8000  }
0x392: {  	[tilespmem:s2], [sflag:$0x1] =	stream.strided.gather [hbm4b:s0+s4], $0x8000, s8, s4, $0x38;
	[tilespmem:$0x10000] =	vst v63  }
0x393: {  	s1 =	rddreg [dreg:$0xb]  }
0x394: {  	[hbm4b:s1+s4] =	stream.strided.scatter [tilespmem:s9], [sflag:$0x4], $0x8000, s8, s4, $0x38;
	[tilespmem:$0x10000] =	vst v63  }
0x395: {  	_ =	swait.ge [sflag:s16], $0x8000  }
0x396: {  	[sflag:s16] =	ssyncset.done $0x0  }
0x397: {  	[sflag:s16] =	ssyncadd.s32 $0xFFFF8000  }
0x398: {  	_ =	swait.ge [sflag:s10], $0x8000  }
0x399: {  	[sflag:s10] =	ssyncset.done $0x0  }
0x39a: {  	s0 =	rddreg [dreg:$0xc];
	[sflag:s10] =	ssyncadd.s32 $0xFFFF8000  }
0x39b: {  	[tilespmem:s9], [sflag:$0x2] =	stream.strided.gather [hbm4b:s0+s4], $0x8000, s8, s4, $0x38;
	[tilespmem:$0x10000] =	vst v63  }
0x39c: {  	s1 =	rddreg [dreg:$0xd]  }
0x39d: {  	[hbm4b:s1+s4] =	stream.strided.scatter [tilespmem:s2], [sflag:$0x3], $0x8000, s8, s4, $0x38;
	[tilespmem:$0x10000] =	vst v63  }
0x39e: {  	_ =	swait.ge [sflag:s13], $0x8000  }
0x39f: {  	[sflag:s13] =	ssyncset.done $0x0  }
0x3a0: {  	[sflag:s13] =	ssyncadd.s32 $0xFFFF8000  }
0x3a1: {  	_ =	swait.ge [sflag:s7], $0x8000  }
0x3a2: {  	[sflag:s7] =	ssyncset.done $0x0  }
0x3a3: {  	s0 =	rddreg [dreg:$0xe];
	[sflag:s7] =	ssyncadd.s32 $0xFFFF8000  }
0x3a4: {  	[tilespmem:s2], [sflag:$0x1] =	stream.strided.gather [hbm4b:s0+s4], $0x8000, s8, s4, $0x38;
	[tilespmem:$0x10000] =	vst v63  }
0x3a5: {  	s1 =	rddreg [dreg:$0xf]  }
0x3a6: {  	[hbm4b:s1+s4] =	stream.strided.scatter [tilespmem:s9], [sflag:$0x4], $0x8000, s8, s4, $0x38;
	[tilespmem:$0x10000] =	vst v63  }
0x3a7: {  	_ =	swait.ge [sflag:s16], $0x8000  }
0x3a8: {  	[sflag:s16] =	ssyncset.done $0x0  }
0x3a9: {  	[sflag:s16] =	ssyncadd.s32 $0xFFFF8000  }
0x3aa: {  	_ =	swait.ge [sflag:s10], $0x8000  }
0x3ab: {  	[sflag:s10] =	ssyncset.done $0x0  }
0x3ac: {  	s0 =	rddreg [dreg:$0x10];
	[sflag:s10] =	ssyncadd.s32 $0xFFFF8000  }
0x3ad: {  	[tilespmem:s9], [sflag:$0x2] =	stream.strided.gather [hbm4b:s0+s4], $0x8000, s8, s4, $0x38;
	[tilespmem:$0x10000] =	vst v63  }
0x3ae: {  	s1 =	rddreg [dreg:$0x11]  }
0x3af: {  	[hbm4b:s1+s4] =	stream.strided.scatter [tilespmem:s2], [sflag:$0x3], $0x8000, s8, s4, $0x38;
	[tilespmem:$0x10000] =	vst v63  }
0x3b0: {  	_ =	swait.ge [sflag:s13], $0x8000  }
0x3b1: {  	[sflag:s13] =	ssyncset.done $0x0  }
0x3b2: {  	[sflag:s13] =	ssyncadd.s32 $0xFFFF8000  }
0x3b3: {  	_ =	swait.ge [sflag:s7], $0x8000  }
0x3b4: {  	[sflag:s7] =	ssyncset.done $0x0  }
0x3b5: {  	s0 =	rddreg [dreg:$0x12];
	[sflag:s7] =	ssyncadd.s32 $0xFFFF8000  }
0x3b6: {  	[tilespmem:s2], [sflag:$0x1] =	stream.strided.gather [hbm4b:s0+s4], $0x8000, s8, s4, $0x38;
	[tilespmem:$0x10000] =	vst v63  }
0x3b7: {  	s1 =	rddreg [dreg:$0x13]  }
0x3b8: {  	[hbm4b:s1+s4] =	stream.strided.scatter [tilespmem:s9], [sflag:$0x4], $0x8000, s8, s4, $0x38;
	[tilespmem:$0x10000] =	vst v63  }
0x3b9: {  	_ =	swait.ge [sflag:s16], $0x8000  }
0x3ba: {  	[sflag:s16] =	ssyncset.done $0x0  }
0x3bb: {  	[sflag:s16] =	ssyncadd.s32 $0xFFFF8000  }
0x3bc: {  	_ =	swait.ge [sflag:s10], $0x8000  }
0x3bd: {  	[sflag:s10] =	ssyncset.done $0x0  }
0x3be: {  	s0 =	rddreg [dreg:$0x14];
	[sflag:s10] =	ssyncadd.s32 $0xFFFF8000  }
0x3bf: {  	[tilespmem:s9], [sflag:$0x2] =	stream.strided.gather [hbm4b:s0+s4], $0x8000, s8, s4, $0x38;
	[tilespmem:$0x10000] =	vst v63  }
0x3c0: {  	s1 =	rddreg [dreg:$0x15]  }
0x3c1: {  	[hbm4b:s1+s4] =	stream.strided.scatter [tilespmem:s2], [sflag:$0x3], $0x8000, s8, s4, $0x38;
	[tilespmem:$0x10000] =	vst v63  }
0x3c2: {  	_ =	swait.ge [sflag:s13], $0x8000  }
0x3c3: {  	[sflag:s13] =	ssyncset.done $0x0  }
0x3c4: {  	[sflag:s13] =	ssyncadd.s32 $0xFFFF8000  }
0x3c5: {  	_ =	swait.ge [sflag:s7], $0x8000  }
0x3c6: {  	[sflag:s7] =	ssyncset.done $0x0  }
0x3c7: {  	s0 =	rddreg [dreg:$0x16];
	[sflag:s7] =	ssyncadd.s32 $0xFFFF8000  }
0x3c8: {  	[tilespmem:s2], [sflag:$0x1] =	stream.strided.gather [hbm4b:s0+s4], $0x8000, s8, s4, $0x38;
	[tilespmem:$0x10000] =	vst v63  }
0x3c9: {  	s1 =	rddreg [dreg:$0x17]  }
0x3ca: {  	[hbm4b:s1+s4] =	stream.strided.scatter [tilespmem:s9], [sflag:$0x4], $0x8000, s8, s4, $0x38;
	[tilespmem:$0x10000] =	vst v63  }
0x3cb: {  	_ =	swait.ge [sflag:s16], $0x8000  }
0x3cc: {  	[sflag:s16] =	ssyncset.done $0x0  }
0x3cd: {  	[sflag:s16] =	ssyncadd.s32 $0xFFFF8000  }
0x3ce: {  	_ =	swait.ge [sflag:s10], $0x8000  }
0x3cf: {  	[sflag:s10] =	ssyncset.done $0x0  }
0x3d0: {  	s0 =	rddreg [dreg:$0x18];
	[sflag:s10] =	ssyncadd.s32 $0xFFFF8000  }
0x3d1: {  	[tilespmem:s9], [sflag:$0x2] =	stream.strided.gather [hbm4b:s0+s4], $0x8000, s8, s4, $0x38;
	[tilespmem:$0x10000] =	vst v63  }
0x3d2: {  	s1 =	rddreg [dreg:$0x19]  }
0x3d3: {  	[hbm4b:s1+s4] =	stream.strided.scatter [tilespmem:s2], [sflag:$0x3], $0x8000, s8, s4, $0x38;
	[tilespmem:$0x10000] =	vst v63  }
0x3d4: {  	_ =	swait.ge [sflag:s13], $0x8000  }
0x3d5: {  	[sflag:s13] =	ssyncset.done $0x0  }
0x3d6: {  	[sflag:s13] =	ssyncadd.s32 $0xFFFF8000  }
0x3d7: {  	_ =	swait.ge [sflag:s7], $0x8000  }
0x3d8: {  	[sflag:s7] =	ssyncset.done $0x0  }
0x3d9: {  	s0 =	rddreg [dreg:$0x1a];
	[sflag:s7] =	ssyncadd.s32 $0xFFFF8000  }
0x3da: {  	[tilespmem:s2], [sflag:$0x1] =	stream.strided.gather [hbm4b:s0+s4], $0x8000, s8, s4, $0x38;
	[tilespmem:$0x10000] =	vst v63  }
0x3db: {  	s1 =	rddreg [dreg:$0x1b]  }
0x3dc: {  	[hbm4b:s1+s4] =	stream.strided.scatter [tilespmem:s9], [sflag:$0x4], $0x8000, s8, s4, $0x38;
	[tilespmem:$0x10000] =	vst v63  }
0x3dd: {  	_ =	swait.ge [sflag:s16], $0x8000  }
0x3de: {  	[sflag:s16] =	ssyncset.done $0x0  }
0x3df: {  	[sflag:s16] =	ssyncadd.s32 $0xFFFF8000  }
0x3e0: {  	_ =	swait.ge [sflag:s10], $0x8000  }
0x3e1: {  	[sflag:s10] =	ssyncset.done $0x0  }
0x3e2: {  	s0 =	rddreg [dreg:$0x1c];
	[sflag:s10] =	ssyncadd.s32 $0xFFFF8000  }
0x3e3: {  	[tilespmem:s9], [sflag:$0x2] =	stream.strided.gather [hbm4b:s0+s4], $0x8000, s8, s4, $0x38;
	[tilespmem:$0x10000] =	vst v63  }
0x3e4: {  	s1 =	rddreg [dreg:$0x1d]  }
0x3e5: {  	[hbm4b:s1+s4] =	stream.strided.scatter [tilespmem:s2], [sflag:$0x3], $0x8000, s8, s4, $0x38;
	[tilespmem:$0x10000] =	vst v63  }
0x3e6: {  	_ =	swait.ge [sflag:s13], $0x8000  }
0x3e7: {  	[sflag:s13] =	ssyncset.done $0x0  }
0x3e8: {  	[sflag:s13] =	ssyncadd.s32 $0xFFFF8000  }
0x3e9: {  	_ =	swait.ge [sflag:s7], $0x8000  }
0x3ea: {  	[sflag:s7] =	ssyncset.done $0x0  }
0x3eb: {  	s0 =	rddreg [dreg:$0x1e];
	[sflag:s7] =	ssyncadd.s32 $0xFFFF8000  }
0x3ec: {  	[tilespmem:s2], [sflag:$0x1] =	stream.strided.gather [hbm4b:s0+s4], $0x8000, s8, s4, $0x38;
	[tilespmem:$0x10000] =	vst v63  }
0x3ed: {  	s1 =	rddreg [dreg:$0x1f]  }
0x3ee: {  	[hbm4b:s1+s4] =	stream.strided.scatter [tilespmem:s9], [sflag:$0x4], $0x8000, s8, s4, $0x38;
	[tilespmem:$0x10000] =	vst v63  }
0x3ef: {  	_ =	swait.ge [sflag:s16], $0x8000  }
0x3f0: {  	[sflag:s16] =	ssyncset.done $0x0  }
0x3f1: {  	[sflag:s16] =	ssyncadd.s32 $0xFFFF8000  }
0x3f2: {  	_ =	swait.ge [sflag:s10], $0x8000  }
0x3f3: {  	s0 =	sld [smem:$0x7DC]  }
0x3f4: {  	[sflag:s10] =	ssyncset.done $0x0  }
0x3f5: {  	s1 =	sld [smem:$0x7DD];
	[sflag:s10] =	ssyncadd.s32 $0xFFFF8000  }
0x3f6: {  	[tilespmem:s9], [sflag:$0x2] =	stream.strided.gather [hbm4b:s0+s4], $0x8000, s8, s4, $0x38;
	[tilespmem:$0x10000] =	vst v63  }
0x3f7: {  	_ = 	snop  }
0x3f8: {  	[hbm4b:s1+s4] =	stream.strided.scatter [tilespmem:s2], [sflag:$0x3], $0x8000, s8, s4, $0x38;
	[tilespmem:$0x10000] =	vst v63  }
0x3f9: {  	_ =	swait.ge [sflag:s13], $0x8000  }
0x3fa: {  	[sflag:s13] =	ssyncset.done $0x0  }
0x3fb: {  	[sflag:s13] =	ssyncadd.s32 $0xFFFF8000  }
0x3fc: {  	_ =	swait.ge [sflag:s7], $0x8000  }
0x3fd: {  	s0 =	sld [smem:$0x7DE]  }
0x3fe: {  	[sflag:s7] =	ssyncset.done $0x0  }
0x3ff: {  	s1 =	sld [smem:$0x7DF];
	[sflag:s7] =	ssyncadd.s32 $0xFFFF8000  }
0x400: {  	[tilespmem:s2], [sflag:$0x1] =	stream.strided.gather [hbm4b:s0+s4], $0x8000, s8, s4, $0x38;
	[tilespmem:$0x10000] =	vst v63  }
0x401: {  	_ = 	snop  }
0x402: {  	[hbm4b:s1+s4] =	stream.strided.scatter [tilespmem:s9], [sflag:$0x4], $0x8000, s8, s4, $0x38;
	[tilespmem:$0x10000] =	vst v63  }
0x403: {  	_ =	swait.ge [sflag:s16], $0x8000  }
0x404: {  	[sflag:s16] =	ssyncset.done $0x0  }
0x405: {  	[sflag:s16] =	ssyncadd.s32 $0xFFFF8000  }
0x406: {  	_ =	swait.ge [sflag:s10], $0x8000  }
0x407: {  	s0 =	sld [smem:$0x7E0]  }
0x408: {  	[sflag:s10] =	ssyncset.done $0x0  }
0x409: {  	s1 =	sld [smem:$0x7E1];
	[sflag:s10] =	ssyncadd.s32 $0xFFFF8000  }
0x40a: {  	[tilespmem:s9], [sflag:$0x2] =	stream.strided.gather [hbm4b:s0+s4], $0x8000, s8, s4, $0x38;
	[tilespmem:$0x10000] =	vst v63  }
0x40b: {  	_ = 	snop  }
0x40c: {  	[hbm4b:s1+s4] =	stream.strided.scatter [tilespmem:s2], [sflag:$0x3], $0x8000, s8, s4, $0x38;
	[tilespmem:$0x10000] =	vst v63  }
0x40d: {  	_ =	swait.ge [sflag:s13], $0x8000  }
0x40e: {  	[sflag:s13] =	ssyncset.done $0x0  }
0x40f: {  	[sflag:s13] =	ssyncadd.s32 $0xFFFF8000  }
0x410: {  	_ =	swait.ge [sflag:s7], $0x8000  }
0x411: {  	s0 =	sld [smem:$0x7E2]  }
0x412: {  	[sflag:s7] =	ssyncset.done $0x0  }
0x413: {  	s1 =	sld [smem:$0x7E3];
	[sflag:s7] =	ssyncadd.s32 $0xFFFF8000  }
0x414: {  	[tilespmem:s2], [sflag:$0x1] =	stream.strided.gather [hbm4b:s0+s4], $0x8000, s8, s4, $0x38;
	[tilespmem:$0x10000] =	vst v63  }
0x415: {  	_ = 	snop  }
0x416: {  	[hbm4b:s1+s4] =	stream.strided.scatter [tilespmem:s9], [sflag:$0x4], $0x8000, s8, s4, $0x38;
	[tilespmem:$0x10000] =	vst v63  }
0x417: {  	_ =	swait.ge [sflag:s16], $0x8000  }
0x418: {  	[sflag:s16] =	ssyncset.done $0x0  }
0x419: {  	[sflag:s16] =	ssyncadd.s32 $0xFFFF8000  }
0x41a: {  	_ =	swait.ge [sflag:s10], $0x8000  }
0x41b: {  	s0 =	sld [smem:$0x7E4]  }
0x41c: {  	[sflag:s10] =	ssyncset.done $0x0  }
0x41d: {  	s1 =	sld [smem:$0x7E5];
	[sflag:s10] =	ssyncadd.s32 $0xFFFF8000  }
0x41e: {  	[tilespmem:s9], [sflag:$0x2] =	stream.strided.gather [hbm4b:s0+s4], $0x8000, s8, s4, $0x38;
	[tilespmem:$0x10000] =	vst v63  }
0x41f: {  	_ = 	snop  }
0x420: {  	[hbm4b:s1+s4] =	stream.strided.scatter [tilespmem:s2], [sflag:$0x3], $0x8000, s8, s4, $0x38;
	[tilespmem:$0x10000] =	vst v63  }
0x421: {  	_ =	swait.ge [sflag:s13], $0x8000  }
0x422: {  	[sflag:s13] =	ssyncset.done $0x0  }
0x423: {  	[sflag:s13] =	ssyncadd.s32 $0xFFFF8000  }
0x424: {  	_ =	swait.ge [sflag:s7], $0x8000  }
0x425: {  	s0 =	sld [smem:$0x7E6]  }
0x426: {  	[sflag:s7] =	ssyncset.done $0x0  }
0x427: {  	s1 =	sld [smem:$0x7E7];
	[sflag:s7] =	ssyncadd.s32 $0xFFFF8000  }
0x428: {  	[tilespmem:s2], [sflag:$0x1] =	stream.strided.gather [hbm4b:s0+s4], $0x8000, s8, s4, $0x38;
	[tilespmem:$0x10000] =	vst v63  }
0x429: {  	_ = 	snop  }
0x42a: {  	[hbm4b:s1+s4] =	stream.strided.scatter [tilespmem:s9], [sflag:$0x4], $0x8000, s8, s4, $0x38;
	[tilespmem:$0x10000] =	vst v63  }
0x42b: {  	_ =	swait.ge [sflag:s16], $0x8000  }
0x42c: {  	[sflag:s16] =	ssyncset.done $0x0  }
0x42d: {  	[sflag:s16] =	ssyncadd.s32 $0xFFFF8000  }
0x42e: {  	_ =	swait.ge [sflag:s10], $0x8000  }
0x42f: {  	s0 =	sld [smem:$0x7E8]  }
0x430: {  	[sflag:s10] =	ssyncset.done $0x0  }
0x431: {  	s1 =	sld [smem:$0x7E9];
	[sflag:s10] =	ssyncadd.s32 $0xFFFF8000  }
0x432: {  	[tilespmem:s9], [sflag:$0x2] =	stream.strided.gather [hbm4b:s0+s4], $0x8000, s8, s4, $0x38;
	[tilespmem:$0x10000] =	vst v63  }
0x433: {  	_ = 	snop  }
0x434: {  	[hbm4b:s1+s4] =	stream.strided.scatter [tilespmem:s2], [sflag:$0x3], $0x8000, s8, s4, $0x38;
	[tilespmem:$0x10000] =	vst v63  }
0x435: {  	_ =	swait.ge [sflag:s13], $0x8000  }
0x436: {  	[sflag:s13] =	ssyncset.done $0x0  }
0x437: {  	[sflag:s13] =	ssyncadd.s32 $0xFFFF8000  }
0x438: {  	_ =	swait.ge [sflag:s7], $0x8000  }
0x439: {  	s0 =	sld [smem:$0x7EA]  }
0x43a: {  	[sflag:s7] =	ssyncset.done $0x0  }
0x43b: {  	s1 =	sld [smem:$0x7EB];
	[sflag:s7] =	ssyncadd.s32 $0xFFFF8000  }
0x43c: {  	[tilespmem:s2], [sflag:$0x1] =	stream.strided.gather [hbm4b:s0+s4], $0x8000, s8, s4, $0x38;
	[tilespmem:$0x10000] =	vst v63  }
0x43d: {  	_ = 	snop  }
0x43e: {  	[hbm4b:s1+s4] =	stream.strided.scatter [tilespmem:s9], [sflag:$0x4], $0x8000, s8, s4, $0x38;
	[tilespmem:$0x10000] =	vst v63  }
0x43f: {  	_ =	swait.ge [sflag:s16], $0x8000  }
0x440: {  	[sflag:s16] =	ssyncset.done $0x0  }
0x441: {  	[sflag:s16] =	ssyncadd.s32 $0xFFFF8000  }
0x442: {  	_ =	swait.ge [sflag:s10], $0x8000  }
0x443: {  	s0 =	sld [smem:$0x7EC]  }
0x444: {  	[sflag:s10] =	ssyncset.done $0x0  }
0x445: {  	s1 =	sld [smem:$0x7ED];
	[sflag:s10] =	ssyncadd.s32 $0xFFFF8000  }
0x446: {  	[tilespmem:s9], [sflag:$0x2] =	stream.strided.gather [hbm4b:s0+s4], $0x8000, s8, s4, $0x38;
	[tilespmem:$0x10000] =	vst v63  }
0x447: {  	_ = 	snop  }
0x448: {  	[hbm4b:s1+s4] =	stream.strided.scatter [tilespmem:s2], [sflag:$0x3], $0x8000, s8, s4, $0x38;
	[tilespmem:$0x10000] =	vst v63  }
0x449: {  	_ =	swait.ge [sflag:s13], $0x8000  }
0x44a: {  	[sflag:s13] =	ssyncset.done $0x0  }
0x44b: {  	[sflag:s13] =	ssyncadd.s32 $0xFFFF8000  }
0x44c: {  	_ =	swait.ge [sflag:s7], $0x8000  }
0x44d: {  	s0 =	sld [smem:$0x7EE]  }
0x44e: {  	[sflag:s7] =	ssyncset.done $0x0  }
0x44f: {  	s1 =	sld [smem:$0x7EF];
	[sflag:s7] =	ssyncadd.s32 $0xFFFF8000  }
0x450: {  	[tilespmem:s2], [sflag:$0x1] =	stream.strided.gather [hbm4b:s0+s4], $0x8000, s8, s4, $0x38;
	[tilespmem:$0x10000] =	vst v63  }
0x451: {  	_ = 	snop  }
0x452: {  	[hbm4b:s1+s4] =	stream.strided.scatter [tilespmem:s9], [sflag:$0x4], $0x8000, s8, s4, $0x38;
	[tilespmem:$0x10000] =	vst v63  }
0x453: {  	_ =	swait.ge [sflag:s16], $0x8000  }
0x454: {  	[sflag:s16] =	ssyncset.done $0x0  }
0x455: {  	[sflag:s16] =	ssyncadd.s32 $0xFFFF8000  }
0x456: {  	_ =	swait.ge [sflag:s10], $0x8000  }
0x457: {  	s0 =	sld [smem:$0x7F0]  }
0x458: {  	[sflag:s10] =	ssyncset.done $0x0  }
0x459: {  	s1 =	sld [smem:$0x7F1];
	[sflag:s10] =	ssyncadd.s32 $0xFFFF8000  }
0x45a: {  	[tilespmem:s9], [sflag:$0x2] =	stream.strided.gather [hbm4b:s0+s4], $0x8000, s8, s4, $0x38;
	[tilespmem:$0x10000] =	vst v63  }
0x45b: {  	_ = 	snop  }
0x45c: {  	[hbm4b:s1+s4] =	stream.strided.scatter [tilespmem:s2], [sflag:$0x3], $0x8000, s8, s4, $0x38;
	[tilespmem:$0x10000] =	vst v63  }
0x45d: {  	_ =	swait.ge [sflag:s13], $0x8000  }
0x45e: {  	[sflag:s13] =	ssyncset.done $0x0  }
0x45f: {  	[sflag:s13] =	ssyncadd.s32 $0xFFFF8000  }
0x460: {  	_ =	swait.ge [sflag:s7], $0x8000  }
0x461: {  	s0 =	sld [smem:$0x7F2]  }
0x462: {  	[sflag:s7] =	ssyncset.done $0x0  }
0x463: {  	s1 =	sld [smem:$0x7F3];
	[sflag:s7] =	ssyncadd.s32 $0xFFFF8000  }
0x464: {  	[tilespmem:s2], [sflag:$0x1] =	stream.strided.gather [hbm4b:s0+s4], $0x8000, s8, s4, $0x38;
	[tilespmem:$0x10000] =	vst v63  }
0x465: {  	_ = 	snop  }
0x466: {  	[hbm4b:s1+s4] =	stream.strided.scatter [tilespmem:s9], [sflag:$0x4], $0x8000, s8, s4, $0x38;
	[tilespmem:$0x10000] =	vst v63  }
0x467: {  	_ =	swait.ge [sflag:s16], $0x8000  }
0x468: {  	[sflag:s16] =	ssyncset.done $0x0  }
0x469: {  	[sflag:s16] =	ssyncadd.s32 $0xFFFF8000  }
0x46a: {  	_ =	swait.ge [sflag:s10], $0x8000  }
0x46b: {  	s0 =	sld [smem:$0x7F4]  }
0x46c: {  	[sflag:s10] =	ssyncset.done $0x0  }
0x46d: {  	s1 =	sld [smem:$0x7F5];
	[sflag:s10] =	ssyncadd.s32 $0xFFFF8000  }
0x46e: {  	[tilespmem:s9], [sflag:$0x2] =	stream.strided.gather [hbm4b:s0+s4], $0x8000, s8, s4, $0x38;
	[tilespmem:$0x10000] =	vst v63  }
0x46f: {  	_ = 	snop  }
0x470: {  	[hbm4b:s1+s4] =	stream.strided.scatter [tilespmem:s2], [sflag:$0x3], $0x8000, s8, s4, $0x38;
	[tilespmem:$0x10000] =	vst v63  }
0x471: {  	_ =	swait.ge [sflag:s13], $0x8000  }
0x472: {  	[sflag:s13] =	ssyncset.done $0x0  }
0x473: {  	[sflag:s13] =	ssyncadd.s32 $0xFFFF8000  }
0x474: {  	_ =	swait.ge [sflag:s7], $0x8000  }
0x475: {  	s0 =	sld [smem:$0x7F6]  }
0x476: {  	[sflag:s7] =	ssyncset.done $0x0  }
0x477: {  	s1 =	sld [smem:$0x7F7];
	[sflag:s7] =	ssyncadd.s32 $0xFFFF8000  }
0x478: {  	[tilespmem:s2], [sflag:$0x1] =	stream.strided.gather [hbm4b:s0+s4], $0x8000, s8, s4, $0x38;
	[tilespmem:$0x10000] =	vst v63  }
0x479: {  	_ = 	snop  }
0x47a: {  	[hbm4b:s1+s4] =	stream.strided.scatter [tilespmem:s9], [sflag:$0x4], $0x8000, s8, s4, $0x38;
	[tilespmem:$0x10000] =	vst v63  }
0x47b: {  	_ =	swait.ge [sflag:s16], $0x8000  }
0x47c: {  	[sflag:s16] =	ssyncset.done $0x0  }
0x47d: {  	[sflag:s16] =	ssyncadd.s32 $0xFFFF8000  }
0x47e: {  	_ =	swait.ge [sflag:s10], $0x8000  }
0x47f: {  	s0 =	sld [smem:$0x7F8]  }
0x480: {  	[sflag:s10] =	ssyncset.done $0x0  }
0x481: {  	s1 =	sld [smem:$0x7F9];
	[sflag:s10] =	ssyncadd.s32 $0xFFFF8000  }
0x482: {  	[tilespmem:s9], [sflag:$0x2] =	stream.strided.gather [hbm4b:s0+s4], $0x8000, s8, s4, $0x38;
	[tilespmem:$0x10000] =	vst v63  }
0x483: {  	_ = 	snop  }
0x484: {  	[hbm4b:s1+s4] =	stream.strided.scatter [tilespmem:s2], [sflag:$0x3], $0x8000, s8, s4, $0x38;
	[tilespmem:$0x10000] =	vst v63  }
0x485: {  	_ =	swait.ge [sflag:s13], $0x8000  }
0x486: {  	[sflag:s13] =	ssyncset.done $0x0  }
0x487: {  	[sflag:s13] =	ssyncadd.s32 $0xFFFF8000  }
0x488: {  	_ =	swait.ge [sflag:s7], $0x8000  }
0x489: {  	s0 =	sld [smem:$0x7FA]  }
0x48a: {  	[sflag:s7] =	ssyncset.done $0x0  }
0x48b: {  	s1 =	sld [smem:$0x7FB];
	[sflag:s7] =	ssyncadd.s32 $0xFFFF8000  }
0x48c: {  	[tilespmem:s2], [sflag:$0x1] =	stream.strided.gather [hbm4b:s0+s4], $0x8000, s8, s4, $0x38;
	[tilespmem:$0x10000] =	vst v63  }
0x48d: {  	_ = 	snop  }
0x48e: {  	[hbm4b:s1+s4] =	stream.strided.scatter [tilespmem:s9], [sflag:$0x4], $0x8000, s8, s4, $0x38;
	[tilespmem:$0x10000] =	vst v63  }
0x48f: {  	_ =	swait.ge [sflag:s16], $0x8000  }
0x490: {  	[sflag:s16] =	ssyncset.done $0x0  }
0x491: {  	[sflag:s16] =	ssyncadd.s32 $0xFFFF8000  }
0x492: {  	_ =	swait.ge [sflag:s10], $0x8000  }
0x493: {  	s0 =	sld [smem:$0x7FC]  }
0x494: {  	[sflag:s10] =	ssyncset.done $0x0  }
0x495: {  	s1 =	sld [smem:$0x7FD];
	[sflag:s10] =	ssyncadd.s32 $0xFFFF8000  }
0x496: {  	[tilespmem:s9], [sflag:$0x2] =	stream.strided.gather [hbm4b:s0+s4], $0x8000, s8, s4, $0x38;
	[tilespmem:$0x10000] =	vst v63  }
0x497: {  	_ = 	snop  }
0x498: {  	[hbm4b:s1+s4] =	stream.strided.scatter [tilespmem:s2], [sflag:$0x3], $0x8000, s8, s4, $0x38;
	[tilespmem:$0x10000] =	vst v63  }
0x499: {  	_ =	swait.ge [sflag:s13], $0x8000  }
0x49a: {  	[sflag:s13] =	ssyncset.done $0x0  }
0x49b: {  	[sflag:s13] =	ssyncadd.s32 $0xFFFF8000  }
0x49c: {  	_ =	swait.ge [sflag:s7], $0x8000  }
0x49d: {  	[sflag:s7] =	ssyncset.done $0x0  }
0x49e: {  	[sflag:s7] =	ssyncadd.s32 $0xFFFF8000  }
0x49f: {  	[tilespmem:s2], [sflag:$0x1] =	stream.strided.gather [hbm4b:s30+s4], $0x8000, s8, s4, $0x38;
	[tilespmem:$0x10000] =	vst v63  }
0x4a0: {  	_ = 	snop  }
0x4a1: {  	[hbm4b:s31+s4] =	stream.strided.scatter [tilespmem:s9], [sflag:$0x4], $0x8000, s8, s4, $0x38;
	[tilespmem:$0x10000] =	vst v63  }
0x4a2: {  	_ =	swait.ge [sflag:s16], $0x8000  }
0x4a3: {  	[sflag:s16] =	ssyncset.done $0x0  }
0x4a4: {  	[sflag:s16] =	ssyncadd.s32 $0xFFFF8000  }
0x4a5: {  	_ =	swait.ge [sflag:s10], $0x8000  }
0x4a6: {  	[sflag:s10] =	ssyncset.done $0x0  }
0x4a7: {  	[sflag:s10] =	ssyncadd.s32 $0xFFFF8000  }
0x4a8: {  	[tilespmem:s9], [sflag:$0x2] =	stream.strided.gather [hbm4b:s28+s4], $0x8000, s8, s4, $0x38;
	[tilespmem:$0x10000] =	vst v63  }
0x4a9: {  	_ = 	snop  }
0x4aa: {  	[hbm4b:s29+s4] =	stream.strided.scatter [tilespmem:s2], [sflag:$0x3], $0x8000, s8, s4, $0x38;
	[tilespmem:$0x10000] =	vst v63  }
0x4ab: {  	_ =	swait.ge [sflag:s13], $0x8000  }
0x4ac: {  	[sflag:s13] =	ssyncset.done $0x0  }
0x4ad: {  	[sflag:s13] =	ssyncadd.s32 $0xFFFF8000  }
0x4ae: {  	_ =	swait.ge [sflag:s7], $0x8000  }
0x4af: {  	[sflag:s7] =	ssyncset.done $0x0  }
0x4b0: {  	[sflag:s7] =	ssyncadd.s32 $0xFFFF8000  }
0x4b1: {  	[tilespmem:s2], [sflag:$0x1] =	stream.strided.gather [hbm4b:s25+s4], $0x8000, s8, s4, $0x38;
	[tilespmem:$0x10000] =	vst v63  }
0x4b2: {  	_ = 	snop  }
0x4b3: {  	[hbm4b:s26+s4] =	stream.strided.scatter [tilespmem:s9], [sflag:$0x4], $0x8000, s8, s4, $0x38;
	[tilespmem:$0x10000] =	vst v63  }
0x4b4: {  	_ =	swait.ge [sflag:s16], $0x8000  }
0x4b5: {  	[sflag:s16] =	ssyncset.done $0x0  }
0x4b6: {  	[sflag:s16] =	ssyncadd.s32 $0xFFFF8000  }
0x4b7: {  	_ =	swait.ge [sflag:s10], $0x8000  }
0x4b8: {  	[sflag:s10] =	ssyncset.done $0x0  }
0x4b9: {  	[sflag:s10] =	ssyncadd.s32 $0xFFFF8000  }
0x4ba: {  	[tilespmem:s9], [sflag:$0x2] =	stream.strided.gather [hbm4b:s23+s4], $0x8000, s8, s4, $0x38;
	[tilespmem:$0x10000] =	vst v63  }
0x4bb: {  	_ = 	snop  }
0x4bc: {  	[hbm4b:s24+s4] =	stream.strided.scatter [tilespmem:s2], [sflag:$0x3], $0x8000, s8, s4, $0x38;
	[tilespmem:$0x10000] =	vst v63  }
0x4bd: {  	_ =	swait.ge [sflag:s13], $0x8000  }
0x4be: {  	[sflag:s13] =	ssyncset.done $0x0  }
0x4bf: {  	[sflag:s13] =	ssyncadd.s32 $0xFFFF8000  }
0x4c0: {  	_ =	swait.ge [sflag:s7], $0x8000  }
0x4c1: {  	[sflag:s7] =	ssyncset.done $0x0  }
0x4c2: {  	[sflag:s7] =	ssyncadd.s32 $0xFFFF8000  }
0x4c3: {  	[tilespmem:s2], [sflag:$0x1] =	stream.strided.gather [hbm4b:s21+s4], $0x8000, s8, s4, $0x38;
	[tilespmem:$0x10000] =	vst v63  }
0x4c4: {  	_ = 	snop  }
0x4c5: {  	[hbm4b:s22+s4] =	stream.strided.scatter [tilespmem:s9], [sflag:$0x4], $0x8000, s8, s4, $0x38;
	[tilespmem:$0x10000] =	vst v63  }
0x4c6: {  	_ =	swait.ge [sflag:s16], $0x8000  }
0x4c7: {  	[sflag:s16] =	ssyncset.done $0x0  }
0x4c8: {  	[sflag:s16] =	ssyncadd.s32 $0xFFFF8000  }
0x4c9: {  	_ =	swait.ge [sflag:s10], $0x8000  }
0x4ca: {  	[sflag:s10] =	ssyncset.done $0x0  }
0x4cb: {  	[sflag:s10] =	ssyncadd.s32 $0xFFFF8000  }
0x4cc: {  	[tilespmem:s9], [sflag:$0x2] =	stream.strided.gather [hbm4b:s19+s4], $0x8000, s8, s4, $0x38;
	[tilespmem:$0x10000] =	vst v63  }
0x4cd: {  	_ = 	snop  }
0x4ce: {  	[hbm4b:s20+s4] =	stream.strided.scatter [tilespmem:s2], [sflag:$0x3], $0x8000, s8, s4, $0x38;
	[tilespmem:$0x10000] =	vst v63  }
0x4cf: {  	_ =	swait.ge [sflag:s13], $0x8000  }
0x4d0: {  	[sflag:s13] =	ssyncset.done $0x0  }
0x4d1: {  	[sflag:s13] =	ssyncadd.s32 $0xFFFF8000  }
0x4d2: {  	_ =	swait.ge [sflag:s7], $0x8000  }
0x4d3: {  	[sflag:s7] =	ssyncset.done $0x0  }
0x4d4: {  	[sflag:s7] =	ssyncadd.s32 $0xFFFF8000  }
0x4d5: {  	[tilespmem:s2], [sflag:$0x1] =	stream.strided.gather [hbm4b:s17+s4], $0x8000, s8, s4, $0x38;
	[tilespmem:$0x10000] =	vst v63  }
0x4d6: {  	_ = 	snop  }
0x4d7: {  	[hbm4b:s18+s4] =	stream.strided.scatter [tilespmem:s9], [sflag:$0x4], $0x8000, s8, s4, $0x38;
	[tilespmem:$0x10000] =	vst v63  }
0x4d8: {  	_ =	swait.ge [sflag:s16], $0x8000  }
0x4d9: {  	[sflag:s16] =	ssyncset.done $0x0  }
0x4da: {  	[sflag:s16] =	ssyncadd.s32 $0xFFFF8000  }
0x4db: {  	_ =	swait.ge [sflag:s10], $0x8000  }
0x4dc: {  	[sflag:s10] =	ssyncset.done $0x0  }
0x4dd: {  	[sflag:s10] =	ssyncadd.s32 $0xFFFF8000  }
0x4de: {  	[tilespmem:s9], [sflag:$0x2] =	stream.strided.gather [hbm4b:s14+s4], $0x8000, s8, s4, $0x38;
	[tilespmem:$0x10000] =	vst v63  }
0x4df: {  	_ = 	snop  }
0x4e0: {  	[hbm4b:s15+s4] =	stream.strided.scatter [tilespmem:s2], [sflag:$0x3], $0x8000, s8, s4, $0x38;
	[tilespmem:$0x10000] =	vst v63  }
0x4e1: {  	_ =	swait.ge [sflag:s13], $0x8000  }
0x4e2: {  	[sflag:s13] =	ssyncset.done $0x0  }
0x4e3: {  	[sflag:s13] =	ssyncadd.s32 $0xFFFF8000  }
0x4e4: {  	_ =	swait.ge [sflag:s7], $0x8000  }
0x4e5: {  	[sflag:s7] =	ssyncset.done $0x0  }
0x4e6: {  	[sflag:s7] =	ssyncadd.s32 $0xFFFF8000  }
0x4e7: {  	[tilespmem:s2], [sflag:$0x1] =	stream.strided.gather [hbm4b:s11+s4], $0x8000, s8, s4, $0x38;
	[tilespmem:$0x10000] =	vst v63  }
0x4e8: {  	_ = 	snop  }
0x4e9: {  	[hbm4b:s12+s4] =	stream.strided.scatter [tilespmem:s9], [sflag:$0x4], $0x8000, s8, s4, $0x38;
	[tilespmem:$0x10000] =	vst v63  }
0x4ea: {  	_ =	swait.ge [sflag:s16], $0x8000  }
0x4eb: {  	[sflag:s16] =	ssyncset.done $0x0  }
0x4ec: {  	[sflag:s16] =	ssyncadd.s32 $0xFFFF8000  }
0x4ed: {  	_ =	swait.ge [sflag:s10], $0x8000  }
0x4ee: {  	[sflag:s10] =	ssyncset.done $0x0  }
0x4ef: {  	[sflag:s10] =	ssyncadd.s32 $0xFFFF8000  }
0x4f0: {  	[tilespmem:s9], [sflag:$0x2] =	stream.strided.gather [hbm4b:s5+s4], $0x8000, s8, s4, $0x38;
	[tilespmem:$0x10000] =	vst v63  }
0x4f1: {  	_ = 	snop  }
0x4f2: {  	[hbm4b:s6+s4] =	stream.strided.scatter [tilespmem:s2], [sflag:$0x3], $0x8000, s8, s4, $0x38;
	[tilespmem:$0x10000] =	vst v63  }
0x4f3: {  	_ =	swait.ge [sflag:s13], $0x8000  }
0x4f4: {  	[sflag:s13] =	ssyncset.done $0x0  }
0x4f5: {  	[sflag:s13] =	ssyncadd.s32 $0xFFFF8000  }
0x4f6: {  	[hbm4b:s3+s4] =	stream.strided.scatter [tilespmem:s9], [sflag:$0x4], $0x8000, s8, s4, $0x38;
	[tilespmem:$0x10000] =	vst v63  }
0x4f7: {  	_ =	swait.ge [sflag:s10], $0x8000  }
0x4f8: {  	[sflag:s10] =	ssyncset.done $0x0  }
0x4f9: {  	[sflag:s10] =	ssyncadd.s32 $0xFFFF8000  }
0x4fa: {  	_ =	swait.ge [sflag:s7], $0x8000  }
0x4fb: {  	[sflag:s7] =	ssyncset.done $0x0  }
0x4fc: {  	[sflag:s7] =	ssyncadd.s32 $0xFFFF8000  }
0x4fd: {  	_ =	sfence.sel $0x180000  }
0x4fe: {  	[bflag:$0x0] =	sbarrier.arrive $0xFFFF  }
0x4ff: {  	_ =	strace $0x90000047  }
0x500: {  	s31 =	stileid.u32;
	[bflag:$0x2] =	sbarrier.arrive $0xFFFF  }
0x501: {  	p0 =	sne.s32 s31, $0x0;
	s0 =	rddreg [dreg:$0x2]  }
0x502: {  	s0 =	sadd.s32 @!p0 $0x100000, s0  }
0x503: {  	[sflag:s0] =	ssyncadd.tile.s32 @!p0 $0x1;
	_ =	shalt  }
.Lfunc_end2:
_tile_overlayer_lowered:
.L_overlay_start_2:
0x504: {  	(tag) =	ssettag $0x2  }
0x505: {  	s0 =	rddreg [dreg:$0x0];
	s2 =	stileid.u32  }
0x506: {  	s1 =	rddreg [dreg:$0x1];
	p0 =	sne.s32 s2, $0x0  }
0x507: {  	s3 =	rddreg [dreg:$0x2];
	[bflag:$0x3] =	sbarrier.arrive $0xFFFF;
	s2 =	simm.s32 @!p0 $0x1C05  }
0x508: {  	[timem:s3], [sflag:s2] =	dma.local @!p0 [hbm:s0], s1  }
0x509: {  	s0 =	simm.s32 @!p0 $0x5  }
0x50a: {  	_ =	swait.ge @!p0 [sflag:s0], s1  }
0x50b: {  	s1 =	ssub.s32 @!p0 $0x0, s1;
	[sflag:s0] =	ssyncset.done @!p0 $0x0  }
0x50c: {  	[sflag:s0] =	ssyncadd.s32 @!p0 s1  }
0x50d: {  	[bflag:$0x3] =	sbarrier.arrive $0xFFFF  }
0x50e: {  	_ =	shalt  }

</sc_bundles>
